<compile_context>
chip_gen: v7x
topology: tpu7x:2x2x1
jax: 0.10.2.dev20260603
libtpu: 0.0.44.dev20260713+nightly
codegen_flags: <defaults>
</compile_context>

<pallas_src>
import functools

import jax
import jax.numpy as jnp
from jax import lax
from jax.experimental import pallas as pl
from jax.experimental.pallas import tpu as pltpu
from jax.experimental.pallas import tpu_sc as plsc

TOP_K = 2
NUM_EXPERTS = 16
T = 4096
D = 2048
N = T * TOP_K

NC, NS, L = 2, 16, 16
NW = NC * NS
CHUNK = N // NW
CVECS = CHUNK // L
NVECS = N // L
TOK_W = T // NW
GT = 8
NCHUNKS = TOK_W // GT

_mesh = plsc.VectorSubcoreMesh(core_axis_name="c", subcore_axis_name="s")


@functools.partial(
    pl.kernel,
    out_type=jax.ShapeDtypeStruct((T, D), jnp.float32),
    mesh=_mesh,
    compiler_params=pltpu.CompilerParams(needs_layout_passes=False),
    scratch_types=[
        pltpu.VMEM((N,), jnp.int32),
        pltpu.VMEM((L,), jnp.int32),
        pltpu.VMEM((L,), jnp.int32),
        pltpu.VMEM((L,), jnp.int32),
        pltpu.VMEM((TOK_W,), jnp.int32),
        pltpu.VMEM((TOK_W,), jnp.int32),
        pltpu.VMEM((4, GT, D), jnp.float32),
        pltpu.VMEM((3, GT, D), jnp.float32),
        pltpu.SemaphoreType.DMA,
        pltpu.SemaphoreType.DMA,
        pltpu.SemaphoreType.DMA,
        pltpu.SemaphoreType.DMA,
        pltpu.SemaphoreType.DMA,
        pltpu.SemaphoreType.DMA,
        pltpu.SemaphoreType.DMA,
        pltpu.SemaphoreType.DMA,
        pltpu.SemaphoreType.DMA,
        pltpu.SemaphoreType.DMA,
        pltpu.SemaphoreType.DMA,
    ],
)
def _combine_kernel(input_hbm, meta_hbm, out_hbm,
                    meta_v, cnt_v, cnt2_v, base_v, idx0_v, idx1_v,
                    outb_v, tmpb_v, ge0, ge1, ge2, ge3, go0, go1, go2,
                    os0, os1, os2, os3):
    w = lax.axis_index("s") * NC + lax.axis_index("c")
    pltpu.sync_copy(meta_hbm, meta_v)
    zero = jnp.zeros((L,), jnp.int32)
    ones = jnp.ones((L,), jnp.int32)
    cnt_v[...] = zero
    cnt2_v[...] = zero

    @plsc.parallel_loop(0, w * CVECS, 1, unroll=4)
    def _(v):
        plsc.addupdate_scatter(cnt_v, [meta_v[pl.ds(v * L, L)]], ones)

    pref = cnt_v[...]

    @plsc.parallel_loop(w * CVECS, NVECS, 1, unroll=4)
    def _(v):
        plsc.addupdate_scatter(cnt_v, [meta_v[pl.ds(v * L, L)]], ones)

    tot = cnt_v[...]
    offset = plsc.cumsum(tot) - tot
    base_v[...] = offset + pref

    lane = jnp.arange(L, dtype=jnp.int32)
    even = (lane & 1) == 0

    def ibody(v, _):
        ev = meta_v[pl.ds((w * CVECS + v) * L, L)]
        carry = plsc.load_gather(cnt2_v, [ev])
        r = zero
        for e in range(NUM_EXPERTS):
            m = ev == e
            cs = plsc.cumsum(m.astype(jnp.int32))
            r = jnp.where(m, cs - 1, r)
        plsc.addupdate_scatter(cnt2_v, [ev], ones)
        inv = plsc.load_gather(base_v, [ev]) + carry + r
        tok = v * (L // 2) + (lane >> 1)
        plsc.store_scatter(idx0_v, [tok], inv, mask=even)
        plsc.store_scatter(idx1_v, [tok], inv, mask=~even)
        return 0

    ges, gos, oss = (ge0, ge1, ge2, ge3), (go0, go1, go2), (os0, os1, os2, os3)
    NEB, NOB = 4, 3
    AHEAD = 3

    def gather_even(g):
        return pltpu.async_copy(
            input_hbm.at[idx0_v.at[pl.ds(g * GT, GT)]], outb_v.at[g % NEB],
            ges[g % NEB],
        )

    def gather_odd(g):
        return pltpu.async_copy(
            input_hbm.at[idx1_v.at[pl.ds(g * GT, GT)]], tmpb_v.at[g % NOB],
            gos[g % NOB],
        )

    ged = [None] * NEB
    god = [None] * NOB
    od = [None] * NEB

    lax.fori_loop(0, AHEAD, ibody, 0)
    for g in range(AHEAD):
        ged[g % NEB] = gather_even(g)
        god[g % NOB] = gather_odd(g)
    lax.fori_loop(AHEAD, CVECS, ibody, 0)

    UNROLL = 16
    for g in range(NCHUNKS):
        ged[g % NEB].wait()
        god[g % NOB].wait()
        outb = outb_v.at[g % NEB]
        tmpb = tmpb_v.at[g % NOB]

        @plsc.parallel_loop(0, GT * (D // L), 1, unroll=UNROLL)
        def _(s, outb=outb, tmpb=tmpb):
            i = s >> 7
            c = (s & 127) * L
            plsc.addupdate(outb.at[i, pl.ds(c, L)], tmpb[i, pl.ds(c, L)])
        od[g % NEB] = pltpu.async_copy(
            outb, out_hbm.at[pl.ds(w * TOK_W + g * GT, GT)], oss[g % NEB]
        )
        if g + AHEAD < NCHUNKS:
            god[g % NOB] = gather_odd(g + AHEAD)
            if od[(g + AHEAD) % NEB] is not None:
                od[(g + AHEAD) % NEB].wait()
                od[(g + AHEAD) % NEB] = None
            ged[(g + AHEAD) % NEB] = gather_even(g + AHEAD)
    for d in od:
        if d is not None:
            d.wait()


def kernel(input_tensor, expert_metadata, expert_mapping, expert_locals):
    del expert_mapping, expert_locals
    meta = expert_metadata.reshape(-1).astype(jnp.int32)
    return _combine_kernel(input_tensor, meta)

# --- scband reference (transcript-rebuilt; emitter-appended) ---
"""Pipeline reference for scband-all-to-all-combine-15822659519275 (READ-ONLY COPY).

The authoritative reference and input builder live on the scoring server;
editing this copy changes nothing except your own understanding.
"""

import jax, jax.numpy as jnp
import numpy as np

TOP_K = 2
NUM_EXPERTS = 16
NUM_DEVICES = 8
T = 4096
D_MODEL = 2048


def setup_inputs(seed: int = 0) -> dict:
    key = jax.random.key(seed)
    k1, k2, k3, k4 = jax.random.split(key, 4)
    input_tensor = jax.random.normal(k1, (T * TOP_K, D_MODEL), dtype=jnp.float32)
    expert_metadata = jax.random.randint(k2, (T, TOP_K), 0, NUM_EXPERTS, dtype=jnp.int64)
    expert_mapping = jax.random.randint(k3, (NUM_EXPERTS,), 0, NUM_DEVICES, dtype=jnp.int64)
    expert_locals = jax.random.randint(k4, (NUM_EXPERTS,), 0, NUM_EXPERTS // NUM_DEVICES, dtype=jnp.int64)
    return {
        "input_tensor": input_tensor,
        "expert_metadata": expert_metadata,
        "expert_mapping": expert_mapping,
        "expert_locals": expert_locals,
    }


def reference(input_tensor, expert_metadata, expert_mapping, expert_locals):
    # all_to_all_combine semantics (single-device emulation):
    # input_tensor holds per-(token, expert-slot) outputs in dispatch order,
    # i.e. grouped by expert id (stable sort of the flattened routing table).
    # Combine inverts the dispatch permutation (the all-to-all) and sums the
    # num_experts_per_tok (=2) expert contributions per token.
    # expert_mapping / expert_locals determine device placement only; they do
    # not change the math on a single logical device.
    tokens, top_k = expert_metadata.shape
    d = input_tensor.shape[-1]
    flat_experts = expert_metadata.reshape(-1)
    dispatch_order = jnp.argsort(flat_experts)  # stable
    combined_flat = jnp.zeros((tokens * top_k, d), dtype=input_tensor.dtype)
    combined_flat = combined_flat.at[dispatch_order].set(input_tensor)
    out = combined_flat.reshape(tokens, top_k, d).sum(axis=1)
    return out

if __name__ == "__main__":
    import jax
    _d = setup_inputs()
    print(jax.jit(kernel)(*tuple(_d.values())))

</pallas_src>

<mosaic_0001>
#map = affine_map<(d0, d1) -> (0, 0)>
#map1 = affine_map<(d0, d1) -> (0)>
module attributes {stable_mosaic.version = 14 : i64} {
  func.func @_combine_kernel(%arg0: i32, %arg1: i32, %arg2: memref<8192x2048xf32, #tpu.memory_space<hbm>>, %arg3: memref<8192xi32, #tpu.memory_space<hbm>>, %arg4: memref<4096x2048xf32, #tpu.memory_space<hbm>>, %arg5: memref<8192xi32, #tpu.memory_space<vmem>>, %arg6: memref<16xi32, #tpu.memory_space<vmem>>, %arg7: memref<16xi32, #tpu.memory_space<vmem>>, %arg8: memref<16xi32, #tpu.memory_space<vmem>>, %arg9: memref<128xi32, #tpu.memory_space<vmem>>, %arg10: memref<128xi32, #tpu.memory_space<vmem>>, %arg11: memref<4x8x2048xf32, #tpu.memory_space<vmem>>, %arg12: memref<3x8x2048xf32, #tpu.memory_space<vmem>>, %arg13: memref<!tpu.dma_semaphore, #tpu.memory_space<semaphore_mem>>, %arg14: memref<!tpu.dma_semaphore, #tpu.memory_space<semaphore_mem>>, %arg15: memref<!tpu.dma_semaphore, #tpu.memory_space<semaphore_mem>>, %arg16: memref<!tpu.dma_semaphore, #tpu.memory_space<semaphore_mem>>, %arg17: memref<!tpu.dma_semaphore, #tpu.memory_space<semaphore_mem>>, %arg18: memref<!tpu.dma_semaphore, #tpu.memory_space<semaphore_mem>>, %arg19: memref<!tpu.dma_semaphore, #tpu.memory_space<semaphore_mem>>, %arg20: memref<!tpu.dma_semaphore, #tpu.memory_space<semaphore_mem>>, %arg21: memref<!tpu.dma_semaphore, #tpu.memory_space<semaphore_mem>>, %arg22: memref<!tpu.dma_semaphore, #tpu.memory_space<semaphore_mem>>, %arg23: memref<!tpu.dma_semaphore, #tpu.memory_space<semaphore_mem>>) attributes {dimension_semantics = [#tpu.dimension_semantics<core_parallel>, #tpu.dimension_semantics<subcore_parallel>], iteration_bounds = array<i64: 2, 16>, scalar_prefetch = 0 : i64, scratch_operands = 19 : i64, tpu.core_type = #tpu.core_type<sc_vector_subcore>, window_params = [{transform_indices = #map}, {transform_indices = #map1}, {transform_indices = #map}]} {
    %mul3A = arith.constant 2 : i32
    %mul3A_0 = arith.muli %arg1, %mul3A : i32
    %add3A = arith.addi %mul3A_0, %arg0 : i32
    "tpu.region"() ({
      %run_scoped3A = tpu.sem_alloc : memref<!tpu.dma_semaphore, #tpu.memory_space<semaphore_mem>>
      tpu.enqueue_dma source(%arg3 : memref<8192xi32, #tpu.memory_space<hbm>>) target(%arg5 : memref<8192xi32, #tpu.memory_space<vmem>>) target_semaphore(%run_scoped3A : memref<!tpu.dma_semaphore, #tpu.memory_space<semaphore_mem>>)
      tpu.wait_dma2 semaphore(%run_scoped3A : memref<!tpu.dma_semaphore, #tpu.memory_space<semaphore_mem>>) src(%arg3 : memref<8192xi32, #tpu.memory_space<hbm>>) dst(%arg5 : memref<8192xi32, #tpu.memory_space<vmem>>)
      tpu.yield
    }) : () -> ()
    %broadcast_in_dim3A = arith.constant 0 : i32
    %broadcast_in_dim3A_1 = vector.broadcast %broadcast_in_dim3A : i32 to vector<16xi32>
    %broadcast_in_dim3A_2 = arith.constant 1 : i32
    %broadcast_in_dim3A_3 = vector.broadcast %broadcast_in_dim3A_2 : i32 to vector<16xi32>
    %swap3A = arith.constant 0 : index
    %swap3A_4 = tpu.vector_load %arg6[%swap3A] {strides = array<i32>} : memref<16xi32, #tpu.memory_space<vmem>>, vector<16xi32>,
    tpu.vector_store %arg6[%swap3A], %broadcast_in_dim3A_1 {strides = array<i32>} : memref<16xi32, #tpu.memory_space<vmem>>, vector<16xi32>,
    %swap3A_5 = arith.constant 0 : index
    %swap3A_6 = tpu.vector_load %arg7[%swap3A_5] {strides = array<i32>} : memref<16xi32, #tpu.memory_space<vmem>>, vector<16xi32>,
    tpu.vector_store %arg7[%swap3A_5], %broadcast_in_dim3A_1 {strides = array<i32>} : memref<16xi32, #tpu.memory_space<vmem>>, vector<16xi32>,
    %mul3A_7 = arith.constant 16 : i32
    %mul3A_8 = arith.muli %add3A, %mul3A_7 : i32
    %parallel_loop3A = arith.constant 0 : i32
    %parallel_loop3A_9 = arith.constant 1 : i32
    scf.for %parallel_loop3A_1237 = %parallel_loop3A to %mul3A_8 step %parallel_loop3A_9  : i32 {
      %parallel_loop3A_1238 = arith.constant 16 : i32
      %parallel_loop3A_1239 = arith.muli %parallel_loop3A_1237, %parallel_loop3A_1238 : i32
      %parallel_loop3A_1240 = arith.index_cast %parallel_loop3A_1239 : i32 to index
      %parallel_loop3A_1241 = tpu.vector_load %arg5[%parallel_loop3A_1240] {strides = array<i32>} : memref<8192xi32, #tpu.memory_space<vmem>>, vector<16xi32>,
      tpu.vector_store_idx %arg6[%parallel_loop3A_1241], %broadcast_in_dim3A_3 {add = true} : memref<16xi32, #tpu.memory_space<vmem>>[vector<16xi32>], vector<16xi32>,
    } {sc.loop_unroll_factor = 4 : i64, sc.parallel_access}
    %get3A = arith.constant 0 : index
    %get3A_10 = tpu.vector_load %arg6[%get3A] {strides = array<i32>} : memref<16xi32, #tpu.memory_space<vmem>>, vector<16xi32>,
    %mul3A_11 = arith.constant 16 : i32
    %mul3A_12 = arith.muli %add3A, %mul3A_11 : i32
    %parallel_loop3A_13 = arith.constant 512 : i32
    %parallel_loop3A_14 = arith.constant 1 : i32
    scf.for %parallel_loop3A_1237 = %mul3A_12 to %parallel_loop3A_13 step %parallel_loop3A_14  : i32 {
      %parallel_loop3A_1238 = arith.constant 16 : i32
      %parallel_loop3A_1239 = arith.muli %parallel_loop3A_1237, %parallel_loop3A_1238 : i32
      %parallel_loop3A_1240 = arith.index_cast %parallel_loop3A_1239 : i32 to index
      %parallel_loop3A_1241 = tpu.vector_load %arg5[%parallel_loop3A_1240] {strides = array<i32>} : memref<8192xi32, #tpu.memory_space<vmem>>, vector<16xi32>,
      tpu.vector_store_idx %arg6[%parallel_loop3A_1241], %broadcast_in_dim3A_3 {add = true} : memref<16xi32, #tpu.memory_space<vmem>>[vector<16xi32>], vector<16xi32>,
    } {sc.loop_unroll_factor = 4 : i64, sc.parallel_access}
    %get3A_15 = arith.constant 0 : index
    %get3A_16 = tpu.vector_load %arg6[%get3A_15] {strides = array<i32>} : memref<16xi32, #tpu.memory_space<vmem>>, vector<16xi32>,
    %broadcast_in_dim3A_17 = arith.constant true
    %broadcast_in_dim3A_18 = vector.broadcast %broadcast_in_dim3A_17 : i1 to vector<16xi1>
    %masked_cumsum3A = tpu.scan <sum>, %get3A_16 masked %broadcast_in_dim3A_18 : vector<16xi32>, vector<16xi1> -> vector<16xi32>
    %sub3A = arith.subi %masked_cumsum3A, %get3A_16 : vector<16xi32>
    %add3A_19 = arith.addi %sub3A, %get3A_10 : vector<16xi32>
    %swap3A_20 = arith.constant 0 : index
    %swap3A_21 = tpu.vector_load %arg8[%swap3A_20] {strides = array<i32>} : memref<16xi32, #tpu.memory_space<vmem>>, vector<16xi32>,
    tpu.vector_store %arg8[%swap3A_20], %add3A_19 {strides = array<i32>} : memref<16xi32, #tpu.memory_space<vmem>>, vector<16xi32>,
    %iota3A = tpu.iota {dimensions = array<i32: 0>} : vector<16xi32>
    %and3A = arith.constant 1 : i32
    %and3A_22 = vector.broadcast %and3A : i32 to vector<16xi32>
    %and3A_23 = arith.andi %iota3A, %and3A_22 : vector<16xi32>
    %eq3A = arith.constant 0 : i32
    %eq3A_24 = vector.broadcast %eq3A : i32 to vector<16xi32>
    %eq3A_25 = arith.cmpi eq, %and3A_23, %eq3A_24 : vector<16xi32>
    %scan3A = arith.constant 0 : i32
    %scan3A_26 = arith.constant 0 : i32
    %scan3A_27 = arith.constant 3 : i32
    %scan3A_28 = arith.addi %scan3A_26, %scan3A_27 : i32
    %scan3A_29 = arith.constant 1 : i32
    %scan3A_30 = scf.for %scan3A_1237 = %scan3A_26 to %scan3A_28 step %scan3A_29 iter_args(%scan3A_1238 = %scan3A) -> (i32)  : i32 {
      %mul3A_1239 = arith.constant 16 : i32
      %mul3A_1240 = arith.muli %add3A, %mul3A_1239 : i32
      %add3A_1241 = arith.addi %mul3A_1240, %scan3A_1237 : i32
      %mul3A_1242 = arith.constant 16 : i32
      %mul3A_1243 = arith.muli %add3A_1241, %mul3A_1242 : i32
      %get3A_1244 = arith.index_cast %mul3A_1243 : i32 to index
      %get3A_1245 = tpu.vector_load %arg5[%get3A_1244] {strides = array<i32>} : memref<8192xi32, #tpu.memory_space<vmem>>, vector<16xi32>,
      %gather3A = tpu.vector_load_idx %arg7[%get3A_1245] : memref<16xi32, #tpu.memory_space<vmem>>[vector<16xi32>], vector<16xi32>,
      %eq3A_1246 = arith.constant 0 : i32
      %eq3A_1247 = vector.broadcast %eq3A_1246 : i32 to vector<16xi32>
      %eq3A_1248 = arith.cmpi eq, %get3A_1245, %eq3A_1247 : vector<16xi32>
      %convert_element_type3A = arith.extui %eq3A_1248 : vector<16xi1> to vector<16xi32>
      %broadcast_in_dim3A_1249 = arith.constant true
      %broadcast_in_dim3A_1250 = vector.broadcast %broadcast_in_dim3A_1249 : i1 to vector<16xi1>
      %masked_cumsum3A_1251 = tpu.scan <sum>, %convert_element_type3A masked %broadcast_in_dim3A_1250 : vector<16xi32>, vector<16xi1> -> vector<16xi32>
      %sub3A_1252 = arith.constant 1 : i32
      %sub3A_1253 = vector.broadcast %sub3A_1252 : i32 to vector<16xi32>
      %sub3A_1254 = arith.subi %masked_cumsum3A_1251, %sub3A_1253 : vector<16xi32>
      %select_n3A = arith.select %eq3A_1248, %sub3A_1254, %broadcast_in_dim3A_1 : vector<16xi1>, vector<16xi32>
      %eq3A_1255 = arith.constant 1 : i32
      %eq3A_1256 = vector.broadcast %eq3A_1255 : i32 to vector<16xi32>
      %eq3A_1257 = arith.cmpi eq, %get3A_1245, %eq3A_1256 : vector<16xi32>
      %convert_element_type3A_1258 = arith.extui %eq3A_1257 : vector<16xi1> to vector<16xi32>
      %broadcast_in_dim3A_1259 = arith.constant true
      %broadcast_in_dim3A_1260 = vector.broadcast %broadcast_in_dim3A_1259 : i1 to vector<16xi1>
      %masked_cumsum3A_1261 = tpu.scan <sum>, %convert_element_type3A_1258 masked %broadcast_in_dim3A_1260 : vector<16xi32>, vector<16xi1> -> vector<16xi32>
      %sub3A_1262 = arith.constant 1 : i32
      %sub3A_1263 = vector.broadcast %sub3A_1262 : i32 to vector<16xi32>
      %sub3A_1264 = arith.subi %masked_cumsum3A_1261, %sub3A_1263 : vector<16xi32>
      %select_n3A_1265 = arith.select %eq3A_1257, %sub3A_1264, %select_n3A : vector<16xi1>, vector<16xi32>
      %eq3A_1266 = arith.constant 2 : i32
      %eq3A_1267 = vector.broadcast %eq3A_1266 : i32 to vector<16xi32>
      %eq3A_1268 = arith.cmpi eq, %get3A_1245, %eq3A_1267 : vector<16xi32>
      %convert_element_type3A_1269 = arith.extui %eq3A_1268 : vector<16xi1> to vector<16xi32>
      %broadcast_in_dim3A_1270 = arith.constant true
      %broadcast_in_dim3A_1271 = vector.broadcast %broadcast_in_dim3A_1270 : i1 to vector<16xi1>
      %masked_cumsum3A_1272 = tpu.scan <sum>, %convert_element_type3A_1269 masked %broadcast_in_dim3A_1271 : vector<16xi32>, vector<16xi1> -> vector<16xi32>
      %sub3A_1273 = arith.constant 1 : i32
      %sub3A_1274 = vector.broadcast %sub3A_1273 : i32 to vector<16xi32>
      %sub3A_1275 = arith.subi %masked_cumsum3A_1272, %sub3A_1274 : vector<16xi32>
      %select_n3A_1276 = arith.select %eq3A_1268, %sub3A_1275, %select_n3A_1265 : vector<16xi1>, vector<16xi32>
      %eq3A_1277 = arith.constant 3 : i32
      %eq3A_1278 = vector.broadcast %eq3A_1277 : i32 to vector<16xi32>
      %eq3A_1279 = arith.cmpi eq, %get3A_1245, %eq3A_1278 : vector<16xi32>
      %convert_element_type3A_1280 = arith.extui %eq3A_1279 : vector<16xi1> to vector<16xi32>
      %broadcast_in_dim3A_1281 = arith.constant true
      %broadcast_in_dim3A_1282 = vector.broadcast %broadcast_in_dim3A_1281 : i1 to vector<16xi1>
      %masked_cumsum3A_1283 = tpu.scan <sum>, %convert_element_type3A_1280 masked %broadcast_in_dim3A_1282 : vector<16xi32>, vector<16xi1> -> vector<16xi32>
      %sub3A_1284 = arith.constant 1 : i32
      %sub3A_1285 = vector.broadcast %sub3A_1284 : i32 to vector<16xi32>
      %sub3A_1286 = arith.subi %masked_cumsum3A_1283, %sub3A_1285 : vector<16xi32>
      %select_n3A_1287 = arith.select %eq3A_1279, %sub3A_1286, %select_n3A_1276 : vector<16xi1>, vector<16xi32>
      %eq3A_1288 = arith.constant 4 : i32
      %eq3A_1289 = vector.broadcast %eq3A_1288 : i32 to vector<16xi32>
      %eq3A_1290 = arith.cmpi eq, %get3A_1245, %eq3A_1289 : vector<16xi32>
      %convert_element_type3A_1291 = arith.extui %eq3A_1290 : vector<16xi1> to vector<16xi32>
      %broadcast_in_dim3A_1292 = arith.constant true
      %broadcast_in_dim3A_1293 = vector.broadcast %broadcast_in_dim3A_1292 : i1 to vector<16xi1>
      %masked_cumsum3A_1294 = tpu.scan <sum>, %convert_element_type3A_1291 masked %broadcast_in_dim3A_1293 : vector<16xi32>, vector<16xi1> -> vector<16xi32>
      %sub3A_1295 = arith.constant 1 : i32
      %sub3A_1296 = vector.broadcast %sub3A_1295 : i32 to vector<16xi32>
      %sub3A_1297 = arith.subi %masked_cumsum3A_1294, %sub3A_1296 : vector<16xi32>
      %select_n3A_1298 = arith.select %eq3A_1290, %sub3A_1297, %select_n3A_1287 : vector<16xi1>, vector<16xi32>
      %eq3A_1299 = arith.constant 5 : i32
      %eq3A_1300 = vector.broadcast %eq3A_1299 : i32 to vector<16xi32>
      %eq3A_1301 = arith.cmpi eq, %get3A_1245, %eq3A_1300 : vector<16xi32>
      %convert_element_type3A_1302 = arith.extui %eq3A_1301 : vector<16xi1> to vector<16xi32>
      %broadcast_in_dim3A_1303 = arith.constant true
      %broadcast_in_dim3A_1304 = vector.broadcast %broadcast_in_dim3A_1303 : i1 to vector<16xi1>
      %masked_cumsum3A_1305 = tpu.scan <sum>, %convert_element_type3A_1302 masked %broadcast_in_dim3A_1304 : vector<16xi32>, vector<16xi1> -> vector<16xi32>
      %sub3A_1306 = arith.constant 1 : i32
      %sub3A_1307 = vector.broadcast %sub3A_1306 : i32 to vector<16xi32>
      %sub3A_1308 = arith.subi %masked_cumsum3A_1305, %sub3A_1307 : vector<16xi32>
      %select_n3A_1309 = arith.select %eq3A_1301, %sub3A_1308, %select_n3A_1298 : vector<16xi1>, vector<16xi32>
      %eq3A_1310 = arith.constant 6 : i32
      %eq3A_1311 = vector.broadcast %eq3A_1310 : i32 to vector<16xi32>
      %eq3A_1312 = arith.cmpi eq, %get3A_1245, %eq3A_1311 : vector<16xi32>
      %convert_element_type3A_1313 = arith.extui %eq3A_1312 : vector<16xi1> to vector<16xi32>
      %broadcast_in_dim3A_1314 = arith.constant true
      %broadcast_in_dim3A_1315 = vector.broadcast %broadcast_in_dim3A_1314 : i1 to vector<16xi1>
      %masked_cumsum3A_1316 = tpu.scan <sum>, %convert_element_type3A_1313 masked %broadcast_in_dim3A_1315 : vector<16xi32>, vector<16xi1> -> vector<16xi32>
      %sub3A_1317 = arith.constant 1 : i32
      %sub3A_1318 = vector.broadcast %sub3A_1317 : i32 to vector<16xi32>
      %sub3A_1319 = arith.subi %masked_cumsum3A_1316, %sub3A_1318 : vector<16xi32>
      %select_n3A_1320 = arith.select %eq3A_1312, %sub3A_1319, %select_n3A_1309 : vector<16xi1>, vector<16xi32>
      %eq3A_1321 = arith.constant 7 : i32
      %eq3A_1322 = vector.broadcast %eq3A_1321 : i32 to vector<16xi32>
      %eq3A_1323 = arith.cmpi eq, %get3A_1245, %eq3A_1322 : vector<16xi32>
      %convert_element_type3A_1324 = arith.extui %eq3A_1323 : vector<16xi1> to vector<16xi32>
      %broadcast_in_dim3A_1325 = arith.constant true
      %broadcast_in_dim3A_1326 = vector.broadcast %broadcast_in_dim3A_1325 : i1 to vector<16xi1>
      %masked_cumsum3A_1327 = tpu.scan <sum>, %convert_element_type3A_1324 masked %broadcast_in_dim3A_1326 : vector<16xi32>, vector<16xi1> -> vector<16xi32>
      %sub3A_1328 = arith.constant 1 : i32
      %sub3A_1329 = vector.broadcast %sub3A_1328 : i32 to vector<16xi32>
      %sub3A_1330 = arith.subi %masked_cumsum3A_1327, %sub3A_1329 : vector<16xi32>
      %select_n3A_1331 = arith.select %eq3A_1323, %sub3A_1330, %select_n3A_1320 : vector<16xi1>, vector<16xi32>
      %eq3A_1332 = arith.constant 8 : i32
      %eq3A_1333 = vector.broadcast %eq3A_1332 : i32 to vector<16xi32>
      %eq3A_1334 = arith.cmpi eq, %get3A_1245, %eq3A_1333 : vector<16xi32>
      %convert_element_type3A_1335 = arith.extui %eq3A_1334 : vector<16xi1> to vector<16xi32>
      %broadcast_in_dim3A_1336 = arith.constant true
      %broadcast_in_dim3A_1337 = vector.broadcast %broadcast_in_dim3A_1336 : i1 to vector<16xi1>
      %masked_cumsum3A_1338 = tpu.scan <sum>, %convert_element_type3A_1335 masked %broadcast_in_dim3A_1337 : vector<16xi32>, vector<16xi1> -> vector<16xi32>
      %sub3A_1339 = arith.constant 1 : i32
      %sub3A_1340 = vector.broadcast %sub3A_1339 : i32 to vector<16xi32>
      %sub3A_1341 = arith.subi %masked_cumsum3A_1338, %sub3A_1340 : vector<16xi32>
      %select_n3A_1342 = arith.select %eq3A_1334, %sub3A_1341, %select_n3A_1331 : vector<16xi1>, vector<16xi32>
      %eq3A_1343 = arith.constant 9 : i32
      %eq3A_1344 = vector.broadcast %eq3A_1343 : i32 to vector<16xi32>
      %eq3A_1345 = arith.cmpi eq, %get3A_1245, %eq3A_1344 : vector<16xi32>
      %convert_element_type3A_1346 = arith.extui %eq3A_1345 : vector<16xi1> to vector<16xi32>
      %broadcast_in_dim3A_1347 = arith.constant true
      %broadcast_in_dim3A_1348 = vector.broadcast %broadcast_in_dim3A_1347 : i1 to vector<16xi1>
      %masked_cumsum3A_1349 = tpu.scan <sum>, %convert_element_type3A_1346 masked %broadcast_in_dim3A_1348 : vector<16xi32>, vector<16xi1> -> vector<16xi32>
      %sub3A_1350 = arith.constant 1 : i32
      %sub3A_1351 = vector.broadcast %sub3A_1350 : i32 to vector<16xi32>
      %sub3A_1352 = arith.subi %masked_cumsum3A_1349, %sub3A_1351 : vector<16xi32>
      %select_n3A_1353 = arith.select %eq3A_1345, %sub3A_1352, %select_n3A_1342 : vector<16xi1>, vector<16xi32>
      %eq3A_1354 = arith.constant 10 : i32
      %eq3A_1355 = vector.broadcast %eq3A_1354 : i32 to vector<16xi32>
      %eq3A_1356 = arith.cmpi eq, %get3A_1245, %eq3A_1355 : vector<16xi32>
      %convert_element_type3A_1357 = arith.extui %eq3A_1356 : vector<16xi1> to vector<16xi32>
      %broadcast_in_dim3A_1358 = arith.constant true
      %broadcast_in_dim3A_1359 = vector.broadcast %broadcast_in_dim3A_1358 : i1 to vector<16xi1>
      %masked_cumsum3A_1360 = tpu.scan <sum>, %convert_element_type3A_1357 masked %broadcast_in_dim3A_1359 : vector<16xi32>, vector<16xi1> -> vector<16xi32>
      %sub3A_1361 = arith.constant 1 : i32
      %sub3A_1362 = vector.broadcast %sub3A_1361 : i32 to vector<16xi32>
      %sub3A_1363 = arith.subi %masked_cumsum3A_1360, %sub3A_1362 : vector<16xi32>
      %select_n3A_1364 = arith.select %eq3A_1356, %sub3A_1363, %select_n3A_1353 : vector<16xi1>, vector<16xi32>
      %eq3A_1365 = arith.constant 11 : i32
      %eq3A_1366 = vector.broadcast %eq3A_1365 : i32 to vector<16xi32>
      %eq3A_1367 = arith.cmpi eq, %get3A_1245, %eq3A_1366 : vector<16xi32>
      %convert_element_type3A_1368 = arith.extui %eq3A_1367 : vector<16xi1> to vector<16xi32>
      %broadcast_in_dim3A_1369 = arith.constant true
      %broadcast_in_dim3A_1370 = vector.broadcast %broadcast_in_dim3A_1369 : i1 to vector<16xi1>
      %masked_cumsum3A_1371 = tpu.scan <sum>, %convert_element_type3A_1368 masked %broadcast_in_dim3A_1370 : vector<16xi32>, vector<16xi1> -> vector<16xi32>
      %sub3A_1372 = arith.constant 1 : i32
      %sub3A_1373 = vector.broadcast %sub3A_1372 : i32 to vector<16xi32>
      %sub3A_1374 = arith.subi %masked_cumsum3A_1371, %sub3A_1373 : vector<16xi32>
      %select_n3A_1375 = arith.select %eq3A_1367, %sub3A_1374, %select_n3A_1364 : vector<16xi1>, vector<16xi32>
      %eq3A_1376 = arith.constant 12 : i32
      %eq3A_1377 = vector.broadcast %eq3A_1376 : i32 to vector<16xi32>
      %eq3A_1378 = arith.cmpi eq, %get3A_1245, %eq3A_1377 : vector<16xi32>
      %convert_element_type3A_1379 = arith.extui %eq3A_1378 : vector<16xi1> to vector<16xi32>
      %broadcast_in_dim3A_1380 = arith.constant true
      %broadcast_in_dim3A_1381 = vector.broadcast %broadcast_in_dim3A_1380 : i1 to vector<16xi1>
      %masked_cumsum3A_1382 = tpu.scan <sum>, %convert_element_type3A_1379 masked %broadcast_in_dim3A_1381 : vector<16xi32>, vector<16xi1> -> vector<16xi32>
      %sub3A_1383 = arith.constant 1 : i32
      %sub3A_1384 = vector.broadcast %sub3A_1383 : i32 to vector<16xi32>
      %sub3A_1385 = arith.subi %masked_cumsum3A_1382, %sub3A_1384 : vector<16xi32>
      %select_n3A_1386 = arith.select %eq3A_1378, %sub3A_1385, %select_n3A_1375 : vector<16xi1>, vector<16xi32>
      %eq3A_1387 = arith.constant 13 : i32
      %eq3A_1388 = vector.broadcast %eq3A_1387 : i32 to vector<16xi32>
      %eq3A_1389 = arith.cmpi eq, %get3A_1245, %eq3A_1388 : vector<16xi32>
      %convert_element_type3A_1390 = arith.extui %eq3A_1389 : vector<16xi1> to vector<16xi32>
      %broadcast_in_dim3A_1391 = arith.constant true
      %broadcast_in_dim3A_1392 = vector.broadcast %broadcast_in_dim3A_1391 : i1 to vector<16xi1>
      %masked_cumsum3A_1393 = tpu.scan <sum>, %convert_element_type3A_1390 masked %broadcast_in_dim3A_1392 : vector<16xi32>, vector<16xi1> -> vector<16xi32>
      %sub3A_1394 = arith.constant 1 : i32
      %sub3A_1395 = vector.broadcast %sub3A_1394 : i32 to vector<16xi32>
      %sub3A_1396 = arith.subi %masked_cumsum3A_1393, %sub3A_1395 : vector<16xi32>
      %select_n3A_1397 = arith.select %eq3A_1389, %sub3A_1396, %select_n3A_1386 : vector<16xi1>, vector<16xi32>
      %eq3A_1398 = arith.constant 14 : i32
      %eq3A_1399 = vector.broadcast %eq3A_1398 : i32 to vector<16xi32>
      %eq3A_1400 = arith.cmpi eq, %get3A_1245, %eq3A_1399 : vector<16xi32>
      %convert_element_type3A_1401 = arith.extui %eq3A_1400 : vector<16xi1> to vector<16xi32>
      %broadcast_in_dim3A_1402 = arith.constant true
      %broadcast_in_dim3A_1403 = vector.broadcast %broadcast_in_dim3A_1402 : i1 to vector<16xi1>
      %masked_cumsum3A_1404 = tpu.scan <sum>, %convert_element_type3A_1401 masked %broadcast_in_dim3A_1403 : vector<16xi32>, vector<16xi1> -> vector<16xi32>
      %sub3A_1405 = arith.constant 1 : i32
      %sub3A_1406 = vector.broadcast %sub3A_1405 : i32 to vector<16xi32>
      %sub3A_1407 = arith.subi %masked_cumsum3A_1404, %sub3A_1406 : vector<16xi32>
      %select_n3A_1408 = arith.select %eq3A_1400, %sub3A_1407, %select_n3A_1397 : vector<16xi1>, vector<16xi32>
      %eq3A_1409 = arith.constant 15 : i32
      %eq3A_1410 = vector.broadcast %eq3A_1409 : i32 to vector<16xi32>
      %eq3A_1411 = arith.cmpi eq, %get3A_1245, %eq3A_1410 : vector<16xi32>
      %convert_element_type3A_1412 = arith.extui %eq3A_1411 : vector<16xi1> to vector<16xi32>
      %broadcast_in_dim3A_1413 = arith.constant true
      %broadcast_in_dim3A_1414 = vector.broadcast %broadcast_in_dim3A_1413 : i1 to vector<16xi1>
      %masked_cumsum3A_1415 = tpu.scan <sum>, %convert_element_type3A_1412 masked %broadcast_in_dim3A_1414 : vector<16xi32>, vector<16xi1> -> vector<16xi32>
      %sub3A_1416 = arith.constant 1 : i32
      %sub3A_1417 = vector.broadcast %sub3A_1416 : i32 to vector<16xi32>
      %sub3A_1418 = arith.subi %masked_cumsum3A_1415, %sub3A_1417 : vector<16xi32>
      %select_n3A_1419 = arith.select %eq3A_1411, %sub3A_1418, %select_n3A_1408 : vector<16xi1>, vector<16xi32>
      tpu.vector_store_idx %arg7[%get3A_1245], %broadcast_in_dim3A_3 {add = true} : memref<16xi32, #tpu.memory_space<vmem>>[vector<16xi32>], vector<16xi32>,
      %gather3A_1420 = tpu.vector_load_idx %arg8[%get3A_1245] : memref<16xi32, #tpu.memory_space<vmem>>[vector<16xi32>], vector<16xi32>,
      %add3A_1421 = arith.addi %gather3A_1420, %gather3A : vector<16xi32>
      %add3A_1422 = arith.addi %add3A_1421, %select_n3A_1419 : vector<16xi32>
      %mul3A_1423 = arith.constant 8 : i32
      %mul3A_1424 = arith.muli %scan3A_1237, %mul3A_1423 : i32
      %shift_right_arithmetic3A = arith.constant 1 : i32
      %shift_right_arithmetic3A_1425 = vector.broadcast %shift_right_arithmetic3A : i32 to vector<16xi32>
      %shift_right_arithmetic3A_1426 = arith.shrsi %iota3A, %shift_right_arithmetic3A_1425 : vector<16xi32>
      %add3A_1427 = vector.broadcast %mul3A_1424 : i32 to vector<16xi32>
      %add3A_1428 = arith.addi %add3A_1427, %shift_right_arithmetic3A_1426 : vector<16xi32>
      tpu.vector_store_idx %arg9[%add3A_1428], %add3A_1422 masked %eq3A_25 : memref<128xi32, #tpu.memory_space<vmem>>[vector<16xi32>], vector<16xi32>, vector<16xi1>
      %not3A = arith.constant dense<true> : vector<16xi1>
      %not3A_1429 = arith.xori %eq3A_25, %not3A : vector<16xi1>
      tpu.vector_store_idx %arg10[%add3A_1428], %add3A_1422 masked %not3A_1429 : memref<128xi32, #tpu.memory_space<vmem>>[vector<16xi32>], vector<16xi32>, vector<16xi1>
      %scan3A_1430 = arith.constant 0 : i32
      scf.yield %scan3A_1430 : i32
    }
    %scan3A_31 = arith.constant 3 : i32
    %dma_start3A = arith.constant 0 : i32
    %dma_start3A_32 = arith.constant 0 : i32
    %dma_start3A_33 = arith.constant 0 : i32
    %dma_start3A_34 = tpu.memref_slice %arg11[%dma_start3A, %dma_start3A_32, %dma_start3A_33] : memref<4x8x2048xf32, #tpu.memory_space<vmem>> -> memref<1x8x2048xf32, #tpu.memory_space<vmem>>
    %dma_start3A_35 = tpu.memref_squeeze %dma_start3A_34 : memref<1x8x2048xf32, #tpu.memory_space<vmem>> -> memref<8x2048xf32, #tpu.memory_space<vmem>>
    %dma_start3A_36 = arith.constant 0 : i32
    %dma_start3A_37 = tpu.memref_slice %arg9[%dma_start3A_36] : memref<128xi32, #tpu.memory_space<vmem>> -> memref<8xi32, #tpu.memory_space<vmem>>
    %dma_start3A_38 = arith.constant 0 : i32
    %dma_start3A_39 = arith.constant 0 : i32
    %dma_start3A_40 = tpu.memref_slice %arg2[%dma_start3A_38, %dma_start3A_39] : memref<8192x2048xf32, #tpu.memory_space<hbm>> -> memref<8192x2048xf32, #tpu.memory_space<hbm>>
    tpu.enqueue_indirect_dma source(%dma_start3A_40 : memref<8192x2048xf32, #tpu.memory_space<hbm>>) target(%dma_start3A_35 : memref<8x2048xf32, #tpu.memory_space<vmem>>) offsets(%dma_start3A_37 : memref<8xi32, #tpu.memory_space<vmem>>) semaphore(%arg13 : memref<!tpu.dma_semaphore, #tpu.memory_space<semaphore_mem>>)
    %dma_start3A_41 = arith.constant 0 : i32
    %dma_start3A_42 = arith.constant 0 : i32
    %dma_start3A_43 = arith.constant 0 : i32
    %dma_start3A_44 = tpu.memref_slice %arg12[%dma_start3A_41, %dma_start3A_42, %dma_start3A_43] : memref<3x8x2048xf32, #tpu.memory_space<vmem>> -> memref<1x8x2048xf32, #tpu.memory_space<vmem>>
    %dma_start3A_45 = tpu.memref_squeeze %dma_start3A_44 : memref<1x8x2048xf32, #tpu.memory_space<vmem>> -> memref<8x2048xf32, #tpu.memory_space<vmem>>
    %dma_start3A_46 = arith.constant 0 : i32
    %dma_start3A_47 = tpu.memref_slice %arg10[%dma_start3A_46] : memref<128xi32, #tpu.memory_space<vmem>> -> memref<8xi32, #tpu.memory_space<vmem>>
    %dma_start3A_48 = arith.constant 0 : i32
    %dma_start3A_49 = arith.constant 0 : i32
    %dma_start3A_50 = tpu.memref_slice %arg2[%dma_start3A_48, %dma_start3A_49] : memref<8192x2048xf32, #tpu.memory_space<hbm>> -> memref<8192x2048xf32, #tpu.memory_space<hbm>>
    tpu.enqueue_indirect_dma source(%dma_start3A_50 : memref<8192x2048xf32, #tpu.memory_space<hbm>>) target(%dma_start3A_45 : memref<8x2048xf32, #tpu.memory_space<vmem>>) offsets(%dma_start3A_47 : memref<8xi32, #tpu.memory_space<vmem>>) semaphore(%arg17 : memref<!tpu.dma_semaphore, #tpu.memory_space<semaphore_mem>>)
    %dma_start3A_51 = arith.constant 1 : i32
    %dma_start3A_52 = arith.constant 0 : i32
    %dma_start3A_53 = arith.constant 0 : i32
    %dma_start3A_54 = tpu.memref_slice %arg11[%dma_start3A_51, %dma_start3A_52, %dma_start3A_53] : memref<4x8x2048xf32, #tpu.memory_space<vmem>> -> memref<1x8x2048xf32, #tpu.memory_space<vmem>>
    %dma_start3A_55 = tpu.memref_squeeze %dma_start3A_54 : memref<1x8x2048xf32, #tpu.memory_space<vmem>> -> memref<8x2048xf32, #tpu.memory_space<vmem>>
    %dma_start3A_56 = arith.constant 8 : i32
    %dma_start3A_57 = tpu.memref_slice %arg9[%dma_start3A_56] : memref<128xi32, #tpu.memory_space<vmem>> -> memref<8xi32, #tpu.memory_space<vmem>>
    %dma_start3A_58 = arith.constant 0 : i32
    %dma_start3A_59 = arith.constant 0 : i32
    %dma_start3A_60 = tpu.memref_slice %arg2[%dma_start3A_58, %dma_start3A_59] : memref<8192x2048xf32, #tpu.memory_space<hbm>> -> memref<8192x2048xf32, #tpu.memory_space<hbm>>
    tpu.enqueue_indirect_dma source(%dma_start3A_60 : memref<8192x2048xf32, #tpu.memory_space<hbm>>) target(%dma_start3A_55 : memref<8x2048xf32, #tpu.memory_space<vmem>>) offsets(%dma_start3A_57 : memref<8xi32, #tpu.memory_space<vmem>>) semaphore(%arg14 : memref<!tpu.dma_semaphore, #tpu.memory_space<semaphore_mem>>)
    %dma_start3A_61 = arith.constant 1 : i32
    %dma_start3A_62 = arith.constant 0 : i32
    %dma_start3A_63 = arith.constant 0 : i32
    %dma_start3A_64 = tpu.memref_slice %arg12[%dma_start3A_61, %dma_start3A_62, %dma_start3A_63] : memref<3x8x2048xf32, #tpu.memory_space<vmem>> -> memref<1x8x2048xf32, #tpu.memory_space<vmem>>
    %dma_start3A_65 = tpu.memref_squeeze %dma_start3A_64 : memref<1x8x2048xf32, #tpu.memory_space<vmem>> -> memref<8x2048xf32, #tpu.memory_space<vmem>>
    %dma_start3A_66 = arith.constant 8 : i32
    %dma_start3A_67 = tpu.memref_slice %arg10[%dma_start3A_66] : memref<128xi32, #tpu.memory_space<vmem>> -> memref<8xi32, #tpu.memory_space<vmem>>
    %dma_start3A_68 = arith.constant 0 : i32
    %dma_start3A_69 = arith.constant 0 : i32
    %dma_start3A_70 = tpu.memref_slice %arg2[%dma_start3A_68, %dma_start3A_69] : memref<8192x2048xf32, #tpu.memory_space<hbm>> -> memref<8192x2048xf32, #tpu.memory_space<hbm>>
    tpu.enqueue_indirect_dma source(%dma_start3A_70 : memref<8192x2048xf32, #tpu.memory_space<hbm>>) target(%dma_start3A_65 : memref<8x2048xf32, #tpu.memory_space<vmem>>) offsets(%dma_start3A_67 : memref<8xi32, #tpu.memory_space<vmem>>) semaphore(%arg18 : memref<!tpu.dma_semaphore, #tpu.memory_space<semaphore_mem>>)
    %dma_start3A_71 = arith.constant 2 : i32
    %dma_start3A_72 = arith.constant 0 : i32
    %dma_start3A_73 = arith.constant 0 : i32
    %dma_start3A_74 = tpu.memref_slice %arg11[%dma_start3A_71, %dma_start3A_72, %dma_start3A_73] : memref<4x8x2048xf32, #tpu.memory_space<vmem>> -> memref<1x8x2048xf32, #tpu.memory_space<vmem>>
    %dma_start3A_75 = tpu.memref_squeeze %dma_start3A_74 : memref<1x8x2048xf32, #tpu.memory_space<vmem>> -> memref<8x2048xf32, #tpu.memory_space<vmem>>
    %dma_start3A_76 = arith.constant 16 : i32
    %dma_start3A_77 = tpu.memref_slice %arg9[%dma_start3A_76] : memref<128xi32, #tpu.memory_space<vmem>> -> memref<8xi32, #tpu.memory_space<vmem>>
    %dma_start3A_78 = arith.constant 0 : i32
    %dma_start3A_79 = arith.constant 0 : i32
    %dma_start3A_80 = tpu.memref_slice %arg2[%dma_start3A_78, %dma_start3A_79] : memref<8192x2048xf32, #tpu.memory_space<hbm>> -> memref<8192x2048xf32, #tpu.memory_space<hbm>>
    tpu.enqueue_indirect_dma source(%dma_start3A_80 : memref<8192x2048xf32, #tpu.memory_space<hbm>>) target(%dma_start3A_75 : memref<8x2048xf32, #tpu.memory_space<vmem>>) offsets(%dma_start3A_77 : memref<8xi32, #tpu.memory_space<vmem>>) semaphore(%arg15 : memref<!tpu.dma_semaphore, #tpu.memory_space<semaphore_mem>>)
    %dma_start3A_81 = arith.constant 2 : i32
    %dma_start3A_82 = arith.constant 0 : i32
    %dma_start3A_83 = arith.constant 0 : i32
    %dma_start3A_84 = tpu.memref_slice %arg12[%dma_start3A_81, %dma_start3A_82, %dma_start3A_83] : memref<3x8x2048xf32, #tpu.memory_space<vmem>> -> memref<1x8x2048xf32, #tpu.memory_space<vmem>>
    %dma_start3A_85 = tpu.memref_squeeze %dma_start3A_84 : memref<1x8x2048xf32, #tpu.memory_space<vmem>> -> memref<8x2048xf32, #tpu.memory_space<vmem>>
    %dma_start3A_86 = arith.constant 16 : i32
    %dma_start3A_87 = tpu.memref_slice %arg10[%dma_start3A_86] : memref<128xi32, #tpu.memory_space<vmem>> -> memref<8xi32, #tpu.memory_space<vmem>>
    %dma_start3A_88 = arith.constant 0 : i32
    %dma_start3A_89 = arith.constant 0 : i32
    %dma_start3A_90 = tpu.memref_slice %arg2[%dma_start3A_88, %dma_start3A_89] : memref<8192x2048xf32, #tpu.memory_space<hbm>> -> memref<8192x2048xf32, #tpu.memory_space<hbm>>
    tpu.enqueue_indirect_dma source(%dma_start3A_90 : memref<8192x2048xf32, #tpu.memory_space<hbm>>) target(%dma_start3A_85 : memref<8x2048xf32, #tpu.memory_space<vmem>>) offsets(%dma_start3A_87 : memref<8xi32, #tpu.memory_space<vmem>>) semaphore(%arg19 : memref<!tpu.dma_semaphore, #tpu.memory_space<semaphore_mem>>)
    %scan3A_91 = arith.constant 0 : i32
    %scan3A_92 = arith.constant 3 : i32
    %scan3A_93 = arith.constant 13 : i32
    %scan3A_94 = arith.addi %scan3A_92, %scan3A_93 : i32
    %scan3A_95 = arith.constant 1 : i32
    %scan3A_96 = scf.for %scan3A_1237 = %scan3A_92 to %scan3A_94 step %scan3A_95 iter_args(%scan3A_1238 = %scan3A_91) -> (i32)  : i32 {
      %mul3A_1239 = arith.constant 16 : i32
      %mul3A_1240 = arith.muli %add3A, %mul3A_1239 : i32
      %add3A_1241 = arith.addi %mul3A_1240, %scan3A_1237 : i32
      %mul3A_1242 = arith.constant 16 : i32
      %mul3A_1243 = arith.muli %add3A_1241, %mul3A_1242 : i32
      %get3A_1244 = arith.index_cast %mul3A_1243 : i32 to index
      %get3A_1245 = tpu.vector_load %arg5[%get3A_1244] {strides = array<i32>} : memref<8192xi32, #tpu.memory_space<vmem>>, vector<16xi32>,
      %gather3A = tpu.vector_load_idx %arg7[%get3A_1245] : memref<16xi32, #tpu.memory_space<vmem>>[vector<16xi32>], vector<16xi32>,
      %eq3A_1246 = arith.constant 0 : i32
      %eq3A_1247 = vector.broadcast %eq3A_1246 : i32 to vector<16xi32>
      %eq3A_1248 = arith.cmpi eq, %get3A_1245, %eq3A_1247 : vector<16xi32>
      %convert_element_type3A = arith.extui %eq3A_1248 : vector<16xi1> to vector<16xi32>
      %broadcast_in_dim3A_1249 = arith.constant true
      %broadcast_in_dim3A_1250 = vector.broadcast %broadcast_in_dim3A_1249 : i1 to vector<16xi1>
      %masked_cumsum3A_1251 = tpu.scan <sum>, %convert_element_type3A masked %broadcast_in_dim3A_1250 : vector<16xi32>, vector<16xi1> -> vector<16xi32>
      %sub3A_1252 = arith.constant 1 : i32
      %sub3A_1253 = vector.broadcast %sub3A_1252 : i32 to vector<16xi32>
      %sub3A_1254 = arith.subi %masked_cumsum3A_1251, %sub3A_1253 : vector<16xi32>
      %select_n3A = arith.select %eq3A_1248, %sub3A_1254, %broadcast_in_dim3A_1 : vector<16xi1>, vector<16xi32>
      %eq3A_1255 = arith.constant 1 : i32
      %eq3A_1256 = vector.broadcast %eq3A_1255 : i32 to vector<16xi32>
      %eq3A_1257 = arith.cmpi eq, %get3A_1245, %eq3A_1256 : vector<16xi32>
      %convert_element_type3A_1258 = arith.extui %eq3A_1257 : vector<16xi1> to vector<16xi32>
      %broadcast_in_dim3A_1259 = arith.constant true
      %broadcast_in_dim3A_1260 = vector.broadcast %broadcast_in_dim3A_1259 : i1 to vector<16xi1>
      %masked_cumsum3A_1261 = tpu.scan <sum>, %convert_element_type3A_1258 masked %broadcast_in_dim3A_1260 : vector<16xi32>, vector<16xi1> -> vector<16xi32>
      %sub3A_1262 = arith.constant 1 : i32
      %sub3A_1263 = vector.broadcast %sub3A_1262 : i32 to vector<16xi32>
      %sub3A_1264 = arith.subi %masked_cumsum3A_1261, %sub3A_1263 : vector<16xi32>
      %select_n3A_1265 = arith.select %eq3A_1257, %sub3A_1264, %select_n3A : vector<16xi1>, vector<16xi32>
      %eq3A_1266 = arith.constant 2 : i32
      %eq3A_1267 = vector.broadcast %eq3A_1266 : i32 to vector<16xi32>
      %eq3A_1268 = arith.cmpi eq, %get3A_1245, %eq3A_1267 : vector<16xi32>
      %convert_element_type3A_1269 = arith.extui %eq3A_1268 : vector<16xi1> to vector<16xi32>
      %broadcast_in_dim3A_1270 = arith.constant true
      %broadcast_in_dim3A_1271 = vector.broadcast %broadcast_in_dim3A_1270 : i1 to vector<16xi1>
      %masked_cumsum3A_1272 = tpu.scan <sum>, %convert_element_type3A_1269 masked %broadcast_in_dim3A_1271 : vector<16xi32>, vector<16xi1> -> vector<16xi32>
      %sub3A_1273 = arith.constant 1 : i32
      %sub3A_1274 = vector.broadcast %sub3A_1273 : i32 to vector<16xi32>
      %sub3A_1275 = arith.subi %masked_cumsum3A_1272, %sub3A_1274 : vector<16xi32>
      %select_n3A_1276 = arith.select %eq3A_1268, %sub3A_1275, %select_n3A_1265 : vector<16xi1>, vector<16xi32>
      %eq3A_1277 = arith.constant 3 : i32
      %eq3A_1278 = vector.broadcast %eq3A_1277 : i32 to vector<16xi32>
      %eq3A_1279 = arith.cmpi eq, %get3A_1245, %eq3A_1278 : vector<16xi32>
      %convert_element_type3A_1280 = arith.extui %eq3A_1279 : vector<16xi1> to vector<16xi32>
      %broadcast_in_dim3A_1281 = arith.constant true
      %broadcast_in_dim3A_1282 = vector.broadcast %broadcast_in_dim3A_1281 : i1 to vector<16xi1>
      %masked_cumsum3A_1283 = tpu.scan <sum>, %convert_element_type3A_1280 masked %broadcast_in_dim3A_1282 : vector<16xi32>, vector<16xi1> -> vector<16xi32>
      %sub3A_1284 = arith.constant 1 : i32
      %sub3A_1285 = vector.broadcast %sub3A_1284 : i32 to vector<16xi32>
      %sub3A_1286 = arith.subi %masked_cumsum3A_1283, %sub3A_1285 : vector<16xi32>
      %select_n3A_1287 = arith.select %eq3A_1279, %sub3A_1286, %select_n3A_1276 : vector<16xi1>, vector<16xi32>
      %eq3A_1288 = arith.constant 4 : i32
      %eq3A_1289 = vector.broadcast %eq3A_1288 : i32 to vector<16xi32>
      %eq3A_1290 = arith.cmpi eq, %get3A_1245, %eq3A_1289 : vector<16xi32>
      %convert_element_type3A_1291 = arith.extui %eq3A_1290 : vector<16xi1> to vector<16xi32>
      %broadcast_in_dim3A_1292 = arith.constant true
      %broadcast_in_dim3A_1293 = vector.broadcast %broadcast_in_dim3A_1292 : i1 to vector<16xi1>
      %masked_cumsum3A_1294 = tpu.scan <sum>, %convert_element_type3A_1291 masked %broadcast_in_dim3A_1293 : vector<16xi32>, vector<16xi1> -> vector<16xi32>
      %sub3A_1295 = arith.constant 1 : i32
      %sub3A_1296 = vector.broadcast %sub3A_1295 : i32 to vector<16xi32>
      %sub3A_1297 = arith.subi %masked_cumsum3A_1294, %sub3A_1296 : vector<16xi32>
      %select_n3A_1298 = arith.select %eq3A_1290, %sub3A_1297, %select_n3A_1287 : vector<16xi1>, vector<16xi32>
      %eq3A_1299 = arith.constant 5 : i32
      %eq3A_1300 = vector.broadcast %eq3A_1299 : i32 to vector<16xi32>
      %eq3A_1301 = arith.cmpi eq, %get3A_1245, %eq3A_1300 : vector<16xi32>
      %convert_element_type3A_1302 = arith.extui %eq3A_1301 : vector<16xi1> to vector<16xi32>
      %broadcast_in_dim3A_1303 = arith.constant true
      %broadcast_in_dim3A_1304 = vector.broadcast %broadcast_in_dim3A_1303 : i1 to vector<16xi1>
      %masked_cumsum3A_1305 = tpu.scan <sum>, %convert_element_type3A_1302 masked %broadcast_in_dim3A_1304 : vector<16xi32>, vector<16xi1> -> vector<16xi32>
      %sub3A_1306 = arith.constant 1 : i32
      %sub3A_1307 = vector.broadcast %sub3A_1306 : i32 to vector<16xi32>
      %sub3A_1308 = arith.subi %masked_cumsum3A_1305, %sub3A_1307 : vector<16xi32>
      %select_n3A_1309 = arith.select %eq3A_1301, %sub3A_1308, %select_n3A_1298 : vector<16xi1>, vector<16xi32>
      %eq3A_1310 = arith.constant 6 : i32
      %eq3A_1311 = vector.broadcast %eq3A_1310 : i32 to vector<16xi32>
      %eq3A_1312 = arith.cmpi eq, %get3A_1245, %eq3A_1311 : vector<16xi32>
      %convert_element_type3A_1313 = arith.extui %eq3A_1312 : vector<16xi1> to vector<16xi32>
      %broadcast_in_dim3A_1314 = arith.constant true
      %broadcast_in_dim3A_1315 = vector.broadcast %broadcast_in_dim3A_1314 : i1 to vector<16xi1>
      %masked_cumsum3A_1316 = tpu.scan <sum>, %convert_element_type3A_1313 masked %broadcast_in_dim3A_1315 : vector<16xi32>, vector<16xi1> -> vector<16xi32>
      %sub3A_1317 = arith.constant 1 : i32
      %sub3A_1318 = vector.broadcast %sub3A_1317 : i32 to vector<16xi32>
      %sub3A_1319 = arith.subi %masked_cumsum3A_1316, %sub3A_1318 : vector<16xi32>
      %select_n3A_1320 = arith.select %eq3A_1312, %sub3A_1319, %select_n3A_1309 : vector<16xi1>, vector<16xi32>
      %eq3A_1321 = arith.constant 7 : i32
      %eq3A_1322 = vector.broadcast %eq3A_1321 : i32 to vector<16xi32>
      %eq3A_1323 = arith.cmpi eq, %get3A_1245, %eq3A_1322 : vector<16xi32>
      %convert_element_type3A_1324 = arith.extui %eq3A_1323 : vector<16xi1> to vector<16xi32>
      %broadcast_in_dim3A_1325 = arith.constant true
      %broadcast_in_dim3A_1326 = vector.broadcast %broadcast_in_dim3A_1325 : i1 to vector<16xi1>
      %masked_cumsum3A_1327 = tpu.scan <sum>, %convert_element_type3A_1324 masked %broadcast_in_dim3A_1326 : vector<16xi32>, vector<16xi1> -> vector<16xi32>
      %sub3A_1328 = arith.constant 1 : i32
      %sub3A_1329 = vector.broadcast %sub3A_1328 : i32 to vector<16xi32>
      %sub3A_1330 = arith.subi %masked_cumsum3A_1327, %sub3A_1329 : vector<16xi32>
      %select_n3A_1331 = arith.select %eq3A_1323, %sub3A_1330, %select_n3A_1320 : vector<16xi1>, vector<16xi32>
      %eq3A_1332 = arith.constant 8 : i32
      %eq3A_1333 = vector.broadcast %eq3A_1332 : i32 to vector<16xi32>
      %eq3A_1334 = arith.cmpi eq, %get3A_1245, %eq3A_1333 : vector<16xi32>
      %convert_element_type3A_1335 = arith.extui %eq3A_1334 : vector<16xi1> to vector<16xi32>
      %broadcast_in_dim3A_1336 = arith.constant true
      %broadcast_in_dim3A_1337 = vector.broadcast %broadcast_in_dim3A_1336 : i1 to vector<16xi1>
      %masked_cumsum3A_1338 = tpu.scan <sum>, %convert_element_type3A_1335 masked %broadcast_in_dim3A_1337 : vector<16xi32>, vector<16xi1> -> vector<16xi32>
      %sub3A_1339 = arith.constant 1 : i32
      %sub3A_1340 = vector.broadcast %sub3A_1339 : i32 to vector<16xi32>
      %sub3A_1341 = arith.subi %masked_cumsum3A_1338, %sub3A_1340 : vector<16xi32>
      %select_n3A_1342 = arith.select %eq3A_1334, %sub3A_1341, %select_n3A_1331 : vector<16xi1>, vector<16xi32>
      %eq3A_1343 = arith.constant 9 : i32
      %eq3A_1344 = vector.broadcast %eq3A_1343 : i32 to vector<16xi32>
      %eq3A_1345 = arith.cmpi eq, %get3A_1245, %eq3A_1344 : vector<16xi32>
      %convert_element_type3A_1346 = arith.extui %eq3A_1345 : vector<16xi1> to vector<16xi32>
      %broadcast_in_dim3A_1347 = arith.constant true
      %broadcast_in_dim3A_1348 = vector.broadcast %broadcast_in_dim3A_1347 : i1 to vector<16xi1>
      %masked_cumsum3A_1349 = tpu.scan <sum>, %convert_element_type3A_1346 masked %broadcast_in_dim3A_1348 : vector<16xi32>, vector<16xi1> -> vector<16xi32>
      %sub3A_1350 = arith.constant 1 : i32
      %sub3A_1351 = vector.broadcast %sub3A_1350 : i32 to vector<16xi32>
      %sub3A_1352 = arith.subi %masked_cumsum3A_1349, %sub3A_1351 : vector<16xi32>
      %select_n3A_1353 = arith.select %eq3A_1345, %sub3A_1352, %select_n3A_1342 : vector<16xi1>, vector<16xi32>
      %eq3A_1354 = arith.constant 10 : i32
      %eq3A_1355 = vector.broadcast %eq3A_1354 : i32 to vector<16xi32>
      %eq3A_1356 = arith.cmpi eq, %get3A_1245, %eq3A_1355 : vector<16xi32>
      %convert_element_type3A_1357 = arith.extui %eq3A_1356 : vector<16xi1> to vector<16xi32>
      %broadcast_in_dim3A_1358 = arith.constant true
      %broadcast_in_dim3A_1359 = vector.broadcast %broadcast_in_dim3A_1358 : i1 to vector<16xi1>
      %masked_cumsum3A_1360 = tpu.scan <sum>, %convert_element_type3A_1357 masked %broadcast_in_dim3A_1359 : vector<16xi32>, vector<16xi1> -> vector<16xi32>
      %sub3A_1361 = arith.constant 1 : i32
      %sub3A_1362 = vector.broadcast %sub3A_1361 : i32 to vector<16xi32>
      %sub3A_1363 = arith.subi %masked_cumsum3A_1360, %sub3A_1362 : vector<16xi32>
      %select_n3A_1364 = arith.select %eq3A_1356, %sub3A_1363, %select_n3A_1353 : vector<16xi1>, vector<16xi32>
      %eq3A_1365 = arith.constant 11 : i32
      %eq3A_1366 = vector.broadcast %eq3A_1365 : i32 to vector<16xi32>
      %eq3A_1367 = arith.cmpi eq, %get3A_1245, %eq3A_1366 : vector<16xi32>
      %convert_element_type3A_1368 = arith.extui %eq3A_1367 : vector<16xi1> to vector<16xi32>
      %broadcast_in_dim3A_1369 = arith.constant true
      %broadcast_in_dim3A_1370 = vector.broadcast %broadcast_in_dim3A_1369 : i1 to vector<16xi1>
      %masked_cumsum3A_1371 = tpu.scan <sum>, %convert_element_type3A_1368 masked %broadcast_in_dim3A_1370 : vector<16xi32>, vector<16xi1> -> vector<16xi32>
      %sub3A_1372 = arith.constant 1 : i32
      %sub3A_1373 = vector.broadcast %sub3A_1372 : i32 to vector<16xi32>
      %sub3A_1374 = arith.subi %masked_cumsum3A_1371, %sub3A_1373 : vector<16xi32>
      %select_n3A_1375 = arith.select %eq3A_1367, %sub3A_1374, %select_n3A_1364 : vector<16xi1>, vector<16xi32>
      %eq3A_1376 = arith.constant 12 : i32
      %eq3A_1377 = vector.broadcast %eq3A_1376 : i32 to vector<16xi32>
      %eq3A_1378 = arith.cmpi eq, %get3A_1245, %eq3A_1377 : vector<16xi32>
      %convert_element_type3A_1379 = arith.extui %eq3A_1378 : vector<16xi1> to vector<16xi32>
      %broadcast_in_dim3A_1380 = arith.constant true
      %broadcast_in_dim3A_1381 = vector.broadcast %broadcast_in_dim3A_1380 : i1 to vector<16xi1>
      %masked_cumsum3A_1382 = tpu.scan <sum>, %convert_element_type3A_1379 masked %broadcast_in_dim3A_1381 : vector<16xi32>, vector<16xi1> -> vector<16xi32>
      %sub3A_1383 = arith.constant 1 : i32
      %sub3A_1384 = vector.broadcast %sub3A_1383 : i32 to vector<16xi32>
      %sub3A_1385 = arith.subi %masked_cumsum3A_1382, %sub3A_1384 : vector<16xi32>
      %select_n3A_1386 = arith.select %eq3A_1378, %sub3A_1385, %select_n3A_1375 : vector<16xi1>, vector<16xi32>
      %eq3A_1387 = arith.constant 13 : i32
      %eq3A_1388 = vector.broadcast %eq3A_1387 : i32 to vector<16xi32>
      %eq3A_1389 = arith.cmpi eq, %get3A_1245, %eq3A_1388 : vector<16xi32>
      %convert_element_type3A_1390 = arith.extui %eq3A_1389 : vector<16xi1> to vector<16xi32>
      %broadcast_in_dim3A_1391 = arith.constant true
      %broadcast_in_dim3A_1392 = vector.broadcast %broadcast_in_dim3A_1391 : i1 to vector<16xi1>
      %masked_cumsum3A_1393 = tpu.scan <sum>, %convert_element_type3A_1390 masked %broadcast_in_dim3A_1392 : vector<16xi32>, vector<16xi1> -> vector<16xi32>
      %sub3A_1394 = arith.constant 1 : i32
      %sub3A_1395 = vector.broadcast %sub3A_1394 : i32 to vector<16xi32>
      %sub3A_1396 = arith.subi %masked_cumsum3A_1393, %sub3A_1395 : vector<16xi32>
      %select_n3A_1397 = arith.select %eq3A_1389, %sub3A_1396, %select_n3A_1386 : vector<16xi1>, vector<16xi32>
      %eq3A_1398 = arith.constant 14 : i32
      %eq3A_1399 = vector.broadcast %eq3A_1398 : i32 to vector<16xi32>
      %eq3A_1400 = arith.cmpi eq, %get3A_1245, %eq3A_1399 : vector<16xi32>
      %convert_element_type3A_1401 = arith.extui %eq3A_1400 : vector<16xi1> to vector<16xi32>
      %broadcast_in_dim3A_1402 = arith.constant true
      %broadcast_in_dim3A_1403 = vector.broadcast %broadcast_in_dim3A_1402 : i1 to vector<16xi1>
      %masked_cumsum3A_1404 = tpu.scan <sum>, %convert_element_type3A_1401 masked %broadcast_in_dim3A_1403 : vector<16xi32>, vector<16xi1> -> vector<16xi32>
      %sub3A_1405 = arith.constant 1 : i32
      %sub3A_1406 = vector.broadcast %sub3A_1405 : i32 to vector<16xi32>
      %sub3A_1407 = arith.subi %masked_cumsum3A_1404, %sub3A_1406 : vector<16xi32>
      %select_n3A_1408 = arith.select %eq3A_1400, %sub3A_1407, %select_n3A_1397 : vector<16xi1>, vector<16xi32>
      %eq3A_1409 = arith.constant 15 : i32
      %eq3A_1410 = vector.broadcast %eq3A_1409 : i32 to vector<16xi32>
      %eq3A_1411 = arith.cmpi eq, %get3A_1245, %eq3A_1410 : vector<16xi32>
      %convert_element_type3A_1412 = arith.extui %eq3A_1411 : vector<16xi1> to vector<16xi32>
      %broadcast_in_dim3A_1413 = arith.constant true
      %broadcast_in_dim3A_1414 = vector.broadcast %broadcast_in_dim3A_1413 : i1 to vector<16xi1>
      %masked_cumsum3A_1415 = tpu.scan <sum>, %convert_element_type3A_1412 masked %broadcast_in_dim3A_1414 : vector<16xi32>, vector<16xi1> -> vector<16xi32>
      %sub3A_1416 = arith.constant 1 : i32
      %sub3A_1417 = vector.broadcast %sub3A_1416 : i32 to vector<16xi32>
      %sub3A_1418 = arith.subi %masked_cumsum3A_1415, %sub3A_1417 : vector<16xi32>
      %select_n3A_1419 = arith.select %eq3A_1411, %sub3A_1418, %select_n3A_1408 : vector<16xi1>, vector<16xi32>
      tpu.vector_store_idx %arg7[%get3A_1245], %broadcast_in_dim3A_3 {add = true} : memref<16xi32, #tpu.memory_space<vmem>>[vector<16xi32>], vector<16xi32>,
      %gather3A_1420 = tpu.vector_load_idx %arg8[%get3A_1245] : memref<16xi32, #tpu.memory_space<vmem>>[vector<16xi32>], vector<16xi32>,
      %add3A_1421 = arith.addi %gather3A_1420, %gather3A : vector<16xi32>
      %add3A_1422 = arith.addi %add3A_1421, %select_n3A_1419 : vector<16xi32>
      %mul3A_1423 = arith.constant 8 : i32
      %mul3A_1424 = arith.muli %scan3A_1237, %mul3A_1423 : i32
      %shift_right_arithmetic3A = arith.constant 1 : i32
      %shift_right_arithmetic3A_1425 = vector.broadcast %shift_right_arithmetic3A : i32 to vector<16xi32>
      %shift_right_arithmetic3A_1426 = arith.shrsi %iota3A, %shift_right_arithmetic3A_1425 : vector<16xi32>
      %add3A_1427 = vector.broadcast %mul3A_1424 : i32 to vector<16xi32>
      %add3A_1428 = arith.addi %add3A_1427, %shift_right_arithmetic3A_1426 : vector<16xi32>
      tpu.vector_store_idx %arg9[%add3A_1428], %add3A_1422 masked %eq3A_25 : memref<128xi32, #tpu.memory_space<vmem>>[vector<16xi32>], vector<16xi32>, vector<16xi1>
      %not3A = arith.constant dense<true> : vector<16xi1>
      %not3A_1429 = arith.xori %eq3A_25, %not3A : vector<16xi1>
      tpu.vector_store_idx %arg10[%add3A_1428], %add3A_1422 masked %not3A_1429 : memref<128xi32, #tpu.memory_space<vmem>>[vector<16xi32>], vector<16xi32>, vector<16xi1>
      %scan3A_1430 = arith.constant 0 : i32
      scf.yield %scan3A_1430 : i32
    }
    %scan3A_97 = arith.constant 13 : i32
    %dma_wait3A = arith.constant 0 : i32
    %dma_wait3A_98 = arith.constant 0 : i32
    %dma_wait3A_99 = arith.constant 0 : i32
    %dma_wait3A_100 = tpu.memref_slice %arg11[%dma_wait3A, %dma_wait3A_98, %dma_wait3A_99] : memref<4x8x2048xf32, #tpu.memory_space<vmem>> -> memref<1x8x2048xf32, #tpu.memory_space<vmem>>
    %dma_wait3A_101 = tpu.memref_squeeze %dma_wait3A_100 : memref<1x8x2048xf32, #tpu.memory_space<vmem>> -> memref<8x2048xf32, #tpu.memory_space<vmem>>
    %dma_wait3A_102 = arith.constant 0 : i32
    %dma_wait3A_103 = tpu.memref_slice %arg9[%dma_wait3A_102] : memref<128xi32, #tpu.memory_space<vmem>> -> memref<8xi32, #tpu.memory_space<vmem>>
    %dma_wait3A_104 = arith.constant 0 : i32
    %dma_wait3A_105 = arith.constant 0 : i32
    %dma_wait3A_106 = tpu.memref_slice %arg2[%dma_wait3A_104, %dma_wait3A_105] : memref<8192x2048xf32, #tpu.memory_space<hbm>> -> memref<8192x2048xf32, #tpu.memory_space<hbm>>
    tpu.wait_indirect_dma semaphore(%arg13 : memref<!tpu.dma_semaphore, #tpu.memory_space<semaphore_mem>>) src(%dma_wait3A_106 : memref<8192x2048xf32, #tpu.memory_space<hbm>>) dst(%dma_wait3A_101 : memref<8x2048xf32, #tpu.memory_space<vmem>>)
    %dma_wait3A_107 = arith.constant 0 : i32
    %dma_wait3A_108 = arith.constant 0 : i32
    %dma_wait3A_109 = arith.constant 0 : i32
    %dma_wait3A_110 = tpu.memref_slice %arg12[%dma_wait3A_107, %dma_wait3A_108, %dma_wait3A_109] : memref<3x8x2048xf32, #tpu.memory_space<vmem>> -> memref<1x8x2048xf32, #tpu.memory_space<vmem>>
    %dma_wait3A_111 = tpu.memref_squeeze %dma_wait3A_110 : memref<1x8x2048xf32, #tpu.memory_space<vmem>> -> memref<8x2048xf32, #tpu.memory_space<vmem>>
    %dma_wait3A_112 = arith.constant 0 : i32
    %dma_wait3A_113 = tpu.memref_slice %arg10[%dma_wait3A_112] : memref<128xi32, #tpu.memory_space<vmem>> -> memref<8xi32, #tpu.memory_space<vmem>>
    %dma_wait3A_114 = arith.constant 0 : i32
    %dma_wait3A_115 = arith.constant 0 : i32
    %dma_wait3A_116 = tpu.memref_slice %arg2[%dma_wait3A_114, %dma_wait3A_115] : memref<8192x2048xf32, #tpu.memory_space<hbm>> -> memref<8192x2048xf32, #tpu.memory_space<hbm>>
    tpu.wait_indirect_dma semaphore(%arg17 : memref<!tpu.dma_semaphore, #tpu.memory_space<semaphore_mem>>) src(%dma_wait3A_116 : memref<8192x2048xf32, #tpu.memory_space<hbm>>) dst(%dma_wait3A_111 : memref<8x2048xf32, #tpu.memory_space<vmem>>)
    %parallel_loop3A_117 = arith.constant 0 : i32
    %parallel_loop3A_118 = arith.constant 1024 : i32
    %parallel_loop3A_119 = arith.constant 1 : i32
    %parallel_loop3A_120 = arith.constant 0 : i32
    %parallel_loop3A_121 = arith.constant 0 : i32
    scf.for %parallel_loop3A_1237 = %parallel_loop3A_117 to %parallel_loop3A_118 step %parallel_loop3A_119  : i32 {
      %parallel_loop3A_1238 = arith.constant 7 : i32
      %parallel_loop3A_1239 = arith.shrsi %parallel_loop3A_1237, %parallel_loop3A_1238 : i32
      %parallel_loop3A_1240 = arith.constant 127 : i32
      %parallel_loop3A_1241 = arith.andi %parallel_loop3A_1237, %parallel_loop3A_1240 : i32
      %parallel_loop3A_1242 = arith.constant 16 : i32
      %parallel_loop3A_1243 = arith.muli %parallel_loop3A_1241, %parallel_loop3A_1242 : i32
      %parallel_loop3A_1244 = arith.constant 0 : i32
      %parallel_loop3A_1245 = arith.constant 0 : i32
      %parallel_loop3A_1246 = tpu.memref_slice %arg12[%parallel_loop3A_120, %parallel_loop3A_1244, %parallel_loop3A_1245] : memref<3x8x2048xf32, #tpu.memory_space<vmem>> -> memref<1x8x2048xf32, #tpu.memory_space<vmem>>
      %parallel_loop3A_1247 = tpu.memref_squeeze %parallel_loop3A_1246 : memref<1x8x2048xf32, #tpu.memory_space<vmem>> -> memref<8x2048xf32, #tpu.memory_space<vmem>>
      %parallel_loop3A_1248 = arith.index_cast %parallel_loop3A_1239 : i32 to index
      %parallel_loop3A_1249 = arith.index_cast %parallel_loop3A_1243 : i32 to index
      %parallel_loop3A_1250 = tpu.vector_load %parallel_loop3A_1247[%parallel_loop3A_1248, %parallel_loop3A_1249] {strides = array<i32>} : memref<8x2048xf32, #tpu.memory_space<vmem>>, vector<16xf32>,
      %parallel_loop3A_1251 = arith.constant 0 : i32
      %parallel_loop3A_1252 = arith.constant 0 : i32
      %parallel_loop3A_1253 = tpu.memref_slice %arg11[%parallel_loop3A_121, %parallel_loop3A_1251, %parallel_loop3A_1252] : memref<4x8x2048xf32, #tpu.memory_space<vmem>> -> memref<1x8x2048xf32, #tpu.memory_space<vmem>>
      %parallel_loop3A_1254 = tpu.memref_squeeze %parallel_loop3A_1253 : memref<1x8x2048xf32, #tpu.memory_space<vmem>> -> memref<8x2048xf32, #tpu.memory_space<vmem>>
      %parallel_loop3A_1255 = arith.index_cast %parallel_loop3A_1239 : i32 to index
      %parallel_loop3A_1256 = arith.index_cast %parallel_loop3A_1243 : i32 to index
      %parallel_loop3A_1257 = tpu.vector_load %parallel_loop3A_1254[%parallel_loop3A_1255, %parallel_loop3A_1256] {strides = array<i32>} : memref<8x2048xf32, #tpu.memory_space<vmem>>, vector<16xf32>,
      tpu.vector_store %parallel_loop3A_1254[%parallel_loop3A_1255, %parallel_loop3A_1256], %parallel_loop3A_1250 {add = true, strides = array<i32>} : memref<8x2048xf32, #tpu.memory_space<vmem>>, vector<16xf32>,
    } {sc.loop_unroll_factor = 16 : i64, sc.parallel_access}
    %mul3A_122 = arith.constant 128 : i32
    %mul3A_123 = arith.muli %add3A, %mul3A_122 : i32
    %add3A_124 = arith.constant 0 : i32
    %add3A_125 = arith.addi %mul3A_123, %add3A_124 : i32
    %dma_start3A_126 = arith.constant 0 : i32
    %dma_start3A_127 = arith.constant 0 : i32
    %dma_start3A_128 = arith.constant 0 : i32
    %dma_start3A_129 = tpu.memref_slice %arg11[%dma_start3A_126, %dma_start3A_127, %dma_start3A_128] : memref<4x8x2048xf32, #tpu.memory_space<vmem>> -> memref<1x8x2048xf32, #tpu.memory_space<vmem>>
    %dma_start3A_130 = tpu.memref_squeeze %dma_start3A_129 : memref<1x8x2048xf32, #tpu.memory_space<vmem>> -> memref<8x2048xf32, #tpu.memory_space<vmem>>
    %dma_start3A_131 = arith.constant 0 : i32
    %dma_start3A_132 = tpu.memref_slice %arg4[%add3A_125, %dma_start3A_131] : memref<4096x2048xf32, #tpu.memory_space<hbm>> -> memref<8x2048xf32, #tpu.memory_space<hbm>>
    %dma_start3A_133 = arith.constant 0 : i32
    %dma_start3A_134 = tpu.memref_slice %arg4[%add3A_125, %dma_start3A_133] : memref<4096x2048xf32, #tpu.memory_space<hbm>> -> memref<8x2048xf32, #tpu.memory_space<hbm>>
    %dma_start3A_135 = arith.constant 0 : i32
    %dma_start3A_136 = arith.constant 0 : i32
    %dma_start3A_137 = tpu.memref_slice %arg11[%dma_start3A_126, %dma_start3A_135, %dma_start3A_136] : memref<4x8x2048xf32, #tpu.memory_space<vmem>> -> memref<1x8x2048xf32, #tpu.memory_space<vmem>>
    %dma_start3A_138 = tpu.memref_squeeze %dma_start3A_137 : memref<1x8x2048xf32, #tpu.memory_space<vmem>> -> memref<8x2048xf32, #tpu.memory_space<vmem>>
    tpu.enqueue_dma source(%dma_start3A_138 : memref<8x2048xf32, #tpu.memory_space<vmem>>) target(%dma_start3A_134 : memref<8x2048xf32, #tpu.memory_space<hbm>>) target_semaphore(%arg20 : memref<!tpu.dma_semaphore, #tpu.memory_space<semaphore_mem>>)
    %dma_start3A_139 = arith.constant 0 : i32
    %dma_start3A_140 = arith.constant 0 : i32
    %dma_start3A_141 = arith.constant 0 : i32
    %dma_start3A_142 = tpu.memref_slice %arg12[%dma_start3A_139, %dma_start3A_140, %dma_start3A_141] : memref<3x8x2048xf32, #tpu.memory_space<vmem>> -> memref<1x8x2048xf32, #tpu.memory_space<vmem>>
    %dma_start3A_143 = tpu.memref_squeeze %dma_start3A_142 : memref<1x8x2048xf32, #tpu.memory_space<vmem>> -> memref<8x2048xf32, #tpu.memory_space<vmem>>
    %dma_start3A_144 = arith.constant 24 : i32
    %dma_start3A_145 = tpu.memref_slice %arg10[%dma_start3A_144] : memref<128xi32, #tpu.memory_space<vmem>> -> memref<8xi32, #tpu.memory_space<vmem>>
    %dma_start3A_146 = arith.constant 0 : i32
    %dma_start3A_147 = arith.constant 0 : i32
    %dma_start3A_148 = tpu.memref_slice %arg2[%dma_start3A_146, %dma_start3A_147] : memref<8192x2048xf32, #tpu.memory_space<hbm>> -> memref<8192x2048xf32, #tpu.memory_space<hbm>>
    tpu.enqueue_indirect_dma source(%dma_start3A_148 : memref<8192x2048xf32, #tpu.memory_space<hbm>>) target(%dma_start3A_143 : memref<8x2048xf32, #tpu.memory_space<vmem>>) offsets(%dma_start3A_145 : memref<8xi32, #tpu.memory_space<vmem>>) semaphore(%arg17 : memref<!tpu.dma_semaphore, #tpu.memory_space<semaphore_mem>>)
    %dma_start3A_149 = arith.constant 3 : i32
    %dma_start3A_150 = arith.constant 0 : i32
    %dma_start3A_151 = arith.constant 0 : i32
    %dma_start3A_152 = tpu.memref_slice %arg11[%dma_start3A_149, %dma_start3A_150, %dma_start3A_151] : memref<4x8x2048xf32, #tpu.memory_space<vmem>> -> memref<1x8x2048xf32, #tpu.memory_space<vmem>>
    %dma_start3A_153 = tpu.memref_squeeze %dma_start3A_152 : memref<1x8x2048xf32, #tpu.memory_space<vmem>> -> memref<8x2048xf32, #tpu.memory_space<vmem>>
    %dma_start3A_154 = arith.constant 24 : i32
    %dma_start3A_155 = tpu.memref_slice %arg9[%dma_start3A_154] : memref<128xi32, #tpu.memory_space<vmem>> -> memref<8xi32, #tpu.memory_space<vmem>>
    %dma_start3A_156 = arith.constant 0 : i32
    %dma_start3A_157 = arith.constant 0 : i32
    %dma_start3A_158 = tpu.memref_slice %arg2[%dma_start3A_156, %dma_start3A_157] : memref<8192x2048xf32, #tpu.memory_space<hbm>> -> memref<8192x2048xf32, #tpu.memory_space<hbm>>
    tpu.enqueue_indirect_dma source(%dma_start3A_158 : memref<8192x2048xf32, #tpu.memory_space<hbm>>) target(%dma_start3A_153 : memref<8x2048xf32, #tpu.memory_space<vmem>>) offsets(%dma_start3A_155 : memref<8xi32, #tpu.memory_space<vmem>>) semaphore(%arg16 : memref<!tpu.dma_semaphore, #tpu.memory_space<semaphore_mem>>)
    %dma_wait3A_159 = arith.constant 1 : i32
    %dma_wait3A_160 = arith.constant 0 : i32
    %dma_wait3A_161 = arith.constant 0 : i32
    %dma_wait3A_162 = tpu.memref_slice %arg11[%dma_wait3A_159, %dma_wait3A_160, %dma_wait3A_161] : memref<4x8x2048xf32, #tpu.memory_space<vmem>> -> memref<1x8x2048xf32, #tpu.memory_space<vmem>>
    %dma_wait3A_163 = tpu.memref_squeeze %dma_wait3A_162 : memref<1x8x2048xf32, #tpu.memory_space<vmem>> -> memref<8x2048xf32, #tpu.memory_space<vmem>>
    %dma_wait3A_164 = arith.constant 8 : i32
    %dma_wait3A_165 = tpu.memref_slice %arg9[%dma_wait3A_164] : memref<128xi32, #tpu.memory_space<vmem>> -> memref<8xi32, #tpu.memory_space<vmem>>
    %dma_wait3A_166 = arith.constant 0 : i32
    %dma_wait3A_167 = arith.constant 0 : i32
    %dma_wait3A_168 = tpu.memref_slice %arg2[%dma_wait3A_166, %dma_wait3A_167] : memref<8192x2048xf32, #tpu.memory_space<hbm>> -> memref<8192x2048xf32, #tpu.memory_space<hbm>>
    tpu.wait_indirect_dma semaphore(%arg14 : memref<!tpu.dma_semaphore, #tpu.memory_space<semaphore_mem>>) src(%dma_wait3A_168 : memref<8192x2048xf32, #tpu.memory_space<hbm>>) dst(%dma_wait3A_163 : memref<8x2048xf32, #tpu.memory_space<vmem>>)
    %dma_wait3A_169 = arith.constant 1 : i32
    %dma_wait3A_170 = arith.constant 0 : i32
    %dma_wait3A_171 = arith.constant 0 : i32
    %dma_wait3A_172 = tpu.memref_slice %arg12[%dma_wait3A_169, %dma_wait3A_170, %dma_wait3A_171] : memref<3x8x2048xf32, #tpu.memory_space<vmem>> -> memref<1x8x2048xf32, #tpu.memory_space<vmem>>
    %dma_wait3A_173 = tpu.memref_squeeze %dma_wait3A_172 : memref<1x8x2048xf32, #tpu.memory_space<vmem>> -> memref<8x2048xf32, #tpu.memory_space<vmem>>
    %dma_wait3A_174 = arith.constant 8 : i32
    %dma_wait3A_175 = tpu.memref_slice %arg10[%dma_wait3A_174] : memref<128xi32, #tpu.memory_space<vmem>> -> memref<8xi32, #tpu.memory_space<vmem>>
    %dma_wait3A_176 = arith.constant 0 : i32
    %dma_wait3A_177 = arith.constant 0 : i32
    %dma_wait3A_178 = tpu.memref_slice %arg2[%dma_wait3A_176, %dma_wait3A_177] : memref<8192x2048xf32, #tpu.memory_space<hbm>> -> memref<8192x2048xf32, #tpu.memory_space<hbm>>
    tpu.wait_indirect_dma semaphore(%arg18 : memref<!tpu.dma_semaphore, #tpu.memory_space<semaphore_mem>>) src(%dma_wait3A_178 : memref<8192x2048xf32, #tpu.memory_space<hbm>>) dst(%dma_wait3A_173 : memref<8x2048xf32, #tpu.memory_space<vmem>>)
    %parallel_loop3A_179 = arith.constant 0 : i32
    %parallel_loop3A_180 = arith.constant 1024 : i32
    %parallel_loop3A_181 = arith.constant 1 : i32
    %parallel_loop3A_182 = arith.constant 1 : i32
    %parallel_loop3A_183 = arith.constant 1 : i32
    scf.for %parallel_loop3A_1237 = %parallel_loop3A_179 to %parallel_loop3A_180 step %parallel_loop3A_181  : i32 {
      %parallel_loop3A_1238 = arith.constant 7 : i32
      %parallel_loop3A_1239 = arith.shrsi %parallel_loop3A_1237, %parallel_loop3A_1238 : i32
      %parallel_loop3A_1240 = arith.constant 127 : i32
      %parallel_loop3A_1241 = arith.andi %parallel_loop3A_1237, %parallel_loop3A_1240 : i32
      %parallel_loop3A_1242 = arith.constant 16 : i32
      %parallel_loop3A_1243 = arith.muli %parallel_loop3A_1241, %parallel_loop3A_1242 : i32
      %parallel_loop3A_1244 = arith.constant 0 : i32
      %parallel_loop3A_1245 = arith.constant 0 : i32
      %parallel_loop3A_1246 = tpu.memref_slice %arg12[%parallel_loop3A_182, %parallel_loop3A_1244, %parallel_loop3A_1245] : memref<3x8x2048xf32, #tpu.memory_space<vmem>> -> memref<1x8x2048xf32, #tpu.memory_space<vmem>>
      %parallel_loop3A_1247 = tpu.memref_squeeze %parallel_loop3A_1246 : memref<1x8x2048xf32, #tpu.memory_space<vmem>> -> memref<8x2048xf32, #tpu.memory_space<vmem>>
      %parallel_loop3A_1248 = arith.index_cast %parallel_loop3A_1239 : i32 to index
      %parallel_loop3A_1249 = arith.index_cast %parallel_loop3A_1243 : i32 to index
      %parallel_loop3A_1250 = tpu.vector_load %parallel_loop3A_1247[%parallel_loop3A_1248, %parallel_loop3A_1249] {strides = array<i32>} : memref<8x2048xf32, #tpu.memory_space<vmem>>, vector<16xf32>,
      %parallel_loop3A_1251 = arith.constant 0 : i32
      %parallel_loop3A_1252 = arith.constant 0 : i32
      %parallel_loop3A_1253 = tpu.memref_slice %arg11[%parallel_loop3A_183, %parallel_loop3A_1251, %parallel_loop3A_1252] : memref<4x8x2048xf32, #tpu.memory_space<vmem>> -> memref<1x8x2048xf32, #tpu.memory_space<vmem>>
      %parallel_loop3A_1254 = tpu.memref_squeeze %parallel_loop3A_1253 : memref<1x8x2048xf32, #tpu.memory_space<vmem>> -> memref<8x2048xf32, #tpu.memory_space<vmem>>
      %parallel_loop3A_1255 = arith.index_cast %parallel_loop3A_1239 : i32 to index
      %parallel_loop3A_1256 = arith.index_cast %parallel_loop3A_1243 : i32 to index
      %parallel_loop3A_1257 = tpu.vector_load %parallel_loop3A_1254[%parallel_loop3A_1255, %parallel_loop3A_1256] {strides = array<i32>} : memref<8x2048xf32, #tpu.memory_space<vmem>>, vector<16xf32>,
      tpu.vector_store %parallel_loop3A_1254[%parallel_loop3A_1255, %parallel_loop3A_1256], %parallel_loop3A_1250 {add = true, strides = array<i32>} : memref<8x2048xf32, #tpu.memory_space<vmem>>, vector<16xf32>,
    } {sc.loop_unroll_factor = 16 : i64, sc.parallel_access}
    %mul3A_184 = arith.constant 128 : i32
    %mul3A_185 = arith.muli %add3A, %mul3A_184 : i32
    %add3A_186 = arith.constant 8 : i32
    %add3A_187 = arith.addi %mul3A_185, %add3A_186 : i32
    %dma_start3A_188 = arith.constant 1 : i32
    %dma_start3A_189 = arith.constant 0 : i32
    %dma_start3A_190 = arith.constant 0 : i32
    %dma_start3A_191 = tpu.memref_slice %arg11[%dma_start3A_188, %dma_start3A_189, %dma_start3A_190] : memref<4x8x2048xf32, #tpu.memory_space<vmem>> -> memref<1x8x2048xf32, #tpu.memory_space<vmem>>
    %dma_start3A_192 = tpu.memref_squeeze %dma_start3A_191 : memref<1x8x2048xf32, #tpu.memory_space<vmem>> -> memref<8x2048xf32, #tpu.memory_space<vmem>>
    %dma_start3A_193 = arith.constant 0 : i32
    %dma_start3A_194 = tpu.memref_slice %arg4[%add3A_187, %dma_start3A_193] : memref<4096x2048xf32, #tpu.memory_space<hbm>> -> memref<8x2048xf32, #tpu.memory_space<hbm>>
    %dma_start3A_195 = arith.constant 0 : i32
    %dma_start3A_196 = tpu.memref_slice %arg4[%add3A_187, %dma_start3A_195] : memref<4096x2048xf32, #tpu.memory_space<hbm>> -> memref<8x2048xf32, #tpu.memory_space<hbm>>
    %dma_start3A_197 = arith.constant 0 : i32
    %dma_start3A_198 = arith.constant 0 : i32
    %dma_start3A_199 = tpu.memref_slice %arg11[%dma_start3A_188, %dma_start3A_197, %dma_start3A_198] : memref<4x8x2048xf32, #tpu.memory_space<vmem>> -> memref<1x8x2048xf32, #tpu.memory_space<vmem>>
    %dma_start3A_200 = tpu.memref_squeeze %dma_start3A_199 : memref<1x8x2048xf32, #tpu.memory_space<vmem>> -> memref<8x2048xf32, #tpu.memory_space<vmem>>
    tpu.enqueue_dma source(%dma_start3A_200 : memref<8x2048xf32, #tpu.memory_space<vmem>>) target(%dma_start3A_196 : memref<8x2048xf32, #tpu.memory_space<hbm>>) target_semaphore(%arg21 : memref<!tpu.dma_semaphore, #tpu.memory_space<semaphore_mem>>)
    %dma_start3A_201 = arith.constant 1 : i32
    %dma_start3A_202 = arith.constant 0 : i32
    %dma_start3A_203 = arith.constant 0 : i32
    %dma_start3A_204 = tpu.memref_slice %arg12[%dma_start3A_201, %dma_start3A_202, %dma_start3A_203] : memref<3x8x2048xf32, #tpu.memory_space<vmem>> -> memref<1x8x2048xf32, #tpu.memory_space<vmem>>
    %dma_start3A_205 = tpu.memref_squeeze %dma_start3A_204 : memref<1x8x2048xf32, #tpu.memory_space<vmem>> -> memref<8x2048xf32, #tpu.memory_space<vmem>>
    %dma_start3A_206 = arith.constant 32 : i32
    %dma_start3A_207 = tpu.memref_slice %arg10[%dma_start3A_206] : memref<128xi32, #tpu.memory_space<vmem>> -> memref<8xi32, #tpu.memory_space<vmem>>
    %dma_start3A_208 = arith.constant 0 : i32
    %dma_start3A_209 = arith.constant 0 : i32
    %dma_start3A_210 = tpu.memref_slice %arg2[%dma_start3A_208, %dma_start3A_209] : memref<8192x2048xf32, #tpu.memory_space<hbm>> -> memref<8192x2048xf32, #tpu.memory_space<hbm>>
    tpu.enqueue_indirect_dma source(%dma_start3A_210 : memref<8192x2048xf32, #tpu.memory_space<hbm>>) target(%dma_start3A_205 : memref<8x2048xf32, #tpu.memory_space<vmem>>) offsets(%dma_start3A_207 : memref<8xi32, #tpu.memory_space<vmem>>) semaphore(%arg18 : memref<!tpu.dma_semaphore, #tpu.memory_space<semaphore_mem>>)
    %dma_wait3A_211 = arith.constant 0 : i32
    %dma_wait3A_212 = arith.constant 0 : i32
    %dma_wait3A_213 = arith.constant 0 : i32
    %dma_wait3A_214 = tpu.memref_slice %arg11[%dma_wait3A_211, %dma_wait3A_212, %dma_wait3A_213] : memref<4x8x2048xf32, #tpu.memory_space<vmem>> -> memref<1x8x2048xf32, #tpu.memory_space<vmem>>
    %dma_wait3A_215 = tpu.memref_squeeze %dma_wait3A_214 : memref<1x8x2048xf32, #tpu.memory_space<vmem>> -> memref<8x2048xf32, #tpu.memory_space<vmem>>
    %dma_wait3A_216 = arith.constant 0 : i32
    %dma_wait3A_217 = tpu.memref_slice %arg4[%add3A_125, %dma_wait3A_216] : memref<4096x2048xf32, #tpu.memory_space<hbm>> -> memref<8x2048xf32, #tpu.memory_space<hbm>>
    %dma_wait3A_218 = arith.constant 0 : i32
    %dma_wait3A_219 = tpu.memref_slice %arg4[%add3A_125, %dma_wait3A_218] : memref<4096x2048xf32, #tpu.memory_space<hbm>> -> memref<8x2048xf32, #tpu.memory_space<hbm>>
    %dma_wait3A_220 = arith.constant 0 : i32
    %dma_wait3A_221 = arith.constant 0 : i32
    %dma_wait3A_222 = tpu.memref_slice %arg11[%dma_wait3A_211, %dma_wait3A_220, %dma_wait3A_221] : memref<4x8x2048xf32, #tpu.memory_space<vmem>> -> memref<1x8x2048xf32, #tpu.memory_space<vmem>>
    %dma_wait3A_223 = tpu.memref_squeeze %dma_wait3A_222 : memref<1x8x2048xf32, #tpu.memory_space<vmem>> -> memref<8x2048xf32, #tpu.memory_space<vmem>>
    tpu.wait_dma2 semaphore(%arg20 : memref<!tpu.dma_semaphore, #tpu.memory_space<semaphore_mem>>) src(%dma_wait3A_223 : memref<8x2048xf32, #tpu.memory_space<vmem>>) dst(%dma_wait3A_219 : memref<8x2048xf32, #tpu.memory_space<hbm>>)
    %dma_start3A_224 = arith.constant 0 : i32
    %dma_start3A_225 = arith.constant 0 : i32
    %dma_start3A_226 = arith.constant 0 : i32
    %dma_start3A_227 = tpu.memref_slice %arg11[%dma_start3A_224, %dma_start3A_225, %dma_start3A_226] : memref<4x8x2048xf32, #tpu.memory_space<vmem>> -> memref<1x8x2048xf32, #tpu.memory_space<vmem>>
    %dma_start3A_228 = tpu.memref_squeeze %dma_start3A_227 : memref<1x8x2048xf32, #tpu.memory_space<vmem>> -> memref<8x2048xf32, #tpu.memory_space<vmem>>
    %dma_start3A_229 = arith.constant 32 : i32
    %dma_start3A_230 = tpu.memref_slice %arg9[%dma_start3A_229] : memref<128xi32, #tpu.memory_space<vmem>> -> memref<8xi32, #tpu.memory_space<vmem>>
    %dma_start3A_231 = arith.constant 0 : i32
    %dma_start3A_232 = arith.constant 0 : i32
    %dma_start3A_233 = tpu.memref_slice %arg2[%dma_start3A_231, %dma_start3A_232] : memref<8192x2048xf32, #tpu.memory_space<hbm>> -> memref<8192x2048xf32, #tpu.memory_space<hbm>>
    tpu.enqueue_indirect_dma source(%dma_start3A_233 : memref<8192x2048xf32, #tpu.memory_space<hbm>>) target(%dma_start3A_228 : memref<8x2048xf32, #tpu.memory_space<vmem>>) offsets(%dma_start3A_230 : memref<8xi32, #tpu.memory_space<vmem>>) semaphore(%arg13 : memref<!tpu.dma_semaphore, #tpu.memory_space<semaphore_mem>>)
    %dma_wait3A_234 = arith.constant 2 : i32
    %dma_wait3A_235 = arith.constant 0 : i32
    %dma_wait3A_236 = arith.constant 0 : i32
    %dma_wait3A_237 = tpu.memref_slice %arg11[%dma_wait3A_234, %dma_wait3A_235, %dma_wait3A_236] : memref<4x8x2048xf32, #tpu.memory_space<vmem>> -> memref<1x8x2048xf32, #tpu.memory_space<vmem>>
    %dma_wait3A_238 = tpu.memref_squeeze %dma_wait3A_237 : memref<1x8x2048xf32, #tpu.memory_space<vmem>> -> memref<8x2048xf32, #tpu.memory_space<vmem>>
    %dma_wait3A_239 = arith.constant 16 : i32
    %dma_wait3A_240 = tpu.memref_slice %arg9[%dma_wait3A_239] : memref<128xi32, #tpu.memory_space<vmem>> -> memref<8xi32, #tpu.memory_space<vmem>>
    %dma_wait3A_241 = arith.constant 0 : i32
    %dma_wait3A_242 = arith.constant 0 : i32
    %dma_wait3A_243 = tpu.memref_slice %arg2[%dma_wait3A_241, %dma_wait3A_242] : memref<8192x2048xf32, #tpu.memory_space<hbm>> -> memref<8192x2048xf32, #tpu.memory_space<hbm>>
    tpu.wait_indirect_dma semaphore(%arg15 : memref<!tpu.dma_semaphore, #tpu.memory_space<semaphore_mem>>) src(%dma_wait3A_243 : memref<8192x2048xf32, #tpu.memory_space<hbm>>) dst(%dma_wait3A_238 : memref<8x2048xf32, #tpu.memory_space<vmem>>)
    %dma_wait3A_244 = arith.constant 2 : i32
    %dma_wait3A_245 = arith.constant 0 : i32
    %dma_wait3A_246 = arith.constant 0 : i32
    %dma_wait3A_247 = tpu.memref_slice %arg12[%dma_wait3A_244, %dma_wait3A_245, %dma_wait3A_246] : memref<3x8x2048xf32, #tpu.memory_space<vmem>> -> memref<1x8x2048xf32, #tpu.memory_space<vmem>>
    %dma_wait3A_248 = tpu.memref_squeeze %dma_wait3A_247 : memref<1x8x2048xf32, #tpu.memory_space<vmem>> -> memref<8x2048xf32, #tpu.memory_space<vmem>>
    %dma_wait3A_249 = arith.constant 16 : i32
    %dma_wait3A_250 = tpu.memref_slice %arg10[%dma_wait3A_249] : memref<128xi32, #tpu.memory_space<vmem>> -> memref<8xi32, #tpu.memory_space<vmem>>
    %dma_wait3A_251 = arith.constant 0 : i32
    %dma_wait3A_252 = arith.constant 0 : i32
    %dma_wait3A_253 = tpu.memref_slice %arg2[%dma_wait3A_251, %dma_wait3A_252] : memref<8192x2048xf32, #tpu.memory_space<hbm>> -> memref<8192x2048xf32, #tpu.memory_space<hbm>>
    tpu.wait_indirect_dma semaphore(%arg19 : memref<!tpu.dma_semaphore, #tpu.memory_space<semaphore_mem>>) src(%dma_wait3A_253 : memref<8192x2048xf32, #tpu.memory_space<hbm>>) dst(%dma_wait3A_248 : memref<8x2048xf32, #tpu.memory_space<vmem>>)
    %parallel_loop3A_254 = arith.constant 0 : i32
    %parallel_loop3A_255 = arith.constant 1024 : i32
    %parallel_loop3A_256 = arith.constant 1 : i32
    %parallel_loop3A_257 = arith.constant 2 : i32
    %parallel_loop3A_258 = arith.constant 2 : i32
    scf.for %parallel_loop3A_1237 = %parallel_loop3A_254 to %parallel_loop3A_255 step %parallel_loop3A_256  : i32 {
      %parallel_loop3A_1238 = arith.constant 7 : i32
      %parallel_loop3A_1239 = arith.shrsi %parallel_loop3A_1237, %parallel_loop3A_1238 : i32
      %parallel_loop3A_1240 = arith.constant 127 : i32
      %parallel_loop3A_1241 = arith.andi %parallel_loop3A_1237, %parallel_loop3A_1240 : i32
      %parallel_loop3A_1242 = arith.constant 16 : i32
      %parallel_loop3A_1243 = arith.muli %parallel_loop3A_1241, %parallel_loop3A_1242 : i32
      %parallel_loop3A_1244 = arith.constant 0 : i32
      %parallel_loop3A_1245 = arith.constant 0 : i32
      %parallel_loop3A_1246 = tpu.memref_slice %arg12[%parallel_loop3A_257, %parallel_loop3A_1244, %parallel_loop3A_1245] : memref<3x8x2048xf32, #tpu.memory_space<vmem>> -> memref<1x8x2048xf32, #tpu.memory_space<vmem>>
      %parallel_loop3A_1247 = tpu.memref_squeeze %parallel_loop3A_1246 : memref<1x8x2048xf32, #tpu.memory_space<vmem>> -> memref<8x2048xf32, #tpu.memory_space<vmem>>
      %parallel_loop3A_1248 = arith.index_cast %parallel_loop3A_1239 : i32 to index
      %parallel_loop3A_1249 = arith.index_cast %parallel_loop3A_1243 : i32 to index
      %parallel_loop3A_1250 = tpu.vector_load %parallel_loop3A_1247[%parallel_loop3A_1248, %parallel_loop3A_1249] {strides = array<i32>} : memref<8x2048xf32, #tpu.memory_space<vmem>>, vector<16xf32>,
      %parallel_loop3A_1251 = arith.constant 0 : i32
      %parallel_loop3A_1252 = arith.constant 0 : i32
      %parallel_loop3A_1253 = tpu.memref_slice %arg11[%parallel_loop3A_258, %parallel_loop3A_1251, %parallel_loop3A_1252] : memref<4x8x2048xf32, #tpu.memory_space<vmem>> -> memref<1x8x2048xf32, #tpu.memory_space<vmem>>
      %parallel_loop3A_1254 = tpu.memref_squeeze %parallel_loop3A_1253 : memref<1x8x2048xf32, #tpu.memory_space<vmem>> -> memref<8x2048xf32, #tpu.memory_space<vmem>>
      %parallel_loop3A_1255 = arith.index_cast %parallel_loop3A_1239 : i32 to index
      %parallel_loop3A_1256 = arith.index_cast %parallel_loop3A_1243 : i32 to index
      %parallel_loop3A_1257 = tpu.vector_load %parallel_loop3A_1254[%parallel_loop3A_1255, %parallel_loop3A_1256] {strides = array<i32>} : memref<8x2048xf32, #tpu.memory_space<vmem>>, vector<16xf32>,
      tpu.vector_store %parallel_loop3A_1254[%parallel_loop3A_1255, %parallel_loop3A_1256], %parallel_loop3A_1250 {add = true, strides = array<i32>} : memref<8x2048xf32, #tpu.memory_space<vmem>>, vector<16xf32>,
    } {sc.loop_unroll_factor = 16 : i64, sc.parallel_access}
    %mul3A_259 = arith.constant 128 : i32
    %mul3A_260 = arith.muli %add3A, %mul3A_259 : i32
    %add3A_261 = arith.constant 16 : i32
    %add3A_262 = arith.addi %mul3A_260, %add3A_261 : i32
    %dma_start3A_263 = arith.constant 2 : i32
    %dma_start3A_264 = arith.constant 0 : i32
    %dma_start3A_265 = arith.constant 0 : i32
    %dma_start3A_266 = tpu.memref_slice %arg11[%dma_start3A_263, %dma_start3A_264, %dma_start3A_265] : memref<4x8x2048xf32, #tpu.memory_space<vmem>> -> memref<1x8x2048xf32, #tpu.memory_space<vmem>>
    %dma_start3A_267 = tpu.memref_squeeze %dma_start3A_266 : memref<1x8x2048xf32, #tpu.memory_space<vmem>> -> memref<8x2048xf32, #tpu.memory_space<vmem>>
    %dma_start3A_268 = arith.constant 0 : i32
    %dma_start3A_269 = tpu.memref_slice %arg4[%add3A_262, %dma_start3A_268] : memref<4096x2048xf32, #tpu.memory_space<hbm>> -> memref<8x2048xf32, #tpu.memory_space<hbm>>
    %dma_start3A_270 = arith.constant 0 : i32
    %dma_start3A_271 = tpu.memref_slice %arg4[%add3A_262, %dma_start3A_270] : memref<4096x2048xf32, #tpu.memory_space<hbm>> -> memref<8x2048xf32, #tpu.memory_space<hbm>>
    %dma_start3A_272 = arith.constant 0 : i32
    %dma_start3A_273 = arith.constant 0 : i32
    %dma_start3A_274 = tpu.memref_slice %arg11[%dma_start3A_263, %dma_start3A_272, %dma_start3A_273] : memref<4x8x2048xf32, #tpu.memory_space<vmem>> -> memref<1x8x2048xf32, #tpu.memory_space<vmem>>
    %dma_start3A_275 = tpu.memref_squeeze %dma_start3A_274 : memref<1x8x2048xf32, #tpu.memory_space<vmem>> -> memref<8x2048xf32, #tpu.memory_space<vmem>>
    tpu.enqueue_dma source(%dma_start3A_275 : memref<8x2048xf32, #tpu.memory_space<vmem>>) target(%dma_start3A_271 : memref<8x2048xf32, #tpu.memory_space<hbm>>) target_semaphore(%arg22 : memref<!tpu.dma_semaphore, #tpu.memory_space<semaphore_mem>>)
    %dma_start3A_276 = arith.constant 2 : i32
    %dma_start3A_277 = arith.constant 0 : i32
    %dma_start3A_278 = arith.constant 0 : i32
    %dma_start3A_279 = tpu.memref_slice %arg12[%dma_start3A_276, %dma_start3A_277, %dma_start3A_278] : memref<3x8x2048xf32, #tpu.memory_space<vmem>> -> memref<1x8x2048xf32, #tpu.memory_space<vmem>>
    %dma_start3A_280 = tpu.memref_squeeze %dma_start3A_279 : memref<1x8x2048xf32, #tpu.memory_space<vmem>> -> memref<8x2048xf32, #tpu.memory_space<vmem>>
    %dma_start3A_281 = arith.constant 40 : i32
    %dma_start3A_282 = tpu.memref_slice %arg10[%dma_start3A_281] : memref<128xi32, #tpu.memory_space<vmem>> -> memref<8xi32, #tpu.memory_space<vmem>>
    %dma_start3A_283 = arith.constant 0 : i32
    %dma_start3A_284 = arith.constant 0 : i32
    %dma_start3A_285 = tpu.memref_slice %arg2[%dma_start3A_283, %dma_start3A_284] : memref<8192x2048xf32, #tpu.memory_space<hbm>> -> memref<8192x2048xf32, #tpu.memory_space<hbm>>
    tpu.enqueue_indirect_dma source(%dma_start3A_285 : memref<8192x2048xf32, #tpu.memory_space<hbm>>) target(%dma_start3A_280 : memref<8x2048xf32, #tpu.memory_space<vmem>>) offsets(%dma_start3A_282 : memref<8xi32, #tpu.memory_space<vmem>>) semaphore(%arg19 : memref<!tpu.dma_semaphore, #tpu.memory_space<semaphore_mem>>)
    %dma_wait3A_286 = arith.constant 1 : i32
    %dma_wait3A_287 = arith.constant 0 : i32
    %dma_wait3A_288 = arith.constant 0 : i32
    %dma_wait3A_289 = tpu.memref_slice %arg11[%dma_wait3A_286, %dma_wait3A_287, %dma_wait3A_288] : memref<4x8x2048xf32, #tpu.memory_space<vmem>> -> memref<1x8x2048xf32, #tpu.memory_space<vmem>>
    %dma_wait3A_290 = tpu.memref_squeeze %dma_wait3A_289 : memref<1x8x2048xf32, #tpu.memory_space<vmem>> -> memref<8x2048xf32, #tpu.memory_space<vmem>>
    %dma_wait3A_291 = arith.constant 0 : i32
    %dma_wait3A_292 = tpu.memref_slice %arg4[%add3A_187, %dma_wait3A_291] : memref<4096x2048xf32, #tpu.memory_space<hbm>> -> memref<8x2048xf32, #tpu.memory_space<hbm>>
    %dma_wait3A_293 = arith.constant 0 : i32
    %dma_wait3A_294 = tpu.memref_slice %arg4[%add3A_187, %dma_wait3A_293] : memref<4096x2048xf32, #tpu.memory_space<hbm>> -> memref<8x2048xf32, #tpu.memory_space<hbm>>
    %dma_wait3A_295 = arith.constant 0 : i32
    %dma_wait3A_296 = arith.constant 0 : i32
    %dma_wait3A_297 = tpu.memref_slice %arg11[%dma_wait3A_286, %dma_wait3A_295, %dma_wait3A_296] : memref<4x8x2048xf32, #tpu.memory_space<vmem>> -> memref<1x8x2048xf32, #tpu.memory_space<vmem>>
    %dma_wait3A_298 = tpu.memref_squeeze %dma_wait3A_297 : memref<1x8x2048xf32, #tpu.memory_space<vmem>> -> memref<8x2048xf32, #tpu.memory_space<vmem>>
    tpu.wait_dma2 semaphore(%arg21 : memref<!tpu.dma_semaphore, #tpu.memory_space<semaphore_mem>>) src(%dma_wait3A_298 : memref<8x2048xf32, #tpu.memory_space<vmem>>) dst(%dma_wait3A_294 : memref<8x2048xf32, #tpu.memory_space<hbm>>)
    %dma_start3A_299 = arith.constant 1 : i32
    %dma_start3A_300 = arith.constant 0 : i32
    %dma_start3A_301 = arith.constant 0 : i32
    %dma_start3A_302 = tpu.memref_slice %arg11[%dma_start3A_299, %dma_start3A_300, %dma_start3A_301] : memref<4x8x2048xf32, #tpu.memory_space<vmem>> -> memref<1x8x2048xf32, #tpu.memory_space<vmem>>
    %dma_start3A_303 = tpu.memref_squeeze %dma_start3A_302 : memref<1x8x2048xf32, #tpu.memory_space<vmem>> -> memref<8x2048xf32, #tpu.memory_space<vmem>>
    %dma_start3A_304 = arith.constant 40 : i32
    %dma_start3A_305 = tpu.memref_slice %arg9[%dma_start3A_304] : memref<128xi32, #tpu.memory_space<vmem>> -> memref<8xi32, #tpu.memory_space<vmem>>
    %dma_start3A_306 = arith.constant 0 : i32
    %dma_start3A_307 = arith.constant 0 : i32
    %dma_start3A_308 = tpu.memref_slice %arg2[%dma_start3A_306, %dma_start3A_307] : memref<8192x2048xf32, #tpu.memory_space<hbm>> -> memref<8192x2048xf32, #tpu.memory_space<hbm>>
    tpu.enqueue_indirect_dma source(%dma_start3A_308 : memref<8192x2048xf32, #tpu.memory_space<hbm>>) target(%dma_start3A_303 : memref<8x2048xf32, #tpu.memory_space<vmem>>) offsets(%dma_start3A_305 : memref<8xi32, #tpu.memory_space<vmem>>) semaphore(%arg14 : memref<!tpu.dma_semaphore, #tpu.memory_space<semaphore_mem>>)
    %dma_wait3A_309 = arith.constant 3 : i32
    %dma_wait3A_310 = arith.constant 0 : i32
    %dma_wait3A_311 = arith.constant 0 : i32
    %dma_wait3A_312 = tpu.memref_slice %arg11[%dma_wait3A_309, %dma_wait3A_310, %dma_wait3A_311] : memref<4x8x2048xf32, #tpu.memory_space<vmem>> -> memref<1x8x2048xf32, #tpu.memory_space<vmem>>
    %dma_wait3A_313 = tpu.memref_squeeze %dma_wait3A_312 : memref<1x8x2048xf32, #tpu.memory_space<vmem>> -> memref<8x2048xf32, #tpu.memory_space<vmem>>
    %dma_wait3A_314 = arith.constant 24 : i32
    %dma_wait3A_315 = tpu.memref_slice %arg9[%dma_wait3A_314] : memref<128xi32, #tpu.memory_space<vmem>> -> memref<8xi32, #tpu.memory_space<vmem>>
    %dma_wait3A_316 = arith.constant 0 : i32
    %dma_wait3A_317 = arith.constant 0 : i32
    %dma_wait3A_318 = tpu.memref_slice %arg2[%dma_wait3A_316, %dma_wait3A_317] : memref<8192x2048xf32, #tpu.memory_space<hbm>> -> memref<8192x2048xf32, #tpu.memory_space<hbm>>
    tpu.wait_indirect_dma semaphore(%arg16 : memref<!tpu.dma_semaphore, #tpu.memory_space<semaphore_mem>>) src(%dma_wait3A_318 : memref<8192x2048xf32, #tpu.memory_space<hbm>>) dst(%dma_wait3A_313 : memref<8x2048xf32, #tpu.memory_space<vmem>>)
    %dma_wait3A_319 = arith.constant 0 : i32
    %dma_wait3A_320 = arith.constant 0 : i32
    %dma_wait3A_321 = arith.constant 0 : i32
    %dma_wait3A_322 = tpu.memref_slice %arg12[%dma_wait3A_319, %dma_wait3A_320, %dma_wait3A_321] : memref<3x8x2048xf32, #tpu.memory_space<vmem>> -> memref<1x8x2048xf32, #tpu.memory_space<vmem>>
    %dma_wait3A_323 = tpu.memref_squeeze %dma_wait3A_322 : memref<1x8x2048xf32, #tpu.memory_space<vmem>> -> memref<8x2048xf32, #tpu.memory_space<vmem>>
    %dma_wait3A_324 = arith.constant 24 : i32
    %dma_wait3A_325 = tpu.memref_slice %arg10[%dma_wait3A_324] : memref<128xi32, #tpu.memory_space<vmem>> -> memref<8xi32, #tpu.memory_space<vmem>>
    %dma_wait3A_326 = arith.constant 0 : i32
    %dma_wait3A_327 = arith.constant 0 : i32
    %dma_wait3A_328 = tpu.memref_slice %arg2[%dma_wait3A_326, %dma_wait3A_327] : memref<8192x2048xf32, #tpu.memory_space<hbm>> -> memref<8192x2048xf32, #tpu.memory_space<hbm>>
    tpu.wait_indirect_dma semaphore(%arg17 : memref<!tpu.dma_semaphore, #tpu.memory_space<semaphore_mem>>) src(%dma_wait3A_328 : memref<8192x2048xf32, #tpu.memory_space<hbm>>) dst(%dma_wait3A_323 : memref<8x2048xf32, #tpu.memory_space<vmem>>)
    %parallel_loop3A_329 = arith.constant 0 : i32
    %parallel_loop3A_330 = arith.constant 1024 : i32
    %parallel_loop3A_331 = arith.constant 1 : i32
    %parallel_loop3A_332 = arith.constant 0 : i32
    %parallel_loop3A_333 = arith.constant 3 : i32
    scf.for %parallel_loop3A_1237 = %parallel_loop3A_329 to %parallel_loop3A_330 step %parallel_loop3A_331  : i32 {
      %parallel_loop3A_1238 = arith.constant 7 : i32
      %parallel_loop3A_1239 = arith.shrsi %parallel_loop3A_1237, %parallel_loop3A_1238 : i32
      %parallel_loop3A_1240 = arith.constant 127 : i32
      %parallel_loop3A_1241 = arith.andi %parallel_loop3A_1237, %parallel_loop3A_1240 : i32
      %parallel_loop3A_1242 = arith.constant 16 : i32
      %parallel_loop3A_1243 = arith.muli %parallel_loop3A_1241, %parallel_loop3A_1242 : i32
      %parallel_loop3A_1244 = arith.constant 0 : i32
      %parallel_loop3A_1245 = arith.constant 0 : i32
      %parallel_loop3A_1246 = tpu.memref_slice %arg12[%parallel_loop3A_332, %parallel_loop3A_1244, %parallel_loop3A_1245] : memref<3x8x2048xf32, #tpu.memory_space<vmem>> -> memref<1x8x2048xf32, #tpu.memory_space<vmem>>
      %parallel_loop3A_1247 = tpu.memref_squeeze %parallel_loop3A_1246 : memref<1x8x2048xf32, #tpu.memory_space<vmem>> -> memref<8x2048xf32, #tpu.memory_space<vmem>>
      %parallel_loop3A_1248 = arith.index_cast %parallel_loop3A_1239 : i32 to index
      %parallel_loop3A_1249 = arith.index_cast %parallel_loop3A_1243 : i32 to index
      %parallel_loop3A_1250 = tpu.vector_load %parallel_loop3A_1247[%parallel_loop3A_1248, %parallel_loop3A_1249] {strides = array<i32>} : memref<8x2048xf32, #tpu.memory_space<vmem>>, vector<16xf32>,
      %parallel_loop3A_1251 = arith.constant 0 : i32
      %parallel_loop3A_1252 = arith.constant 0 : i32
      %parallel_loop3A_1253 = tpu.memref_slice %arg11[%parallel_loop3A_333, %parallel_loop3A_1251, %parallel_loop3A_1252] : memref<4x8x2048xf32, #tpu.memory_space<vmem>> -> memref<1x8x2048xf32, #tpu.memory_space<vmem>>
      %parallel_loop3A_1254 = tpu.memref_squeeze %parallel_loop3A_1253 : memref<1x8x2048xf32, #tpu.memory_space<vmem>> -> memref<8x2048xf32, #tpu.memory_space<vmem>>
      %parallel_loop3A_1255 = arith.index_cast %parallel_loop3A_1239 : i32 to index
      %parallel_loop3A_1256 = arith.index_cast %parallel_loop3A_1243 : i32 to index
      %parallel_loop3A_1257 = tpu.vector_load %parallel_loop3A_1254[%parallel_loop3A_1255, %parallel_loop3A_1256] {strides = array<i32>} : memref<8x2048xf32, #tpu.memory_space<vmem>>, vector<16xf32>,
      tpu.vector_store %parallel_loop3A_1254[%parallel_loop3A_1255, %parallel_loop3A_1256], %parallel_loop3A_1250 {add = true, strides = array<i32>} : memref<8x2048xf32, #tpu.memory_space<vmem>>, vector<16xf32>,
    } {sc.loop_unroll_factor = 16 : i64, sc.parallel_access}
    %mul3A_334 = arith.constant 128 : i32
    %mul3A_335 = arith.muli %add3A, %mul3A_334 : i32
    %add3A_336 = arith.constant 24 : i32
    %add3A_337 = arith.addi %mul3A_335, %add3A_336 : i32
    %dma_start3A_338 = arith.constant 3 : i32
    %dma_start3A_339 = arith.constant 0 : i32
    %dma_start3A_340 = arith.constant 0 : i32
    %dma_start3A_341 = tpu.memref_slice %arg11[%dma_start3A_338, %dma_start3A_339, %dma_start3A_340] : memref<4x8x2048xf32, #tpu.memory_space<vmem>> -> memref<1x8x2048xf32, #tpu.memory_space<vmem>>
    %dma_start3A_342 = tpu.memref_squeeze %dma_start3A_341 : memref<1x8x2048xf32, #tpu.memory_space<vmem>> -> memref<8x2048xf32, #tpu.memory_space<vmem>>
    %dma_start3A_343 = arith.constant 0 : i32
    %dma_start3A_344 = tpu.memref_slice %arg4[%add3A_337, %dma_start3A_343] : memref<4096x2048xf32, #tpu.memory_space<hbm>> -> memref<8x2048xf32, #tpu.memory_space<hbm>>
    %dma_start3A_345 = arith.constant 0 : i32
    %dma_start3A_346 = tpu.memref_slice %arg4[%add3A_337, %dma_start3A_345] : memref<4096x2048xf32, #tpu.memory_space<hbm>> -> memref<8x2048xf32, #tpu.memory_space<hbm>>
    %dma_start3A_347 = arith.constant 0 : i32
    %dma_start3A_348 = arith.constant 0 : i32
    %dma_start3A_349 = tpu.memref_slice %arg11[%dma_start3A_338, %dma_start3A_347, %dma_start3A_348] : memref<4x8x2048xf32, #tpu.memory_space<vmem>> -> memref<1x8x2048xf32, #tpu.memory_space<vmem>>
    %dma_start3A_350 = tpu.memref_squeeze %dma_start3A_349 : memref<1x8x2048xf32, #tpu.memory_space<vmem>> -> memref<8x2048xf32, #tpu.memory_space<vmem>>
    tpu.enqueue_dma source(%dma_start3A_350 : memref<8x2048xf32, #tpu.memory_space<vmem>>) target(%dma_start3A_346 : memref<8x2048xf32, #tpu.memory_space<hbm>>) target_semaphore(%arg23 : memref<!tpu.dma_semaphore, #tpu.memory_space<semaphore_mem>>)
    %dma_start3A_351 = arith.constant 0 : i32
    %dma_start3A_352 = arith.constant 0 : i32
    %dma_start3A_353 = arith.constant 0 : i32
    %dma_start3A_354 = tpu.memref_slice %arg12[%dma_start3A_351, %dma_start3A_352, %dma_start3A_353] : memref<3x8x2048xf32, #tpu.memory_space<vmem>> -> memref<1x8x2048xf32, #tpu.memory_space<vmem>>
    %dma_start3A_355 = tpu.memref_squeeze %dma_start3A_354 : memref<1x8x2048xf32, #tpu.memory_space<vmem>> -> memref<8x2048xf32, #tpu.memory_space<vmem>>
    %dma_start3A_356 = arith.constant 48 : i32
    %dma_start3A_357 = tpu.memref_slice %arg10[%dma_start3A_356] : memref<128xi32, #tpu.memory_space<vmem>> -> memref<8xi32, #tpu.memory_space<vmem>>
    %dma_start3A_358 = arith.constant 0 : i32
    %dma_start3A_359 = arith.constant 0 : i32
    %dma_start3A_360 = tpu.memref_slice %arg2[%dma_start3A_358, %dma_start3A_359] : memref<8192x2048xf32, #tpu.memory_space<hbm>> -> memref<8192x2048xf32, #tpu.memory_space<hbm>>
    tpu.enqueue_indirect_dma source(%dma_start3A_360 : memref<8192x2048xf32, #tpu.memory_space<hbm>>) target(%dma_start3A_355 : memref<8x2048xf32, #tpu.memory_space<vmem>>) offsets(%dma_start3A_357 : memref<8xi32, #tpu.memory_space<vmem>>) semaphore(%arg17 : memref<!tpu.dma_semaphore, #tpu.memory_space<semaphore_mem>>)
    %dma_wait3A_361 = arith.constant 2 : i32
    %dma_wait3A_362 = arith.constant 0 : i32
    %dma_wait3A_363 = arith.constant 0 : i32
    %dma_wait3A_364 = tpu.memref_slice %arg11[%dma_wait3A_361, %dma_wait3A_362, %dma_wait3A_363] : memref<4x8x2048xf32, #tpu.memory_space<vmem>> -> memref<1x8x2048xf32, #tpu.memory_space<vmem>>
    %dma_wait3A_365 = tpu.memref_squeeze %dma_wait3A_364 : memref<1x8x2048xf32, #tpu.memory_space<vmem>> -> memref<8x2048xf32, #tpu.memory_space<vmem>>
    %dma_wait3A_366 = arith.constant 0 : i32
    %dma_wait3A_367 = tpu.memref_slice %arg4[%add3A_262, %dma_wait3A_366] : memref<4096x2048xf32, #tpu.memory_space<hbm>> -> memref<8x2048xf32, #tpu.memory_space<hbm>>
    %dma_wait3A_368 = arith.constant 0 : i32
    %dma_wait3A_369 = tpu.memref_slice %arg4[%add3A_262, %dma_wait3A_368] : memref<4096x2048xf32, #tpu.memory_space<hbm>> -> memref<8x2048xf32, #tpu.memory_space<hbm>>
    %dma_wait3A_370 = arith.constant 0 : i32
    %dma_wait3A_371 = arith.constant 0 : i32
    %dma_wait3A_372 = tpu.memref_slice %arg11[%dma_wait3A_361, %dma_wait3A_370, %dma_wait3A_371] : memref<4x8x2048xf32, #tpu.memory_space<vmem>> -> memref<1x8x2048xf32, #tpu.memory_space<vmem>>
    %dma_wait3A_373 = tpu.memref_squeeze %dma_wait3A_372 : memref<1x8x2048xf32, #tpu.memory_space<vmem>> -> memref<8x2048xf32, #tpu.memory_space<vmem>>
    tpu.wait_dma2 semaphore(%arg22 : memref<!tpu.dma_semaphore, #tpu.memory_space<semaphore_mem>>) src(%dma_wait3A_373 : memref<8x2048xf32, #tpu.memory_space<vmem>>) dst(%dma_wait3A_369 : memref<8x2048xf32, #tpu.memory_space<hbm>>)
    %dma_start3A_374 = arith.constant 2 : i32
    %dma_start3A_375 = arith.constant 0 : i32
    %dma_start3A_376 = arith.constant 0 : i32
    %dma_start3A_377 = tpu.memref_slice %arg11[%dma_start3A_374, %dma_start3A_375, %dma_start3A_376] : memref<4x8x2048xf32, #tpu.memory_space<vmem>> -> memref<1x8x2048xf32, #tpu.memory_space<vmem>>
    %dma_start3A_378 = tpu.memref_squeeze %dma_start3A_377 : memref<1x8x2048xf32, #tpu.memory_space<vmem>> -> memref<8x2048xf32, #tpu.memory_space<vmem>>
    %dma_start3A_379 = arith.constant 48 : i32
    %dma_start3A_380 = tpu.memref_slice %arg9[%dma_start3A_379] : memref<128xi32, #tpu.memory_space<vmem>> -> memref<8xi32, #tpu.memory_space<vmem>>
    %dma_start3A_381 = arith.constant 0 : i32
    %dma_start3A_382 = arith.constant 0 : i32
    %dma_start3A_383 = tpu.memref_slice %arg2[%dma_start3A_381, %dma_start3A_382] : memref<8192x2048xf32, #tpu.memory_space<hbm>> -> memref<8192x2048xf32, #tpu.memory_space<hbm>>
    tpu.enqueue_indirect_dma source(%dma_start3A_383 : memref<8192x2048xf32, #tpu.memory_space<hbm>>) target(%dma_start3A_378 : memref<8x2048xf32, #tpu.memory_space<vmem>>) offsets(%dma_start3A_380 : memref<8xi32, #tpu.memory_space<vmem>>) semaphore(%arg15 : memref<!tpu.dma_semaphore, #tpu.memory_space<semaphore_mem>>)
    %dma_wait3A_384 = arith.constant 0 : i32
    %dma_wait3A_385 = arith.constant 0 : i32
    %dma_wait3A_386 = arith.constant 0 : i32
    %dma_wait3A_387 = tpu.memref_slice %arg11[%dma_wait3A_384, %dma_wait3A_385, %dma_wait3A_386] : memref<4x8x2048xf32, #tpu.memory_space<vmem>> -> memref<1x8x2048xf32, #tpu.memory_space<vmem>>
    %dma_wait3A_388 = tpu.memref_squeeze %dma_wait3A_387 : memref<1x8x2048xf32, #tpu.memory_space<vmem>> -> memref<8x2048xf32, #tpu.memory_space<vmem>>
    %dma_wait3A_389 = arith.constant 32 : i32
    %dma_wait3A_390 = tpu.memref_slice %arg9[%dma_wait3A_389] : memref<128xi32, #tpu.memory_space<vmem>> -> memref<8xi32, #tpu.memory_space<vmem>>
    %dma_wait3A_391 = arith.constant 0 : i32
    %dma_wait3A_392 = arith.constant 0 : i32
    %dma_wait3A_393 = tpu.memref_slice %arg2[%dma_wait3A_391, %dma_wait3A_392] : memref<8192x2048xf32, #tpu.memory_space<hbm>> -> memref<8192x2048xf32, #tpu.memory_space<hbm>>
    tpu.wait_indirect_dma semaphore(%arg13 : memref<!tpu.dma_semaphore, #tpu.memory_space<semaphore_mem>>) src(%dma_wait3A_393 : memref<8192x2048xf32, #tpu.memory_space<hbm>>) dst(%dma_wait3A_388 : memref<8x2048xf32, #tpu.memory_space<vmem>>)
    %dma_wait3A_394 = arith.constant 1 : i32
    %dma_wait3A_395 = arith.constant 0 : i32
    %dma_wait3A_396 = arith.constant 0 : i32
    %dma_wait3A_397 = tpu.memref_slice %arg12[%dma_wait3A_394, %dma_wait3A_395, %dma_wait3A_396] : memref<3x8x2048xf32, #tpu.memory_space<vmem>> -> memref<1x8x2048xf32, #tpu.memory_space<vmem>>
    %dma_wait3A_398 = tpu.memref_squeeze %dma_wait3A_397 : memref<1x8x2048xf32, #tpu.memory_space<vmem>> -> memref<8x2048xf32, #tpu.memory_space<vmem>>
    %dma_wait3A_399 = arith.constant 32 : i32
    %dma_wait3A_400 = tpu.memref_slice %arg10[%dma_wait3A_399] : memref<128xi32, #tpu.memory_space<vmem>> -> memref<8xi32, #tpu.memory_space<vmem>>
    %dma_wait3A_401 = arith.constant 0 : i32
    %dma_wait3A_402 = arith.constant 0 : i32
    %dma_wait3A_403 = tpu.memref_slice %arg2[%dma_wait3A_401, %dma_wait3A_402] : memref<8192x2048xf32, #tpu.memory_space<hbm>> -> memref<8192x2048xf32, #tpu.memory_space<hbm>>
    tpu.wait_indirect_dma semaphore(%arg18 : memref<!tpu.dma_semaphore, #tpu.memory_space<semaphore_mem>>) src(%dma_wait3A_403 : memref<8192x2048xf32, #tpu.memory_space<hbm>>) dst(%dma_wait3A_398 : memref<8x2048xf32, #tpu.memory_space<vmem>>)
    %parallel_loop3A_404 = arith.constant 0 : i32
    %parallel_loop3A_405 = arith.constant 1024 : i32
    %parallel_loop3A_406 = arith.constant 1 : i32
    %parallel_loop3A_407 = arith.constant 1 : i32
    %parallel_loop3A_408 = arith.constant 0 : i32
    scf.for %parallel_loop3A_1237 = %parallel_loop3A_404 to %parallel_loop3A_405 step %parallel_loop3A_406  : i32 {
      %parallel_loop3A_1238 = arith.constant 7 : i32
      %parallel_loop3A_1239 = arith.shrsi %parallel_loop3A_1237, %parallel_loop3A_1238 : i32
      %parallel_loop3A_1240 = arith.constant 127 : i32
      %parallel_loop3A_1241 = arith.andi %parallel_loop3A_1237, %parallel_loop3A_1240 : i32
      %parallel_loop3A_1242 = arith.constant 16 : i32
      %parallel_loop3A_1243 = arith.muli %parallel_loop3A_1241, %parallel_loop3A_1242 : i32
      %parallel_loop3A_1244 = arith.constant 0 : i32
      %parallel_loop3A_1245 = arith.constant 0 : i32
      %parallel_loop3A_1246 = tpu.memref_slice %arg12[%parallel_loop3A_407, %parallel_loop3A_1244, %parallel_loop3A_1245] : memref<3x8x2048xf32, #tpu.memory_space<vmem>> -> memref<1x8x2048xf32, #tpu.memory_space<vmem>>
      %parallel_loop3A_1247 = tpu.memref_squeeze %parallel_loop3A_1246 : memref<1x8x2048xf32, #tpu.memory_space<vmem>> -> memref<8x2048xf32, #tpu.memory_space<vmem>>
      %parallel_loop3A_1248 = arith.index_cast %parallel_loop3A_1239 : i32 to index
      %parallel_loop3A_1249 = arith.index_cast %parallel_loop3A_1243 : i32 to index
      %parallel_loop3A_1250 = tpu.vector_load %parallel_loop3A_1247[%parallel_loop3A_1248, %parallel_loop3A_1249] {strides = array<i32>} : memref<8x2048xf32, #tpu.memory_space<vmem>>, vector<16xf32>,
      %parallel_loop3A_1251 = arith.constant 0 : i32
      %parallel_loop3A_1252 = arith.constant 0 : i32
      %parallel_loop3A_1253 = tpu.memref_slice %arg11[%parallel_loop3A_408, %parallel_loop3A_1251, %parallel_loop3A_1252] : memref<4x8x2048xf32, #tpu.memory_space<vmem>> -> memref<1x8x2048xf32, #tpu.memory_space<vmem>>
      %parallel_loop3A_1254 = tpu.memref_squeeze %parallel_loop3A_1253 : memref<1x8x2048xf32, #tpu.memory_space<vmem>> -> memref<8x2048xf32, #tpu.memory_space<vmem>>
      %parallel_loop3A_1255 = arith.index_cast %parallel_loop3A_1239 : i32 to index
      %parallel_loop3A_1256 = arith.index_cast %parallel_loop3A_1243 : i32 to index
      %parallel_loop3A_1257 = tpu.vector_load %parallel_loop3A_1254[%parallel_loop3A_1255, %parallel_loop3A_1256] {strides = array<i32>} : memref<8x2048xf32, #tpu.memory_space<vmem>>, vector<16xf32>,
      tpu.vector_store %parallel_loop3A_1254[%parallel_loop3A_1255, %parallel_loop3A_1256], %parallel_loop3A_1250 {add = true, strides = array<i32>} : memref<8x2048xf32, #tpu.memory_space<vmem>>, vector<16xf32>,
    } {sc.loop_unroll_factor = 16 : i64, sc.parallel_access}
    %mul3A_409 = arith.constant 128 : i32
    %mul3A_410 = arith.muli %add3A, %mul3A_409 : i32
    %add3A_411 = arith.constant 32 : i32
    %add3A_412 = arith.addi %mul3A_410, %add3A_411 : i32
    %dma_start3A_413 = arith.constant 0 : i32
    %dma_start3A_414 = arith.constant 0 : i32
    %dma_start3A_415 = arith.constant 0 : i32
    %dma_start3A_416 = tpu.memref_slice %arg11[%dma_start3A_413, %dma_start3A_414, %dma_start3A_415] : memref<4x8x2048xf32, #tpu.memory_space<vmem>> -> memref<1x8x2048xf32, #tpu.memory_space<vmem>>
    %dma_start3A_417 = tpu.memref_squeeze %dma_start3A_416 : memref<1x8x2048xf32, #tpu.memory_space<vmem>> -> memref<8x2048xf32, #tpu.memory_space<vmem>>
    %dma_start3A_418 = arith.constant 0 : i32
    %dma_start3A_419 = tpu.memref_slice %arg4[%add3A_412, %dma_start3A_418] : memref<4096x2048xf32, #tpu.memory_space<hbm>> -> memref<8x2048xf32, #tpu.memory_space<hbm>>
    %dma_start3A_420 = arith.constant 0 : i32
    %dma_start3A_421 = tpu.memref_slice %arg4[%add3A_412, %dma_start3A_420] : memref<4096x2048xf32, #tpu.memory_space<hbm>> -> memref<8x2048xf32, #tpu.memory_space<hbm>>
    %dma_start3A_422 = arith.constant 0 : i32
    %dma_start3A_423 = arith.constant 0 : i32
    %dma_start3A_424 = tpu.memref_slice %arg11[%dma_start3A_413, %dma_start3A_422, %dma_start3A_423] : memref<4x8x2048xf32, #tpu.memory_space<vmem>> -> memref<1x8x2048xf32, #tpu.memory_space<vmem>>
    %dma_start3A_425 = tpu.memref_squeeze %dma_start3A_424 : memref<1x8x2048xf32, #tpu.memory_space<vmem>> -> memref<8x2048xf32, #tpu.memory_space<vmem>>
    tpu.enqueue_dma source(%dma_start3A_425 : memref<8x2048xf32, #tpu.memory_space<vmem>>) target(%dma_start3A_421 : memref<8x2048xf32, #tpu.memory_space<hbm>>) target_semaphore(%arg20 : memref<!tpu.dma_semaphore, #tpu.memory_space<semaphore_mem>>)
    %dma_start3A_426 = arith.constant 1 : i32
    %dma_start3A_427 = arith.constant 0 : i32
    %dma_start3A_428 = arith.constant 0 : i32
    %dma_start3A_429 = tpu.memref_slice %arg12[%dma_start3A_426, %dma_start3A_427, %dma_start3A_428] : memref<3x8x2048xf32, #tpu.memory_space<vmem>> -> memref<1x8x2048xf32, #tpu.memory_space<vmem>>
    %dma_start3A_430 = tpu.memref_squeeze %dma_start3A_429 : memref<1x8x2048xf32, #tpu.memory_space<vmem>> -> memref<8x2048xf32, #tpu.memory_space<vmem>>
    %dma_start3A_431 = arith.constant 56 : i32
    %dma_start3A_432 = tpu.memref_slice %arg10[%dma_start3A_431] : memref<128xi32, #tpu.memory_space<vmem>> -> memref<8xi32, #tpu.memory_space<vmem>>
    %dma_start3A_433 = arith.constant 0 : i32
    %dma_start3A_434 = arith.constant 0 : i32
    %dma_start3A_435 = tpu.memref_slice %arg2[%dma_start3A_433, %dma_start3A_434] : memref<8192x2048xf32, #tpu.memory_space<hbm>> -> memref<8192x2048xf32, #tpu.memory_space<hbm>>
    tpu.enqueue_indirect_dma source(%dma_start3A_435 : memref<8192x2048xf32, #tpu.memory_space<hbm>>) target(%dma_start3A_430 : memref<8x2048xf32, #tpu.memory_space<vmem>>) offsets(%dma_start3A_432 : memref<8xi32, #tpu.memory_space<vmem>>) semaphore(%arg18 : memref<!tpu.dma_semaphore, #tpu.memory_space<semaphore_mem>>)
    %dma_wait3A_436 = arith.constant 3 : i32
    %dma_wait3A_437 = arith.constant 0 : i32
    %dma_wait3A_438 = arith.constant 0 : i32
    %dma_wait3A_439 = tpu.memref_slice %arg11[%dma_wait3A_436, %dma_wait3A_437, %dma_wait3A_438] : memref<4x8x2048xf32, #tpu.memory_space<vmem>> -> memref<1x8x2048xf32, #tpu.memory_space<vmem>>
    %dma_wait3A_440 = tpu.memref_squeeze %dma_wait3A_439 : memref<1x8x2048xf32, #tpu.memory_space<vmem>> -> memref<8x2048xf32, #tpu.memory_space<vmem>>
    %dma_wait3A_441 = arith.constant 0 : i32
    %dma_wait3A_442 = tpu.memref_slice %arg4[%add3A_337, %dma_wait3A_441] : memref<4096x2048xf32, #tpu.memory_space<hbm>> -> memref<8x2048xf32, #tpu.memory_space<hbm>>
    %dma_wait3A_443 = arith.constant 0 : i32
    %dma_wait3A_444 = tpu.memref_slice %arg4[%add3A_337, %dma_wait3A_443] : memref<4096x2048xf32, #tpu.memory_space<hbm>> -> memref<8x2048xf32, #tpu.memory_space<hbm>>
    %dma_wait3A_445 = arith.constant 0 : i32
    %dma_wait3A_446 = arith.constant 0 : i32
    %dma_wait3A_447 = tpu.memref_slice %arg11[%dma_wait3A_436, %dma_wait3A_445, %dma_wait3A_446] : memref<4x8x2048xf32, #tpu.memory_space<vmem>> -> memref<1x8x2048xf32, #tpu.memory_space<vmem>>
    %dma_wait3A_448 = tpu.memref_squeeze %dma_wait3A_447 : memref<1x8x2048xf32, #tpu.memory_space<vmem>> -> memref<8x2048xf32, #tpu.memory_space<vmem>>
    tpu.wait_dma2 semaphore(%arg23 : memref<!tpu.dma_semaphore, #tpu.memory_space<semaphore_mem>>) src(%dma_wait3A_448 : memref<8x2048xf32, #tpu.memory_space<vmem>>) dst(%dma_wait3A_444 : memref<8x2048xf32, #tpu.memory_space<hbm>>)
    %dma_start3A_449 = arith.constant 3 : i32
    %dma_start3A_450 = arith.constant 0 : i32
    %dma_start3A_451 = arith.constant 0 : i32
    %dma_start3A_452 = tpu.memref_slice %arg11[%dma_start3A_449, %dma_start3A_450, %dma_start3A_451] : memref<4x8x2048xf32, #tpu.memory_space<vmem>> -> memref<1x8x2048xf32, #tpu.memory_space<vmem>>
    %dma_start3A_453 = tpu.memref_squeeze %dma_start3A_452 : memref<1x8x2048xf32, #tpu.memory_space<vmem>> -> memref<8x2048xf32, #tpu.memory_space<vmem>>
    %dma_start3A_454 = arith.constant 56 : i32
    %dma_start3A_455 = tpu.memref_slice %arg9[%dma_start3A_454] : memref<128xi32, #tpu.memory_space<vmem>> -> memref<8xi32, #tpu.memory_space<vmem>>
    %dma_start3A_456 = arith.constant 0 : i32
    %dma_start3A_457 = arith.constant 0 : i32
    %dma_start3A_458 = tpu.memref_slice %arg2[%dma_start3A_456, %dma_start3A_457] : memref<8192x2048xf32, #tpu.memory_space<hbm>> -> memref<8192x2048xf32, #tpu.memory_space<hbm>>
    tpu.enqueue_indirect_dma source(%dma_start3A_458 : memref<8192x2048xf32, #tpu.memory_space<hbm>>) target(%dma_start3A_453 : memref<8x2048xf32, #tpu.memory_space<vmem>>) offsets(%dma_start3A_455 : memref<8xi32, #tpu.memory_space<vmem>>) semaphore(%arg16 : memref<!tpu.dma_semaphore, #tpu.memory_space<semaphore_mem>>)
    %dma_wait3A_459 = arith.constant 1 : i32
    %dma_wait3A_460 = arith.constant 0 : i32
    %dma_wait3A_461 = arith.constant 0 : i32
    %dma_wait3A_462 = tpu.memref_slice %arg11[%dma_wait3A_459, %dma_wait3A_460, %dma_wait3A_461] : memref<4x8x2048xf32, #tpu.memory_space<vmem>> -> memref<1x8x2048xf32, #tpu.memory_space<vmem>>
    %dma_wait3A_463 = tpu.memref_squeeze %dma_wait3A_462 : memref<1x8x2048xf32, #tpu.memory_space<vmem>> -> memref<8x2048xf32, #tpu.memory_space<vmem>>
    %dma_wait3A_464 = arith.constant 40 : i32
    %dma_wait3A_465 = tpu.memref_slice %arg9[%dma_wait3A_464] : memref<128xi32, #tpu.memory_space<vmem>> -> memref<8xi32, #tpu.memory_space<vmem>>
    %dma_wait3A_466 = arith.constant 0 : i32
    %dma_wait3A_467 = arith.constant 0 : i32
    %dma_wait3A_468 = tpu.memref_slice %arg2[%dma_wait3A_466, %dma_wait3A_467] : memref<8192x2048xf32, #tpu.memory_space<hbm>> -> memref<8192x2048xf32, #tpu.memory_space<hbm>>
    tpu.wait_indirect_dma semaphore(%arg14 : memref<!tpu.dma_semaphore, #tpu.memory_space<semaphore_mem>>) src(%dma_wait3A_468 : memref<8192x2048xf32, #tpu.memory_space<hbm>>) dst(%dma_wait3A_463 : memref<8x2048xf32, #tpu.memory_space<vmem>>)
    %dma_wait3A_469 = arith.constant 2 : i32
    %dma_wait3A_470 = arith.constant 0 : i32
    %dma_wait3A_471 = arith.constant 0 : i32
    %dma_wait3A_472 = tpu.memref_slice %arg12[%dma_wait3A_469, %dma_wait3A_470, %dma_wait3A_471] : memref<3x8x2048xf32, #tpu.memory_space<vmem>> -> memref<1x8x2048xf32, #tpu.memory_space<vmem>>
    %dma_wait3A_473 = tpu.memref_squeeze %dma_wait3A_472 : memref<1x8x2048xf32, #tpu.memory_space<vmem>> -> memref<8x2048xf32, #tpu.memory_space<vmem>>
    %dma_wait3A_474 = arith.constant 40 : i32
    %dma_wait3A_475 = tpu.memref_slice %arg10[%dma_wait3A_474] : memref<128xi32, #tpu.memory_space<vmem>> -> memref<8xi32, #tpu.memory_space<vmem>>
    %dma_wait3A_476 = arith.constant 0 : i32
    %dma_wait3A_477 = arith.constant 0 : i32
    %dma_wait3A_478 = tpu.memref_slice %arg2[%dma_wait3A_476, %dma_wait3A_477] : memref<8192x2048xf32, #tpu.memory_space<hbm>> -> memref<8192x2048xf32, #tpu.memory_space<hbm>>
    tpu.wait_indirect_dma semaphore(%arg19 : memref<!tpu.dma_semaphore, #tpu.memory_space<semaphore_mem>>) src(%dma_wait3A_478 : memref<8192x2048xf32, #tpu.memory_space<hbm>>) dst(%dma_wait3A_473 : memref<8x2048xf32, #tpu.memory_space<vmem>>)
    %parallel_loop3A_479 = arith.constant 0 : i32
    %parallel_loop3A_480 = arith.constant 1024 : i32
    %parallel_loop3A_481 = arith.constant 1 : i32
    %parallel_loop3A_482 = arith.constant 2 : i32
    %parallel_loop3A_483 = arith.constant 1 : i32
    scf.for %parallel_loop3A_1237 = %parallel_loop3A_479 to %parallel_loop3A_480 step %parallel_loop3A_481  : i32 {
      %parallel_loop3A_1238 = arith.constant 7 : i32
      %parallel_loop3A_1239 = arith.shrsi %parallel_loop3A_1237, %parallel_loop3A_1238 : i32
      %parallel_loop3A_1240 = arith.constant 127 : i32
      %parallel_loop3A_1241 = arith.andi %parallel_loop3A_1237, %parallel_loop3A_1240 : i32
      %parallel_loop3A_1242 = arith.constant 16 : i32
      %parallel_loop3A_1243 = arith.muli %parallel_loop3A_1241, %parallel_loop3A_1242 : i32
      %parallel_loop3A_1244 = arith.constant 0 : i32
      %parallel_loop3A_1245 = arith.constant 0 : i32
      %parallel_loop3A_1246 = tpu.memref_slice %arg12[%parallel_loop3A_482, %parallel_loop3A_1244, %parallel_loop3A_1245] : memref<3x8x2048xf32, #tpu.memory_space<vmem>> -> memref<1x8x2048xf32, #tpu.memory_space<vmem>>
      %parallel_loop3A_1247 = tpu.memref_squeeze %parallel_loop3A_1246 : memref<1x8x2048xf32, #tpu.memory_space<vmem>> -> memref<8x2048xf32, #tpu.memory_space<vmem>>
      %parallel_loop3A_1248 = arith.index_cast %parallel_loop3A_1239 : i32 to index
      %parallel_loop3A_1249 = arith.index_cast %parallel_loop3A_1243 : i32 to index
      %parallel_loop3A_1250 = tpu.vector_load %parallel_loop3A_1247[%parallel_loop3A_1248, %parallel_loop3A_1249] {strides = array<i32>} : memref<8x2048xf32, #tpu.memory_space<vmem>>, vector<16xf32>,
      %parallel_loop3A_1251 = arith.constant 0 : i32
      %parallel_loop3A_1252 = arith.constant 0 : i32
      %parallel_loop3A_1253 = tpu.memref_slice %arg11[%parallel_loop3A_483, %parallel_loop3A_1251, %parallel_loop3A_1252] : memref<4x8x2048xf32, #tpu.memory_space<vmem>> -> memref<1x8x2048xf32, #tpu.memory_space<vmem>>
      %parallel_loop3A_1254 = tpu.memref_squeeze %parallel_loop3A_1253 : memref<1x8x2048xf32, #tpu.memory_space<vmem>> -> memref<8x2048xf32, #tpu.memory_space<vmem>>
      %parallel_loop3A_1255 = arith.index_cast %parallel_loop3A_1239 : i32 to index
      %parallel_loop3A_1256 = arith.index_cast %parallel_loop3A_1243 : i32 to index
      %parallel_loop3A_1257 = tpu.vector_load %parallel_loop3A_1254[%parallel_loop3A_1255, %parallel_loop3A_1256] {strides = array<i32>} : memref<8x2048xf32, #tpu.memory_space<vmem>>, vector<16xf32>,
      tpu.vector_store %parallel_loop3A_1254[%parallel_loop3A_1255, %parallel_loop3A_1256], %parallel_loop3A_1250 {add = true, strides = array<i32>} : memref<8x2048xf32, #tpu.memory_space<vmem>>, vector<16xf32>,
    } {sc.loop_unroll_factor = 16 : i64, sc.parallel_access}
    %mul3A_484 = arith.constant 128 : i32
    %mul3A_485 = arith.muli %add3A, %mul3A_484 : i32
    %add3A_486 = arith.constant 40 : i32
    %add3A_487 = arith.addi %mul3A_485, %add3A_486 : i32
    %dma_start3A_488 = arith.constant 1 : i32
    %dma_start3A_489 = arith.constant 0 : i32
    %dma_start3A_490 = arith.constant 0 : i32
    %dma_start3A_491 = tpu.memref_slice %arg11[%dma_start3A_488, %dma_start3A_489, %dma_start3A_490] : memref<4x8x2048xf32, #tpu.memory_space<vmem>> -> memref<1x8x2048xf32, #tpu.memory_space<vmem>>
    %dma_start3A_492 = tpu.memref_squeeze %dma_start3A_491 : memref<1x8x2048xf32, #tpu.memory_space<vmem>> -> memref<8x2048xf32, #tpu.memory_space<vmem>>
    %dma_start3A_493 = arith.constant 0 : i32
    %dma_start3A_494 = tpu.memref_slice %arg4[%add3A_487, %dma_start3A_493] : memref<4096x2048xf32, #tpu.memory_space<hbm>> -> memref<8x2048xf32, #tpu.memory_space<hbm>>
    %dma_start3A_495 = arith.constant 0 : i32
    %dma_start3A_496 = tpu.memref_slice %arg4[%add3A_487, %dma_start3A_495] : memref<4096x2048xf32, #tpu.memory_space<hbm>> -> memref<8x2048xf32, #tpu.memory_space<hbm>>
    %dma_start3A_497 = arith.constant 0 : i32
    %dma_start3A_498 = arith.constant 0 : i32
    %dma_start3A_499 = tpu.memref_slice %arg11[%dma_start3A_488, %dma_start3A_497, %dma_start3A_498] : memref<4x8x2048xf32, #tpu.memory_space<vmem>> -> memref<1x8x2048xf32, #tpu.memory_space<vmem>>
    %dma_start3A_500 = tpu.memref_squeeze %dma_start3A_499 : memref<1x8x2048xf32, #tpu.memory_space<vmem>> -> memref<8x2048xf32, #tpu.memory_space<vmem>>
    tpu.enqueue_dma source(%dma_start3A_500 : memref<8x2048xf32, #tpu.memory_space<vmem>>) target(%dma_start3A_496 : memref<8x2048xf32, #tpu.memory_space<hbm>>) target_semaphore(%arg21 : memref<!tpu.dma_semaphore, #tpu.memory_space<semaphore_mem>>)
    %dma_start3A_501 = arith.constant 2 : i32
    %dma_start3A_502 = arith.constant 0 : i32
    %dma_start3A_503 = arith.constant 0 : i32
    %dma_start3A_504 = tpu.memref_slice %arg12[%dma_start3A_501, %dma_start3A_502, %dma_start3A_503] : memref<3x8x2048xf32, #tpu.memory_space<vmem>> -> memref<1x8x2048xf32, #tpu.memory_space<vmem>>
    %dma_start3A_505 = tpu.memref_squeeze %dma_start3A_504 : memref<1x8x2048xf32, #tpu.memory_space<vmem>> -> memref<8x2048xf32, #tpu.memory_space<vmem>>
    %dma_start3A_506 = arith.constant 64 : i32
    %dma_start3A_507 = tpu.memref_slice %arg10[%dma_start3A_506] : memref<128xi32, #tpu.memory_space<vmem>> -> memref<8xi32, #tpu.memory_space<vmem>>
    %dma_start3A_508 = arith.constant 0 : i32
    %dma_start3A_509 = arith.constant 0 : i32
    %dma_start3A_510 = tpu.memref_slice %arg2[%dma_start3A_508, %dma_start3A_509] : memref<8192x2048xf32, #tpu.memory_space<hbm>> -> memref<8192x2048xf32, #tpu.memory_space<hbm>>
    tpu.enqueue_indirect_dma source(%dma_start3A_510 : memref<8192x2048xf32, #tpu.memory_space<hbm>>) target(%dma_start3A_505 : memref<8x2048xf32, #tpu.memory_space<vmem>>) offsets(%dma_start3A_507 : memref<8xi32, #tpu.memory_space<vmem>>) semaphore(%arg19 : memref<!tpu.dma_semaphore, #tpu.memory_space<semaphore_mem>>)
    %dma_wait3A_511 = arith.constant 0 : i32
    %dma_wait3A_512 = arith.constant 0 : i32
    %dma_wait3A_513 = arith.constant 0 : i32
    %dma_wait3A_514 = tpu.memref_slice %arg11[%dma_wait3A_511, %dma_wait3A_512, %dma_wait3A_513] : memref<4x8x2048xf32, #tpu.memory_space<vmem>> -> memref<1x8x2048xf32, #tpu.memory_space<vmem>>
    %dma_wait3A_515 = tpu.memref_squeeze %dma_wait3A_514 : memref<1x8x2048xf32, #tpu.memory_space<vmem>> -> memref<8x2048xf32, #tpu.memory_space<vmem>>
    %dma_wait3A_516 = arith.constant 0 : i32
    %dma_wait3A_517 = tpu.memref_slice %arg4[%add3A_412, %dma_wait3A_516] : memref<4096x2048xf32, #tpu.memory_space<hbm>> -> memref<8x2048xf32, #tpu.memory_space<hbm>>
    %dma_wait3A_518 = arith.constant 0 : i32
    %dma_wait3A_519 = tpu.memref_slice %arg4[%add3A_412, %dma_wait3A_518] : memref<4096x2048xf32, #tpu.memory_space<hbm>> -> memref<8x2048xf32, #tpu.memory_space<hbm>>
    %dma_wait3A_520 = arith.constant 0 : i32
    %dma_wait3A_521 = arith.constant 0 : i32
    %dma_wait3A_522 = tpu.memref_slice %arg11[%dma_wait3A_511, %dma_wait3A_520, %dma_wait3A_521] : memref<4x8x2048xf32, #tpu.memory_space<vmem>> -> memref<1x8x2048xf32, #tpu.memory_space<vmem>>
    %dma_wait3A_523 = tpu.memref_squeeze %dma_wait3A_522 : memref<1x8x2048xf32, #tpu.memory_space<vmem>> -> memref<8x2048xf32, #tpu.memory_space<vmem>>
    tpu.wait_dma2 semaphore(%arg20 : memref<!tpu.dma_semaphore, #tpu.memory_space<semaphore_mem>>) src(%dma_wait3A_523 : memref<8x2048xf32, #tpu.memory_space<vmem>>) dst(%dma_wait3A_519 : memref<8x2048xf32, #tpu.memory_space<hbm>>)
    %dma_start3A_524 = arith.constant 0 : i32
    %dma_start3A_525 = arith.constant 0 : i32
    %dma_start3A_526 = arith.constant 0 : i32
    %dma_start3A_527 = tpu.memref_slice %arg11[%dma_start3A_524, %dma_start3A_525, %dma_start3A_526] : memref<4x8x2048xf32, #tpu.memory_space<vmem>> -> memref<1x8x2048xf32, #tpu.memory_space<vmem>>
    %dma_start3A_528 = tpu.memref_squeeze %dma_start3A_527 : memref<1x8x2048xf32, #tpu.memory_space<vmem>> -> memref<8x2048xf32, #tpu.memory_space<vmem>>
    %dma_start3A_529 = arith.constant 64 : i32
    %dma_start3A_530 = tpu.memref_slice %arg9[%dma_start3A_529] : memref<128xi32, #tpu.memory_space<vmem>> -> memref<8xi32, #tpu.memory_space<vmem>>
    %dma_start3A_531 = arith.constant 0 : i32
    %dma_start3A_532 = arith.constant 0 : i32
    %dma_start3A_533 = tpu.memref_slice %arg2[%dma_start3A_531, %dma_start3A_532] : memref<8192x2048xf32, #tpu.memory_space<hbm>> -> memref<8192x2048xf32, #tpu.memory_space<hbm>>
    tpu.enqueue_indirect_dma source(%dma_start3A_533 : memref<8192x2048xf32, #tpu.memory_space<hbm>>) target(%dma_start3A_528 : memref<8x2048xf32, #tpu.memory_space<vmem>>) offsets(%dma_start3A_530 : memref<8xi32, #tpu.memory_space<vmem>>) semaphore(%arg13 : memref<!tpu.dma_semaphore, #tpu.memory_space<semaphore_mem>>)
    %dma_wait3A_534 = arith.constant 2 : i32
    %dma_wait3A_535 = arith.constant 0 : i32
    %dma_wait3A_536 = arith.constant 0 : i32
    %dma_wait3A_537 = tpu.memref_slice %arg11[%dma_wait3A_534, %dma_wait3A_535, %dma_wait3A_536] : memref<4x8x2048xf32, #tpu.memory_space<vmem>> -> memref<1x8x2048xf32, #tpu.memory_space<vmem>>
    %dma_wait3A_538 = tpu.memref_squeeze %dma_wait3A_537 : memref<1x8x2048xf32, #tpu.memory_space<vmem>> -> memref<8x2048xf32, #tpu.memory_space<vmem>>
    %dma_wait3A_539 = arith.constant 48 : i32
    %dma_wait3A_540 = tpu.memref_slice %arg9[%dma_wait3A_539] : memref<128xi32, #tpu.memory_space<vmem>> -> memref<8xi32, #tpu.memory_space<vmem>>
    %dma_wait3A_541 = arith.constant 0 : i32
    %dma_wait3A_542 = arith.constant 0 : i32
    %dma_wait3A_543 = tpu.memref_slice %arg2[%dma_wait3A_541, %dma_wait3A_542] : memref<8192x2048xf32, #tpu.memory_space<hbm>> -> memref<8192x2048xf32, #tpu.memory_space<hbm>>
    tpu.wait_indirect_dma semaphore(%arg15 : memref<!tpu.dma_semaphore, #tpu.memory_space<semaphore_mem>>) src(%dma_wait3A_543 : memref<8192x2048xf32, #tpu.memory_space<hbm>>) dst(%dma_wait3A_538 : memref<8x2048xf32, #tpu.memory_space<vmem>>)
    %dma_wait3A_544 = arith.constant 0 : i32
    %dma_wait3A_545 = arith.constant 0 : i32
    %dma_wait3A_546 = arith.constant 0 : i32
    %dma_wait3A_547 = tpu.memref_slice %arg12[%dma_wait3A_544, %dma_wait3A_545, %dma_wait3A_546] : memref<3x8x2048xf32, #tpu.memory_space<vmem>> -> memref<1x8x2048xf32, #tpu.memory_space<vmem>>
    %dma_wait3A_548 = tpu.memref_squeeze %dma_wait3A_547 : memref<1x8x2048xf32, #tpu.memory_space<vmem>> -> memref<8x2048xf32, #tpu.memory_space<vmem>>
    %dma_wait3A_549 = arith.constant 48 : i32
    %dma_wait3A_550 = tpu.memref_slice %arg10[%dma_wait3A_549] : memref<128xi32, #tpu.memory_space<vmem>> -> memref<8xi32, #tpu.memory_space<vmem>>
    %dma_wait3A_551 = arith.constant 0 : i32
    %dma_wait3A_552 = arith.constant 0 : i32
    %dma_wait3A_553 = tpu.memref_slice %arg2[%dma_wait3A_551, %dma_wait3A_552] : memref<8192x2048xf32, #tpu.memory_space<hbm>> -> memref<8192x2048xf32, #tpu.memory_space<hbm>>
    tpu.wait_indirect_dma semaphore(%arg17 : memref<!tpu.dma_semaphore, #tpu.memory_space<semaphore_mem>>) src(%dma_wait3A_553 : memref<8192x2048xf32, #tpu.memory_space<hbm>>) dst(%dma_wait3A_548 : memref<8x2048xf32, #tpu.memory_space<vmem>>)
    %parallel_loop3A_554 = arith.constant 0 : i32
    %parallel_loop3A_555 = arith.constant 1024 : i32
    %parallel_loop3A_556 = arith.constant 1 : i32
    %parallel_loop3A_557 = arith.constant 0 : i32
    %parallel_loop3A_558 = arith.constant 2 : i32
    scf.for %parallel_loop3A_1237 = %parallel_loop3A_554 to %parallel_loop3A_555 step %parallel_loop3A_556  : i32 {
      %parallel_loop3A_1238 = arith.constant 7 : i32
      %parallel_loop3A_1239 = arith.shrsi %parallel_loop3A_1237, %parallel_loop3A_1238 : i32
      %parallel_loop3A_1240 = arith.constant 127 : i32
      %parallel_loop3A_1241 = arith.andi %parallel_loop3A_1237, %parallel_loop3A_1240 : i32
      %parallel_loop3A_1242 = arith.constant 16 : i32
      %parallel_loop3A_1243 = arith.muli %parallel_loop3A_1241, %parallel_loop3A_1242 : i32
      %parallel_loop3A_1244 = arith.constant 0 : i32
      %parallel_loop3A_1245 = arith.constant 0 : i32
      %parallel_loop3A_1246 = tpu.memref_slice %arg12[%parallel_loop3A_557, %parallel_loop3A_1244, %parallel_loop3A_1245] : memref<3x8x2048xf32, #tpu.memory_space<vmem>> -> memref<1x8x2048xf32, #tpu.memory_space<vmem>>
      %parallel_loop3A_1247 = tpu.memref_squeeze %parallel_loop3A_1246 : memref<1x8x2048xf32, #tpu.memory_space<vmem>> -> memref<8x2048xf32, #tpu.memory_space<vmem>>
      %parallel_loop3A_1248 = arith.index_cast %parallel_loop3A_1239 : i32 to index
      %parallel_loop3A_1249 = arith.index_cast %parallel_loop3A_1243 : i32 to index
      %parallel_loop3A_1250 = tpu.vector_load %parallel_loop3A_1247[%parallel_loop3A_1248, %parallel_loop3A_1249] {strides = array<i32>} : memref<8x2048xf32, #tpu.memory_space<vmem>>, vector<16xf32>,
      %parallel_loop3A_1251 = arith.constant 0 : i32
      %parallel_loop3A_1252 = arith.constant 0 : i32
      %parallel_loop3A_1253 = tpu.memref_slice %arg11[%parallel_loop3A_558, %parallel_loop3A_1251, %parallel_loop3A_1252] : memref<4x8x2048xf32, #tpu.memory_space<vmem>> -> memref<1x8x2048xf32, #tpu.memory_space<vmem>>
      %parallel_loop3A_1254 = tpu.memref_squeeze %parallel_loop3A_1253 : memref<1x8x2048xf32, #tpu.memory_space<vmem>> -> memref<8x2048xf32, #tpu.memory_space<vmem>>
      %parallel_loop3A_1255 = arith.index_cast %parallel_loop3A_1239 : i32 to index
      %parallel_loop3A_1256 = arith.index_cast %parallel_loop3A_1243 : i32 to index
      %parallel_loop3A_1257 = tpu.vector_load %parallel_loop3A_1254[%parallel_loop3A_1255, %parallel_loop3A_1256] {strides = array<i32>} : memref<8x2048xf32, #tpu.memory_space<vmem>>, vector<16xf32>,
      tpu.vector_store %parallel_loop3A_1254[%parallel_loop3A_1255, %parallel_loop3A_1256], %parallel_loop3A_1250 {add = true, strides = array<i32>} : memref<8x2048xf32, #tpu.memory_space<vmem>>, vector<16xf32>,
    } {sc.loop_unroll_factor = 16 : i64, sc.parallel_access}
    %mul3A_559 = arith.constant 128 : i32
    %mul3A_560 = arith.muli %add3A, %mul3A_559 : i32
    %add3A_561 = arith.constant 48 : i32
    %add3A_562 = arith.addi %mul3A_560, %add3A_561 : i32
    %dma_start3A_563 = arith.constant 2 : i32
    %dma_start3A_564 = arith.constant 0 : i32
    %dma_start3A_565 = arith.constant 0 : i32
    %dma_start3A_566 = tpu.memref_slice %arg11[%dma_start3A_563, %dma_start3A_564, %dma_start3A_565] : memref<4x8x2048xf32, #tpu.memory_space<vmem>> -> memref<1x8x2048xf32, #tpu.memory_space<vmem>>
    %dma_start3A_567 = tpu.memref_squeeze %dma_start3A_566 : memref<1x8x2048xf32, #tpu.memory_space<vmem>> -> memref<8x2048xf32, #tpu.memory_space<vmem>>
    %dma_start3A_568 = arith.constant 0 : i32
    %dma_start3A_569 = tpu.memref_slice %arg4[%add3A_562, %dma_start3A_568] : memref<4096x2048xf32, #tpu.memory_space<hbm>> -> memref<8x2048xf32, #tpu.memory_space<hbm>>
    %dma_start3A_570 = arith.constant 0 : i32
    %dma_start3A_571 = tpu.memref_slice %arg4[%add3A_562, %dma_start3A_570] : memref<4096x2048xf32, #tpu.memory_space<hbm>> -> memref<8x2048xf32, #tpu.memory_space<hbm>>
    %dma_start3A_572 = arith.constant 0 : i32
    %dma_start3A_573 = arith.constant 0 : i32
    %dma_start3A_574 = tpu.memref_slice %arg11[%dma_start3A_563, %dma_start3A_572, %dma_start3A_573] : memref<4x8x2048xf32, #tpu.memory_space<vmem>> -> memref<1x8x2048xf32, #tpu.memory_space<vmem>>
    %dma_start3A_575 = tpu.memref_squeeze %dma_start3A_574 : memref<1x8x2048xf32, #tpu.memory_space<vmem>> -> memref<8x2048xf32, #tpu.memory_space<vmem>>
    tpu.enqueue_dma source(%dma_start3A_575 : memref<8x2048xf32, #tpu.memory_space<vmem>>) target(%dma_start3A_571 : memref<8x2048xf32, #tpu.memory_space<hbm>>) target_semaphore(%arg22 : memref<!tpu.dma_semaphore, #tpu.memory_space<semaphore_mem>>)
    %dma_start3A_576 = arith.constant 0 : i32
    %dma_start3A_577 = arith.constant 0 : i32
    %dma_start3A_578 = arith.constant 0 : i32
    %dma_start3A_579 = tpu.memref_slice %arg12[%dma_start3A_576, %dma_start3A_577, %dma_start3A_578] : memref<3x8x2048xf32, #tpu.memory_space<vmem>> -> memref<1x8x2048xf32, #tpu.memory_space<vmem>>
    %dma_start3A_580 = tpu.memref_squeeze %dma_start3A_579 : memref<1x8x2048xf32, #tpu.memory_space<vmem>> -> memref<8x2048xf32, #tpu.memory_space<vmem>>
    %dma_start3A_581 = arith.constant 72 : i32
    %dma_start3A_582 = tpu.memref_slice %arg10[%dma_start3A_581] : memref<128xi32, #tpu.memory_space<vmem>> -> memref<8xi32, #tpu.memory_space<vmem>>
    %dma_start3A_583 = arith.constant 0 : i32
    %dma_start3A_584 = arith.constant 0 : i32
    %dma_start3A_585 = tpu.memref_slice %arg2[%dma_start3A_583, %dma_start3A_584] : memref<8192x2048xf32, #tpu.memory_space<hbm>> -> memref<8192x2048xf32, #tpu.memory_space<hbm>>
    tpu.enqueue_indirect_dma source(%dma_start3A_585 : memref<8192x2048xf32, #tpu.memory_space<hbm>>) target(%dma_start3A_580 : memref<8x2048xf32, #tpu.memory_space<vmem>>) offsets(%dma_start3A_582 : memref<8xi32, #tpu.memory_space<vmem>>) semaphore(%arg17 : memref<!tpu.dma_semaphore, #tpu.memory_space<semaphore_mem>>)
    %dma_wait3A_586 = arith.constant 1 : i32
    %dma_wait3A_587 = arith.constant 0 : i32
    %dma_wait3A_588 = arith.constant 0 : i32
    %dma_wait3A_589 = tpu.memref_slice %arg11[%dma_wait3A_586, %dma_wait3A_587, %dma_wait3A_588] : memref<4x8x2048xf32, #tpu.memory_space<vmem>> -> memref<1x8x2048xf32, #tpu.memory_space<vmem>>
    %dma_wait3A_590 = tpu.memref_squeeze %dma_wait3A_589 : memref<1x8x2048xf32, #tpu.memory_space<vmem>> -> memref<8x2048xf32, #tpu.memory_space<vmem>>
    %dma_wait3A_591 = arith.constant 0 : i32
    %dma_wait3A_592 = tpu.memref_slice %arg4[%add3A_487, %dma_wait3A_591] : memref<4096x2048xf32, #tpu.memory_space<hbm>> -> memref<8x2048xf32, #tpu.memory_space<hbm>>
    %dma_wait3A_593 = arith.constant 0 : i32
    %dma_wait3A_594 = tpu.memref_slice %arg4[%add3A_487, %dma_wait3A_593] : memref<4096x2048xf32, #tpu.memory_space<hbm>> -> memref<8x2048xf32, #tpu.memory_space<hbm>>
    %dma_wait3A_595 = arith.constant 0 : i32
    %dma_wait3A_596 = arith.constant 0 : i32
    %dma_wait3A_597 = tpu.memref_slice %arg11[%dma_wait3A_586, %dma_wait3A_595, %dma_wait3A_596] : memref<4x8x2048xf32, #tpu.memory_space<vmem>> -> memref<1x8x2048xf32, #tpu.memory_space<vmem>>
    %dma_wait3A_598 = tpu.memref_squeeze %dma_wait3A_597 : memref<1x8x2048xf32, #tpu.memory_space<vmem>> -> memref<8x2048xf32, #tpu.memory_space<vmem>>
    tpu.wait_dma2 semaphore(%arg21 : memref<!tpu.dma_semaphore, #tpu.memory_space<semaphore_mem>>) src(%dma_wait3A_598 : memref<8x2048xf32, #tpu.memory_space<vmem>>) dst(%dma_wait3A_594 : memref<8x2048xf32, #tpu.memory_space<hbm>>)
    %dma_start3A_599 = arith.constant 1 : i32
    %dma_start3A_600 = arith.constant 0 : i32
    %dma_start3A_601 = arith.constant 0 : i32
    %dma_start3A_602 = tpu.memref_slice %arg11[%dma_start3A_599, %dma_start3A_600, %dma_start3A_601] : memref<4x8x2048xf32, #tpu.memory_space<vmem>> -> memref<1x8x2048xf32, #tpu.memory_space<vmem>>
    %dma_start3A_603 = tpu.memref_squeeze %dma_start3A_602 : memref<1x8x2048xf32, #tpu.memory_space<vmem>> -> memref<8x2048xf32, #tpu.memory_space<vmem>>
    %dma_start3A_604 = arith.constant 72 : i32
    %dma_start3A_605 = tpu.memref_slice %arg9[%dma_start3A_604] : memref<128xi32, #tpu.memory_space<vmem>> -> memref<8xi32, #tpu.memory_space<vmem>>
    %dma_start3A_606 = arith.constant 0 : i32
    %dma_start3A_607 = arith.constant 0 : i32
    %dma_start3A_608 = tpu.memref_slice %arg2[%dma_start3A_606, %dma_start3A_607] : memref<8192x2048xf32, #tpu.memory_space<hbm>> -> memref<8192x2048xf32, #tpu.memory_space<hbm>>
    tpu.enqueue_indirect_dma source(%dma_start3A_608 : memref<8192x2048xf32, #tpu.memory_space<hbm>>) target(%dma_start3A_603 : memref<8x2048xf32, #tpu.memory_space<vmem>>) offsets(%dma_start3A_605 : memref<8xi32, #tpu.memory_space<vmem>>) semaphore(%arg14 : memref<!tpu.dma_semaphore, #tpu.memory_space<semaphore_mem>>)
    %dma_wait3A_609 = arith.constant 3 : i32
    %dma_wait3A_610 = arith.constant 0 : i32
    %dma_wait3A_611 = arith.constant 0 : i32
    %dma_wait3A_612 = tpu.memref_slice %arg11[%dma_wait3A_609, %dma_wait3A_610, %dma_wait3A_611] : memref<4x8x2048xf32, #tpu.memory_space<vmem>> -> memref<1x8x2048xf32, #tpu.memory_space<vmem>>
    %dma_wait3A_613 = tpu.memref_squeeze %dma_wait3A_612 : memref<1x8x2048xf32, #tpu.memory_space<vmem>> -> memref<8x2048xf32, #tpu.memory_space<vmem>>
    %dma_wait3A_614 = arith.constant 56 : i32
    %dma_wait3A_615 = tpu.memref_slice %arg9[%dma_wait3A_614] : memref<128xi32, #tpu.memory_space<vmem>> -> memref<8xi32, #tpu.memory_space<vmem>>
    %dma_wait3A_616 = arith.constant 0 : i32
    %dma_wait3A_617 = arith.constant 0 : i32
    %dma_wait3A_618 = tpu.memref_slice %arg2[%dma_wait3A_616, %dma_wait3A_617] : memref<8192x2048xf32, #tpu.memory_space<hbm>> -> memref<8192x2048xf32, #tpu.memory_space<hbm>>
    tpu.wait_indirect_dma semaphore(%arg16 : memref<!tpu.dma_semaphore, #tpu.memory_space<semaphore_mem>>) src(%dma_wait3A_618 : memref<8192x2048xf32, #tpu.memory_space<hbm>>) dst(%dma_wait3A_613 : memref<8x2048xf32, #tpu.memory_space<vmem>>)
    %dma_wait3A_619 = arith.constant 1 : i32
    %dma_wait3A_620 = arith.constant 0 : i32
    %dma_wait3A_621 = arith.constant 0 : i32
    %dma_wait3A_622 = tpu.memref_slice %arg12[%dma_wait3A_619, %dma_wait3A_620, %dma_wait3A_621] : memref<3x8x2048xf32, #tpu.memory_space<vmem>> -> memref<1x8x2048xf32, #tpu.memory_space<vmem>>
    %dma_wait3A_623 = tpu.memref_squeeze %dma_wait3A_622 : memref<1x8x2048xf32, #tpu.memory_space<vmem>> -> memref<8x2048xf32, #tpu.memory_space<vmem>>
    %dma_wait3A_624 = arith.constant 56 : i32
    %dma_wait3A_625 = tpu.memref_slice %arg10[%dma_wait3A_624] : memref<128xi32, #tpu.memory_space<vmem>> -> memref<8xi32, #tpu.memory_space<vmem>>
    %dma_wait3A_626 = arith.constant 0 : i32
    %dma_wait3A_627 = arith.constant 0 : i32
    %dma_wait3A_628 = tpu.memref_slice %arg2[%dma_wait3A_626, %dma_wait3A_627] : memref<8192x2048xf32, #tpu.memory_space<hbm>> -> memref<8192x2048xf32, #tpu.memory_space<hbm>>
    tpu.wait_indirect_dma semaphore(%arg18 : memref<!tpu.dma_semaphore, #tpu.memory_space<semaphore_mem>>) src(%dma_wait3A_628 : memref<8192x2048xf32, #tpu.memory_space<hbm>>) dst(%dma_wait3A_623 : memref<8x2048xf32, #tpu.memory_space<vmem>>)
    %parallel_loop3A_629 = arith.constant 0 : i32
    %parallel_loop3A_630 = arith.constant 1024 : i32
    %parallel_loop3A_631 = arith.constant 1 : i32
    %parallel_loop3A_632 = arith.constant 1 : i32
    %parallel_loop3A_633 = arith.constant 3 : i32
    scf.for %parallel_loop3A_1237 = %parallel_loop3A_629 to %parallel_loop3A_630 step %parallel_loop3A_631  : i32 {
      %parallel_loop3A_1238 = arith.constant 7 : i32
      %parallel_loop3A_1239 = arith.shrsi %parallel_loop3A_1237, %parallel_loop3A_1238 : i32
      %parallel_loop3A_1240 = arith.constant 127 : i32
      %parallel_loop3A_1241 = arith.andi %parallel_loop3A_1237, %parallel_loop3A_1240 : i32
      %parallel_loop3A_1242 = arith.constant 16 : i32
      %parallel_loop3A_1243 = arith.muli %parallel_loop3A_1241, %parallel_loop3A_1242 : i32
      %parallel_loop3A_1244 = arith.constant 0 : i32
      %parallel_loop3A_1245 = arith.constant 0 : i32
      %parallel_loop3A_1246 = tpu.memref_slice %arg12[%parallel_loop3A_632, %parallel_loop3A_1244, %parallel_loop3A_1245] : memref<3x8x2048xf32, #tpu.memory_space<vmem>> -> memref<1x8x2048xf32, #tpu.memory_space<vmem>>
      %parallel_loop3A_1247 = tpu.memref_squeeze %parallel_loop3A_1246 : memref<1x8x2048xf32, #tpu.memory_space<vmem>> -> memref<8x2048xf32, #tpu.memory_space<vmem>>
      %parallel_loop3A_1248 = arith.index_cast %parallel_loop3A_1239 : i32 to index
      %parallel_loop3A_1249 = arith.index_cast %parallel_loop3A_1243 : i32 to index
      %parallel_loop3A_1250 = tpu.vector_load %parallel_loop3A_1247[%parallel_loop3A_1248, %parallel_loop3A_1249] {strides = array<i32>} : memref<8x2048xf32, #tpu.memory_space<vmem>>, vector<16xf32>,
      %parallel_loop3A_1251 = arith.constant 0 : i32
      %parallel_loop3A_1252 = arith.constant 0 : i32
      %parallel_loop3A_1253 = tpu.memref_slice %arg11[%parallel_loop3A_633, %parallel_loop3A_1251, %parallel_loop3A_1252] : memref<4x8x2048xf32, #tpu.memory_space<vmem>> -> memref<1x8x2048xf32, #tpu.memory_space<vmem>>
      %parallel_loop3A_1254 = tpu.memref_squeeze %parallel_loop3A_1253 : memref<1x8x2048xf32, #tpu.memory_space<vmem>> -> memref<8x2048xf32, #tpu.memory_space<vmem>>
      %parallel_loop3A_1255 = arith.index_cast %parallel_loop3A_1239 : i32 to index
      %parallel_loop3A_1256 = arith.index_cast %parallel_loop3A_1243 : i32 to index
      %parallel_loop3A_1257 = tpu.vector_load %parallel_loop3A_1254[%parallel_loop3A_1255, %parallel_loop3A_1256] {strides = array<i32>} : memref<8x2048xf32, #tpu.memory_space<vmem>>, vector<16xf32>,
      tpu.vector_store %parallel_loop3A_1254[%parallel_loop3A_1255, %parallel_loop3A_1256], %parallel_loop3A_1250 {add = true, strides = array<i32>} : memref<8x2048xf32, #tpu.memory_space<vmem>>, vector<16xf32>,
    } {sc.loop_unroll_factor = 16 : i64, sc.parallel_access}
    %mul3A_634 = arith.constant 128 : i32
    %mul3A_635 = arith.muli %add3A, %mul3A_634 : i32
    %add3A_636 = arith.constant 56 : i32
    %add3A_637 = arith.addi %mul3A_635, %add3A_636 : i32
    %dma_start3A_638 = arith.constant 3 : i32
    %dma_start3A_639 = arith.constant 0 : i32
    %dma_start3A_640 = arith.constant 0 : i32
    %dma_start3A_641 = tpu.memref_slice %arg11[%dma_start3A_638, %dma_start3A_639, %dma_start3A_640] : memref<4x8x2048xf32, #tpu.memory_space<vmem>> -> memref<1x8x2048xf32, #tpu.memory_space<vmem>>
    %dma_start3A_642 = tpu.memref_squeeze %dma_start3A_641 : memref<1x8x2048xf32, #tpu.memory_space<vmem>> -> memref<8x2048xf32, #tpu.memory_space<vmem>>
    %dma_start3A_643 = arith.constant 0 : i32
    %dma_start3A_644 = tpu.memref_slice %arg4[%add3A_637, %dma_start3A_643] : memref<4096x2048xf32, #tpu.memory_space<hbm>> -> memref<8x2048xf32, #tpu.memory_space<hbm>>
    %dma_start3A_645 = arith.constant 0 : i32
    %dma_start3A_646 = tpu.memref_slice %arg4[%add3A_637, %dma_start3A_645] : memref<4096x2048xf32, #tpu.memory_space<hbm>> -> memref<8x2048xf32, #tpu.memory_space<hbm>>
    %dma_start3A_647 = arith.constant 0 : i32
    %dma_start3A_648 = arith.constant 0 : i32
    %dma_start3A_649 = tpu.memref_slice %arg11[%dma_start3A_638, %dma_start3A_647, %dma_start3A_648] : memref<4x8x2048xf32, #tpu.memory_space<vmem>> -> memref<1x8x2048xf32, #tpu.memory_space<vmem>>
    %dma_start3A_650 = tpu.memref_squeeze %dma_start3A_649 : memref<1x8x2048xf32, #tpu.memory_space<vmem>> -> memref<8x2048xf32, #tpu.memory_space<vmem>>
    tpu.enqueue_dma source(%dma_start3A_650 : memref<8x2048xf32, #tpu.memory_space<vmem>>) target(%dma_start3A_646 : memref<8x2048xf32, #tpu.memory_space<hbm>>) target_semaphore(%arg23 : memref<!tpu.dma_semaphore, #tpu.memory_space<semaphore_mem>>)
    %dma_start3A_651 = arith.constant 1 : i32
    %dma_start3A_652 = arith.constant 0 : i32
    %dma_start3A_653 = arith.constant 0 : i32
    %dma_start3A_654 = tpu.memref_slice %arg12[%dma_start3A_651, %dma_start3A_652, %dma_start3A_653] : memref<3x8x2048xf32, #tpu.memory_space<vmem>> -> memref<1x8x2048xf32, #tpu.memory_space<vmem>>
    %dma_start3A_655 = tpu.memref_squeeze %dma_start3A_654 : memref<1x8x2048xf32, #tpu.memory_space<vmem>> -> memref<8x2048xf32, #tpu.memory_space<vmem>>
    %dma_start3A_656 = arith.constant 80 : i32
    %dma_start3A_657 = tpu.memref_slice %arg10[%dma_start3A_656] : memref<128xi32, #tpu.memory_space<vmem>> -> memref<8xi32, #tpu.memory_space<vmem>>
    %dma_start3A_658 = arith.constant 0 : i32
    %dma_start3A_659 = arith.constant 0 : i32
    %dma_start3A_660 = tpu.memref_slice %arg2[%dma_start3A_658, %dma_start3A_659] : memref<8192x2048xf32, #tpu.memory_space<hbm>> -> memref<8192x2048xf32, #tpu.memory_space<hbm>>
    tpu.enqueue_indirect_dma source(%dma_start3A_660 : memref<8192x2048xf32, #tpu.memory_space<hbm>>) target(%dma_start3A_655 : memref<8x2048xf32, #tpu.memory_space<vmem>>) offsets(%dma_start3A_657 : memref<8xi32, #tpu.memory_space<vmem>>) semaphore(%arg18 : memref<!tpu.dma_semaphore, #tpu.memory_space<semaphore_mem>>)
    %dma_wait3A_661 = arith.constant 2 : i32
    %dma_wait3A_662 = arith.constant 0 : i32
    %dma_wait3A_663 = arith.constant 0 : i32
    %dma_wait3A_664 = tpu.memref_slice %arg11[%dma_wait3A_661, %dma_wait3A_662, %dma_wait3A_663] : memref<4x8x2048xf32, #tpu.memory_space<vmem>> -> memref<1x8x2048xf32, #tpu.memory_space<vmem>>
    %dma_wait3A_665 = tpu.memref_squeeze %dma_wait3A_664 : memref<1x8x2048xf32, #tpu.memory_space<vmem>> -> memref<8x2048xf32, #tpu.memory_space<vmem>>
    %dma_wait3A_666 = arith.constant 0 : i32
    %dma_wait3A_667 = tpu.memref_slice %arg4[%add3A_562, %dma_wait3A_666] : memref<4096x2048xf32, #tpu.memory_space<hbm>> -> memref<8x2048xf32, #tpu.memory_space<hbm>>
    %dma_wait3A_668 = arith.constant 0 : i32
    %dma_wait3A_669 = tpu.memref_slice %arg4[%add3A_562, %dma_wait3A_668] : memref<4096x2048xf32, #tpu.memory_space<hbm>> -> memref<8x2048xf32, #tpu.memory_space<hbm>>
    %dma_wait3A_670 = arith.constant 0 : i32
    %dma_wait3A_671 = arith.constant 0 : i32
    %dma_wait3A_672 = tpu.memref_slice %arg11[%dma_wait3A_661, %dma_wait3A_670, %dma_wait3A_671] : memref<4x8x2048xf32, #tpu.memory_space<vmem>> -> memref<1x8x2048xf32, #tpu.memory_space<vmem>>
    %dma_wait3A_673 = tpu.memref_squeeze %dma_wait3A_672 : memref<1x8x2048xf32, #tpu.memory_space<vmem>> -> memref<8x2048xf32, #tpu.memory_space<vmem>>
    tpu.wait_dma2 semaphore(%arg22 : memref<!tpu.dma_semaphore, #tpu.memory_space<semaphore_mem>>) src(%dma_wait3A_673 : memref<8x2048xf32, #tpu.memory_space<vmem>>) dst(%dma_wait3A_669 : memref<8x2048xf32, #tpu.memory_space<hbm>>)
    %dma_start3A_674 = arith.constant 2 : i32
    %dma_start3A_675 = arith.constant 0 : i32
    %dma_start3A_676 = arith.constant 0 : i32
    %dma_start3A_677 = tpu.memref_slice %arg11[%dma_start3A_674, %dma_start3A_675, %dma_start3A_676] : memref<4x8x2048xf32, #tpu.memory_space<vmem>> -> memref<1x8x2048xf32, #tpu.memory_space<vmem>>
    %dma_start3A_678 = tpu.memref_squeeze %dma_start3A_677 : memref<1x8x2048xf32, #tpu.memory_space<vmem>> -> memref<8x2048xf32, #tpu.memory_space<vmem>>
    %dma_start3A_679 = arith.constant 80 : i32
    %dma_start3A_680 = tpu.memref_slice %arg9[%dma_start3A_679] : memref<128xi32, #tpu.memory_space<vmem>> -> memref<8xi32, #tpu.memory_space<vmem>>
    %dma_start3A_681 = arith.constant 0 : i32
    %dma_start3A_682 = arith.constant 0 : i32
    %dma_start3A_683 = tpu.memref_slice %arg2[%dma_start3A_681, %dma_start3A_682] : memref<8192x2048xf32, #tpu.memory_space<hbm>> -> memref<8192x2048xf32, #tpu.memory_space<hbm>>
    tpu.enqueue_indirect_dma source(%dma_start3A_683 : memref<8192x2048xf32, #tpu.memory_space<hbm>>) target(%dma_start3A_678 : memref<8x2048xf32, #tpu.memory_space<vmem>>) offsets(%dma_start3A_680 : memref<8xi32, #tpu.memory_space<vmem>>) semaphore(%arg15 : memref<!tpu.dma_semaphore, #tpu.memory_space<semaphore_mem>>)
    %dma_wait3A_684 = arith.constant 0 : i32
    %dma_wait3A_685 = arith.constant 0 : i32
    %dma_wait3A_686 = arith.constant 0 : i32
    %dma_wait3A_687 = tpu.memref_slice %arg11[%dma_wait3A_684, %dma_wait3A_685, %dma_wait3A_686] : memref<4x8x2048xf32, #tpu.memory_space<vmem>> -> memref<1x8x2048xf32, #tpu.memory_space<vmem>>
    %dma_wait3A_688 = tpu.memref_squeeze %dma_wait3A_687 : memref<1x8x2048xf32, #tpu.memory_space<vmem>> -> memref<8x2048xf32, #tpu.memory_space<vmem>>
    %dma_wait3A_689 = arith.constant 64 : i32
    %dma_wait3A_690 = tpu.memref_slice %arg9[%dma_wait3A_689] : memref<128xi32, #tpu.memory_space<vmem>> -> memref<8xi32, #tpu.memory_space<vmem>>
    %dma_wait3A_691 = arith.constant 0 : i32
    %dma_wait3A_692 = arith.constant 0 : i32
    %dma_wait3A_693 = tpu.memref_slice %arg2[%dma_wait3A_691, %dma_wait3A_692] : memref<8192x2048xf32, #tpu.memory_space<hbm>> -> memref<8192x2048xf32, #tpu.memory_space<hbm>>
    tpu.wait_indirect_dma semaphore(%arg13 : memref<!tpu.dma_semaphore, #tpu.memory_space<semaphore_mem>>) src(%dma_wait3A_693 : memref<8192x2048xf32, #tpu.memory_space<hbm>>) dst(%dma_wait3A_688 : memref<8x2048xf32, #tpu.memory_space<vmem>>)
    %dma_wait3A_694 = arith.constant 2 : i32
    %dma_wait3A_695 = arith.constant 0 : i32
    %dma_wait3A_696 = arith.constant 0 : i32
    %dma_wait3A_697 = tpu.memref_slice %arg12[%dma_wait3A_694, %dma_wait3A_695, %dma_wait3A_696] : memref<3x8x2048xf32, #tpu.memory_space<vmem>> -> memref<1x8x2048xf32, #tpu.memory_space<vmem>>
    %dma_wait3A_698 = tpu.memref_squeeze %dma_wait3A_697 : memref<1x8x2048xf32, #tpu.memory_space<vmem>> -> memref<8x2048xf32, #tpu.memory_space<vmem>>
    %dma_wait3A_699 = arith.constant 64 : i32
    %dma_wait3A_700 = tpu.memref_slice %arg10[%dma_wait3A_699] : memref<128xi32, #tpu.memory_space<vmem>> -> memref<8xi32, #tpu.memory_space<vmem>>
    %dma_wait3A_701 = arith.constant 0 : i32
    %dma_wait3A_702 = arith.constant 0 : i32
    %dma_wait3A_703 = tpu.memref_slice %arg2[%dma_wait3A_701, %dma_wait3A_702] : memref<8192x2048xf32, #tpu.memory_space<hbm>> -> memref<8192x2048xf32, #tpu.memory_space<hbm>>
    tpu.wait_indirect_dma semaphore(%arg19 : memref<!tpu.dma_semaphore, #tpu.memory_space<semaphore_mem>>) src(%dma_wait3A_703 : memref<8192x2048xf32, #tpu.memory_space<hbm>>) dst(%dma_wait3A_698 : memref<8x2048xf32, #tpu.memory_space<vmem>>)
    %parallel_loop3A_704 = arith.constant 0 : i32
    %parallel_loop3A_705 = arith.constant 1024 : i32
    %parallel_loop3A_706 = arith.constant 1 : i32
    %parallel_loop3A_707 = arith.constant 2 : i32
    %parallel_loop3A_708 = arith.constant 0 : i32
    scf.for %parallel_loop3A_1237 = %parallel_loop3A_704 to %parallel_loop3A_705 step %parallel_loop3A_706  : i32 {
      %parallel_loop3A_1238 = arith.constant 7 : i32
      %parallel_loop3A_1239 = arith.shrsi %parallel_loop3A_1237, %parallel_loop3A_1238 : i32
      %parallel_loop3A_1240 = arith.constant 127 : i32
      %parallel_loop3A_1241 = arith.andi %parallel_loop3A_1237, %parallel_loop3A_1240 : i32
      %parallel_loop3A_1242 = arith.constant 16 : i32
      %parallel_loop3A_1243 = arith.muli %parallel_loop3A_1241, %parallel_loop3A_1242 : i32
      %parallel_loop3A_1244 = arith.constant 0 : i32
      %parallel_loop3A_1245 = arith.constant 0 : i32
      %parallel_loop3A_1246 = tpu.memref_slice %arg12[%parallel_loop3A_707, %parallel_loop3A_1244, %parallel_loop3A_1245] : memref<3x8x2048xf32, #tpu.memory_space<vmem>> -> memref<1x8x2048xf32, #tpu.memory_space<vmem>>
      %parallel_loop3A_1247 = tpu.memref_squeeze %parallel_loop3A_1246 : memref<1x8x2048xf32, #tpu.memory_space<vmem>> -> memref<8x2048xf32, #tpu.memory_space<vmem>>
      %parallel_loop3A_1248 = arith.index_cast %parallel_loop3A_1239 : i32 to index
      %parallel_loop3A_1249 = arith.index_cast %parallel_loop3A_1243 : i32 to index
      %parallel_loop3A_1250 = tpu.vector_load %parallel_loop3A_1247[%parallel_loop3A_1248, %parallel_loop3A_1249] {strides = array<i32>} : memref<8x2048xf32, #tpu.memory_space<vmem>>, vector<16xf32>,
      %parallel_loop3A_1251 = arith.constant 0 : i32
      %parallel_loop3A_1252 = arith.constant 0 : i32
      %parallel_loop3A_1253 = tpu.memref_slice %arg11[%parallel_loop3A_708, %parallel_loop3A_1251, %parallel_loop3A_1252] : memref<4x8x2048xf32, #tpu.memory_space<vmem>> -> memref<1x8x2048xf32, #tpu.memory_space<vmem>>
      %parallel_loop3A_1254 = tpu.memref_squeeze %parallel_loop3A_1253 : memref<1x8x2048xf32, #tpu.memory_space<vmem>> -> memref<8x2048xf32, #tpu.memory_space<vmem>>
      %parallel_loop3A_1255 = arith.index_cast %parallel_loop3A_1239 : i32 to index
      %parallel_loop3A_1256 = arith.index_cast %parallel_loop3A_1243 : i32 to index
      %parallel_loop3A_1257 = tpu.vector_load %parallel_loop3A_1254[%parallel_loop3A_1255, %parallel_loop3A_1256] {strides = array<i32>} : memref<8x2048xf32, #tpu.memory_space<vmem>>, vector<16xf32>,
      tpu.vector_store %parallel_loop3A_1254[%parallel_loop3A_1255, %parallel_loop3A_1256], %parallel_loop3A_1250 {add = true, strides = array<i32>} : memref<8x2048xf32, #tpu.memory_space<vmem>>, vector<16xf32>,
    } {sc.loop_unroll_factor = 16 : i64, sc.parallel_access}
    %mul3A_709 = arith.constant 128 : i32
    %mul3A_710 = arith.muli %add3A, %mul3A_709 : i32
    %add3A_711 = arith.constant 64 : i32
    %add3A_712 = arith.addi %mul3A_710, %add3A_711 : i32
    %dma_start3A_713 = arith.constant 0 : i32
    %dma_start3A_714 = arith.constant 0 : i32
    %dma_start3A_715 = arith.constant 0 : i32
    %dma_start3A_716 = tpu.memref_slice %arg11[%dma_start3A_713, %dma_start3A_714, %dma_start3A_715] : memref<4x8x2048xf32, #tpu.memory_space<vmem>> -> memref<1x8x2048xf32, #tpu.memory_space<vmem>>
    %dma_start3A_717 = tpu.memref_squeeze %dma_start3A_716 : memref<1x8x2048xf32, #tpu.memory_space<vmem>> -> memref<8x2048xf32, #tpu.memory_space<vmem>>
    %dma_start3A_718 = arith.constant 0 : i32
    %dma_start3A_719 = tpu.memref_slice %arg4[%add3A_712, %dma_start3A_718] : memref<4096x2048xf32, #tpu.memory_space<hbm>> -> memref<8x2048xf32, #tpu.memory_space<hbm>>
    %dma_start3A_720 = arith.constant 0 : i32
    %dma_start3A_721 = tpu.memref_slice %arg4[%add3A_712, %dma_start3A_720] : memref<4096x2048xf32, #tpu.memory_space<hbm>> -> memref<8x2048xf32, #tpu.memory_space<hbm>>
    %dma_start3A_722 = arith.constant 0 : i32
    %dma_start3A_723 = arith.constant 0 : i32
    %dma_start3A_724 = tpu.memref_slice %arg11[%dma_start3A_713, %dma_start3A_722, %dma_start3A_723] : memref<4x8x2048xf32, #tpu.memory_space<vmem>> -> memref<1x8x2048xf32, #tpu.memory_space<vmem>>
    %dma_start3A_725 = tpu.memref_squeeze %dma_start3A_724 : memref<1x8x2048xf32, #tpu.memory_space<vmem>> -> memref<8x2048xf32, #tpu.memory_space<vmem>>
    tpu.enqueue_dma source(%dma_start3A_725 : memref<8x2048xf32, #tpu.memory_space<vmem>>) target(%dma_start3A_721 : memref<8x2048xf32, #tpu.memory_space<hbm>>) target_semaphore(%arg20 : memref<!tpu.dma_semaphore, #tpu.memory_space<semaphore_mem>>)
    %dma_start3A_726 = arith.constant 2 : i32
    %dma_start3A_727 = arith.constant 0 : i32
    %dma_start3A_728 = arith.constant 0 : i32
    %dma_start3A_729 = tpu.memref_slice %arg12[%dma_start3A_726, %dma_start3A_727, %dma_start3A_728] : memref<3x8x2048xf32, #tpu.memory_space<vmem>> -> memref<1x8x2048xf32, #tpu.memory_space<vmem>>
    %dma_start3A_730 = tpu.memref_squeeze %dma_start3A_729 : memref<1x8x2048xf32, #tpu.memory_space<vmem>> -> memref<8x2048xf32, #tpu.memory_space<vmem>>
    %dma_start3A_731 = arith.constant 88 : i32
    %dma_start3A_732 = tpu.memref_slice %arg10[%dma_start3A_731] : memref<128xi32, #tpu.memory_space<vmem>> -> memref<8xi32, #tpu.memory_space<vmem>>
    %dma_start3A_733 = arith.constant 0 : i32
    %dma_start3A_734 = arith.constant 0 : i32
    %dma_start3A_735 = tpu.memref_slice %arg2[%dma_start3A_733, %dma_start3A_734] : memref<8192x2048xf32, #tpu.memory_space<hbm>> -> memref<8192x2048xf32, #tpu.memory_space<hbm>>
    tpu.enqueue_indirect_dma source(%dma_start3A_735 : memref<8192x2048xf32, #tpu.memory_space<hbm>>) target(%dma_start3A_730 : memref<8x2048xf32, #tpu.memory_space<vmem>>) offsets(%dma_start3A_732 : memref<8xi32, #tpu.memory_space<vmem>>) semaphore(%arg19 : memref<!tpu.dma_semaphore, #tpu.memory_space<semaphore_mem>>)
    %dma_wait3A_736 = arith.constant 3 : i32
    %dma_wait3A_737 = arith.constant 0 : i32
    %dma_wait3A_738 = arith.constant 0 : i32
    %dma_wait3A_739 = tpu.memref_slice %arg11[%dma_wait3A_736, %dma_wait3A_737, %dma_wait3A_738] : memref<4x8x2048xf32, #tpu.memory_space<vmem>> -> memref<1x8x2048xf32, #tpu.memory_space<vmem>>
    %dma_wait3A_740 = tpu.memref_squeeze %dma_wait3A_739 : memref<1x8x2048xf32, #tpu.memory_space<vmem>> -> memref<8x2048xf32, #tpu.memory_space<vmem>>
    %dma_wait3A_741 = arith.constant 0 : i32
    %dma_wait3A_742 = tpu.memref_slice %arg4[%add3A_637, %dma_wait3A_741] : memref<4096x2048xf32, #tpu.memory_space<hbm>> -> memref<8x2048xf32, #tpu.memory_space<hbm>>
    %dma_wait3A_743 = arith.constant 0 : i32
    %dma_wait3A_744 = tpu.memref_slice %arg4[%add3A_637, %dma_wait3A_743] : memref<4096x2048xf32, #tpu.memory_space<hbm>> -> memref<8x2048xf32, #tpu.memory_space<hbm>>
    %dma_wait3A_745 = arith.constant 0 : i32
    %dma_wait3A_746 = arith.constant 0 : i32
    %dma_wait3A_747 = tpu.memref_slice %arg11[%dma_wait3A_736, %dma_wait3A_745, %dma_wait3A_746] : memref<4x8x2048xf32, #tpu.memory_space<vmem>> -> memref<1x8x2048xf32, #tpu.memory_space<vmem>>
    %dma_wait3A_748 = tpu.memref_squeeze %dma_wait3A_747 : memref<1x8x2048xf32, #tpu.memory_space<vmem>> -> memref<8x2048xf32, #tpu.memory_space<vmem>>
    tpu.wait_dma2 semaphore(%arg23 : memref<!tpu.dma_semaphore, #tpu.memory_space<semaphore_mem>>) src(%dma_wait3A_748 : memref<8x2048xf32, #tpu.memory_space<vmem>>) dst(%dma_wait3A_744 : memref<8x2048xf32, #tpu.memory_space<hbm>>)
    %dma_start3A_749 = arith.constant 3 : i32
    %dma_start3A_750 = arith.constant 0 : i32
    %dma_start3A_751 = arith.constant 0 : i32
    %dma_start3A_752 = tpu.memref_slice %arg11[%dma_start3A_749, %dma_start3A_750, %dma_start3A_751] : memref<4x8x2048xf32, #tpu.memory_space<vmem>> -> memref<1x8x2048xf32, #tpu.memory_space<vmem>>
    %dma_start3A_753 = tpu.memref_squeeze %dma_start3A_752 : memref<1x8x2048xf32, #tpu.memory_space<vmem>> -> memref<8x2048xf32, #tpu.memory_space<vmem>>
    %dma_start3A_754 = arith.constant 88 : i32
    %dma_start3A_755 = tpu.memref_slice %arg9[%dma_start3A_754] : memref<128xi32, #tpu.memory_space<vmem>> -> memref<8xi32, #tpu.memory_space<vmem>>
    %dma_start3A_756 = arith.constant 0 : i32
    %dma_start3A_757 = arith.constant 0 : i32
    %dma_start3A_758 = tpu.memref_slice %arg2[%dma_start3A_756, %dma_start3A_757] : memref<8192x2048xf32, #tpu.memory_space<hbm>> -> memref<8192x2048xf32, #tpu.memory_space<hbm>>
    tpu.enqueue_indirect_dma source(%dma_start3A_758 : memref<8192x2048xf32, #tpu.memory_space<hbm>>) target(%dma_start3A_753 : memref<8x2048xf32, #tpu.memory_space<vmem>>) offsets(%dma_start3A_755 : memref<8xi32, #tpu.memory_space<vmem>>) semaphore(%arg16 : memref<!tpu.dma_semaphore, #tpu.memory_space<semaphore_mem>>)
    %dma_wait3A_759 = arith.constant 1 : i32
    %dma_wait3A_760 = arith.constant 0 : i32
    %dma_wait3A_761 = arith.constant 0 : i32
    %dma_wait3A_762 = tpu.memref_slice %arg11[%dma_wait3A_759, %dma_wait3A_760, %dma_wait3A_761] : memref<4x8x2048xf32, #tpu.memory_space<vmem>> -> memref<1x8x2048xf32, #tpu.memory_space<vmem>>
    %dma_wait3A_763 = tpu.memref_squeeze %dma_wait3A_762 : memref<1x8x2048xf32, #tpu.memory_space<vmem>> -> memref<8x2048xf32, #tpu.memory_space<vmem>>
    %dma_wait3A_764 = arith.constant 72 : i32
    %dma_wait3A_765 = tpu.memref_slice %arg9[%dma_wait3A_764] : memref<128xi32, #tpu.memory_space<vmem>> -> memref<8xi32, #tpu.memory_space<vmem>>
    %dma_wait3A_766 = arith.constant 0 : i32
    %dma_wait3A_767 = arith.constant 0 : i32
    %dma_wait3A_768 = tpu.memref_slice %arg2[%dma_wait3A_766, %dma_wait3A_767] : memref<8192x2048xf32, #tpu.memory_space<hbm>> -> memref<8192x2048xf32, #tpu.memory_space<hbm>>
    tpu.wait_indirect_dma semaphore(%arg14 : memref<!tpu.dma_semaphore, #tpu.memory_space<semaphore_mem>>) src(%dma_wait3A_768 : memref<8192x2048xf32, #tpu.memory_space<hbm>>) dst(%dma_wait3A_763 : memref<8x2048xf32, #tpu.memory_space<vmem>>)
    %dma_wait3A_769 = arith.constant 0 : i32
    %dma_wait3A_770 = arith.constant 0 : i32
    %dma_wait3A_771 = arith.constant 0 : i32
    %dma_wait3A_772 = tpu.memref_slice %arg12[%dma_wait3A_769, %dma_wait3A_770, %dma_wait3A_771] : memref<3x8x2048xf32, #tpu.memory_space<vmem>> -> memref<1x8x2048xf32, #tpu.memory_space<vmem>>
    %dma_wait3A_773 = tpu.memref_squeeze %dma_wait3A_772 : memref<1x8x2048xf32, #tpu.memory_space<vmem>> -> memref<8x2048xf32, #tpu.memory_space<vmem>>
    %dma_wait3A_774 = arith.constant 72 : i32
    %dma_wait3A_775 = tpu.memref_slice %arg10[%dma_wait3A_774] : memref<128xi32, #tpu.memory_space<vmem>> -> memref<8xi32, #tpu.memory_space<vmem>>
    %dma_wait3A_776 = arith.constant 0 : i32
    %dma_wait3A_777 = arith.constant 0 : i32
    %dma_wait3A_778 = tpu.memref_slice %arg2[%dma_wait3A_776, %dma_wait3A_777] : memref<8192x2048xf32, #tpu.memory_space<hbm>> -> memref<8192x2048xf32, #tpu.memory_space<hbm>>
    tpu.wait_indirect_dma semaphore(%arg17 : memref<!tpu.dma_semaphore, #tpu.memory_space<semaphore_mem>>) src(%dma_wait3A_778 : memref<8192x2048xf32, #tpu.memory_space<hbm>>) dst(%dma_wait3A_773 : memref<8x2048xf32, #tpu.memory_space<vmem>>)
    %parallel_loop3A_779 = arith.constant 0 : i32
    %parallel_loop3A_780 = arith.constant 1024 : i32
    %parallel_loop3A_781 = arith.constant 1 : i32
    %parallel_loop3A_782 = arith.constant 0 : i32
    %parallel_loop3A_783 = arith.constant 1 : i32
    scf.for %parallel_loop3A_1237 = %parallel_loop3A_779 to %parallel_loop3A_780 step %parallel_loop3A_781  : i32 {
      %parallel_loop3A_1238 = arith.constant 7 : i32
      %parallel_loop3A_1239 = arith.shrsi %parallel_loop3A_1237, %parallel_loop3A_1238 : i32
      %parallel_loop3A_1240 = arith.constant 127 : i32
      %parallel_loop3A_1241 = arith.andi %parallel_loop3A_1237, %parallel_loop3A_1240 : i32
      %parallel_loop3A_1242 = arith.constant 16 : i32
      %parallel_loop3A_1243 = arith.muli %parallel_loop3A_1241, %parallel_loop3A_1242 : i32
      %parallel_loop3A_1244 = arith.constant 0 : i32
      %parallel_loop3A_1245 = arith.constant 0 : i32
      %parallel_loop3A_1246 = tpu.memref_slice %arg12[%parallel_loop3A_782, %parallel_loop3A_1244, %parallel_loop3A_1245] : memref<3x8x2048xf32, #tpu.memory_space<vmem>> -> memref<1x8x2048xf32, #tpu.memory_space<vmem>>
      %parallel_loop3A_1247 = tpu.memref_squeeze %parallel_loop3A_1246 : memref<1x8x2048xf32, #tpu.memory_space<vmem>> -> memref<8x2048xf32, #tpu.memory_space<vmem>>
      %parallel_loop3A_1248 = arith.index_cast %parallel_loop3A_1239 : i32 to index
      %parallel_loop3A_1249 = arith.index_cast %parallel_loop3A_1243 : i32 to index
      %parallel_loop3A_1250 = tpu.vector_load %parallel_loop3A_1247[%parallel_loop3A_1248, %parallel_loop3A_1249] {strides = array<i32>} : memref<8x2048xf32, #tpu.memory_space<vmem>>, vector<16xf32>,
      %parallel_loop3A_1251 = arith.constant 0 : i32
      %parallel_loop3A_1252 = arith.constant 0 : i32
      %parallel_loop3A_1253 = tpu.memref_slice %arg11[%parallel_loop3A_783, %parallel_loop3A_1251, %parallel_loop3A_1252] : memref<4x8x2048xf32, #tpu.memory_space<vmem>> -> memref<1x8x2048xf32, #tpu.memory_space<vmem>>
      %parallel_loop3A_1254 = tpu.memref_squeeze %parallel_loop3A_1253 : memref<1x8x2048xf32, #tpu.memory_space<vmem>> -> memref<8x2048xf32, #tpu.memory_space<vmem>>
      %parallel_loop3A_1255 = arith.index_cast %parallel_loop3A_1239 : i32 to index
      %parallel_loop3A_1256 = arith.index_cast %parallel_loop3A_1243 : i32 to index
      %parallel_loop3A_1257 = tpu.vector_load %parallel_loop3A_1254[%parallel_loop3A_1255, %parallel_loop3A_1256] {strides = array<i32>} : memref<8x2048xf32, #tpu.memory_space<vmem>>, vector<16xf32>,
      tpu.vector_store %parallel_loop3A_1254[%parallel_loop3A_1255, %parallel_loop3A_1256], %parallel_loop3A_1250 {add = true, strides = array<i32>} : memref<8x2048xf32, #tpu.memory_space<vmem>>, vector<16xf32>,
    } {sc.loop_unroll_factor = 16 : i64, sc.parallel_access}
    %mul3A_784 = arith.constant 128 : i32
    %mul3A_785 = arith.muli %add3A, %mul3A_784 : i32
    %add3A_786 = arith.constant 72 : i32
    %add3A_787 = arith.addi %mul3A_785, %add3A_786 : i32
    %dma_start3A_788 = arith.constant 1 : i32
    %dma_start3A_789 = arith.constant 0 : i32
    %dma_start3A_790 = arith.constant 0 : i32
    %dma_start3A_791 = tpu.memref_slice %arg11[%dma_start3A_788, %dma_start3A_789, %dma_start3A_790] : memref<4x8x2048xf32, #tpu.memory_space<vmem>> -> memref<1x8x2048xf32, #tpu.memory_space<vmem>>
    %dma_start3A_792 = tpu.memref_squeeze %dma_start3A_791 : memref<1x8x2048xf32, #tpu.memory_space<vmem>> -> memref<8x2048xf32, #tpu.memory_space<vmem>>
    %dma_start3A_793 = arith.constant 0 : i32
    %dma_start3A_794 = tpu.memref_slice %arg4[%add3A_787, %dma_start3A_793] : memref<4096x2048xf32, #tpu.memory_space<hbm>> -> memref<8x2048xf32, #tpu.memory_space<hbm>>
    %dma_start3A_795 = arith.constant 0 : i32
    %dma_start3A_796 = tpu.memref_slice %arg4[%add3A_787, %dma_start3A_795] : memref<4096x2048xf32, #tpu.memory_space<hbm>> -> memref<8x2048xf32, #tpu.memory_space<hbm>>
    %dma_start3A_797 = arith.constant 0 : i32
    %dma_start3A_798 = arith.constant 0 : i32
    %dma_start3A_799 = tpu.memref_slice %arg11[%dma_start3A_788, %dma_start3A_797, %dma_start3A_798] : memref<4x8x2048xf32, #tpu.memory_space<vmem>> -> memref<1x8x2048xf32, #tpu.memory_space<vmem>>
    %dma_start3A_800 = tpu.memref_squeeze %dma_start3A_799 : memref<1x8x2048xf32, #tpu.memory_space<vmem>> -> memref<8x2048xf32, #tpu.memory_space<vmem>>
    tpu.enqueue_dma source(%dma_start3A_800 : memref<8x2048xf32, #tpu.memory_space<vmem>>) target(%dma_start3A_796 : memref<8x2048xf32, #tpu.memory_space<hbm>>) target_semaphore(%arg21 : memref<!tpu.dma_semaphore, #tpu.memory_space<semaphore_mem>>)
    %dma_start3A_801 = arith.constant 0 : i32
    %dma_start3A_802 = arith.constant 0 : i32
    %dma_start3A_803 = arith.constant 0 : i32
    %dma_start3A_804 = tpu.memref_slice %arg12[%dma_start3A_801, %dma_start3A_802, %dma_start3A_803] : memref<3x8x2048xf32, #tpu.memory_space<vmem>> -> memref<1x8x2048xf32, #tpu.memory_space<vmem>>
    %dma_start3A_805 = tpu.memref_squeeze %dma_start3A_804 : memref<1x8x2048xf32, #tpu.memory_space<vmem>> -> memref<8x2048xf32, #tpu.memory_space<vmem>>
    %dma_start3A_806 = arith.constant 96 : i32
    %dma_start3A_807 = tpu.memref_slice %arg10[%dma_start3A_806] : memref<128xi32, #tpu.memory_space<vmem>> -> memref<8xi32, #tpu.memory_space<vmem>>
    %dma_start3A_808 = arith.constant 0 : i32
    %dma_start3A_809 = arith.constant 0 : i32
    %dma_start3A_810 = tpu.memref_slice %arg2[%dma_start3A_808, %dma_start3A_809] : memref<8192x2048xf32, #tpu.memory_space<hbm>> -> memref<8192x2048xf32, #tpu.memory_space<hbm>>
    tpu.enqueue_indirect_dma source(%dma_start3A_810 : memref<8192x2048xf32, #tpu.memory_space<hbm>>) target(%dma_start3A_805 : memref<8x2048xf32, #tpu.memory_space<vmem>>) offsets(%dma_start3A_807 : memref<8xi32, #tpu.memory_space<vmem>>) semaphore(%arg17 : memref<!tpu.dma_semaphore, #tpu.memory_space<semaphore_mem>>)
    %dma_wait3A_811 = arith.constant 0 : i32
    %dma_wait3A_812 = arith.constant 0 : i32
    %dma_wait3A_813 = arith.constant 0 : i32
    %dma_wait3A_814 = tpu.memref_slice %arg11[%dma_wait3A_811, %dma_wait3A_812, %dma_wait3A_813] : memref<4x8x2048xf32, #tpu.memory_space<vmem>> -> memref<1x8x2048xf32, #tpu.memory_space<vmem>>
    %dma_wait3A_815 = tpu.memref_squeeze %dma_wait3A_814 : memref<1x8x2048xf32, #tpu.memory_space<vmem>> -> memref<8x2048xf32, #tpu.memory_space<vmem>>
    %dma_wait3A_816 = arith.constant 0 : i32
    %dma_wait3A_817 = tpu.memref_slice %arg4[%add3A_712, %dma_wait3A_816] : memref<4096x2048xf32, #tpu.memory_space<hbm>> -> memref<8x2048xf32, #tpu.memory_space<hbm>>
    %dma_wait3A_818 = arith.constant 0 : i32
    %dma_wait3A_819 = tpu.memref_slice %arg4[%add3A_712, %dma_wait3A_818] : memref<4096x2048xf32, #tpu.memory_space<hbm>> -> memref<8x2048xf32, #tpu.memory_space<hbm>>
    %dma_wait3A_820 = arith.constant 0 : i32
    %dma_wait3A_821 = arith.constant 0 : i32
    %dma_wait3A_822 = tpu.memref_slice %arg11[%dma_wait3A_811, %dma_wait3A_820, %dma_wait3A_821] : memref<4x8x2048xf32, #tpu.memory_space<vmem>> -> memref<1x8x2048xf32, #tpu.memory_space<vmem>>
    %dma_wait3A_823 = tpu.memref_squeeze %dma_wait3A_822 : memref<1x8x2048xf32, #tpu.memory_space<vmem>> -> memref<8x2048xf32, #tpu.memory_space<vmem>>
    tpu.wait_dma2 semaphore(%arg20 : memref<!tpu.dma_semaphore, #tpu.memory_space<semaphore_mem>>) src(%dma_wait3A_823 : memref<8x2048xf32, #tpu.memory_space<vmem>>) dst(%dma_wait3A_819 : memref<8x2048xf32, #tpu.memory_space<hbm>>)
    %dma_start3A_824 = arith.constant 0 : i32
    %dma_start3A_825 = arith.constant 0 : i32
    %dma_start3A_826 = arith.constant 0 : i32
    %dma_start3A_827 = tpu.memref_slice %arg11[%dma_start3A_824, %dma_start3A_825, %dma_start3A_826] : memref<4x8x2048xf32, #tpu.memory_space<vmem>> -> memref<1x8x2048xf32, #tpu.memory_space<vmem>>
    %dma_start3A_828 = tpu.memref_squeeze %dma_start3A_827 : memref<1x8x2048xf32, #tpu.memory_space<vmem>> -> memref<8x2048xf32, #tpu.memory_space<vmem>>
    %dma_start3A_829 = arith.constant 96 : i32
    %dma_start3A_830 = tpu.memref_slice %arg9[%dma_start3A_829] : memref<128xi32, #tpu.memory_space<vmem>> -> memref<8xi32, #tpu.memory_space<vmem>>
    %dma_start3A_831 = arith.constant 0 : i32
    %dma_start3A_832 = arith.constant 0 : i32
    %dma_start3A_833 = tpu.memref_slice %arg2[%dma_start3A_831, %dma_start3A_832] : memref<8192x2048xf32, #tpu.memory_space<hbm>> -> memref<8192x2048xf32, #tpu.memory_space<hbm>>
    tpu.enqueue_indirect_dma source(%dma_start3A_833 : memref<8192x2048xf32, #tpu.memory_space<hbm>>) target(%dma_start3A_828 : memref<8x2048xf32, #tpu.memory_space<vmem>>) offsets(%dma_start3A_830 : memref<8xi32, #tpu.memory_space<vmem>>) semaphore(%arg13 : memref<!tpu.dma_semaphore, #tpu.memory_space<semaphore_mem>>)
    %dma_wait3A_834 = arith.constant 2 : i32
    %dma_wait3A_835 = arith.constant 0 : i32
    %dma_wait3A_836 = arith.constant 0 : i32
    %dma_wait3A_837 = tpu.memref_slice %arg11[%dma_wait3A_834, %dma_wait3A_835, %dma_wait3A_836] : memref<4x8x2048xf32, #tpu.memory_space<vmem>> -> memref<1x8x2048xf32, #tpu.memory_space<vmem>>
    %dma_wait3A_838 = tpu.memref_squeeze %dma_wait3A_837 : memref<1x8x2048xf32, #tpu.memory_space<vmem>> -> memref<8x2048xf32, #tpu.memory_space<vmem>>
    %dma_wait3A_839 = arith.constant 80 : i32
    %dma_wait3A_840 = tpu.memref_slice %arg9[%dma_wait3A_839] : memref<128xi32, #tpu.memory_space<vmem>> -> memref<8xi32, #tpu.memory_space<vmem>>
    %dma_wait3A_841 = arith.constant 0 : i32
    %dma_wait3A_842 = arith.constant 0 : i32
    %dma_wait3A_843 = tpu.memref_slice %arg2[%dma_wait3A_841, %dma_wait3A_842] : memref<8192x2048xf32, #tpu.memory_space<hbm>> -> memref<8192x2048xf32, #tpu.memory_space<hbm>>
    tpu.wait_indirect_dma semaphore(%arg15 : memref<!tpu.dma_semaphore, #tpu.memory_space<semaphore_mem>>) src(%dma_wait3A_843 : memref<8192x2048xf32, #tpu.memory_space<hbm>>) dst(%dma_wait3A_838 : memref<8x2048xf32, #tpu.memory_space<vmem>>)
    %dma_wait3A_844 = arith.constant 1 : i32
    %dma_wait3A_845 = arith.constant 0 : i32
    %dma_wait3A_846 = arith.constant 0 : i32
    %dma_wait3A_847 = tpu.memref_slice %arg12[%dma_wait3A_844, %dma_wait3A_845, %dma_wait3A_846] : memref<3x8x2048xf32, #tpu.memory_space<vmem>> -> memref<1x8x2048xf32, #tpu.memory_space<vmem>>
    %dma_wait3A_848 = tpu.memref_squeeze %dma_wait3A_847 : memref<1x8x2048xf32, #tpu.memory_space<vmem>> -> memref<8x2048xf32, #tpu.memory_space<vmem>>
    %dma_wait3A_849 = arith.constant 80 : i32
    %dma_wait3A_850 = tpu.memref_slice %arg10[%dma_wait3A_849] : memref<128xi32, #tpu.memory_space<vmem>> -> memref<8xi32, #tpu.memory_space<vmem>>
    %dma_wait3A_851 = arith.constant 0 : i32
    %dma_wait3A_852 = arith.constant 0 : i32
    %dma_wait3A_853 = tpu.memref_slice %arg2[%dma_wait3A_851, %dma_wait3A_852] : memref<8192x2048xf32, #tpu.memory_space<hbm>> -> memref<8192x2048xf32, #tpu.memory_space<hbm>>
    tpu.wait_indirect_dma semaphore(%arg18 : memref<!tpu.dma_semaphore, #tpu.memory_space<semaphore_mem>>) src(%dma_wait3A_853 : memref<8192x2048xf32, #tpu.memory_space<hbm>>) dst(%dma_wait3A_848 : memref<8x2048xf32, #tpu.memory_space<vmem>>)
    %parallel_loop3A_854 = arith.constant 0 : i32
    %parallel_loop3A_855 = arith.constant 1024 : i32
    %parallel_loop3A_856 = arith.constant 1 : i32
    %parallel_loop3A_857 = arith.constant 1 : i32
    %parallel_loop3A_858 = arith.constant 2 : i32
    scf.for %parallel_loop3A_1237 = %parallel_loop3A_854 to %parallel_loop3A_855 step %parallel_loop3A_856  : i32 {
      %parallel_loop3A_1238 = arith.constant 7 : i32
      %parallel_loop3A_1239 = arith.shrsi %parallel_loop3A_1237, %parallel_loop3A_1238 : i32
      %parallel_loop3A_1240 = arith.constant 127 : i32
      %parallel_loop3A_1241 = arith.andi %parallel_loop3A_1237, %parallel_loop3A_1240 : i32
      %parallel_loop3A_1242 = arith.constant 16 : i32
      %parallel_loop3A_1243 = arith.muli %parallel_loop3A_1241, %parallel_loop3A_1242 : i32
      %parallel_loop3A_1244 = arith.constant 0 : i32
      %parallel_loop3A_1245 = arith.constant 0 : i32
      %parallel_loop3A_1246 = tpu.memref_slice %arg12[%parallel_loop3A_857, %parallel_loop3A_1244, %parallel_loop3A_1245] : memref<3x8x2048xf32, #tpu.memory_space<vmem>> -> memref<1x8x2048xf32, #tpu.memory_space<vmem>>
      %parallel_loop3A_1247 = tpu.memref_squeeze %parallel_loop3A_1246 : memref<1x8x2048xf32, #tpu.memory_space<vmem>> -> memref<8x2048xf32, #tpu.memory_space<vmem>>
      %parallel_loop3A_1248 = arith.index_cast %parallel_loop3A_1239 : i32 to index
      %parallel_loop3A_1249 = arith.index_cast %parallel_loop3A_1243 : i32 to index
      %parallel_loop3A_1250 = tpu.vector_load %parallel_loop3A_1247[%parallel_loop3A_1248, %parallel_loop3A_1249] {strides = array<i32>} : memref<8x2048xf32, #tpu.memory_space<vmem>>, vector<16xf32>,
      %parallel_loop3A_1251 = arith.constant 0 : i32
      %parallel_loop3A_1252 = arith.constant 0 : i32
      %parallel_loop3A_1253 = tpu.memref_slice %arg11[%parallel_loop3A_858, %parallel_loop3A_1251, %parallel_loop3A_1252] : memref<4x8x2048xf32, #tpu.memory_space<vmem>> -> memref<1x8x2048xf32, #tpu.memory_space<vmem>>
      %parallel_loop3A_1254 = tpu.memref_squeeze %parallel_loop3A_1253 : memref<1x8x2048xf32, #tpu.memory_space<vmem>> -> memref<8x2048xf32, #tpu.memory_space<vmem>>
      %parallel_loop3A_1255 = arith.index_cast %parallel_loop3A_1239 : i32 to index
      %parallel_loop3A_1256 = arith.index_cast %parallel_loop3A_1243 : i32 to index
      %parallel_loop3A_1257 = tpu.vector_load %parallel_loop3A_1254[%parallel_loop3A_1255, %parallel_loop3A_1256] {strides = array<i32>} : memref<8x2048xf32, #tpu.memory_space<vmem>>, vector<16xf32>,
      tpu.vector_store %parallel_loop3A_1254[%parallel_loop3A_1255, %parallel_loop3A_1256], %parallel_loop3A_1250 {add = true, strides = array<i32>} : memref<8x2048xf32, #tpu.memory_space<vmem>>, vector<16xf32>,
    } {sc.loop_unroll_factor = 16 : i64, sc.parallel_access}
    %mul3A_859 = arith.constant 128 : i32
    %mul3A_860 = arith.muli %add3A, %mul3A_859 : i32
    %add3A_861 = arith.constant 80 : i32
    %add3A_862 = arith.addi %mul3A_860, %add3A_861 : i32
    %dma_start3A_863 = arith.constant 2 : i32
    %dma_start3A_864 = arith.constant 0 : i32
    %dma_start3A_865 = arith.constant 0 : i32
    %dma_start3A_866 = tpu.memref_slice %arg11[%dma_start3A_863, %dma_start3A_864, %dma_start3A_865] : memref<4x8x2048xf32, #tpu.memory_space<vmem>> -> memref<1x8x2048xf32, #tpu.memory_space<vmem>>
    %dma_start3A_867 = tpu.memref_squeeze %dma_start3A_866 : memref<1x8x2048xf32, #tpu.memory_space<vmem>> -> memref<8x2048xf32, #tpu.memory_space<vmem>>
    %dma_start3A_868 = arith.constant 0 : i32
    %dma_start3A_869 = tpu.memref_slice %arg4[%add3A_862, %dma_start3A_868] : memref<4096x2048xf32, #tpu.memory_space<hbm>> -> memref<8x2048xf32, #tpu.memory_space<hbm>>
    %dma_start3A_870 = arith.constant 0 : i32
    %dma_start3A_871 = tpu.memref_slice %arg4[%add3A_862, %dma_start3A_870] : memref<4096x2048xf32, #tpu.memory_space<hbm>> -> memref<8x2048xf32, #tpu.memory_space<hbm>>
    %dma_start3A_872 = arith.constant 0 : i32
    %dma_start3A_873 = arith.constant 0 : i32
    %dma_start3A_874 = tpu.memref_slice %arg11[%dma_start3A_863, %dma_start3A_872, %dma_start3A_873] : memref<4x8x2048xf32, #tpu.memory_space<vmem>> -> memref<1x8x2048xf32, #tpu.memory_space<vmem>>
    %dma_start3A_875 = tpu.memref_squeeze %dma_start3A_874 : memref<1x8x2048xf32, #tpu.memory_space<vmem>> -> memref<8x2048xf32, #tpu.memory_space<vmem>>
    tpu.enqueue_dma source(%dma_start3A_875 : memref<8x2048xf32, #tpu.memory_space<vmem>>) target(%dma_start3A_871 : memref<8x2048xf32, #tpu.memory_space<hbm>>) target_semaphore(%arg22 : memref<!tpu.dma_semaphore, #tpu.memory_space<semaphore_mem>>)
    %dma_start3A_876 = arith.constant 1 : i32
    %dma_start3A_877 = arith.constant 0 : i32
    %dma_start3A_878 = arith.constant 0 : i32
    %dma_start3A_879 = tpu.memref_slice %arg12[%dma_start3A_876, %dma_start3A_877, %dma_start3A_878] : memref<3x8x2048xf32, #tpu.memory_space<vmem>> -> memref<1x8x2048xf32, #tpu.memory_space<vmem>>
    %dma_start3A_880 = tpu.memref_squeeze %dma_start3A_879 : memref<1x8x2048xf32, #tpu.memory_space<vmem>> -> memref<8x2048xf32, #tpu.memory_space<vmem>>
    %dma_start3A_881 = arith.constant 104 : i32
    %dma_start3A_882 = tpu.memref_slice %arg10[%dma_start3A_881] : memref<128xi32, #tpu.memory_space<vmem>> -> memref<8xi32, #tpu.memory_space<vmem>>
    %dma_start3A_883 = arith.constant 0 : i32
    %dma_start3A_884 = arith.constant 0 : i32
    %dma_start3A_885 = tpu.memref_slice %arg2[%dma_start3A_883, %dma_start3A_884] : memref<8192x2048xf32, #tpu.memory_space<hbm>> -> memref<8192x2048xf32, #tpu.memory_space<hbm>>
    tpu.enqueue_indirect_dma source(%dma_start3A_885 : memref<8192x2048xf32, #tpu.memory_space<hbm>>) target(%dma_start3A_880 : memref<8x2048xf32, #tpu.memory_space<vmem>>) offsets(%dma_start3A_882 : memref<8xi32, #tpu.memory_space<vmem>>) semaphore(%arg18 : memref<!tpu.dma_semaphore, #tpu.memory_space<semaphore_mem>>)
    %dma_wait3A_886 = arith.constant 1 : i32
    %dma_wait3A_887 = arith.constant 0 : i32
    %dma_wait3A_888 = arith.constant 0 : i32
    %dma_wait3A_889 = tpu.memref_slice %arg11[%dma_wait3A_886, %dma_wait3A_887, %dma_wait3A_888] : memref<4x8x2048xf32, #tpu.memory_space<vmem>> -> memref<1x8x2048xf32, #tpu.memory_space<vmem>>
    %dma_wait3A_890 = tpu.memref_squeeze %dma_wait3A_889 : memref<1x8x2048xf32, #tpu.memory_space<vmem>> -> memref<8x2048xf32, #tpu.memory_space<vmem>>
    %dma_wait3A_891 = arith.constant 0 : i32
    %dma_wait3A_892 = tpu.memref_slice %arg4[%add3A_787, %dma_wait3A_891] : memref<4096x2048xf32, #tpu.memory_space<hbm>> -> memref<8x2048xf32, #tpu.memory_space<hbm>>
    %dma_wait3A_893 = arith.constant 0 : i32
    %dma_wait3A_894 = tpu.memref_slice %arg4[%add3A_787, %dma_wait3A_893] : memref<4096x2048xf32, #tpu.memory_space<hbm>> -> memref<8x2048xf32, #tpu.memory_space<hbm>>
    %dma_wait3A_895 = arith.constant 0 : i32
    %dma_wait3A_896 = arith.constant 0 : i32
    %dma_wait3A_897 = tpu.memref_slice %arg11[%dma_wait3A_886, %dma_wait3A_895, %dma_wait3A_896] : memref<4x8x2048xf32, #tpu.memory_space<vmem>> -> memref<1x8x2048xf32, #tpu.memory_space<vmem>>
    %dma_wait3A_898 = tpu.memref_squeeze %dma_wait3A_897 : memref<1x8x2048xf32, #tpu.memory_space<vmem>> -> memref<8x2048xf32, #tpu.memory_space<vmem>>
    tpu.wait_dma2 semaphore(%arg21 : memref<!tpu.dma_semaphore, #tpu.memory_space<semaphore_mem>>) src(%dma_wait3A_898 : memref<8x2048xf32, #tpu.memory_space<vmem>>) dst(%dma_wait3A_894 : memref<8x2048xf32, #tpu.memory_space<hbm>>)
    %dma_start3A_899 = arith.constant 1 : i32
    %dma_start3A_900 = arith.constant 0 : i32
    %dma_start3A_901 = arith.constant 0 : i32
    %dma_start3A_902 = tpu.memref_slice %arg11[%dma_start3A_899, %dma_start3A_900, %dma_start3A_901] : memref<4x8x2048xf32, #tpu.memory_space<vmem>> -> memref<1x8x2048xf32, #tpu.memory_space<vmem>>
    %dma_start3A_903 = tpu.memref_squeeze %dma_start3A_902 : memref<1x8x2048xf32, #tpu.memory_space<vmem>> -> memref<8x2048xf32, #tpu.memory_space<vmem>>
    %dma_start3A_904 = arith.constant 104 : i32
    %dma_start3A_905 = tpu.memref_slice %arg9[%dma_start3A_904] : memref<128xi32, #tpu.memory_space<vmem>> -> memref<8xi32, #tpu.memory_space<vmem>>
    %dma_start3A_906 = arith.constant 0 : i32
    %dma_start3A_907 = arith.constant 0 : i32
    %dma_start3A_908 = tpu.memref_slice %arg2[%dma_start3A_906, %dma_start3A_907] : memref<8192x2048xf32, #tpu.memory_space<hbm>> -> memref<8192x2048xf32, #tpu.memory_space<hbm>>
    tpu.enqueue_indirect_dma source(%dma_start3A_908 : memref<8192x2048xf32, #tpu.memory_space<hbm>>) target(%dma_start3A_903 : memref<8x2048xf32, #tpu.memory_space<vmem>>) offsets(%dma_start3A_905 : memref<8xi32, #tpu.memory_space<vmem>>) semaphore(%arg14 : memref<!tpu.dma_semaphore, #tpu.memory_space<semaphore_mem>>)
    %dma_wait3A_909 = arith.constant 3 : i32
    %dma_wait3A_910 = arith.constant 0 : i32
    %dma_wait3A_911 = arith.constant 0 : i32
    %dma_wait3A_912 = tpu.memref_slice %arg11[%dma_wait3A_909, %dma_wait3A_910, %dma_wait3A_911] : memref<4x8x2048xf32, #tpu.memory_space<vmem>> -> memref<1x8x2048xf32, #tpu.memory_space<vmem>>
    %dma_wait3A_913 = tpu.memref_squeeze %dma_wait3A_912 : memref<1x8x2048xf32, #tpu.memory_space<vmem>> -> memref<8x2048xf32, #tpu.memory_space<vmem>>
    %dma_wait3A_914 = arith.constant 88 : i32
    %dma_wait3A_915 = tpu.memref_slice %arg9[%dma_wait3A_914] : memref<128xi32, #tpu.memory_space<vmem>> -> memref<8xi32, #tpu.memory_space<vmem>>
    %dma_wait3A_916 = arith.constant 0 : i32
    %dma_wait3A_917 = arith.constant 0 : i32
    %dma_wait3A_918 = tpu.memref_slice %arg2[%dma_wait3A_916, %dma_wait3A_917] : memref<8192x2048xf32, #tpu.memory_space<hbm>> -> memref<8192x2048xf32, #tpu.memory_space<hbm>>
    tpu.wait_indirect_dma semaphore(%arg16 : memref<!tpu.dma_semaphore, #tpu.memory_space<semaphore_mem>>) src(%dma_wait3A_918 : memref<8192x2048xf32, #tpu.memory_space<hbm>>) dst(%dma_wait3A_913 : memref<8x2048xf32, #tpu.memory_space<vmem>>)
    %dma_wait3A_919 = arith.constant 2 : i32
    %dma_wait3A_920 = arith.constant 0 : i32
    %dma_wait3A_921 = arith.constant 0 : i32
    %dma_wait3A_922 = tpu.memref_slice %arg12[%dma_wait3A_919, %dma_wait3A_920, %dma_wait3A_921] : memref<3x8x2048xf32, #tpu.memory_space<vmem>> -> memref<1x8x2048xf32, #tpu.memory_space<vmem>>
    %dma_wait3A_923 = tpu.memref_squeeze %dma_wait3A_922 : memref<1x8x2048xf32, #tpu.memory_space<vmem>> -> memref<8x2048xf32, #tpu.memory_space<vmem>>
    %dma_wait3A_924 = arith.constant 88 : i32
    %dma_wait3A_925 = tpu.memref_slice %arg10[%dma_wait3A_924] : memref<128xi32, #tpu.memory_space<vmem>> -> memref<8xi32, #tpu.memory_space<vmem>>
    %dma_wait3A_926 = arith.constant 0 : i32
    %dma_wait3A_927 = arith.constant 0 : i32
    %dma_wait3A_928 = tpu.memref_slice %arg2[%dma_wait3A_926, %dma_wait3A_927] : memref<8192x2048xf32, #tpu.memory_space<hbm>> -> memref<8192x2048xf32, #tpu.memory_space<hbm>>
    tpu.wait_indirect_dma semaphore(%arg19 : memref<!tpu.dma_semaphore, #tpu.memory_space<semaphore_mem>>) src(%dma_wait3A_928 : memref<8192x2048xf32, #tpu.memory_space<hbm>>) dst(%dma_wait3A_923 : memref<8x2048xf32, #tpu.memory_space<vmem>>)
    %parallel_loop3A_929 = arith.constant 0 : i32
    %parallel_loop3A_930 = arith.constant 1024 : i32
    %parallel_loop3A_931 = arith.constant 1 : i32
    %parallel_loop3A_932 = arith.constant 2 : i32
    %parallel_loop3A_933 = arith.constant 3 : i32
    scf.for %parallel_loop3A_1237 = %parallel_loop3A_929 to %parallel_loop3A_930 step %parallel_loop3A_931  : i32 {
      %parallel_loop3A_1238 = arith.constant 7 : i32
      %parallel_loop3A_1239 = arith.shrsi %parallel_loop3A_1237, %parallel_loop3A_1238 : i32
      %parallel_loop3A_1240 = arith.constant 127 : i32
      %parallel_loop3A_1241 = arith.andi %parallel_loop3A_1237, %parallel_loop3A_1240 : i32
      %parallel_loop3A_1242 = arith.constant 16 : i32
      %parallel_loop3A_1243 = arith.muli %parallel_loop3A_1241, %parallel_loop3A_1242 : i32
      %parallel_loop3A_1244 = arith.constant 0 : i32
      %parallel_loop3A_1245 = arith.constant 0 : i32
      %parallel_loop3A_1246 = tpu.memref_slice %arg12[%parallel_loop3A_932, %parallel_loop3A_1244, %parallel_loop3A_1245] : memref<3x8x2048xf32, #tpu.memory_space<vmem>> -> memref<1x8x2048xf32, #tpu.memory_space<vmem>>
      %parallel_loop3A_1247 = tpu.memref_squeeze %parallel_loop3A_1246 : memref<1x8x2048xf32, #tpu.memory_space<vmem>> -> memref<8x2048xf32, #tpu.memory_space<vmem>>
      %parallel_loop3A_1248 = arith.index_cast %parallel_loop3A_1239 : i32 to index
      %parallel_loop3A_1249 = arith.index_cast %parallel_loop3A_1243 : i32 to index
      %parallel_loop3A_1250 = tpu.vector_load %parallel_loop3A_1247[%parallel_loop3A_1248, %parallel_loop3A_1249] {strides = array<i32>} : memref<8x2048xf32, #tpu.memory_space<vmem>>, vector<16xf32>,
      %parallel_loop3A_1251 = arith.constant 0 : i32
      %parallel_loop3A_1252 = arith.constant 0 : i32
      %parallel_loop3A_1253 = tpu.memref_slice %arg11[%parallel_loop3A_933, %parallel_loop3A_1251, %parallel_loop3A_1252] : memref<4x8x2048xf32, #tpu.memory_space<vmem>> -> memref<1x8x2048xf32, #tpu.memory_space<vmem>>
      %parallel_loop3A_1254 = tpu.memref_squeeze %parallel_loop3A_1253 : memref<1x8x2048xf32, #tpu.memory_space<vmem>> -> memref<8x2048xf32, #tpu.memory_space<vmem>>
      %parallel_loop3A_1255 = arith.index_cast %parallel_loop3A_1239 : i32 to index
      %parallel_loop3A_1256 = arith.index_cast %parallel_loop3A_1243 : i32 to index
      %parallel_loop3A_1257 = tpu.vector_load %parallel_loop3A_1254[%parallel_loop3A_1255, %parallel_loop3A_1256] {strides = array<i32>} : memref<8x2048xf32, #tpu.memory_space<vmem>>, vector<16xf32>,
      tpu.vector_store %parallel_loop3A_1254[%parallel_loop3A_1255, %parallel_loop3A_1256], %parallel_loop3A_1250 {add = true, strides = array<i32>} : memref<8x2048xf32, #tpu.memory_space<vmem>>, vector<16xf32>,
    } {sc.loop_unroll_factor = 16 : i64, sc.parallel_access}
    %mul3A_934 = arith.constant 128 : i32
    %mul3A_935 = arith.muli %add3A, %mul3A_934 : i32
    %add3A_936 = arith.constant 88 : i32
    %add3A_937 = arith.addi %mul3A_935, %add3A_936 : i32
    %dma_start3A_938 = arith.constant 3 : i32
    %dma_start3A_939 = arith.constant 0 : i32
    %dma_start3A_940 = arith.constant 0 : i32
    %dma_start3A_941 = tpu.memref_slice %arg11[%dma_start3A_938, %dma_start3A_939, %dma_start3A_940] : memref<4x8x2048xf32, #tpu.memory_space<vmem>> -> memref<1x8x2048xf32, #tpu.memory_space<vmem>>
    %dma_start3A_942 = tpu.memref_squeeze %dma_start3A_941 : memref<1x8x2048xf32, #tpu.memory_space<vmem>> -> memref<8x2048xf32, #tpu.memory_space<vmem>>
    %dma_start3A_943 = arith.constant 0 : i32
    %dma_start3A_944 = tpu.memref_slice %arg4[%add3A_937, %dma_start3A_943] : memref<4096x2048xf32, #tpu.memory_space<hbm>> -> memref<8x2048xf32, #tpu.memory_space<hbm>>
    %dma_start3A_945 = arith.constant 0 : i32
    %dma_start3A_946 = tpu.memref_slice %arg4[%add3A_937, %dma_start3A_945] : memref<4096x2048xf32, #tpu.memory_space<hbm>> -> memref<8x2048xf32, #tpu.memory_space<hbm>>
    %dma_start3A_947 = arith.constant 0 : i32
    %dma_start3A_948 = arith.constant 0 : i32
    %dma_start3A_949 = tpu.memref_slice %arg11[%dma_start3A_938, %dma_start3A_947, %dma_start3A_948] : memref<4x8x2048xf32, #tpu.memory_space<vmem>> -> memref<1x8x2048xf32, #tpu.memory_space<vmem>>
    %dma_start3A_950 = tpu.memref_squeeze %dma_start3A_949 : memref<1x8x2048xf32, #tpu.memory_space<vmem>> -> memref<8x2048xf32, #tpu.memory_space<vmem>>
    tpu.enqueue_dma source(%dma_start3A_950 : memref<8x2048xf32, #tpu.memory_space<vmem>>) target(%dma_start3A_946 : memref<8x2048xf32, #tpu.memory_space<hbm>>) target_semaphore(%arg23 : memref<!tpu.dma_semaphore, #tpu.memory_space<semaphore_mem>>)
    %dma_start3A_951 = arith.constant 2 : i32
    %dma_start3A_952 = arith.constant 0 : i32
    %dma_start3A_953 = arith.constant 0 : i32
    %dma_start3A_954 = tpu.memref_slice %arg12[%dma_start3A_951, %dma_start3A_952, %dma_start3A_953] : memref<3x8x2048xf32, #tpu.memory_space<vmem>> -> memref<1x8x2048xf32, #tpu.memory_space<vmem>>
    %dma_start3A_955 = tpu.memref_squeeze %dma_start3A_954 : memref<1x8x2048xf32, #tpu.memory_space<vmem>> -> memref<8x2048xf32, #tpu.memory_space<vmem>>
    %dma_start3A_956 = arith.constant 112 : i32
    %dma_start3A_957 = tpu.memref_slice %arg10[%dma_start3A_956] : memref<128xi32, #tpu.memory_space<vmem>> -> memref<8xi32, #tpu.memory_space<vmem>>
    %dma_start3A_958 = arith.constant 0 : i32
    %dma_start3A_959 = arith.constant 0 : i32
    %dma_start3A_960 = tpu.memref_slice %arg2[%dma_start3A_958, %dma_start3A_959] : memref<8192x2048xf32, #tpu.memory_space<hbm>> -> memref<8192x2048xf32, #tpu.memory_space<hbm>>
    tpu.enqueue_indirect_dma source(%dma_start3A_960 : memref<8192x2048xf32, #tpu.memory_space<hbm>>) target(%dma_start3A_955 : memref<8x2048xf32, #tpu.memory_space<vmem>>) offsets(%dma_start3A_957 : memref<8xi32, #tpu.memory_space<vmem>>) semaphore(%arg19 : memref<!tpu.dma_semaphore, #tpu.memory_space<semaphore_mem>>)
    %dma_wait3A_961 = arith.constant 2 : i32
    %dma_wait3A_962 = arith.constant 0 : i32
    %dma_wait3A_963 = arith.constant 0 : i32
    %dma_wait3A_964 = tpu.memref_slice %arg11[%dma_wait3A_961, %dma_wait3A_962, %dma_wait3A_963] : memref<4x8x2048xf32, #tpu.memory_space<vmem>> -> memref<1x8x2048xf32, #tpu.memory_space<vmem>>
    %dma_wait3A_965 = tpu.memref_squeeze %dma_wait3A_964 : memref<1x8x2048xf32, #tpu.memory_space<vmem>> -> memref<8x2048xf32, #tpu.memory_space<vmem>>
    %dma_wait3A_966 = arith.constant 0 : i32
    %dma_wait3A_967 = tpu.memref_slice %arg4[%add3A_862, %dma_wait3A_966] : memref<4096x2048xf32, #tpu.memory_space<hbm>> -> memref<8x2048xf32, #tpu.memory_space<hbm>>
    %dma_wait3A_968 = arith.constant 0 : i32
    %dma_wait3A_969 = tpu.memref_slice %arg4[%add3A_862, %dma_wait3A_968] : memref<4096x2048xf32, #tpu.memory_space<hbm>> -> memref<8x2048xf32, #tpu.memory_space<hbm>>
    %dma_wait3A_970 = arith.constant 0 : i32
    %dma_wait3A_971 = arith.constant 0 : i32
    %dma_wait3A_972 = tpu.memref_slice %arg11[%dma_wait3A_961, %dma_wait3A_970, %dma_wait3A_971] : memref<4x8x2048xf32, #tpu.memory_space<vmem>> -> memref<1x8x2048xf32, #tpu.memory_space<vmem>>
    %dma_wait3A_973 = tpu.memref_squeeze %dma_wait3A_972 : memref<1x8x2048xf32, #tpu.memory_space<vmem>> -> memref<8x2048xf32, #tpu.memory_space<vmem>>
    tpu.wait_dma2 semaphore(%arg22 : memref<!tpu.dma_semaphore, #tpu.memory_space<semaphore_mem>>) src(%dma_wait3A_973 : memref<8x2048xf32, #tpu.memory_space<vmem>>) dst(%dma_wait3A_969 : memref<8x2048xf32, #tpu.memory_space<hbm>>)
    %dma_start3A_974 = arith.constant 2 : i32
    %dma_start3A_975 = arith.constant 0 : i32
    %dma_start3A_976 = arith.constant 0 : i32
    %dma_start3A_977 = tpu.memref_slice %arg11[%dma_start3A_974, %dma_start3A_975, %dma_start3A_976] : memref<4x8x2048xf32, #tpu.memory_space<vmem>> -> memref<1x8x2048xf32, #tpu.memory_space<vmem>>
    %dma_start3A_978 = tpu.memref_squeeze %dma_start3A_977 : memref<1x8x2048xf32, #tpu.memory_space<vmem>> -> memref<8x2048xf32, #tpu.memory_space<vmem>>
    %dma_start3A_979 = arith.constant 112 : i32
    %dma_start3A_980 = tpu.memref_slice %arg9[%dma_start3A_979] : memref<128xi32, #tpu.memory_space<vmem>> -> memref<8xi32, #tpu.memory_space<vmem>>
    %dma_start3A_981 = arith.constant 0 : i32
    %dma_start3A_982 = arith.constant 0 : i32
    %dma_start3A_983 = tpu.memref_slice %arg2[%dma_start3A_981, %dma_start3A_982] : memref<8192x2048xf32, #tpu.memory_space<hbm>> -> memref<8192x2048xf32, #tpu.memory_space<hbm>>
    tpu.enqueue_indirect_dma source(%dma_start3A_983 : memref<8192x2048xf32, #tpu.memory_space<hbm>>) target(%dma_start3A_978 : memref<8x2048xf32, #tpu.memory_space<vmem>>) offsets(%dma_start3A_980 : memref<8xi32, #tpu.memory_space<vmem>>) semaphore(%arg15 : memref<!tpu.dma_semaphore, #tpu.memory_space<semaphore_mem>>)
    %dma_wait3A_984 = arith.constant 0 : i32
    %dma_wait3A_985 = arith.constant 0 : i32
    %dma_wait3A_986 = arith.constant 0 : i32
    %dma_wait3A_987 = tpu.memref_slice %arg11[%dma_wait3A_984, %dma_wait3A_985, %dma_wait3A_986] : memref<4x8x2048xf32, #tpu.memory_space<vmem>> -> memref<1x8x2048xf32, #tpu.memory_space<vmem>>
    %dma_wait3A_988 = tpu.memref_squeeze %dma_wait3A_987 : memref<1x8x2048xf32, #tpu.memory_space<vmem>> -> memref<8x2048xf32, #tpu.memory_space<vmem>>
    %dma_wait3A_989 = arith.constant 96 : i32
    %dma_wait3A_990 = tpu.memref_slice %arg9[%dma_wait3A_989] : memref<128xi32, #tpu.memory_space<vmem>> -> memref<8xi32, #tpu.memory_space<vmem>>
    %dma_wait3A_991 = arith.constant 0 : i32
    %dma_wait3A_992 = arith.constant 0 : i32
    %dma_wait3A_993 = tpu.memref_slice %arg2[%dma_wait3A_991, %dma_wait3A_992] : memref<8192x2048xf32, #tpu.memory_space<hbm>> -> memref<8192x2048xf32, #tpu.memory_space<hbm>>
    tpu.wait_indirect_dma semaphore(%arg13 : memref<!tpu.dma_semaphore, #tpu.memory_space<semaphore_mem>>) src(%dma_wait3A_993 : memref<8192x2048xf32, #tpu.memory_space<hbm>>) dst(%dma_wait3A_988 : memref<8x2048xf32, #tpu.memory_space<vmem>>)
    %dma_wait3A_994 = arith.constant 0 : i32
    %dma_wait3A_995 = arith.constant 0 : i32
    %dma_wait3A_996 = arith.constant 0 : i32
    %dma_wait3A_997 = tpu.memref_slice %arg12[%dma_wait3A_994, %dma_wait3A_995, %dma_wait3A_996] : memref<3x8x2048xf32, #tpu.memory_space<vmem>> -> memref<1x8x2048xf32, #tpu.memory_space<vmem>>
    %dma_wait3A_998 = tpu.memref_squeeze %dma_wait3A_997 : memref<1x8x2048xf32, #tpu.memory_space<vmem>> -> memref<8x2048xf32, #tpu.memory_space<vmem>>
    %dma_wait3A_999 = arith.constant 96 : i32
    %dma_wait3A_1000 = tpu.memref_slice %arg10[%dma_wait3A_999] : memref<128xi32, #tpu.memory_space<vmem>> -> memref<8xi32, #tpu.memory_space<vmem>>
    %dma_wait3A_1001 = arith.constant 0 : i32
    %dma_wait3A_1002 = arith.constant 0 : i32
    %dma_wait3A_1003 = tpu.memref_slice %arg2[%dma_wait3A_1001, %dma_wait3A_1002] : memref<8192x2048xf32, #tpu.memory_space<hbm>> -> memref<8192x2048xf32, #tpu.memory_space<hbm>>
    tpu.wait_indirect_dma semaphore(%arg17 : memref<!tpu.dma_semaphore, #tpu.memory_space<semaphore_mem>>) src(%dma_wait3A_1003 : memref<8192x2048xf32, #tpu.memory_space<hbm>>) dst(%dma_wait3A_998 : memref<8x2048xf32, #tpu.memory_space<vmem>>)
    %parallel_loop3A_1004 = arith.constant 0 : i32
    %parallel_loop3A_1005 = arith.constant 1024 : i32
    %parallel_loop3A_1006 = arith.constant 1 : i32
    %parallel_loop3A_1007 = arith.constant 0 : i32
    %parallel_loop3A_1008 = arith.constant 0 : i32
    scf.for %parallel_loop3A_1237 = %parallel_loop3A_1004 to %parallel_loop3A_1005 step %parallel_loop3A_1006  : i32 {
      %parallel_loop3A_1238 = arith.constant 7 : i32
      %parallel_loop3A_1239 = arith.shrsi %parallel_loop3A_1237, %parallel_loop3A_1238 : i32
      %parallel_loop3A_1240 = arith.constant 127 : i32
      %parallel_loop3A_1241 = arith.andi %parallel_loop3A_1237, %parallel_loop3A_1240 : i32
      %parallel_loop3A_1242 = arith.constant 16 : i32
      %parallel_loop3A_1243 = arith.muli %parallel_loop3A_1241, %parallel_loop3A_1242 : i32
      %parallel_loop3A_1244 = arith.constant 0 : i32
      %parallel_loop3A_1245 = arith.constant 0 : i32
      %parallel_loop3A_1246 = tpu.memref_slice %arg12[%parallel_loop3A_1007, %parallel_loop3A_1244, %parallel_loop3A_1245] : memref<3x8x2048xf32, #tpu.memory_space<vmem>> -> memref<1x8x2048xf32, #tpu.memory_space<vmem>>
      %parallel_loop3A_1247 = tpu.memref_squeeze %parallel_loop3A_1246 : memref<1x8x2048xf32, #tpu.memory_space<vmem>> -> memref<8x2048xf32, #tpu.memory_space<vmem>>
      %parallel_loop3A_1248 = arith.index_cast %parallel_loop3A_1239 : i32 to index
      %parallel_loop3A_1249 = arith.index_cast %parallel_loop3A_1243 : i32 to index
      %parallel_loop3A_1250 = tpu.vector_load %parallel_loop3A_1247[%parallel_loop3A_1248, %parallel_loop3A_1249] {strides = array<i32>} : memref<8x2048xf32, #tpu.memory_space<vmem>>, vector<16xf32>,
      %parallel_loop3A_1251 = arith.constant 0 : i32
      %parallel_loop3A_1252 = arith.constant 0 : i32
      %parallel_loop3A_1253 = tpu.memref_slice %arg11[%parallel_loop3A_1008, %parallel_loop3A_1251, %parallel_loop3A_1252] : memref<4x8x2048xf32, #tpu.memory_space<vmem>> -> memref<1x8x2048xf32, #tpu.memory_space<vmem>>
      %parallel_loop3A_1254 = tpu.memref_squeeze %parallel_loop3A_1253 : memref<1x8x2048xf32, #tpu.memory_space<vmem>> -> memref<8x2048xf32, #tpu.memory_space<vmem>>
      %parallel_loop3A_1255 = arith.index_cast %parallel_loop3A_1239 : i32 to index
      %parallel_loop3A_1256 = arith.index_cast %parallel_loop3A_1243 : i32 to index
      %parallel_loop3A_1257 = tpu.vector_load %parallel_loop3A_1254[%parallel_loop3A_1255, %parallel_loop3A_1256] {strides = array<i32>} : memref<8x2048xf32, #tpu.memory_space<vmem>>, vector<16xf32>,
      tpu.vector_store %parallel_loop3A_1254[%parallel_loop3A_1255, %parallel_loop3A_1256], %parallel_loop3A_1250 {add = true, strides = array<i32>} : memref<8x2048xf32, #tpu.memory_space<vmem>>, vector<16xf32>,
    } {sc.loop_unroll_factor = 16 : i64, sc.parallel_access}
    %mul3A_1009 = arith.constant 128 : i32
    %mul3A_1010 = arith.muli %add3A, %mul3A_1009 : i32
    %add3A_1011 = arith.constant 96 : i32
    %add3A_1012 = arith.addi %mul3A_1010, %add3A_1011 : i32
    %dma_start3A_1013 = arith.constant 0 : i32
    %dma_start3A_1014 = arith.constant 0 : i32
    %dma_start3A_1015 = arith.constant 0 : i32
    %dma_start3A_1016 = tpu.memref_slice %arg11[%dma_start3A_1013, %dma_start3A_1014, %dma_start3A_1015] : memref<4x8x2048xf32, #tpu.memory_space<vmem>> -> memref<1x8x2048xf32, #tpu.memory_space<vmem>>
    %dma_start3A_1017 = tpu.memref_squeeze %dma_start3A_1016 : memref<1x8x2048xf32, #tpu.memory_space<vmem>> -> memref<8x2048xf32, #tpu.memory_space<vmem>>
    %dma_start3A_1018 = arith.constant 0 : i32
    %dma_start3A_1019 = tpu.memref_slice %arg4[%add3A_1012, %dma_start3A_1018] : memref<4096x2048xf32, #tpu.memory_space<hbm>> -> memref<8x2048xf32, #tpu.memory_space<hbm>>
    %dma_start3A_1020 = arith.constant 0 : i32
    %dma_start3A_1021 = tpu.memref_slice %arg4[%add3A_1012, %dma_start3A_1020] : memref<4096x2048xf32, #tpu.memory_space<hbm>> -> memref<8x2048xf32, #tpu.memory_space<hbm>>
    %dma_start3A_1022 = arith.constant 0 : i32
    %dma_start3A_1023 = arith.constant 0 : i32
    %dma_start3A_1024 = tpu.memref_slice %arg11[%dma_start3A_1013, %dma_start3A_1022, %dma_start3A_1023] : memref<4x8x2048xf32, #tpu.memory_space<vmem>> -> memref<1x8x2048xf32, #tpu.memory_space<vmem>>
    %dma_start3A_1025 = tpu.memref_squeeze %dma_start3A_1024 : memref<1x8x2048xf32, #tpu.memory_space<vmem>> -> memref<8x2048xf32, #tpu.memory_space<vmem>>
    tpu.enqueue_dma source(%dma_start3A_1025 : memref<8x2048xf32, #tpu.memory_space<vmem>>) target(%dma_start3A_1021 : memref<8x2048xf32, #tpu.memory_space<hbm>>) target_semaphore(%arg20 : memref<!tpu.dma_semaphore, #tpu.memory_space<semaphore_mem>>)
    %dma_start3A_1026 = arith.constant 0 : i32
    %dma_start3A_1027 = arith.constant 0 : i32
    %dma_start3A_1028 = arith.constant 0 : i32
    %dma_start3A_1029 = tpu.memref_slice %arg12[%dma_start3A_1026, %dma_start3A_1027, %dma_start3A_1028] : memref<3x8x2048xf32, #tpu.memory_space<vmem>> -> memref<1x8x2048xf32, #tpu.memory_space<vmem>>
    %dma_start3A_1030 = tpu.memref_squeeze %dma_start3A_1029 : memref<1x8x2048xf32, #tpu.memory_space<vmem>> -> memref<8x2048xf32, #tpu.memory_space<vmem>>
    %dma_start3A_1031 = arith.constant 120 : i32
    %dma_start3A_1032 = tpu.memref_slice %arg10[%dma_start3A_1031] : memref<128xi32, #tpu.memory_space<vmem>> -> memref<8xi32, #tpu.memory_space<vmem>>
    %dma_start3A_1033 = arith.constant 0 : i32
    %dma_start3A_1034 = arith.constant 0 : i32
    %dma_start3A_1035 = tpu.memref_slice %arg2[%dma_start3A_1033, %dma_start3A_1034] : memref<8192x2048xf32, #tpu.memory_space<hbm>> -> memref<8192x2048xf32, #tpu.memory_space<hbm>>
    tpu.enqueue_indirect_dma source(%dma_start3A_1035 : memref<8192x2048xf32, #tpu.memory_space<hbm>>) target(%dma_start3A_1030 : memref<8x2048xf32, #tpu.memory_space<vmem>>) offsets(%dma_start3A_1032 : memref<8xi32, #tpu.memory_space<vmem>>) semaphore(%arg17 : memref<!tpu.dma_semaphore, #tpu.memory_space<semaphore_mem>>)
    %dma_wait3A_1036 = arith.constant 3 : i32
    %dma_wait3A_1037 = arith.constant 0 : i32
    %dma_wait3A_1038 = arith.constant 0 : i32
    %dma_wait3A_1039 = tpu.memref_slice %arg11[%dma_wait3A_1036, %dma_wait3A_1037, %dma_wait3A_1038] : memref<4x8x2048xf32, #tpu.memory_space<vmem>> -> memref<1x8x2048xf32, #tpu.memory_space<vmem>>
    %dma_wait3A_1040 = tpu.memref_squeeze %dma_wait3A_1039 : memref<1x8x2048xf32, #tpu.memory_space<vmem>> -> memref<8x2048xf32, #tpu.memory_space<vmem>>
    %dma_wait3A_1041 = arith.constant 0 : i32
    %dma_wait3A_1042 = tpu.memref_slice %arg4[%add3A_937, %dma_wait3A_1041] : memref<4096x2048xf32, #tpu.memory_space<hbm>> -> memref<8x2048xf32, #tpu.memory_space<hbm>>
    %dma_wait3A_1043 = arith.constant 0 : i32
    %dma_wait3A_1044 = tpu.memref_slice %arg4[%add3A_937, %dma_wait3A_1043] : memref<4096x2048xf32, #tpu.memory_space<hbm>> -> memref<8x2048xf32, #tpu.memory_space<hbm>>
    %dma_wait3A_1045 = arith.constant 0 : i32
    %dma_wait3A_1046 = arith.constant 0 : i32
    %dma_wait3A_1047 = tpu.memref_slice %arg11[%dma_wait3A_1036, %dma_wait3A_1045, %dma_wait3A_1046] : memref<4x8x2048xf32, #tpu.memory_space<vmem>> -> memref<1x8x2048xf32, #tpu.memory_space<vmem>>
    %dma_wait3A_1048 = tpu.memref_squeeze %dma_wait3A_1047 : memref<1x8x2048xf32, #tpu.memory_space<vmem>> -> memref<8x2048xf32, #tpu.memory_space<vmem>>
    tpu.wait_dma2 semaphore(%arg23 : memref<!tpu.dma_semaphore, #tpu.memory_space<semaphore_mem>>) src(%dma_wait3A_1048 : memref<8x2048xf32, #tpu.memory_space<vmem>>) dst(%dma_wait3A_1044 : memref<8x2048xf32, #tpu.memory_space<hbm>>)
    %dma_start3A_1049 = arith.constant 3 : i32
    %dma_start3A_1050 = arith.constant 0 : i32
    %dma_start3A_1051 = arith.constant 0 : i32
    %dma_start3A_1052 = tpu.memref_slice %arg11[%dma_start3A_1049, %dma_start3A_1050, %dma_start3A_1051] : memref<4x8x2048xf32, #tpu.memory_space<vmem>> -> memref<1x8x2048xf32, #tpu.memory_space<vmem>>
    %dma_start3A_1053 = tpu.memref_squeeze %dma_start3A_1052 : memref<1x8x2048xf32, #tpu.memory_space<vmem>> -> memref<8x2048xf32, #tpu.memory_space<vmem>>
    %dma_start3A_1054 = arith.constant 120 : i32
    %dma_start3A_1055 = tpu.memref_slice %arg9[%dma_start3A_1054] : memref<128xi32, #tpu.memory_space<vmem>> -> memref<8xi32, #tpu.memory_space<vmem>>
    %dma_start3A_1056 = arith.constant 0 : i32
    %dma_start3A_1057 = arith.constant 0 : i32
    %dma_start3A_1058 = tpu.memref_slice %arg2[%dma_start3A_1056, %dma_start3A_1057] : memref<8192x2048xf32, #tpu.memory_space<hbm>> -> memref<8192x2048xf32, #tpu.memory_space<hbm>>
    tpu.enqueue_indirect_dma source(%dma_start3A_1058 : memref<8192x2048xf32, #tpu.memory_space<hbm>>) target(%dma_start3A_1053 : memref<8x2048xf32, #tpu.memory_space<vmem>>) offsets(%dma_start3A_1055 : memref<8xi32, #tpu.memory_space<vmem>>) semaphore(%arg16 : memref<!tpu.dma_semaphore, #tpu.memory_space<semaphore_mem>>)
    %dma_wait3A_1059 = arith.constant 1 : i32
    %dma_wait3A_1060 = arith.constant 0 : i32
    %dma_wait3A_1061 = arith.constant 0 : i32
    %dma_wait3A_1062 = tpu.memref_slice %arg11[%dma_wait3A_1059, %dma_wait3A_1060, %dma_wait3A_1061] : memref<4x8x2048xf32, #tpu.memory_space<vmem>> -> memref<1x8x2048xf32, #tpu.memory_space<vmem>>
    %dma_wait3A_1063 = tpu.memref_squeeze %dma_wait3A_1062 : memref<1x8x2048xf32, #tpu.memory_space<vmem>> -> memref<8x2048xf32, #tpu.memory_space<vmem>>
    %dma_wait3A_1064 = arith.constant 104 : i32
    %dma_wait3A_1065 = tpu.memref_slice %arg9[%dma_wait3A_1064] : memref<128xi32, #tpu.memory_space<vmem>> -> memref<8xi32, #tpu.memory_space<vmem>>
    %dma_wait3A_1066 = arith.constant 0 : i32
    %dma_wait3A_1067 = arith.constant 0 : i32
    %dma_wait3A_1068 = tpu.memref_slice %arg2[%dma_wait3A_1066, %dma_wait3A_1067] : memref<8192x2048xf32, #tpu.memory_space<hbm>> -> memref<8192x2048xf32, #tpu.memory_space<hbm>>
    tpu.wait_indirect_dma semaphore(%arg14 : memref<!tpu.dma_semaphore, #tpu.memory_space<semaphore_mem>>) src(%dma_wait3A_1068 : memref<8192x2048xf32, #tpu.memory_space<hbm>>) dst(%dma_wait3A_1063 : memref<8x2048xf32, #tpu.memory_space<vmem>>)
    %dma_wait3A_1069 = arith.constant 1 : i32
    %dma_wait3A_1070 = arith.constant 0 : i32
    %dma_wait3A_1071 = arith.constant 0 : i32
    %dma_wait3A_1072 = tpu.memref_slice %arg12[%dma_wait3A_1069, %dma_wait3A_1070, %dma_wait3A_1071] : memref<3x8x2048xf32, #tpu.memory_space<vmem>> -> memref<1x8x2048xf32, #tpu.memory_space<vmem>>
    %dma_wait3A_1073 = tpu.memref_squeeze %dma_wait3A_1072 : memref<1x8x2048xf32, #tpu.memory_space<vmem>> -> memref<8x2048xf32, #tpu.memory_space<vmem>>
    %dma_wait3A_1074 = arith.constant 104 : i32
    %dma_wait3A_1075 = tpu.memref_slice %arg10[%dma_wait3A_1074] : memref<128xi32, #tpu.memory_space<vmem>> -> memref<8xi32, #tpu.memory_space<vmem>>
    %dma_wait3A_1076 = arith.constant 0 : i32
    %dma_wait3A_1077 = arith.constant 0 : i32
    %dma_wait3A_1078 = tpu.memref_slice %arg2[%dma_wait3A_1076, %dma_wait3A_1077] : memref<8192x2048xf32, #tpu.memory_space<hbm>> -> memref<8192x2048xf32, #tpu.memory_space<hbm>>
    tpu.wait_indirect_dma semaphore(%arg18 : memref<!tpu.dma_semaphore, #tpu.memory_space<semaphore_mem>>) src(%dma_wait3A_1078 : memref<8192x2048xf32, #tpu.memory_space<hbm>>) dst(%dma_wait3A_1073 : memref<8x2048xf32, #tpu.memory_space<vmem>>)
    %parallel_loop3A_1079 = arith.constant 0 : i32
    %parallel_loop3A_1080 = arith.constant 1024 : i32
    %parallel_loop3A_1081 = arith.constant 1 : i32
    %parallel_loop3A_1082 = arith.constant 1 : i32
    %parallel_loop3A_1083 = arith.constant 1 : i32
    scf.for %parallel_loop3A_1237 = %parallel_loop3A_1079 to %parallel_loop3A_1080 step %parallel_loop3A_1081  : i32 {
      %parallel_loop3A_1238 = arith.constant 7 : i32
      %parallel_loop3A_1239 = arith.shrsi %parallel_loop3A_1237, %parallel_loop3A_1238 : i32
      %parallel_loop3A_1240 = arith.constant 127 : i32
      %parallel_loop3A_1241 = arith.andi %parallel_loop3A_1237, %parallel_loop3A_1240 : i32
      %parallel_loop3A_1242 = arith.constant 16 : i32
      %parallel_loop3A_1243 = arith.muli %parallel_loop3A_1241, %parallel_loop3A_1242 : i32
      %parallel_loop3A_1244 = arith.constant 0 : i32
      %parallel_loop3A_1245 = arith.constant 0 : i32
      %parallel_loop3A_1246 = tpu.memref_slice %arg12[%parallel_loop3A_1082, %parallel_loop3A_1244, %parallel_loop3A_1245] : memref<3x8x2048xf32, #tpu.memory_space<vmem>> -> memref<1x8x2048xf32, #tpu.memory_space<vmem>>
      %parallel_loop3A_1247 = tpu.memref_squeeze %parallel_loop3A_1246 : memref<1x8x2048xf32, #tpu.memory_space<vmem>> -> memref<8x2048xf32, #tpu.memory_space<vmem>>
      %parallel_loop3A_1248 = arith.index_cast %parallel_loop3A_1239 : i32 to index
      %parallel_loop3A_1249 = arith.index_cast %parallel_loop3A_1243 : i32 to index
      %parallel_loop3A_1250 = tpu.vector_load %parallel_loop3A_1247[%parallel_loop3A_1248, %parallel_loop3A_1249] {strides = array<i32>} : memref<8x2048xf32, #tpu.memory_space<vmem>>, vector<16xf32>,
      %parallel_loop3A_1251 = arith.constant 0 : i32
      %parallel_loop3A_1252 = arith.constant 0 : i32
      %parallel_loop3A_1253 = tpu.memref_slice %arg11[%parallel_loop3A_1083, %parallel_loop3A_1251, %parallel_loop3A_1252] : memref<4x8x2048xf32, #tpu.memory_space<vmem>> -> memref<1x8x2048xf32, #tpu.memory_space<vmem>>
      %parallel_loop3A_1254 = tpu.memref_squeeze %parallel_loop3A_1253 : memref<1x8x2048xf32, #tpu.memory_space<vmem>> -> memref<8x2048xf32, #tpu.memory_space<vmem>>
      %parallel_loop3A_1255 = arith.index_cast %parallel_loop3A_1239 : i32 to index
      %parallel_loop3A_1256 = arith.index_cast %parallel_loop3A_1243 : i32 to index
      %parallel_loop3A_1257 = tpu.vector_load %parallel_loop3A_1254[%parallel_loop3A_1255, %parallel_loop3A_1256] {strides = array<i32>} : memref<8x2048xf32, #tpu.memory_space<vmem>>, vector<16xf32>,
      tpu.vector_store %parallel_loop3A_1254[%parallel_loop3A_1255, %parallel_loop3A_1256], %parallel_loop3A_1250 {add = true, strides = array<i32>} : memref<8x2048xf32, #tpu.memory_space<vmem>>, vector<16xf32>,
    } {sc.loop_unroll_factor = 16 : i64, sc.parallel_access}
    %mul3A_1084 = arith.constant 128 : i32
    %mul3A_1085 = arith.muli %add3A, %mul3A_1084 : i32
    %add3A_1086 = arith.constant 104 : i32
    %add3A_1087 = arith.addi %mul3A_1085, %add3A_1086 : i32
    %dma_start3A_1088 = arith.constant 1 : i32
    %dma_start3A_1089 = arith.constant 0 : i32
    %dma_start3A_1090 = arith.constant 0 : i32
    %dma_start3A_1091 = tpu.memref_slice %arg11[%dma_start3A_1088, %dma_start3A_1089, %dma_start3A_1090] : memref<4x8x2048xf32, #tpu.memory_space<vmem>> -> memref<1x8x2048xf32, #tpu.memory_space<vmem>>
    %dma_start3A_1092 = tpu.memref_squeeze %dma_start3A_1091 : memref<1x8x2048xf32, #tpu.memory_space<vmem>> -> memref<8x2048xf32, #tpu.memory_space<vmem>>
    %dma_start3A_1093 = arith.constant 0 : i32
    %dma_start3A_1094 = tpu.memref_slice %arg4[%add3A_1087, %dma_start3A_1093] : memref<4096x2048xf32, #tpu.memory_space<hbm>> -> memref<8x2048xf32, #tpu.memory_space<hbm>>
    %dma_start3A_1095 = arith.constant 0 : i32
    %dma_start3A_1096 = tpu.memref_slice %arg4[%add3A_1087, %dma_start3A_1095] : memref<4096x2048xf32, #tpu.memory_space<hbm>> -> memref<8x2048xf32, #tpu.memory_space<hbm>>
    %dma_start3A_1097 = arith.constant 0 : i32
    %dma_start3A_1098 = arith.constant 0 : i32
    %dma_start3A_1099 = tpu.memref_slice %arg11[%dma_start3A_1088, %dma_start3A_1097, %dma_start3A_1098] : memref<4x8x2048xf32, #tpu.memory_space<vmem>> -> memref<1x8x2048xf32, #tpu.memory_space<vmem>>
    %dma_start3A_1100 = tpu.memref_squeeze %dma_start3A_1099 : memref<1x8x2048xf32, #tpu.memory_space<vmem>> -> memref<8x2048xf32, #tpu.memory_space<vmem>>
    tpu.enqueue_dma source(%dma_start3A_1100 : memref<8x2048xf32, #tpu.memory_space<vmem>>) target(%dma_start3A_1096 : memref<8x2048xf32, #tpu.memory_space<hbm>>) target_semaphore(%arg21 : memref<!tpu.dma_semaphore, #tpu.memory_space<semaphore_mem>>)
    %dma_wait3A_1101 = arith.constant 2 : i32
    %dma_wait3A_1102 = arith.constant 0 : i32
    %dma_wait3A_1103 = arith.constant 0 : i32
    %dma_wait3A_1104 = tpu.memref_slice %arg11[%dma_wait3A_1101, %dma_wait3A_1102, %dma_wait3A_1103] : memref<4x8x2048xf32, #tpu.memory_space<vmem>> -> memref<1x8x2048xf32, #tpu.memory_space<vmem>>
    %dma_wait3A_1105 = tpu.memref_squeeze %dma_wait3A_1104 : memref<1x8x2048xf32, #tpu.memory_space<vmem>> -> memref<8x2048xf32, #tpu.memory_space<vmem>>
    %dma_wait3A_1106 = arith.constant 112 : i32
    %dma_wait3A_1107 = tpu.memref_slice %arg9[%dma_wait3A_1106] : memref<128xi32, #tpu.memory_space<vmem>> -> memref<8xi32, #tpu.memory_space<vmem>>
    %dma_wait3A_1108 = arith.constant 0 : i32
    %dma_wait3A_1109 = arith.constant 0 : i32
    %dma_wait3A_1110 = tpu.memref_slice %arg2[%dma_wait3A_1108, %dma_wait3A_1109] : memref<8192x2048xf32, #tpu.memory_space<hbm>> -> memref<8192x2048xf32, #tpu.memory_space<hbm>>
    tpu.wait_indirect_dma semaphore(%arg15 : memref<!tpu.dma_semaphore, #tpu.memory_space<semaphore_mem>>) src(%dma_wait3A_1110 : memref<8192x2048xf32, #tpu.memory_space<hbm>>) dst(%dma_wait3A_1105 : memref<8x2048xf32, #tpu.memory_space<vmem>>)
    %dma_wait3A_1111 = arith.constant 2 : i32
    %dma_wait3A_1112 = arith.constant 0 : i32
    %dma_wait3A_1113 = arith.constant 0 : i32
    %dma_wait3A_1114 = tpu.memref_slice %arg12[%dma_wait3A_1111, %dma_wait3A_1112, %dma_wait3A_1113] : memref<3x8x2048xf32, #tpu.memory_space<vmem>> -> memref<1x8x2048xf32, #tpu.memory_space<vmem>>
    %dma_wait3A_1115 = tpu.memref_squeeze %dma_wait3A_1114 : memref<1x8x2048xf32, #tpu.memory_space<vmem>> -> memref<8x2048xf32, #tpu.memory_space<vmem>>
    %dma_wait3A_1116 = arith.constant 112 : i32
    %dma_wait3A_1117 = tpu.memref_slice %arg10[%dma_wait3A_1116] : memref<128xi32, #tpu.memory_space<vmem>> -> memref<8xi32, #tpu.memory_space<vmem>>
    %dma_wait3A_1118 = arith.constant 0 : i32
    %dma_wait3A_1119 = arith.constant 0 : i32
    %dma_wait3A_1120 = tpu.memref_slice %arg2[%dma_wait3A_1118, %dma_wait3A_1119] : memref<8192x2048xf32, #tpu.memory_space<hbm>> -> memref<8192x2048xf32, #tpu.memory_space<hbm>>
    tpu.wait_indirect_dma semaphore(%arg19 : memref<!tpu.dma_semaphore, #tpu.memory_space<semaphore_mem>>) src(%dma_wait3A_1120 : memref<8192x2048xf32, #tpu.memory_space<hbm>>) dst(%dma_wait3A_1115 : memref<8x2048xf32, #tpu.memory_space<vmem>>)
    %parallel_loop3A_1121 = arith.constant 0 : i32
    %parallel_loop3A_1122 = arith.constant 1024 : i32
    %parallel_loop3A_1123 = arith.constant 1 : i32
    %parallel_loop3A_1124 = arith.constant 2 : i32
    %parallel_loop3A_1125 = arith.constant 2 : i32
    scf.for %parallel_loop3A_1237 = %parallel_loop3A_1121 to %parallel_loop3A_1122 step %parallel_loop3A_1123  : i32 {
      %parallel_loop3A_1238 = arith.constant 7 : i32
      %parallel_loop3A_1239 = arith.shrsi %parallel_loop3A_1237, %parallel_loop3A_1238 : i32
      %parallel_loop3A_1240 = arith.constant 127 : i32
      %parallel_loop3A_1241 = arith.andi %parallel_loop3A_1237, %parallel_loop3A_1240 : i32
      %parallel_loop3A_1242 = arith.constant 16 : i32
      %parallel_loop3A_1243 = arith.muli %parallel_loop3A_1241, %parallel_loop3A_1242 : i32
      %parallel_loop3A_1244 = arith.constant 0 : i32
      %parallel_loop3A_1245 = arith.constant 0 : i32
      %parallel_loop3A_1246 = tpu.memref_slice %arg12[%parallel_loop3A_1124, %parallel_loop3A_1244, %parallel_loop3A_1245] : memref<3x8x2048xf32, #tpu.memory_space<vmem>> -> memref<1x8x2048xf32, #tpu.memory_space<vmem>>
      %parallel_loop3A_1247 = tpu.memref_squeeze %parallel_loop3A_1246 : memref<1x8x2048xf32, #tpu.memory_space<vmem>> -> memref<8x2048xf32, #tpu.memory_space<vmem>>
      %parallel_loop3A_1248 = arith.index_cast %parallel_loop3A_1239 : i32 to index
      %parallel_loop3A_1249 = arith.index_cast %parallel_loop3A_1243 : i32 to index
      %parallel_loop3A_1250 = tpu.vector_load %parallel_loop3A_1247[%parallel_loop3A_1248, %parallel_loop3A_1249] {strides = array<i32>} : memref<8x2048xf32, #tpu.memory_space<vmem>>, vector<16xf32>,
      %parallel_loop3A_1251 = arith.constant 0 : i32
      %parallel_loop3A_1252 = arith.constant 0 : i32
      %parallel_loop3A_1253 = tpu.memref_slice %arg11[%parallel_loop3A_1125, %parallel_loop3A_1251, %parallel_loop3A_1252] : memref<4x8x2048xf32, #tpu.memory_space<vmem>> -> memref<1x8x2048xf32, #tpu.memory_space<vmem>>
      %parallel_loop3A_1254 = tpu.memref_squeeze %parallel_loop3A_1253 : memref<1x8x2048xf32, #tpu.memory_space<vmem>> -> memref<8x2048xf32, #tpu.memory_space<vmem>>
      %parallel_loop3A_1255 = arith.index_cast %parallel_loop3A_1239 : i32 to index
      %parallel_loop3A_1256 = arith.index_cast %parallel_loop3A_1243 : i32 to index
      %parallel_loop3A_1257 = tpu.vector_load %parallel_loop3A_1254[%parallel_loop3A_1255, %parallel_loop3A_1256] {strides = array<i32>} : memref<8x2048xf32, #tpu.memory_space<vmem>>, vector<16xf32>,
      tpu.vector_store %parallel_loop3A_1254[%parallel_loop3A_1255, %parallel_loop3A_1256], %parallel_loop3A_1250 {add = true, strides = array<i32>} : memref<8x2048xf32, #tpu.memory_space<vmem>>, vector<16xf32>,
    } {sc.loop_unroll_factor = 16 : i64, sc.parallel_access}
    %mul3A_1126 = arith.constant 128 : i32
    %mul3A_1127 = arith.muli %add3A, %mul3A_1126 : i32
    %add3A_1128 = arith.constant 112 : i32
    %add3A_1129 = arith.addi %mul3A_1127, %add3A_1128 : i32
    %dma_start3A_1130 = arith.constant 2 : i32
    %dma_start3A_1131 = arith.constant 0 : i32
    %dma_start3A_1132 = arith.constant 0 : i32
    %dma_start3A_1133 = tpu.memref_slice %arg11[%dma_start3A_1130, %dma_start3A_1131, %dma_start3A_1132] : memref<4x8x2048xf32, #tpu.memory_space<vmem>> -> memref<1x8x2048xf32, #tpu.memory_space<vmem>>
    %dma_start3A_1134 = tpu.memref_squeeze %dma_start3A_1133 : memref<1x8x2048xf32, #tpu.memory_space<vmem>> -> memref<8x2048xf32, #tpu.memory_space<vmem>>
    %dma_start3A_1135 = arith.constant 0 : i32
    %dma_start3A_1136 = tpu.memref_slice %arg4[%add3A_1129, %dma_start3A_1135] : memref<4096x2048xf32, #tpu.memory_space<hbm>> -> memref<8x2048xf32, #tpu.memory_space<hbm>>
    %dma_start3A_1137 = arith.constant 0 : i32
    %dma_start3A_1138 = tpu.memref_slice %arg4[%add3A_1129, %dma_start3A_1137] : memref<4096x2048xf32, #tpu.memory_space<hbm>> -> memref<8x2048xf32, #tpu.memory_space<hbm>>
    %dma_start3A_1139 = arith.constant 0 : i32
    %dma_start3A_1140 = arith.constant 0 : i32
    %dma_start3A_1141 = tpu.memref_slice %arg11[%dma_start3A_1130, %dma_start3A_1139, %dma_start3A_1140] : memref<4x8x2048xf32, #tpu.memory_space<vmem>> -> memref<1x8x2048xf32, #tpu.memory_space<vmem>>
    %dma_start3A_1142 = tpu.memref_squeeze %dma_start3A_1141 : memref<1x8x2048xf32, #tpu.memory_space<vmem>> -> memref<8x2048xf32, #tpu.memory_space<vmem>>
    tpu.enqueue_dma source(%dma_start3A_1142 : memref<8x2048xf32, #tpu.memory_space<vmem>>) target(%dma_start3A_1138 : memref<8x2048xf32, #tpu.memory_space<hbm>>) target_semaphore(%arg22 : memref<!tpu.dma_semaphore, #tpu.memory_space<semaphore_mem>>)
    %dma_wait3A_1143 = arith.constant 3 : i32
    %dma_wait3A_1144 = arith.constant 0 : i32
    %dma_wait3A_1145 = arith.constant 0 : i32
    %dma_wait3A_1146 = tpu.memref_slice %arg11[%dma_wait3A_1143, %dma_wait3A_1144, %dma_wait3A_1145] : memref<4x8x2048xf32, #tpu.memory_space<vmem>> -> memref<1x8x2048xf32, #tpu.memory_space<vmem>>
    %dma_wait3A_1147 = tpu.memref_squeeze %dma_wait3A_1146 : memref<1x8x2048xf32, #tpu.memory_space<vmem>> -> memref<8x2048xf32, #tpu.memory_space<vmem>>
    %dma_wait3A_1148 = arith.constant 120 : i32
    %dma_wait3A_1149 = tpu.memref_slice %arg9[%dma_wait3A_1148] : memref<128xi32, #tpu.memory_space<vmem>> -> memref<8xi32, #tpu.memory_space<vmem>>
    %dma_wait3A_1150 = arith.constant 0 : i32
    %dma_wait3A_1151 = arith.constant 0 : i32
    %dma_wait3A_1152 = tpu.memref_slice %arg2[%dma_wait3A_1150, %dma_wait3A_1151] : memref<8192x2048xf32, #tpu.memory_space<hbm>> -> memref<8192x2048xf32, #tpu.memory_space<hbm>>
    tpu.wait_indirect_dma semaphore(%arg16 : memref<!tpu.dma_semaphore, #tpu.memory_space<semaphore_mem>>) src(%dma_wait3A_1152 : memref<8192x2048xf32, #tpu.memory_space<hbm>>) dst(%dma_wait3A_1147 : memref<8x2048xf32, #tpu.memory_space<vmem>>)
    %dma_wait3A_1153 = arith.constant 0 : i32
    %dma_wait3A_1154 = arith.constant 0 : i32
    %dma_wait3A_1155 = arith.constant 0 : i32
    %dma_wait3A_1156 = tpu.memref_slice %arg12[%dma_wait3A_1153, %dma_wait3A_1154, %dma_wait3A_1155] : memref<3x8x2048xf32, #tpu.memory_space<vmem>> -> memref<1x8x2048xf32, #tpu.memory_space<vmem>>
    %dma_wait3A_1157 = tpu.memref_squeeze %dma_wait3A_1156 : memref<1x8x2048xf32, #tpu.memory_space<vmem>> -> memref<8x2048xf32, #tpu.memory_space<vmem>>
    %dma_wait3A_1158 = arith.constant 120 : i32
    %dma_wait3A_1159 = tpu.memref_slice %arg10[%dma_wait3A_1158] : memref<128xi32, #tpu.memory_space<vmem>> -> memref<8xi32, #tpu.memory_space<vmem>>
    %dma_wait3A_1160 = arith.constant 0 : i32
    %dma_wait3A_1161 = arith.constant 0 : i32
    %dma_wait3A_1162 = tpu.memref_slice %arg2[%dma_wait3A_1160, %dma_wait3A_1161] : memref<8192x2048xf32, #tpu.memory_space<hbm>> -> memref<8192x2048xf32, #tpu.memory_space<hbm>>
    tpu.wait_indirect_dma semaphore(%arg17 : memref<!tpu.dma_semaphore, #tpu.memory_space<semaphore_mem>>) src(%dma_wait3A_1162 : memref<8192x2048xf32, #tpu.memory_space<hbm>>) dst(%dma_wait3A_1157 : memref<8x2048xf32, #tpu.memory_space<vmem>>)
    %parallel_loop3A_1163 = arith.constant 0 : i32
    %parallel_loop3A_1164 = arith.constant 1024 : i32
    %parallel_loop3A_1165 = arith.constant 1 : i32
    %parallel_loop3A_1166 = arith.constant 0 : i32
    %parallel_loop3A_1167 = arith.constant 3 : i32
    scf.for %parallel_loop3A_1237 = %parallel_loop3A_1163 to %parallel_loop3A_1164 step %parallel_loop3A_1165  : i32 {
      %parallel_loop3A_1238 = arith.constant 7 : i32
      %parallel_loop3A_1239 = arith.shrsi %parallel_loop3A_1237, %parallel_loop3A_1238 : i32
      %parallel_loop3A_1240 = arith.constant 127 : i32
      %parallel_loop3A_1241 = arith.andi %parallel_loop3A_1237, %parallel_loop3A_1240 : i32
      %parallel_loop3A_1242 = arith.constant 16 : i32
      %parallel_loop3A_1243 = arith.muli %parallel_loop3A_1241, %parallel_loop3A_1242 : i32
      %parallel_loop3A_1244 = arith.constant 0 : i32
      %parallel_loop3A_1245 = arith.constant 0 : i32
      %parallel_loop3A_1246 = tpu.memref_slice %arg12[%parallel_loop3A_1166, %parallel_loop3A_1244, %parallel_loop3A_1245] : memref<3x8x2048xf32, #tpu.memory_space<vmem>> -> memref<1x8x2048xf32, #tpu.memory_space<vmem>>
      %parallel_loop3A_1247 = tpu.memref_squeeze %parallel_loop3A_1246 : memref<1x8x2048xf32, #tpu.memory_space<vmem>> -> memref<8x2048xf32, #tpu.memory_space<vmem>>
      %parallel_loop3A_1248 = arith.index_cast %parallel_loop3A_1239 : i32 to index
      %parallel_loop3A_1249 = arith.index_cast %parallel_loop3A_1243 : i32 to index
      %parallel_loop3A_1250 = tpu.vector_load %parallel_loop3A_1247[%parallel_loop3A_1248, %parallel_loop3A_1249] {strides = array<i32>} : memref<8x2048xf32, #tpu.memory_space<vmem>>, vector<16xf32>,
      %parallel_loop3A_1251 = arith.constant 0 : i32
      %parallel_loop3A_1252 = arith.constant 0 : i32
      %parallel_loop3A_1253 = tpu.memref_slice %arg11[%parallel_loop3A_1167, %parallel_loop3A_1251, %parallel_loop3A_1252] : memref<4x8x2048xf32, #tpu.memory_space<vmem>> -> memref<1x8x2048xf32, #tpu.memory_space<vmem>>
      %parallel_loop3A_1254 = tpu.memref_squeeze %parallel_loop3A_1253 : memref<1x8x2048xf32, #tpu.memory_space<vmem>> -> memref<8x2048xf32, #tpu.memory_space<vmem>>
      %parallel_loop3A_1255 = arith.index_cast %parallel_loop3A_1239 : i32 to index
      %parallel_loop3A_1256 = arith.index_cast %parallel_loop3A_1243 : i32 to index
      %parallel_loop3A_1257 = tpu.vector_load %parallel_loop3A_1254[%parallel_loop3A_1255, %parallel_loop3A_1256] {strides = array<i32>} : memref<8x2048xf32, #tpu.memory_space<vmem>>, vector<16xf32>,
      tpu.vector_store %parallel_loop3A_1254[%parallel_loop3A_1255, %parallel_loop3A_1256], %parallel_loop3A_1250 {add = true, strides = array<i32>} : memref<8x2048xf32, #tpu.memory_space<vmem>>, vector<16xf32>,
    } {sc.loop_unroll_factor = 16 : i64, sc.parallel_access}
    %mul3A_1168 = arith.constant 128 : i32
    %mul3A_1169 = arith.muli %add3A, %mul3A_1168 : i32
    %add3A_1170 = arith.constant 120 : i32
    %add3A_1171 = arith.addi %mul3A_1169, %add3A_1170 : i32
    %dma_start3A_1172 = arith.constant 3 : i32
    %dma_start3A_1173 = arith.constant 0 : i32
    %dma_start3A_1174 = arith.constant 0 : i32
    %dma_start3A_1175 = tpu.memref_slice %arg11[%dma_start3A_1172, %dma_start3A_1173, %dma_start3A_1174] : memref<4x8x2048xf32, #tpu.memory_space<vmem>> -> memref<1x8x2048xf32, #tpu.memory_space<vmem>>
    %dma_start3A_1176 = tpu.memref_squeeze %dma_start3A_1175 : memref<1x8x2048xf32, #tpu.memory_space<vmem>> -> memref<8x2048xf32, #tpu.memory_space<vmem>>
    %dma_start3A_1177 = arith.constant 0 : i32
    %dma_start3A_1178 = tpu.memref_slice %arg4[%add3A_1171, %dma_start3A_1177] : memref<4096x2048xf32, #tpu.memory_space<hbm>> -> memref<8x2048xf32, #tpu.memory_space<hbm>>
    %dma_start3A_1179 = arith.constant 0 : i32
    %dma_start3A_1180 = tpu.memref_slice %arg4[%add3A_1171, %dma_start3A_1179] : memref<4096x2048xf32, #tpu.memory_space<hbm>> -> memref<8x2048xf32, #tpu.memory_space<hbm>>
    %dma_start3A_1181 = arith.constant 0 : i32
    %dma_start3A_1182 = arith.constant 0 : i32
    %dma_start3A_1183 = tpu.memref_slice %arg11[%dma_start3A_1172, %dma_start3A_1181, %dma_start3A_1182] : memref<4x8x2048xf32, #tpu.memory_space<vmem>> -> memref<1x8x2048xf32, #tpu.memory_space<vmem>>
    %dma_start3A_1184 = tpu.memref_squeeze %dma_start3A_1183 : memref<1x8x2048xf32, #tpu.memory_space<vmem>> -> memref<8x2048xf32, #tpu.memory_space<vmem>>
    tpu.enqueue_dma source(%dma_start3A_1184 : memref<8x2048xf32, #tpu.memory_space<vmem>>) target(%dma_start3A_1180 : memref<8x2048xf32, #tpu.memory_space<hbm>>) target_semaphore(%arg23 : memref<!tpu.dma_semaphore, #tpu.memory_space<semaphore_mem>>)
    %dma_wait3A_1185 = arith.constant 0 : i32
    %dma_wait3A_1186 = arith.constant 0 : i32
    %dma_wait3A_1187 = arith.constant 0 : i32
    %dma_wait3A_1188 = tpu.memref_slice %arg11[%dma_wait3A_1185, %dma_wait3A_1186, %dma_wait3A_1187] : memref<4x8x2048xf32, #tpu.memory_space<vmem>> -> memref<1x8x2048xf32, #tpu.memory_space<vmem>>
    %dma_wait3A_1189 = tpu.memref_squeeze %dma_wait3A_1188 : memref<1x8x2048xf32, #tpu.memory_space<vmem>> -> memref<8x2048xf32, #tpu.memory_space<vmem>>
    %dma_wait3A_1190 = arith.constant 0 : i32
    %dma_wait3A_1191 = tpu.memref_slice %arg4[%add3A_1012, %dma_wait3A_1190] : memref<4096x2048xf32, #tpu.memory_space<hbm>> -> memref<8x2048xf32, #tpu.memory_space<hbm>>
    %dma_wait3A_1192 = arith.constant 0 : i32
    %dma_wait3A_1193 = tpu.memref_slice %arg4[%add3A_1012, %dma_wait3A_1192] : memref<4096x2048xf32, #tpu.memory_space<hbm>> -> memref<8x2048xf32, #tpu.memory_space<hbm>>
    %dma_wait3A_1194 = arith.constant 0 : i32
    %dma_wait3A_1195 = arith.constant 0 : i32
    %dma_wait3A_1196 = tpu.memref_slice %arg11[%dma_wait3A_1185, %dma_wait3A_1194, %dma_wait3A_1195] : memref<4x8x2048xf32, #tpu.memory_space<vmem>> -> memref<1x8x2048xf32, #tpu.memory_space<vmem>>
    %dma_wait3A_1197 = tpu.memref_squeeze %dma_wait3A_1196 : memref<1x8x2048xf32, #tpu.memory_space<vmem>> -> memref<8x2048xf32, #tpu.memory_space<vmem>>
    tpu.wait_dma2 semaphore(%arg20 : memref<!tpu.dma_semaphore, #tpu.memory_space<semaphore_mem>>) src(%dma_wait3A_1197 : memref<8x2048xf32, #tpu.memory_space<vmem>>) dst(%dma_wait3A_1193 : memref<8x2048xf32, #tpu.memory_space<hbm>>)
    %dma_wait3A_1198 = arith.constant 1 : i32
    %dma_wait3A_1199 = arith.constant 0 : i32
    %dma_wait3A_1200 = arith.constant 0 : i32
    %dma_wait3A_1201 = tpu.memref_slice %arg11[%dma_wait3A_1198, %dma_wait3A_1199, %dma_wait3A_1200] : memref<4x8x2048xf32, #tpu.memory_space<vmem>> -> memref<1x8x2048xf32, #tpu.memory_space<vmem>>
    %dma_wait3A_1202 = tpu.memref_squeeze %dma_wait3A_1201 : memref<1x8x2048xf32, #tpu.memory_space<vmem>> -> memref<8x2048xf32, #tpu.memory_space<vmem>>
    %dma_wait3A_1203 = arith.constant 0 : i32
    %dma_wait3A_1204 = tpu.memref_slice %arg4[%add3A_1087, %dma_wait3A_1203] : memref<4096x2048xf32, #tpu.memory_space<hbm>> -> memref<8x2048xf32, #tpu.memory_space<hbm>>
    %dma_wait3A_1205 = arith.constant 0 : i32
    %dma_wait3A_1206 = tpu.memref_slice %arg4[%add3A_1087, %dma_wait3A_1205] : memref<4096x2048xf32, #tpu.memory_space<hbm>> -> memref<8x2048xf32, #tpu.memory_space<hbm>>
    %dma_wait3A_1207 = arith.constant 0 : i32
    %dma_wait3A_1208 = arith.constant 0 : i32
    %dma_wait3A_1209 = tpu.memref_slice %arg11[%dma_wait3A_1198, %dma_wait3A_1207, %dma_wait3A_1208] : memref<4x8x2048xf32, #tpu.memory_space<vmem>> -> memref<1x8x2048xf32, #tpu.memory_space<vmem>>
    %dma_wait3A_1210 = tpu.memref_squeeze %dma_wait3A_1209 : memref<1x8x2048xf32, #tpu.memory_space<vmem>> -> memref<8x2048xf32, #tpu.memory_space<vmem>>
    tpu.wait_dma2 semaphore(%arg21 : memref<!tpu.dma_semaphore, #tpu.memory_space<semaphore_mem>>) src(%dma_wait3A_1210 : memref<8x2048xf32, #tpu.memory_space<vmem>>) dst(%dma_wait3A_1206 : memref<8x2048xf32, #tpu.memory_space<hbm>>)
    %dma_wait3A_1211 = arith.constant 2 : i32
    %dma_wait3A_1212 = arith.constant 0 : i32
    %dma_wait3A_1213 = arith.constant 0 : i32
    %dma_wait3A_1214 = tpu.memref_slice %arg11[%dma_wait3A_1211, %dma_wait3A_1212, %dma_wait3A_1213] : memref<4x8x2048xf32, #tpu.memory_space<vmem>> -> memref<1x8x2048xf32, #tpu.memory_space<vmem>>
    %dma_wait3A_1215 = tpu.memref_squeeze %dma_wait3A_1214 : memref<1x8x2048xf32, #tpu.memory_space<vmem>> -> memref<8x2048xf32, #tpu.memory_space<vmem>>
    %dma_wait3A_1216 = arith.constant 0 : i32
    %dma_wait3A_1217 = tpu.memref_slice %arg4[%add3A_1129, %dma_wait3A_1216] : memref<4096x2048xf32, #tpu.memory_space<hbm>> -> memref<8x2048xf32, #tpu.memory_space<hbm>>
    %dma_wait3A_1218 = arith.constant 0 : i32
    %dma_wait3A_1219 = tpu.memref_slice %arg4[%add3A_1129, %dma_wait3A_1218] : memref<4096x2048xf32, #tpu.memory_space<hbm>> -> memref<8x2048xf32, #tpu.memory_space<hbm>>
    %dma_wait3A_1220 = arith.constant 0 : i32
    %dma_wait3A_1221 = arith.constant 0 : i32
    %dma_wait3A_1222 = tpu.memref_slice %arg11[%dma_wait3A_1211, %dma_wait3A_1220, %dma_wait3A_1221] : memref<4x8x2048xf32, #tpu.memory_space<vmem>> -> memref<1x8x2048xf32, #tpu.memory_space<vmem>>
    %dma_wait3A_1223 = tpu.memref_squeeze %dma_wait3A_1222 : memref<1x8x2048xf32, #tpu.memory_space<vmem>> -> memref<8x2048xf32, #tpu.memory_space<vmem>>
    tpu.wait_dma2 semaphore(%arg22 : memref<!tpu.dma_semaphore, #tpu.memory_space<semaphore_mem>>) src(%dma_wait3A_1223 : memref<8x2048xf32, #tpu.memory_space<vmem>>) dst(%dma_wait3A_1219 : memref<8x2048xf32, #tpu.memory_space<hbm>>)
    %dma_wait3A_1224 = arith.constant 3 : i32
    %dma_wait3A_1225 = arith.constant 0 : i32
    %dma_wait3A_1226 = arith.constant 0 : i32
    %dma_wait3A_1227 = tpu.memref_slice %arg11[%dma_wait3A_1224, %dma_wait3A_1225, %dma_wait3A_1226] : memref<4x8x2048xf32, #tpu.memory_space<vmem>> -> memref<1x8x2048xf32, #tpu.memory_space<vmem>>
    %dma_wait3A_1228 = tpu.memref_squeeze %dma_wait3A_1227 : memref<1x8x2048xf32, #tpu.memory_space<vmem>> -> memref<8x2048xf32, #tpu.memory_space<vmem>>
    %dma_wait3A_1229 = arith.constant 0 : i32
    %dma_wait3A_1230 = tpu.memref_slice %arg4[%add3A_1171, %dma_wait3A_1229] : memref<4096x2048xf32, #tpu.memory_space<hbm>> -> memref<8x2048xf32, #tpu.memory_space<hbm>>
    %dma_wait3A_1231 = arith.constant 0 : i32
    %dma_wait3A_1232 = tpu.memref_slice %arg4[%add3A_1171, %dma_wait3A_1231] : memref<4096x2048xf32, #tpu.memory_space<hbm>> -> memref<8x2048xf32, #tpu.memory_space<hbm>>
    %dma_wait3A_1233 = arith.constant 0 : i32
    %dma_wait3A_1234 = arith.constant 0 : i32
    %dma_wait3A_1235 = tpu.memref_slice %arg11[%dma_wait3A_1224, %dma_wait3A_1233, %dma_wait3A_1234] : memref<4x8x2048xf32, #tpu.memory_space<vmem>> -> memref<1x8x2048xf32, #tpu.memory_space<vmem>>
    %dma_wait3A_1236 = tpu.memref_squeeze %dma_wait3A_1235 : memref<1x8x2048xf32, #tpu.memory_space<vmem>> -> memref<8x2048xf32, #tpu.memory_space<vmem>>
    tpu.wait_dma2 semaphore(%arg23 : memref<!tpu.dma_semaphore, #tpu.memory_space<semaphore_mem>>) src(%dma_wait3A_1236 : memref<8x2048xf32, #tpu.memory_space<vmem>>) dst(%dma_wait3A_1232 : memref<8x2048xf32, #tpu.memory_space<hbm>>)
    return
  }
}

</mosaic_0001>

<sc_bundles>
// kernel: kernel.3.cloned.1.call-start
scs
__scs_entry_jumppad:
0x0: {  	(pc) =	sbr.rel $0x88, $3  }
0x1: {  	(tag) =	ssettag $0x0;
	lr =	simm.s32 $0x1  }
0x2: {  	[smem:$0x3F9F] =	sst lr;
	_ =	strace $0xD0000000  }
0x3: {  	_ = 	snop  }
0x4: {  	_ = 	snop  }
0x5: {  	_ = 	snop  }
0x6: {  	_ = 	snop  }
0x7: {  	_ = 	snop  }
__scs_overlays_trampoline_lowered:
0x8: {  	[smem:$0x3FAE] =	sst s0  }
0x9: {  	[smem:$0x3FAF] =	sst s1  }
0xa: {  	[smem:$0x3FB0] =	sst s2  }
0xb: {  	[smem:$0x3FB1] =	sst s3  }
0xc: {  	[smem:$0x3FB2] =	sst s4  }
0xd: {  	[smem:$0x3FB3] =	sst s5  }
0xe: {  	[smem:$0x3FB4] =	sst s6  }
0xf: {  	[smem:$0x3FB5] =	sst s7  }
0x10: {  	[smem:$0x3FB6] =	sst s8  }
0x11: {  	[smem:$0x3FB7] =	sst s9;
	s0 =	simm.s32 @!p0 $0x0  }
0x12: {  	s1 =	sld [smem:$0x3F9D];
	s0 =	simm.s32 @p0 $0x1  }
0x13: {  	[smem:$0x3FB8] =	sst s0;
	s0 =	simm.s32 @!p1 $0x0  }
0x14: {  	s2 =	sld [smem:$0x3F9C];
	s0 =	simm.s32 @p1 $0x1  }
0x15: {  	[smem:$0x3FB9] =	sst s0;
	s0 =	simm.s32 @!p2 $0x0  }
0x16: {  	s3 =	sld [smem:$0x3FDB];
	s0 =	simm.s32 @p2 $0x1  }
0x17: {  	s4 =	simm.s32 $0x1BF5;
	[smem:$0x3FBB] =	sst s0  }
0x18: {  	s0 =	sld [smem:$0x3F9E];
	_ =	swait.ge [sflag:s4], $0x0  }
0x19: {  	s7 =	sld [smem:$0x3F9F]  }
0x1a: {  	s8 =	sadd.s32 $0xFFFFE003, lr  }
0x1b: {  	s9 =	sadd.s32 $0xFFFFFEF7, lr;
	s5 =	simm.s32 $0xFFFFFFFF;
	p2 =	slt.u32 s8, $0xFFFFF086  }
0x1c: {  	p1 =	slt.u32 s9, $0xF7A;
	s5 =	simm.s32 @!p2 $0x0  }
0x1d: {  	s5 =	simm.s32 @p1 $0x1;
	p0 =	seq.s32 s7, s2  }
0x1e: {  	s7 =	smul.u32 @!p0 $0xF7A, s2;
	p2 =	seq.s32 @!p0 s5, $0x0  }
0x1f: {  	s9 =	smul.u32 $0xF7A, s1;
	s8 =	simm.s32 @!p0 $0x1BF5;
	p2 =	por !p2, p0  }
0x20: {  	[sflag:s8] =	ssyncset.s32 @!p0 $0xFFFFF086;
	s6 =	sadd.s32 @!p0 s3, s7;
	s7 =	simm.s32 @!p0 $0x108  }
0x21: {  	s3 =	sadd.s32 s3, s9;
	s6 =	sadd.s32 @!p0 $0x88, s6;
	s7 =	simm.s32 @p2 $0x1082  }
0x22: {  	[simem:s7], [sflag:s8] =	dma.local @!p0 [hbm:s6], $0xF7A  }
0x23: {  	s9 =	sor.u32 $0xD0000000, s2;
	s6 =	simm.s32 $0x108;
	_ =	swait.ge @!p0 [sflag:s8], $0x0  }
0x24: {  	s3 =	sadd.s32 $0x88, s3;
	s6 =	simm.s32 @!p1 $0x1082;
	[sflag:s4] =	ssyncset.s32 $0xFFFFF086  }
0x25: {  	[simem:s6], [sflag:s4] =	dma.local [hbm:s3], $0xF7A  }
0x26: {  	[smem:$0x3F9F] =	sst s1;
	(tag) =	ssettag s2;
	_ =	strace s9  }
0x27: {  	s1 =	sld [smem:$0x3FAF]  }
0x28: {  	s2 =	sld [smem:$0x3FB0]  }
0x29: {  	s4 =	sld [smem:$0x3FB2]  }
0x2a: {  	p0 =	seq.s32 s5, $0x0;
	s5 =	sld [smem:$0x3FB3]  }
0x2b: {  	s6 =	sld [smem:$0x3FB4]  }
0x2c: {  	s7 =	sld [smem:$0x3FB5]  }
0x2d: {  	s3 =	simm.s32 $0x108;
	s8 =	sld [smem:$0x3FB6]  }
0x2e: {  	s3 =	simm.s32 @!p0 $0x1082;
	s9 =	sld [smem:$0x3FB7]  }
0x2f: {  	lr =	sadd.s32 s0, s3;
	s0 =	sld [smem:$0x3FAE]  }
0x30: {  	s3 =	sld [smem:$0x3FB1]  }
0x31: {  	[smem:$0x3FBA] =	sst s10  }
0x32: {  	s10 =	sld [smem:$0x3FB8];
	_ =	sdelay $0x3  }
0x33: {  	p0 =	seq.s32 s10, $0x1;
	s10 =	sld [smem:$0x3FBA];
	_ =	sdelay $0x3  }
0x34: {  	[smem:$0x3FBA] =	sst s10  }
0x35: {  	s10 =	sld [smem:$0x3FB9];
	_ =	sdelay $0x3  }
0x36: {  	p1 =	seq.s32 s10, $0x1;
	s10 =	sld [smem:$0x3FBA];
	_ =	sdelay $0x3  }
0x37: {  	[smem:$0x3FBA] =	sst s10  }
0x38: {  	s10 =	sld [smem:$0x3FBB]  }
0x39: {  	_ = 	snop;
	(pc) =	sbr.ind lr, $3  }
0x3a: {  	_ = 	snop  }
0x3b: {  	_ = 	snop  }
0x3c: {  	p2 =	seq.s32 s10, $0x1;
	s10 =	sld [smem:$0x3FBA]  }
0x3d: {  	_ =	shalt  }
0x3e: {  	_ =	shalt  }
0x3f: {  	_ =	shalt  }
0x40: {  	_ =	shalt  }
0x41: {  	_ =	shalt  }
0x42: {  	_ =	shalt  }
0x43: {  	_ =	shalt  }
0x44: {  	_ =	shalt  }
0x45: {  	_ =	shalt  }
0x46: {  	_ =	shalt  }
0x47: {  	_ =	shalt  }
0x48: {  	_ =	shalt  }
0x49: {  	_ =	shalt  }
0x4a: {  	_ =	shalt  }
0x4b: {  	_ =	shalt  }
0x4c: {  	_ =	shalt  }
0x4d: {  	_ =	shalt  }
0x4e: {  	_ =	shalt  }
0x4f: {  	_ =	shalt  }
0x50: {  	_ =	shalt  }
0x51: {  	_ =	shalt  }
0x52: {  	_ =	shalt  }
0x53: {  	_ =	shalt  }
0x54: {  	_ =	shalt  }
0x55: {  	_ =	shalt  }
0x56: {  	_ =	shalt  }
0x57: {  	_ =	shalt  }
0x58: {  	_ =	shalt  }
0x59: {  	_ =	shalt  }
0x5a: {  	_ =	shalt  }
0x5b: {  	_ =	shalt  }
0x5c: {  	_ =	shalt  }
0x5d: {  	_ =	shalt  }
0x5e: {  	_ =	shalt  }
0x5f: {  	_ =	shalt  }
0x60: {  	_ =	shalt  }
0x61: {  	_ =	shalt  }
0x62: {  	_ =	shalt  }
0x63: {  	_ =	shalt  }
0x64: {  	_ =	shalt  }
0x65: {  	_ =	shalt  }
0x66: {  	_ =	shalt  }
0x67: {  	_ =	shalt  }
0x68: {  	_ =	shalt  }
0x69: {  	_ =	shalt  }
0x6a: {  	_ =	shalt  }
0x6b: {  	_ =	shalt  }
0x6c: {  	_ =	shalt  }
0x6d: {  	_ =	shalt  }
0x6e: {  	_ =	shalt  }
0x6f: {  	_ =	shalt  }
0x70: {  	_ =	shalt  }
0x71: {  	_ =	shalt  }
0x72: {  	_ =	shalt  }
0x73: {  	_ =	shalt  }
0x74: {  	_ =	shalt  }
0x75: {  	_ =	shalt  }
0x76: {  	_ =	shalt  }
0x77: {  	_ =	shalt  }
0x78: {  	_ =	shalt  }
0x79: {  	_ =	shalt  }
0x7a: {  	_ =	shalt  }
0x7b: {  	_ =	shalt  }
0x7c: {  	_ =	shalt  }
0x7d: {  	_ =	shalt  }
0x7e: {  	_ =	shalt  }
0x7f: {  	_ =	shalt  }
0x80: {  	_ =	shalt  }
0x81: {  	_ =	shalt  }
0x82: {  	_ =	shalt  }
0x83: {  	_ =	shalt  }
0x84: {  	_ =	shalt  }
0x85: {  	_ =	shalt  }
0x86: {  	_ =	shalt  }
0x87: {  	_ =	shalt  }
.Lfunc_end0:
.L_simem_size_0:
called_computation_lowered:
.L_overlay_start_0:
0x88: {  	s2 =	sld [smem:$0x3FD9]  }
0x89: {  	s3 =	sld [smem:$0x3FFE];
	_ =	sdelay $0x1  }
0x8a: {  	s1 =	srdreg.scid  }
0x8b: {  	s0 =	sand.u32 $0x1, s1  }
0x8c: {  	s17 =	sshll.u32 s0, $0xA;
	s2 =	sadd.s32 s3, s2  }
0x8d: {  	s2 =	sadd.s32 s2, s17  }
0x8e: {  	[smem:$0x3FC6] =	sst s2  }
0x8f: {  	_ = 	snop  }
0x90: {  	s2 =	sld [smem:$0x3FC9]  }
0x91: {  	s18 =	sld [smem:$0x3FD0];
	(tm) =	ssettm $0x1  }
0x92: {  	s4 =	sld [smem:$0x3FFB];
	_ =	sdelay $0x3  }
0x93: {  	_ =	strace s4  }
0x94: {  	s4 =	sld [smem:$0x3FFC];
	_ =	sdelay $0x3  }
0x95: {  	_ =	strace s4  }
0x96: {  	s4 =	sld [smem:$0x3FFD];
	_ =	sdelay $0x3  }
0x97: {  	_ =	strace s4  }
0x98: {  	_ =	strace $0x8FFFFFFF  }
0x99: {  	s19 =	sld [smem:$0x3FDB];
	_ =	sdelay $0x1  }
0x9a: {  	s5 =	simm.s32 $_scs_section_size  }
0x9b: {  	s6 =	simm.s32 $_size__tile_overlayer_lowered;
	s7 =	simm.s32 $_tile_overlayer_lowered  }
0x9c: {  	s22 =	simm.s32 $0x1BFF;
	s21 =	sshll.u32 s7, $0x1;
	s4 =	sadd.s32 s5, s19  }
0x9d: {  	s8 =	simm.s32 $0x0;
	s20 =	sshll.u32 s6, $0x1;
	s6 =	sadd.s32 s21, s4  }
0x9e: {  	[timem:s8], [sflag:s22] =	dma.local [hbm:s6], s20  }
0x9f: {  	_ =	swait.ge [sflag:s22], s20  }
0xa0: {  	s5 =	ssub.s32 $0x0, s20;
	[sflag:s22] =	ssyncset.done $0x0  }
0xa1: {  	[sflag:s22] =	ssyncadd.s32 s5;
	_ =	sdelay $0x1  }
0xa2: {  	s23 =	simm.s32 $0x1B8B  }
0xa3: {  	_ =	swait.ge [sflag:s23], $0x1  }
0xa4: {  	[sflag:s23] =	ssyncset.done $0x0  }
0xa5: {  	s25 =	simm.s32 $0x1B8E;
	s24 =	sld [smem:$0x3FFE];
	[sflag:s23] =	ssyncadd.s32 $0xFFFFFFFF  }
0xa6: {  	s26 =	simm.s32 $execute0_lowered;
	[smem:$0x3FD2] =	sst s25  }
0xa7: {  	s6 =	sshll.u32 s26, $0x1;
	_ =	strace $0x80000046;
	[dreg:$0x1] =	wrdreg $0xFFFFFFFF  }
0xa8: {  	s28 =	simm.s32 $_size_execute0_lowered;
	s4 =	sadd.s32 s4, s6;
	[dreg:$0x0] =	wrdreg $0x0  }
0xa9: {  	s6 =	sshll.u32 s28, $0x1;
	[dreg:$0x2] =	wrdreg s4  }
0xaa: {  	[dreg:$0x3] =	wrdreg s6  }
0xab: {  	[dreg:$0x4] =	wrdreg $0xC0  }
0xac: {  	_ =	task [dreg:s8], $0x5FFFF  }
0xad: {  	[dreg:$0x1] =	wrdreg $0xFFFFFFFF  }
0xae: {  	[dreg:$0x0] =	wrdreg $0x60  }
0xaf: {  	[dreg:$0x2] =	wrdreg s2  }
0xb0: {  	[dreg:$0x3] =	wrdreg s24  }
0xb1: {  	[dreg:$0x4] =	wrdreg s18  }
0xb2: {  	[dreg:$0x5] =	wrdreg $0x9  }
0xb3: {  	_ =	task.clear_ibuf [dreg:s8], $0x6FFFF;
	_ =	strace $0x90000046  }
0xb4: {  	s29 =	simm.s32 $0x9;
	_ =	strace $0x80000048  }
0xb5: {  	_ =	swait.ge [sflag:s29], $0x1  }
0xb6: {  	[sflag:s29] =	ssyncadd.s32 $0xFFFFFFFF  }
0xb7: {  	_ =	strace $0x90000048  }
0xb8: {  	_ =	sfence  }
0xb9: {  	s30 =	sld [smem:$0x0];
	_ =	sdelay $0x2  }
0xba: {  	s31 =	sshll.u32 s1, $0xD;
	s1 =	sshrl.u32 s1, $0x2  }
0xbb: {  	s3 =	sand.u32 $0x4000, s31;
	s1 =	sadd.s32 s1, s30  }
0xbc: {  	s0 =	sor.u32 s3, s0;
	s1 =	sshll.u32 s1, $0x11  }
0xbd: {  	s0 =	sor.u32 s1, s0  }
0xbe: {  	s0 =	sadd.s32 $0x8F2B, s0  }
0xbf: {  	[sflag:s0] =	ssyncadd.remote.s32 $0x1  }
0xc0: {  	_ =	sfence.sel $0xFFFF  }
0xc1: {  	[dreg:$0x0] =	wrdreg $0xFFFFFFFF;
	(pc) =	sbr.abs _section_cstart, $3  }
0xc2: {  	[dreg:$0x1] =	wrdreg $0xFFFFFFFF  }
0xc3: {  	_ =	task.clear_ibuf [dreg:s8], $0x2FFFF;
	_ =	strace $0x9FFFFFFF  }
0xc4: {  	(tm) =	ssettm $0x7FFFFFFF  }
0xc5: {  	_ =	shalt  }
tec
execute0_lowered:
.L_overlay_start_1:
0x0: {  	(tag) =	ssettag $0x1  }
0x1: {  	s1 =	rddreg [dreg:$0x0]  }
0x2: {  	s0 =	rddreg [dreg:$0x1]  }
0x3: {  	s2 =	rddreg [dreg:$0x2]  }
0x4: {  	s3 =	simm.s32 $0x0;
	s4 =	srdreg.scid;
	s15 =	stileid.u32  }
0x5: {  	s30 =	simm.s32 $0x5;
	[smem:$0x7FF] =	sst s3;
	s4 =	sand.u32 $0x1, s4  }
0x6: {  	s6 =	sshll.u32 s15, $0x1;
	s0 =	sadd.s32 $0x400, s0;
	s7 =	sadd.s32 $0x200, s1  }
0x7: {  	s8 =	sadd.s32 $0x300, s1;
	s9 =	sadd.s32 $0x400, s1;
	s10 =	sadd.s32 $0x500, s1  }
0x8: {  	s31 =	sshll.u32 s15, $0x5;
	s15 =	sshll.u32 s15, $0xB;
	s5 =	ssub.s32 $0x2, s4  }
0x9: {  	s11 =	sor.u32 s4, s6;
	s14 =	sshll.u32 s4, $0x4;
	s4 =	sshll.u32 s4, $0xA  }
0xa: {  	s13 =	sadd.s32 $0x700, s1;
	_ =	strace $0x80000047;
	s4 =	sor.u32 s4, s15  }
0xb: {  	[dreg:$0x4] =	wrdreg s0;
	s12 =	sshll.u32 s11, $0xF;
	s21 =	sshrl.u32 s4, $0x2  }
0xc: {  	s6 =	sadd.s32 $0x100, s1;
	s16 =	sadd.s32 s2, s12;
	[dreg:$0x10] =	wrdreg s21  }
0xd: {  	s23 =	sshrl.u32 s5, $0x1;
	s2 =	sadd.s32 $0x800, s16;
	[dreg:$0x5] =	wrdreg s16  }
0xe: {  	p0 =	seq.s32 s11, $0x0;
	s24 =	sadd.s32 $0x1000, s16;
	[dreg:$0x6] =	wrdreg s2  }
0xf: {  	s15 =	simm.s32 $0x2000;
	s25 =	sadd.s32 $0x1800, s16;
	[dreg:$0x7] =	wrdreg s24  }
0x10: {  	s0 =	ssub.s32 s5, s23;
	s26 =	sadd.s32 $0x2000, s16;
	[dreg:$0x8] =	wrdreg s25  }
0x11: {  	vm0 =	vcmask $0xB08;
	vm1 =	vcmask $0x300;
	vm5 =	vcmask $0x1310;
	s5 =	sshll.u32 s11, $0x4;
	s28 =	sadd.s32 $0x2800, s16;
	[dreg:$0x9] =	wrdreg s26  }
0x12: {  	vm6 =	vcmask $0x1B18;
	vm7 =	vcmask $0x2320;
	vm12 =	vcmask $0x2B28;
	s12 =	sadd.s32 $0x600, s1;
	s29 =	sadd.s32 $0x3000, s16;
	[dreg:$0xa] =	wrdreg s28  }
0x13: {  	vm13 =	vcmask $0xF0C;
	vm2 =	vcmask $0x704;
	vm0 =	vmor vm1, vm0;
	s19 =	sor.u32 $0x80, s4;
	s17 =	sadd.s32 $0x3800, s16;
	[dreg:$0xb] =	wrdreg s29  }
0x14: {  	vm3 =	vcmask $0x3330;
	vm14 =	vcmask $0x1714;
	vm0 =	vmor vm0, vm5;
	s20 =	sor.u32 $0xC0, s4;
	s0 =	smax.u32 s0, $0x1;
	[dreg:$0xc] =	wrdreg s17  }
0x15: {  	vm15 =	vcmask $0x1F1C;
	vm1 =	vmor vm2, vm13;
	vm0 =	vmor vm0, vm6;
	s4 =	simm.s32 $0x3;
	s22 =	sadd.s32 $0x4000, s16;
	[dreg:$0xd] =	wrdreg s0  }
0x16: {  	vm13 =	vcmask $0x2F2C;
	vm1 =	vmor vm1, vm14;
	vm0 =	vmor vm0, vm7;
	s11 =	simm.s32 $0x7;
	s23 =	sadd.s32 $0x4800, s16;
	[dreg:$0x12] =	wrdreg s22  }
0x17: {  	vm1 =	vmor vm1, vm15;
	vm7 =	vcmask $0x2724;
	vm0 =	vmor vm0, vm12;
	s21 =	simm.s32 $0x4;
	s0 =	sshrl.u32 s19, $0x2;
	[dreg:$0x13] =	wrdreg s23  }
0x18: {  	vm6 =	vcmask $0x3B38;
	vm12 =	vmor vm1, vm7;
	s2 =	sor.u32 s14, s31;
	s24 =	sadd.s32 $0x5000, s16;
	vm0 =	vmor vm0, vm3;
	[dreg:$0xf] =	wrdreg s0  }
0x19: {  	vm14 =	vcmask $0x3734;
	s25 =	sadd.s32 $0x5800, s16;
	s26 =	sadd.s32 $0x6000, s16;
	[dreg:$0x14] =	wrdreg s24;
	vm10 =	vmor vm0, vm6;
	vm0 =	vmor vm12, vm13  }
0x1a: {  	vm15 =	vcmask $0x3F3C;
	s28 =	sadd.s32 $0x6800, s16;
	s29 =	sadd.s32 $0x7000, s16;
	[dreg:$0x15] =	wrdreg s25;
	vm0 =	vmor vm0, vm14  }
0x1b: {  	s31 =	sadd.s32 $0x7800, s16;
	s16 =	simm.s32 $0x2080;
	[dreg:$0x16] =	wrdreg s26;
	vm11 =	vmor vm0, vm15  }
0x1c: {  	v5 =	vimm.s32 $0x0;
	s17 =	simm.s32 $0x2100;
	s19 =	simm.s32 $0x2200;
	[dreg:$0x17] =	wrdreg s28  }
0x1d: {  	s14 =	simm.s32 $0x9;
	s22 =	simm.s32 $0xA;
	[dreg:$0x18] =	wrdreg s29;
	v5 =	vsel vm10, $0xFFFFFFFF, v5  }
0x1e: {  	v0 =	vimm.s32 $0x0;
	v3 =	vlaneseq.u32;
	s18 =	sadd.s32 $0xFFFFFFFC, s2;
	s0 =	sshrl.u32 s20, $0x2;
	[dreg:$0x19] =	wrdreg s31;
	[tilespmem:$0x1FFE0] =	vst v5;
	v5 =	vimm.s32 $0x0  }
0x1f: {  	v1 =	vimm.s32 $0x1;
	v4 =	vshrl.u32 v3, $0x3;
	s26 =	simm.s32 $0xB;
	s20 =	simm.s32 $0x0;
	[dreg:$0xe] =	wrdreg s18;
	v5 =	vsel vm11, $0xFFFFFFFF, v5  }
0x20: {  	v2 =	vshrl.u32 v3, $0x1;
	v3 =	vand.u32 $0x7, v3;
	v4 =	vmul.u32 $0x8, v4;
	[dreg:$0x11] =	wrdreg s0;
	s18 =	simm.s32 $0x2180;
	s0 =	simm.s32 $0x6;
	[tilespmem:$0x1FFF0] =	vst v5  }
.LBB2_1:
0x21: {  	s2 =	rddreg [dreg:$0x4];
	s31 =	simm.s32 $0xC  }
0x22: {  	[tilespmem:s3], [sflag:$0xC] =	stream.linear.gather [hbm4b:s2+s3], $0x2000, $0x38;
	[tilespmem:$0x1E280] =	vst v63  }
.Ltmp0:
0x23: {  	_ =	swait.ge [sflag:s31], $0x2000;
	(pc) =	sbr.rel @p0 .LBB2_5-.Ltmp0, $4  }
0x24: {  	[sflag:s31] =	ssyncset.done $0x0  }
0x25: {  	[sflag:s31] =	ssyncadd.s32 $0xFFFFE000  }
0x26: {  	[tilespmem:$0x2000] =	vst v0  }
0x27: {  	[tilespmem:$0x2080] =	vst v0  }
0x28: {  	s23 =	simm.s32 $0x20  }
0x29: {  	v8 =	vld [tilespmem:s23+$0x10];
	_ =	sdelay $0x2  }
0x2a: {  	p1 =	sgt.u32 s5, $0x4  }
.Ltmp1:
0x2b: {  	_ = 	snop;
	(pc) =	sbr.rel @!p1 .LBB2_4-.Ltmp1, $4  }
0x2c: {  	v7 =	vld [tilespmem:s23+$0xFFFFFFE0]  }
0x2d: {  	v5 =	vld [tilespmem:s23+$0xFFFFFFF0]  }
0x2e: {  	v6 =	vld [tilespmem:s23+$0x0]  }
0x2f: {  	s24 =	simm.s32 $0x60;
	s23 =	simm.s32 $0x4;
	[tilespmem:v8+s15+$0x0] =	vst.idx.add.s32.msk $0xffff, v1  }
.LBB2_3:
0x30: {  	v8 =	vld [tilespmem:s24+$0x10];
	s23 =	sadd.s32 $0x4, s23  }
0x31: {  	v9 =	vld [tilespmem:s24+$0xFFFFFFF0];
	p1 =	slt.u32 s23, s5  }
0x32: {  	v10 =	vld [tilespmem:s24+$0x0]  }
0x33: {  	v11 =	vld [tilespmem:s24+$0xFFFFFFE0]  }
.Ltmp2:
0x34: {  	[tilespmem:v7+s15+$0x0] =	vst.idx.add.s32.msk $0xffff, v1;
	(pc) =	sbr.rel @p1 .LBB2_3-.Ltmp2, $4  }
0x35: {  	[tilespmem:v5+s15+$0x0] =	vst.idx.add.s32.msk $0xffff, v1  }
0x36: {  	[tilespmem:v6+s15+$0x0] =	vst.idx.add.s32.msk $0xffff, v1;
	v5 =	vmov v9  }
0x37: {  	v6 =	vmov v10  }
0x38: {  	s24 =	sadd.s32 $0x40, s24;
	[tilespmem:v8+s15+$0x0] =	vst.idx.add.s32.msk $0xffff, v1;
	v7 =	vmov v11  }
.LBB2_4:
0x39: {  	_ =	sdelay $0x4  }
0x3a: {  	[tilespmem:v7+s15+$0x0] =	vst.idx.add.s32.msk $0xffff, v1  }
0x3b: {  	[tilespmem:v5+s15+$0x0] =	vst.idx.add.s32.msk $0xffff, v1  }
0x3c: {  	[tilespmem:v6+s15+$0x0] =	vst.idx.add.s32.msk $0xffff, v1  }
.LBB2_5:
0x3d: {  	s24 =	rddreg [dreg:$0xf]  }
0x3e: {  	v9 =	vld [tilespmem:s24+$0x10]  }
0x3f: {  	s2 =	rddreg [dreg:$0xe]  }
0x40: {  	s23 =	sadd.s32 $0x4, s2  }
0x41: {  	p1 =	slt.u32 s23, $0x1FC  }
.Ltmp3:
0x42: {  	v5 =	vld [tilespmem:$0x2000];
	(pc) =	sbr.rel @!p1 .LBB2_7-.Ltmp3, $4  }
0x43: {  	v8 =	vld [tilespmem:s24+$0xFFFFFFE0]  }
0x44: {  	v6 =	vld [tilespmem:s24+$0xFFFFFFF0]  }
0x45: {  	v7 =	vld [tilespmem:s24+$0x0]  }
0x46: {  	s24 =	sadd.s32 $0x40, s24;
	[tilespmem:v9+s15+$0x0] =	vst.idx.add.s32.msk $0xffff, v1  }
.LBB2_6:
0x47: {  	v9 =	vld [tilespmem:s24+$0x10];
	s23 =	sadd.s32 $0x4, s23  }
0x48: {  	v10 =	vld [tilespmem:s24+$0xFFFFFFF0];
	p1 =	slt.u32 s23, $0x1FC  }
0x49: {  	v11 =	vld [tilespmem:s24+$0x0]  }
0x4a: {  	v12 =	vld [tilespmem:s24+$0xFFFFFFE0]  }
.Ltmp4:
0x4b: {  	[tilespmem:v8+s15+$0x0] =	vst.idx.add.s32.msk $0xffff, v1;
	(pc) =	sbr.rel @p1 .LBB2_6-.Ltmp4, $4  }
0x4c: {  	[tilespmem:v6+s15+$0x0] =	vst.idx.add.s32.msk $0xffff, v1  }
0x4d: {  	[tilespmem:v7+s15+$0x0] =	vst.idx.add.s32.msk $0xffff, v1;
	v6 =	vmov v10  }
0x4e: {  	v7 =	vmov v11  }
0x4f: {  	s24 =	sadd.s32 $0x40, s24;
	[tilespmem:v9+s15+$0x0] =	vst.idx.add.s32.msk $0xffff, v1;
	v8 =	vmov v12  }
.LBB2_7:
0x50: {  	_ =	sdelay $0x4  }
0x51: {  	[tilespmem:v8+s15+$0x0] =	vst.idx.add.s32.msk $0xffff, v1  }
0x52: {  	[tilespmem:v6+s15+$0x0] =	vst.idx.add.s32.msk $0xffff, v1  }
0x53: {  	[tilespmem:v7+s15+$0x0] =	vst.idx.add.s32.msk $0xffff, v1  }
0x54: {  	v6 =	vld [tilespmem:$0x2000];
	_ =	sdelay $0x4  }
0x55: {  	(xrf0) =	vadd.scan.msk.s32 $0xffff, v6;
	_ =	sdelay $0x5  }
0x56: {  	v5 =	vsub.s32 v5, v6;
	v7, _, _ =	vpop (xrf0)  }
0x57: {  	v5 =	vadd.s32 v7, v5  }
0x58: {  	s24 =	rddreg [dreg:$0x10];
	[tilespmem:$0x2100] =	vst v5  }
0x59: {  	v5 =	vld [tilespmem:s24+$0x0];
	_ =	sdelay $0x4  }
0x5a: {  	vm3 =	veq.s32 v5, $0x0  }
0x5b: {  	vm7 =	veq.s32 v5, $0x1;
	v6 =	vsel vm3, $0x1, v0  }
0x5c: {  	vm6 =	veq.s32 v5, $0x2;
	(xrf0) =	vadd.scan.msk.s32 $0xffff, v6;
	v6 =	vsel vm7, $0x1, v0  }
0x5d: {  	vm8 =	veq.s32 v5, $0x3;
	v7 =	vsel vm6, $0x1, v0;
	(xrf0) =	vadd.scan.msk.s32 $0xffff, v6  }
0x5e: {  	vm9 =	veq.s32 v5, $0x4;
	v6 =	vsel vm8, $0x1, v0;
	(xrf0) =	vadd.scan.msk.s32 $0xffff, v7  }
0x5f: {  	(xrf0) =	vadd.scan.msk.s32 $0xffff, v6;
	v6 =	vsel vm9, $0x1, v0  }
0x60: {  	vm1 =	veq.s32 v5, $0x5  }
0x61: {  	vm2 =	veq.s32 v5, $0xD;
	vm0 =	veq.s32 v5, $0x6;
	vm4 =	veq.s32 v5, $0x7;
	(xrf0) =	vadd.scan.msk.s32 $0xffff, v6  }
0x62: {  	vm5 =	veq.s32 v5, $0x8;
	vm12 =	veq.s32 v5, $0xA;
	v7 =	vsel vm1, $0x1, v0;
	v6, _, _ =	vpop (xrf0)  }
0x63: {  	vm13 =	veq.s32 v5, $0x9;
	v8 =	vsel vm0, $0x1, v0;
	(xrf0) =	vadd.scan.msk.s32 $0xffff, v7;
	v6 =	vadd.s32 $0xFFFFFFFF, v6;
	v9, _, _ =	vpop (xrf0)  }
0x64: {  	v7 =	vsel vm4, $0x1, v0;
	(xrf0) =	vadd.scan.msk.s32 $0xffff, v8;
	v6 =	vnsel vm3, $0x0, v6;
	v9 =	vadd.s32 $0xFFFFFFFF, v9;
	v10, _, _ =	vpop (xrf0)  }
0x65: {  	v8 =	vsel vm5, $0x1, v0;
	(xrf0) =	vadd.scan.msk.s32 $0xffff, v7;
	v6 =	vsel vm7, v9, v6;
	v7 =	vadd.s32 $0xFFFFFFFF, v10;
	v46, _, _ =	vpop (xrf0)  }
0x66: {  	v47 =	vsel vm13, $0x1, v0;
	(xrf0) =	vadd.scan.msk.s32 $0xffff, v8;
	v6 =	vsel vm6, v7, v6;
	v7 =	vadd.s32 $0xFFFFFFFF, v46  }
0x67: {  	vm14 =	veq.s32 v5, $0xB;
	v8 =	vsel vm12, $0x1, v0;
	(xrf0) =	vadd.scan.msk.s32 $0xffff, v47;
	v48, _, _ =	vpop (xrf0);
	v6 =	vsel vm8, v7, v6  }
0x68: {  	vm8 =	veq.s32 v5, $0xC;
	v7 =	vsel vm14, $0x1, v0;
	(xrf0) =	vadd.scan.msk.s32 $0xffff, v8;
	v8 =	vadd.s32 $0xFFFFFFFF, v48  }
0x69: {  	vm15 =	veq.s32 v5, $0xF;
	v49, _, _ =	vpop (xrf0);
	v50 =	vsel vm8, $0x1, v0;
	(xrf0) =	vadd.scan.msk.s32 $0xffff, v7;
	v6 =	vsel vm9, v8, v6  }
0x6a: {  	v7 =	vadd.s32 $0xFFFFFFFF, v49;
	vm9 =	veq.s32 v5, $0xE;
	v8 =	vsel vm2, $0x1, v0;
	v51, _, _ =	vpop (xrf0);
	(xrf0) =	vadd.scan.msk.s32 $0xffff, v50  }
0x6b: {  	v6 =	vsel vm1, v7, v6;
	v52 =	vsel vm9, $0x1, v0;
	v7 =	vadd.s32 $0xFFFFFFFF, v51;
	v53, _, _ =	vpop (xrf0);
	(xrf0) =	vadd.scan.msk.s32 $0xffff, v8  }
0x6c: {  	v8 =	vsel vm15, $0x1, v0;
	v6 =	vsel vm0, v7, v6;
	v7 =	vadd.s32 $0xFFFFFFFF, v53;
	v54, _, _ =	vpop (xrf0);
	(xrf0) =	vadd.scan.msk.s32 $0xffff, v52  }
0x6d: {  	v6 =	vsel vm4, v7, v6;
	v7 =	vadd.s32 $0xFFFFFFFF, v54;
	v55, _, _ =	vpop (xrf0);
	(xrf0) =	vadd.scan.msk.s32 $0xffff, v8  }
0x6e: {  	v6 =	vsel vm5, v7, v6;
	v7 =	vld.idx.msk [tilespmem:v5+s16+$0x0], $0xffff;
	v8 =	vadd.s32 $0xFFFFFFFF, v55;
	v56, _, _ =	vpop (xrf0)  }
0x6f: {  	[tilespmem:v5+s16+$0x0] =	vst.idx.add.s32.msk $0xffff, v1;
	v6 =	vsel vm13, v8, v6;
	v8 =	vadd.s32 $0xFFFFFFFF, v56;
	v57, _, _ =	vpop (xrf0)  }
0x70: {  	v6 =	vsel vm12, v8, v6;
	v8 =	vld.idx.msk [tilespmem:v5+s17+$0x0], $0xffff;
	v5 =	vadd.s32 $0xFFFFFFFF, v57;
	v58, _, _ =	vpop (xrf0)  }
0x71: {  	s23 =	simm.s32 $0x0;
	v5 =	vsel vm14, v5, v6;
	v6 =	vadd.s32 $0xFFFFFFFF, v58;
	v59, _, _ =	vpop (xrf0)  }
0x72: {  	v6 =	vsel vm8, v6, v5;
	v9 =	vadd.s32 $0xFFFFFFFF, v59;
	v5 =	vor.u32 s23, v2;
	v60, _, _ =	vpop (xrf0)  }
0x73: {  	v6 =	vsel vm2, v9, v6;
	v61 =	vadd.s32 $0xFFFFFFFF, v60;
	v62, _, _ =	vpop (xrf0)  }
0x74: {  	v6 =	vsel vm9, v61, v6;
	v63 =	vadd.s32 $0xFFFFFFFF, v62  }
0x75: {  	v6 =	vsel vm15, v63, v6;
	v7 =	vadd.s32 v7, v8  }
0x76: {  	v6 =	vadd.s32 v6, v7  }
0x77: {  	s28 =	simm.s32 $0x8;
	[tilespmem:v5+s18+$0x0] =	vst.idx.msk vm10, v6  }
.LBB2_8:
0x78: {  	[tilespmem:v5+s19+$0x0] =	vst.idx.msk vm11, v6;
	s24 =	sadd.s32 $0x10, s24  }
0x79: {  	v5 =	vld [tilespmem:s24+$0x0];
	_ =	sdelay $0x4  }
0x7a: {  	vm1 =	veq.s32 v5, $0x0  }
0x7b: {  	vm0 =	veq.s32 v5, $0x1;
	v6 =	vsel vm1, $0x1, v0  }
0x7c: {  	vm15 =	veq.s32 v5, $0x2;
	v7 =	vsel vm0, $0x1, v0;
	(xrf0) =	vadd.scan.msk.s32 $0xffff, v6  }
0x7d: {  	vm14 =	veq.s32 v5, $0x3;
	v6 =	vsel vm15, $0x1, v0;
	(xrf0) =	vadd.scan.msk.s32 $0xffff, v7  }
0x7e: {  	vm13 =	veq.s32 v5, $0x4;
	v7 =	vsel vm14, $0x1, v0;
	(xrf0) =	vadd.scan.msk.s32 $0xffff, v6  }
0x7f: {  	vm12 =	veq.s32 v5, $0x5;
	v6 =	vsel vm13, $0x1, v0;
	(xrf0) =	vadd.scan.msk.s32 $0xffff, v7  }
0x80: {  	vm10 =	veq.s32 v5, $0x6;
	v7 =	vsel vm12, $0x1, v0;
	(xrf0) =	vadd.scan.msk.s32 $0xffff, v6  }
0x81: {  	v6 =	vsel vm10, $0x1, v0;
	(xrf0) =	vadd.scan.msk.s32 $0xffff, v7  }
0x82: {  	vm8 =	veq.s32 v5, $0x7;
	v8, _, _ =	vpop (xrf0);
	(xrf0) =	vadd.scan.msk.s32 $0xffff, v6  }
0x83: {  	v7 =	vsel vm8, $0x1, v0;
	v6 =	vadd.s32 $0xFFFFFFFF, v8;
	v9, _, _ =	vpop (xrf0)  }
0x84: {  	(xrf0) =	vadd.scan.msk.s32 $0xffff, v7;
	v6 =	vnsel vm1, $0x0, v6;
	v7 =	vadd.s32 $0xFFFFFFFF, v9;
	v10, _, _ =	vpop (xrf0)  }
0x85: {  	v6 =	vsel vm0, v7, v6;
	v7 =	vadd.s32 $0xFFFFFFFF, v10;
	v50, _, _ =	vpop (xrf0)  }
0x86: {  	vm9 =	veq.s32 v5, $0x8;
	v6 =	vsel vm15, v7, v6;
	v7 =	vadd.s32 $0xFFFFFFFF, v50;
	v52, _, _ =	vpop (xrf0)  }
0x87: {  	vm11 =	veq.s32 v5, $0x9;
	v6 =	vsel vm14, v7, v6;
	v7 =	vadd.s32 $0xFFFFFFFF, v52;
	v53, _, _ =	vpop (xrf0)  }
0x88: {  	v8 =	vsel vm9, $0x1, v0;
	v6 =	vsel vm13, v7, v6;
	v7 =	vadd.s32 $0xFFFFFFFF, v53;
	v55, _, _ =	vpop (xrf0)  }
0x89: {  	v49 =	vsel vm11, $0x1, v0;
	(xrf0) =	vadd.scan.msk.s32 $0xffff, v8;
	v6 =	vsel vm12, v7, v6;
	v7 =	vadd.s32 $0xFFFFFFFF, v55  }
0x8a: {  	(xrf0) =	vadd.scan.msk.s32 $0xffff, v49;
	v6 =	vsel vm10, v7, v6;
	v7 =	vld [tilespmem:$0x1FFE0];
	_ =	sdelay $0x2  }
0x8b: {  	vm3 =	veq.s32 v5, $0xE;
	vm4 =	veq.s32 v5, $0xD;
	vm7 =	veq.s32 v5, $0xA  }
0x8c: {  	vm5 =	veq.s32 v5, $0xC;
	vm6 =	veq.s32 v5, $0xB;
	v8 =	vsel vm7, $0x1, v0;
	v56, _, _ =	vpop (xrf0)  }
0x8d: {  	v51 =	vsel vm6, $0x1, v0;
	(xrf0) =	vadd.scan.msk.s32 $0xffff, v8;
	v57, _, _ =	vpop (xrf0);
	vm10 =	vnez.u8 v7;
	v7 =	vadd.s32 $0xFFFFFFFF, v56  }
0x8e: {  	v8 =	vsel vm5, $0x1, v0;
	(xrf0) =	vadd.scan.msk.s32 $0xffff, v51;
	v58, _, _ =	vpop (xrf0);
	v6 =	vsel vm8, v7, v6;
	v7 =	vadd.s32 $0xFFFFFFFF, v57  }
0x8f: {  	v54 =	vsel vm4, $0x1, v0;
	(xrf0) =	vadd.scan.msk.s32 $0xffff, v8;
	v6 =	vsel vm9, v7, v6;
	v7 =	vadd.s32 $0xFFFFFFFF, v58  }
0x90: {  	vm2 =	veq.s32 v5, $0xF;
	v8 =	vsel vm3, $0x1, v0;
	(xrf0) =	vadd.scan.msk.s32 $0xffff, v54;
	v6 =	vsel vm11, v7, v6;
	v7 =	vld [tilespmem:$0x1FFF0]  }
0x91: {  	v11 =	vsel vm2, $0x1, v0;
	(xrf0) =	vadd.scan.msk.s32 $0xffff, v8  }
0x92: {  	v8 =	vld.idx.msk [tilespmem:v5+s16+$0x0], $0xffff;
	(xrf0) =	vadd.scan.msk.s32 $0xffff, v11  }
0x93: {  	[tilespmem:v5+s16+$0x0] =	vst.idx.add.s32.msk $0xffff, v1;
	v59, _, _ =	vpop (xrf0)  }
0x94: {  	v61 =	vld.idx.msk [tilespmem:v5+s17+$0x0], $0xffff;
	v60 =	vadd.s32 $0xFFFFFFFF, v59;
	v5, _, _ =	vpop (xrf0)  }
0x95: {  	v5 =	vadd.s32 $0xFFFFFFFF, v5;
	v6 =	vsel vm7, v60, v6;
	vm11 =	vnez.u8 v7;
	v7, _, _ =	vpop (xrf0)  }
0x96: {  	s31 =	smov.u32 s28;
	v5 =	vsel vm6, v5, v6;
	v6 =	vadd.s32 $0xFFFFFFFF, v7;
	v7, _, _ =	vpop (xrf0)  }
0x97: {  	p1 =	sne.s32 s28, $0x10;
	v6 =	vsel vm5, v6, v5;
	v7 =	vadd.s32 $0xFFFFFFFF, v7;
	v5 =	vor.u32 s31, v2;
	v62, _, _ =	vpop (xrf0)  }
.Ltmp5:
0x98: {  	v6 =	vsel vm4, v7, v6;
	v7 =	vadd.s32 $0xFFFFFFFF, v62;
	v63, _, _ =	vpop (xrf0);
	(pc) =	sbr.rel @p1 .LBB2_8-.Ltmp5, $4  }
0x99: {  	v6 =	vsel vm3, v7, v6;
	v7 =	vadd.s32 $0xFFFFFFFF, v63  }
0x9a: {  	v6 =	vsel vm2, v7, v6;
	v7 =	vadd.s32 v8, v61  }
0x9b: {  	v6 =	vadd.s32 v6, v7  }
0x9c: {  	s28 =	sadd.s32 $0x8, s28;
	[tilespmem:v5+s18+$0x0] =	vst.idx.msk vm10, v6  }
0x9d: {  	_ =	sdelay $0x4  }
0x9e: {  	[tilespmem:v5+s19+$0x0] =	vst.idx.msk vm11, v6  }
0x9f: {  	v5 =	vld.msk [tilespmem:$0x2180], $0xff;
	_ =	sdelay $0x4  }
0xa0: {  	v6 =	vshll.u32 v5, $0x4  }
0xa1: {  	v5 =	vand.u32 $0x7, v5;
	v6 =	vand.u32 $0xFFFFFF80, v6  }
0xa2: {  	v5 =	vor.u32 v5, v6  }
0xa3: {  	v5 =	vperm.xlane v5, v3;
	_ =	sdelay $0x1  }
0xa4: {  	v5 =	vadd.s32 v4, v5;
	_ =	sdelay $0x3  }
0xa5: {  	vm0 =	vmmov $0xffff;
	s2 =	simm.s32 $0x2280  }
0xa6: {  	[tilespmem:s2], [sflag:$0x1] =	stream.indirect_vreg.gather [hbm4b:s1+s3], $0x80, v5, vm0, $0xb8;
	[tilespmem:$0x1E280] =	vst v63  }
0xa7: {  	s29 =	simm.s32 $0x2A80  }
0xa8: {  	[tilespmem:s29], [sflag:$0x1] =	stream.indirect_vreg.gather [hbm4b:s6+s3], $0x80, v5, vm0, $0xb8;
	[tilespmem:$0x1E280] =	vst v63  }
0xa9: {  	s31 =	simm.s32 $0x3280  }
0xaa: {  	[tilespmem:s31], [sflag:$0x1] =	stream.indirect_vreg.gather [hbm4b:s7+s3], $0x80, v5, vm0, $0xb8;
	[tilespmem:$0x1E280] =	vst v63  }
0xab: {  	s23 =	simm.s32 $0x3A80  }
0xac: {  	[tilespmem:s23], [sflag:$0x1] =	stream.indirect_vreg.gather [hbm4b:s8+s3], $0x80, v5, vm0, $0xb8;
	[tilespmem:$0x1E280] =	vst v63  }
0xad: {  	s24 =	simm.s32 $0x4280  }
0xae: {  	[tilespmem:s24], [sflag:$0x1] =	stream.indirect_vreg.gather [hbm4b:s9+s3], $0x80, v5, vm0, $0xb8;
	[tilespmem:$0x1E280] =	vst v63  }
0xaf: {  	s25 =	simm.s32 $0x4A80  }
0xb0: {  	[tilespmem:s25], [sflag:$0x1] =	stream.indirect_vreg.gather [hbm4b:s10+s3], $0x80, v5, vm0, $0xb8;
	[tilespmem:$0x1E280] =	vst v63  }
0xb1: {  	s29 =	simm.s32 $0x5280  }
0xb2: {  	[tilespmem:s29], [sflag:$0x1] =	stream.indirect_vreg.gather [hbm4b:s12+s3], $0x80, v5, vm0, $0xb8;
	[tilespmem:$0x1E280] =	vst v63  }
0xb3: {  	s31 =	simm.s32 $0x5A80  }
0xb4: {  	[tilespmem:s31], [sflag:$0x1] =	stream.indirect_vreg.gather [hbm4b:s13+s3], $0x80, v5, vm0, $0xb8;
	[tilespmem:$0x1E280] =	vst v63  }
0xb5: {  	v5 =	vld.msk [tilespmem:$0x2200], $0xff;
	_ =	sdelay $0x4  }
0xb6: {  	v6 =	vshll.u32 v5, $0x4  }
0xb7: {  	v5 =	vand.u32 $0x7, v5;
	v6 =	vand.u32 $0xFFFFFF80, v6  }
0xb8: {  	v5 =	vor.u32 v5, v6  }
0xb9: {  	v5 =	vperm.xlane v5, v3;
	_ =	sdelay $0x1  }
0xba: {  	v5 =	vadd.s32 v4, v5;
	_ =	sdelay $0x3  }
0xbb: {  	s23 =	simm.s32 $0x12280  }
0xbc: {  	[tilespmem:s23], [sflag:$0x5] =	stream.indirect_vreg.gather [hbm4b:s1+s3], $0x80, v5, vm0, $0xb8;
	[tilespmem:$0x1E280] =	vst v63  }
0xbd: {  	s24 =	simm.s32 $0x12A80  }
0xbe: {  	[tilespmem:s24], [sflag:$0x5] =	stream.indirect_vreg.gather [hbm4b:s6+s3], $0x80, v5, vm0, $0xb8;
	[tilespmem:$0x1E280] =	vst v63  }
0xbf: {  	s25 =	simm.s32 $0x13280  }
0xc0: {  	[tilespmem:s25], [sflag:$0x5] =	stream.indirect_vreg.gather [hbm4b:s7+s3], $0x80, v5, vm0, $0xb8;
	[tilespmem:$0x1E280] =	vst v63  }
0xc1: {  	s29 =	simm.s32 $0x13A80  }
0xc2: {  	[tilespmem:s29], [sflag:$0x5] =	stream.indirect_vreg.gather [hbm4b:s8+s3], $0x80, v5, vm0, $0xb8;
	[tilespmem:$0x1E280] =	vst v63  }
0xc3: {  	s31 =	simm.s32 $0x14280  }
0xc4: {  	[tilespmem:s31], [sflag:$0x5] =	stream.indirect_vreg.gather [hbm4b:s9+s3], $0x80, v5, vm0, $0xb8;
	[tilespmem:$0x1E280] =	vst v63  }
0xc5: {  	s23 =	simm.s32 $0x14A80  }
0xc6: {  	[tilespmem:s23], [sflag:$0x5] =	stream.indirect_vreg.gather [hbm4b:s10+s3], $0x80, v5, vm0, $0xb8;
	[tilespmem:$0x1E280] =	vst v63  }
0xc7: {  	s24 =	simm.s32 $0x15280  }
0xc8: {  	[tilespmem:s24], [sflag:$0x5] =	stream.indirect_vreg.gather [hbm4b:s12+s3], $0x80, v5, vm0, $0xb8;
	[tilespmem:$0x1E280] =	vst v63  }
0xc9: {  	s25 =	simm.s32 $0x15A80  }
0xca: {  	[tilespmem:s25], [sflag:$0x5] =	stream.indirect_vreg.gather [hbm4b:s13+s3], $0x80, v5, vm0, $0xb8;
	[tilespmem:$0x1E280] =	vst v63  }
0xcb: {  	v5 =	vld.msk [tilespmem:$0x2188], $0xff;
	_ =	sdelay $0x4  }
0xcc: {  	v6 =	vshll.u32 v5, $0x4  }
0xcd: {  	v5 =	vand.u32 $0x7, v5;
	v6 =	vand.u32 $0xFFFFFF80, v6  }
0xce: {  	v5 =	vor.u32 v5, v6  }
0xcf: {  	v5 =	vperm.xlane v5, v3;
	_ =	sdelay $0x1  }
0xd0: {  	v5 =	vadd.s32 v4, v5;
	_ =	sdelay $0x3  }
0xd1: {  	s29 =	simm.s32 $0x6280  }
0xd2: {  	[tilespmem:s29], [sflag:$0x2] =	stream.indirect_vreg.gather [hbm4b:s1+s3], $0x80, v5, vm0, $0xb8;
	[tilespmem:$0x1E280] =	vst v63  }
0xd3: {  	s31 =	simm.s32 $0x6A80  }
0xd4: {  	[tilespmem:s31], [sflag:$0x2] =	stream.indirect_vreg.gather [hbm4b:s6+s3], $0x80, v5, vm0, $0xb8;
	[tilespmem:$0x1E280] =	vst v63  }
0xd5: {  	s23 =	simm.s32 $0x7280  }
0xd6: {  	[tilespmem:s23], [sflag:$0x2] =	stream.indirect_vreg.gather [hbm4b:s7+s3], $0x80, v5, vm0, $0xb8;
	[tilespmem:$0x1E280] =	vst v63  }
0xd7: {  	s24 =	simm.s32 $0x7A80  }
0xd8: {  	[tilespmem:s24], [sflag:$0x2] =	stream.indirect_vreg.gather [hbm4b:s8+s3], $0x80, v5, vm0, $0xb8;
	[tilespmem:$0x1E280] =	vst v63  }
0xd9: {  	s25 =	simm.s32 $0x8280  }
0xda: {  	[tilespmem:s25], [sflag:$0x2] =	stream.indirect_vreg.gather [hbm4b:s9+s3], $0x80, v5, vm0, $0xb8;
	[tilespmem:$0x1E280] =	vst v63  }
0xdb: {  	s29 =	simm.s32 $0x8A80  }
0xdc: {  	[tilespmem:s29], [sflag:$0x2] =	stream.indirect_vreg.gather [hbm4b:s10+s3], $0x80, v5, vm0, $0xb8;
	[tilespmem:$0x1E280] =	vst v63  }
0xdd: {  	s31 =	simm.s32 $0x9280  }
0xde: {  	[tilespmem:s31], [sflag:$0x2] =	stream.indirect_vreg.gather [hbm4b:s12+s3], $0x80, v5, vm0, $0xb8;
	[tilespmem:$0x1E280] =	vst v63  }
0xdf: {  	s23 =	simm.s32 $0x9A80  }
0xe0: {  	[tilespmem:s23], [sflag:$0x2] =	stream.indirect_vreg.gather [hbm4b:s13+s3], $0x80, v5, vm0, $0xb8;
	[tilespmem:$0x1E280] =	vst v63  }
0xe1: {  	v5 =	vld.msk [tilespmem:$0x2208], $0xff;
	_ =	sdelay $0x4  }
0xe2: {  	v6 =	vshll.u32 v5, $0x4  }
0xe3: {  	v5 =	vand.u32 $0x7, v5;
	v6 =	vand.u32 $0xFFFFFF80, v6  }
0xe4: {  	v5 =	vor.u32 v5, v6  }
0xe5: {  	v5 =	vperm.xlane v5, v3;
	_ =	sdelay $0x1  }
0xe6: {  	v5 =	vadd.s32 v4, v5;
	_ =	sdelay $0x3  }
0xe7: {  	s24 =	simm.s32 $0x16280  }
0xe8: {  	[tilespmem:s24], [sflag:$0x6] =	stream.indirect_vreg.gather [hbm4b:s1+s3], $0x80, v5, vm0, $0xb8;
	[tilespmem:$0x1E280] =	vst v63  }
0xe9: {  	s25 =	simm.s32 $0x16A80  }
0xea: {  	[tilespmem:s25], [sflag:$0x6] =	stream.indirect_vreg.gather [hbm4b:s6+s3], $0x80, v5, vm0, $0xb8;
	[tilespmem:$0x1E280] =	vst v63  }
0xeb: {  	s29 =	simm.s32 $0x17280  }
0xec: {  	[tilespmem:s29], [sflag:$0x6] =	stream.indirect_vreg.gather [hbm4b:s7+s3], $0x80, v5, vm0, $0xb8;
	[tilespmem:$0x1E280] =	vst v63  }
0xed: {  	s31 =	simm.s32 $0x17A80  }
0xee: {  	[tilespmem:s31], [sflag:$0x6] =	stream.indirect_vreg.gather [hbm4b:s8+s3], $0x80, v5, vm0, $0xb8;
	[tilespmem:$0x1E280] =	vst v63  }
0xef: {  	s23 =	simm.s32 $0x18280  }
0xf0: {  	[tilespmem:s23], [sflag:$0x6] =	stream.indirect_vreg.gather [hbm4b:s9+s3], $0x80, v5, vm0, $0xb8;
	[tilespmem:$0x1E280] =	vst v63  }
0xf1: {  	s24 =	simm.s32 $0x18A80  }
0xf2: {  	[tilespmem:s24], [sflag:$0x6] =	stream.indirect_vreg.gather [hbm4b:s10+s3], $0x80, v5, vm0, $0xb8;
	[tilespmem:$0x1E280] =	vst v63  }
0xf3: {  	s25 =	simm.s32 $0x19280  }
0xf4: {  	[tilespmem:s25], [sflag:$0x6] =	stream.indirect_vreg.gather [hbm4b:s12+s3], $0x80, v5, vm0, $0xb8;
	[tilespmem:$0x1E280] =	vst v63  }
0xf5: {  	s29 =	simm.s32 $0x19A80  }
0xf6: {  	[tilespmem:s29], [sflag:$0x6] =	stream.indirect_vreg.gather [hbm4b:s13+s3], $0x80, v5, vm0, $0xb8;
	[tilespmem:$0x1E280] =	vst v63  }
0xf7: {  	v5 =	vld.msk [tilespmem:$0x2190], $0xff;
	_ =	sdelay $0x4  }
0xf8: {  	v6 =	vshll.u32 v5, $0x4  }
0xf9: {  	v5 =	vand.u32 $0x7, v5;
	v6 =	vand.u32 $0xFFFFFF80, v6  }
0xfa: {  	v5 =	vor.u32 v5, v6  }
0xfb: {  	v5 =	vperm.xlane v5, v3;
	_ =	sdelay $0x1  }
0xfc: {  	v5 =	vadd.s32 v4, v5;
	_ =	sdelay $0x3  }
0xfd: {  	s31 =	simm.s32 $0xA280  }
0xfe: {  	[tilespmem:s31], [sflag:$0x3] =	stream.indirect_vreg.gather [hbm4b:s1+s3], $0x80, v5, vm0, $0xb8;
	[tilespmem:$0x1E280] =	vst v63  }
0xff: {  	s23 =	simm.s32 $0xAA80  }
0x100: {  	[tilespmem:s23], [sflag:$0x3] =	stream.indirect_vreg.gather [hbm4b:s6+s3], $0x80, v5, vm0, $0xb8;
	[tilespmem:$0x1E280] =	vst v63  }
0x101: {  	s24 =	simm.s32 $0xB280  }
0x102: {  	[tilespmem:s24], [sflag:$0x3] =	stream.indirect_vreg.gather [hbm4b:s7+s3], $0x80, v5, vm0, $0xb8;
	[tilespmem:$0x1E280] =	vst v63  }
0x103: {  	s25 =	simm.s32 $0xBA80  }
0x104: {  	[tilespmem:s25], [sflag:$0x3] =	stream.indirect_vreg.gather [hbm4b:s8+s3], $0x80, v5, vm0, $0xb8;
	[tilespmem:$0x1E280] =	vst v63  }
0x105: {  	s29 =	simm.s32 $0xC280  }
0x106: {  	[tilespmem:s29], [sflag:$0x3] =	stream.indirect_vreg.gather [hbm4b:s9+s3], $0x80, v5, vm0, $0xb8;
	[tilespmem:$0x1E280] =	vst v63  }
0x107: {  	s31 =	simm.s32 $0xCA80  }
0x108: {  	[tilespmem:s31], [sflag:$0x3] =	stream.indirect_vreg.gather [hbm4b:s10+s3], $0x80, v5, vm0, $0xb8;
	[tilespmem:$0x1E280] =	vst v63  }
0x109: {  	s23 =	simm.s32 $0xD280  }
0x10a: {  	[tilespmem:s23], [sflag:$0x3] =	stream.indirect_vreg.gather [hbm4b:s12+s3], $0x80, v5, vm0, $0xb8;
	[tilespmem:$0x1E280] =	vst v63  }
0x10b: {  	s24 =	simm.s32 $0xDA80  }
0x10c: {  	[tilespmem:s24], [sflag:$0x3] =	stream.indirect_vreg.gather [hbm4b:s13+s3], $0x80, v5, vm0, $0xb8;
	[tilespmem:$0x1E280] =	vst v63  }
0x10d: {  	v5 =	vld.msk [tilespmem:$0x2210], $0xff;
	_ =	sdelay $0x4  }
0x10e: {  	v6 =	vshll.u32 v5, $0x4  }
0x10f: {  	v5 =	vand.u32 $0x7, v5;
	v6 =	vand.u32 $0xFFFFFF80, v6  }
0x110: {  	v5 =	vor.u32 v5, v6  }
0x111: {  	v5 =	vperm.xlane v5, v3;
	_ =	sdelay $0x1  }
0x112: {  	v5 =	vadd.s32 v4, v5;
	_ =	sdelay $0x3  }
0x113: {  	s25 =	simm.s32 $0x1A280  }
0x114: {  	[tilespmem:s25], [sflag:$0x7] =	stream.indirect_vreg.gather [hbm4b:s1+s3], $0x80, v5, vm0, $0xb8;
	[tilespmem:$0x1E280] =	vst v63  }
0x115: {  	s29 =	simm.s32 $0x1AA80  }
0x116: {  	[tilespmem:s29], [sflag:$0x7] =	stream.indirect_vreg.gather [hbm4b:s6+s3], $0x80, v5, vm0, $0xb8;
	[tilespmem:$0x1E280] =	vst v63  }
0x117: {  	s31 =	simm.s32 $0x1B280  }
0x118: {  	[tilespmem:s31], [sflag:$0x7] =	stream.indirect_vreg.gather [hbm4b:s7+s3], $0x80, v5, vm0, $0xb8;
	[tilespmem:$0x1E280] =	vst v63  }
0x119: {  	s23 =	simm.s32 $0x1BA80  }
0x11a: {  	[tilespmem:s23], [sflag:$0x7] =	stream.indirect_vreg.gather [hbm4b:s8+s3], $0x80, v5, vm0, $0xb8;
	[tilespmem:$0x1E280] =	vst v63  }
0x11b: {  	s24 =	simm.s32 $0x1C280  }
0x11c: {  	[tilespmem:s24], [sflag:$0x7] =	stream.indirect_vreg.gather [hbm4b:s9+s3], $0x80, v5, vm0, $0xb8;
	[tilespmem:$0x1E280] =	vst v63  }
0x11d: {  	s25 =	simm.s32 $0x1CA80  }
0x11e: {  	[tilespmem:s25], [sflag:$0x7] =	stream.indirect_vreg.gather [hbm4b:s10+s3], $0x80, v5, vm0, $0xb8;
	[tilespmem:$0x1E280] =	vst v63  }
0x11f: {  	s29 =	simm.s32 $0x1D280  }
0x120: {  	[tilespmem:s29], [sflag:$0x7] =	stream.indirect_vreg.gather [hbm4b:s12+s3], $0x80, v5, vm0, $0xb8;
	[tilespmem:$0x1E280] =	vst v63  }
0x121: {  	s31 =	simm.s32 $0x1DA80;
	s24 =	rddreg [dreg:$0x11]  }
0x122: {  	[tilespmem:s31], [sflag:$0x7] =	stream.indirect_vreg.gather [hbm4b:s13+s3], $0x80, v5, vm0, $0xb8;
	[tilespmem:$0x1E280] =	vst v63  }
0x123: {  	v5 =	vld [tilespmem:s24+$0x0];
	_ =	sdelay $0x3  }
0x124: {  	v6 =	vimm.s32 $0x0  }
0x125: {  	v6 =	vsel vm0, $0xFFFFFFFF, v6;
	vm4 =	veq.s32 v5, $0x0  }
0x126: {  	[tilespmem:$0x1FFD0] =	vst v6;
	vm7 =	veq.s32 v5, $0x1;
	v6 =	vsel vm4, $0x1, v0  }
0x127: {  	vm6 =	veq.s32 v5, $0x2;
	(xrf0) =	vadd.scan.msk.s32 $0xffff, v6;
	v6 =	vsel vm7, $0x1, v0  }
0x128: {  	vm8 =	veq.s32 v5, $0x3;
	v7 =	vsel vm6, $0x1, v0;
	(xrf0) =	vadd.scan.msk.s32 $0xffff, v6  }
0x129: {  	vm9 =	veq.s32 v5, $0x4;
	v6 =	vsel vm8, $0x1, v0;
	(xrf0) =	vadd.scan.msk.s32 $0xffff, v7  }
0x12a: {  	(xrf0) =	vadd.scan.msk.s32 $0xffff, v6;
	v6 =	vsel vm9, $0x1, v0  }
0x12b: {  	vm1 =	veq.s32 v5, $0x5  }
0x12c: {  	vm3 =	veq.s32 v5, $0xD;
	vm0 =	veq.s32 v5, $0x6;
	vm2 =	veq.s32 v5, $0x7;
	(xrf0) =	vadd.scan.msk.s32 $0xffff, v6  }
0x12d: {  	vm5 =	veq.s32 v5, $0x8;
	vm12 =	veq.s32 v5, $0xA;
	v7 =	vsel vm1, $0x1, v0;
	v6, _, _ =	vpop (xrf0)  }
0x12e: {  	vm13 =	veq.s32 v5, $0x9;
	v8 =	vsel vm0, $0x1, v0;
	(xrf0) =	vadd.scan.msk.s32 $0xffff, v7;
	v6 =	vadd.s32 $0xFFFFFFFF, v6;
	v9, _, _ =	vpop (xrf0)  }
0x12f: {  	v7 =	vsel vm2, $0x1, v0;
	(xrf0) =	vadd.scan.msk.s32 $0xffff, v8;
	v6 =	vnsel vm4, $0x0, v6;
	v9 =	vadd.s32 $0xFFFFFFFF, v9;
	v10, _, _ =	vpop (xrf0)  }
0x130: {  	v8 =	vsel vm5, $0x1, v0;
	(xrf0) =	vadd.scan.msk.s32 $0xffff, v7;
	v6 =	vsel vm7, v9, v6;
	v7 =	vadd.s32 $0xFFFFFFFF, v10;
	v46, _, _ =	vpop (xrf0)  }
0x131: {  	v47 =	vsel vm13, $0x1, v0;
	(xrf0) =	vadd.scan.msk.s32 $0xffff, v8;
	v6 =	vsel vm6, v7, v6;
	v7 =	vadd.s32 $0xFFFFFFFF, v46  }
0x132: {  	vm14 =	veq.s32 v5, $0xB;
	v8 =	vsel vm12, $0x1, v0;
	(xrf0) =	vadd.scan.msk.s32 $0xffff, v47;
	v48, _, _ =	vpop (xrf0);
	v6 =	vsel vm8, v7, v6  }
0x133: {  	vm8 =	veq.s32 v5, $0xC;
	v7 =	vsel vm14, $0x1, v0;
	(xrf0) =	vadd.scan.msk.s32 $0xffff, v8;
	v8 =	vadd.s32 $0xFFFFFFFF, v48  }
0x134: {  	vm15 =	veq.s32 v5, $0xF;
	v49, _, _ =	vpop (xrf0);
	v50 =	vsel vm8, $0x1, v0;
	(xrf0) =	vadd.scan.msk.s32 $0xffff, v7;
	v6 =	vsel vm9, v8, v6  }
0x135: {  	vm9 =	veq.s32 v5, $0xE;
	v8 =	vsel vm3, $0x1, v0;
	v7 =	vadd.s32 $0xFFFFFFFF, v49;
	v51, _, _ =	vpop (xrf0);
	(xrf0) =	vadd.scan.msk.s32 $0xffff, v50  }
0x136: {  	v52 =	vsel vm9, $0x1, v0;
	v6 =	vsel vm1, v7, v6;
	v7 =	vadd.s32 $0xFFFFFFFF, v51;
	v53, _, _ =	vpop (xrf0);
	(xrf0) =	vadd.scan.msk.s32 $0xffff, v8  }
0x137: {  	v8 =	vsel vm15, $0x1, v0;
	v6 =	vsel vm0, v7, v6;
	v7 =	vadd.s32 $0xFFFFFFFF, v53;
	v54, _, _ =	vpop (xrf0);
	(xrf0) =	vadd.scan.msk.s32 $0xffff, v52  }
0x138: {  	v6 =	vsel vm2, v7, v6;
	v7 =	vadd.s32 $0xFFFFFFFF, v54;
	v55, _, _ =	vpop (xrf0);
	(xrf0) =	vadd.scan.msk.s32 $0xffff, v8  }
0x139: {  	v6 =	vsel vm5, v7, v6;
	v7 =	vld.idx.msk [tilespmem:v5+s16+$0x0], $0xffff;
	v8 =	vadd.s32 $0xFFFFFFFF, v55;
	v56, _, _ =	vpop (xrf0)  }
0x13a: {  	[tilespmem:v5+s16+$0x0] =	vst.idx.add.s32.msk $0xffff, v1;
	v6 =	vsel vm13, v8, v6;
	v8 =	vadd.s32 $0xFFFFFFFF, v56;
	v57, _, _ =	vpop (xrf0)  }
0x13b: {  	v6 =	vsel vm12, v8, v6;
	v8 =	vld.idx.msk [tilespmem:v5+s17+$0x0], $0xffff;
	v5 =	vadd.s32 $0xFFFFFFFF, v57;
	v58, _, _ =	vpop (xrf0)  }
0x13c: {  	s23 =	simm.s32 $0x18;
	v5 =	vsel vm14, v5, v6;
	v6 =	vadd.s32 $0xFFFFFFFF, v58;
	v59, _, _ =	vpop (xrf0)  }
0x13d: {  	v6 =	vsel vm8, v6, v5;
	v9 =	vadd.s32 $0xFFFFFFFF, v59;
	v5 =	vor.u32 s23, v2;
	v60, _, _ =	vpop (xrf0)  }
0x13e: {  	v6 =	vsel vm3, v9, v6;
	v61 =	vadd.s32 $0xFFFFFFFF, v60;
	v62, _, _ =	vpop (xrf0)  }
0x13f: {  	v6 =	vsel vm9, v61, v6;
	v63 =	vadd.s32 $0xFFFFFFFF, v62  }
0x140: {  	v6 =	vsel vm15, v63, v6;
	v7 =	vadd.s32 v7, v8  }
0x141: {  	v6 =	vadd.s32 v6, v7  }
0x142: {  	s28 =	simm.s32 $0x20;
	[tilespmem:v5+s18+$0x0] =	vst.idx.msk vm10, v6  }
.LBB2_10:
0x143: {  	[tilespmem:v5+s19+$0x0] =	vst.idx.msk vm11, v6;
	s24 =	sadd.s32 $0x10, s24  }
0x144: {  	v5 =	vld [tilespmem:s24+$0x0];
	_ =	sdelay $0x4  }
0x145: {  	vm1 =	veq.s32 v5, $0x0  }
0x146: {  	vm0 =	veq.s32 v5, $0x1;
	v6 =	vsel vm1, $0x1, v0  }
0x147: {  	vm2 =	veq.s32 v5, $0x2;
	v7 =	vsel vm0, $0x1, v0;
	(xrf0) =	vadd.scan.msk.s32 $0xffff, v6  }
0x148: {  	vm15 =	veq.s32 v5, $0x3;
	v6 =	vsel vm2, $0x1, v0;
	(xrf0) =	vadd.scan.msk.s32 $0xffff, v7  }
0x149: {  	vm14 =	veq.s32 v5, $0x4;
	v7 =	vsel vm15, $0x1, v0;
	(xrf0) =	vadd.scan.msk.s32 $0xffff, v6  }
0x14a: {  	vm13 =	veq.s32 v5, $0x5;
	v6 =	vsel vm14, $0x1, v0;
	(xrf0) =	vadd.scan.msk.s32 $0xffff, v7  }
0x14b: {  	vm11 =	veq.s32 v5, $0x6;
	v7 =	vsel vm13, $0x1, v0;
	(xrf0) =	vadd.scan.msk.s32 $0xffff, v6  }
0x14c: {  	v6 =	vsel vm11, $0x1, v0;
	(xrf0) =	vadd.scan.msk.s32 $0xffff, v7  }
0x14d: {  	vm9 =	veq.s32 v5, $0x7;
	v8, _, _ =	vpop (xrf0);
	(xrf0) =	vadd.scan.msk.s32 $0xffff, v6  }
0x14e: {  	v7 =	vsel vm9, $0x1, v0;
	v6 =	vadd.s32 $0xFFFFFFFF, v8;
	v9, _, _ =	vpop (xrf0)  }
0x14f: {  	(xrf0) =	vadd.scan.msk.s32 $0xffff, v7;
	v6 =	vnsel vm1, $0x0, v6;
	v7 =	vadd.s32 $0xFFFFFFFF, v9;
	v10, _, _ =	vpop (xrf0)  }
0x150: {  	v6 =	vsel vm0, v7, v6;
	v7 =	vadd.s32 $0xFFFFFFFF, v10;
	v49, _, _ =	vpop (xrf0)  }
0x151: {  	v6 =	vsel vm2, v7, v6;
	v7 =	vadd.s32 $0xFFFFFFFF, v49;
	v51, _, _ =	vpop (xrf0)  }
0x152: {  	vm10 =	veq.s32 v5, $0x8;
	v6 =	vsel vm15, v7, v6;
	v7 =	vadd.s32 $0xFFFFFFFF, v51;
	v52, _, _ =	vpop (xrf0)  }
0x153: {  	v8 =	vsel vm10, $0x1, v0;
	v6 =	vsel vm14, v7, v6;
	v7 =	vadd.s32 $0xFFFFFFFF, v52;
	v54, _, _ =	vpop (xrf0)  }
0x154: {  	(xrf0) =	vadd.scan.msk.s32 $0xffff, v8;
	v6 =	vsel vm13, v7, v6;
	v7 =	vadd.s32 $0xFFFFFFFF, v54  }
0x155: {  	v6 =	vsel vm11, v7, v6;
	v7 =	vld [tilespmem:$0x1FFF0]  }
0x156: {  	vm12 =	veq.s32 v5, $0x9  }
0x157: {  	vm8 =	veq.s32 v5, $0xA;
	v48 =	vsel vm12, $0x1, v0  }
0x158: {  	vm4 =	veq.s32 v5, $0xE;
	vm7 =	veq.s32 v5, $0xB;
	v8 =	vsel vm8, $0x1, v0;
	(xrf0) =	vadd.scan.msk.s32 $0xffff, v48  }
0x159: {  	vm5 =	veq.s32 v5, $0xD;
	vm6 =	veq.s32 v5, $0xC;
	v50 =	vsel vm7, $0x1, v0;
	(xrf0) =	vadd.scan.msk.s32 $0xffff, v8;
	v55, _, _ =	vpop (xrf0)  }
0x15a: {  	v8 =	vsel vm6, $0x1, v0;
	(xrf0) =	vadd.scan.msk.s32 $0xffff, v50;
	v56, _, _ =	vpop (xrf0);
	vm11 =	vnez.u8 v7;
	v7 =	vadd.s32 $0xFFFFFFFF, v55  }
0x15b: {  	v53 =	vsel vm5, $0x1, v0;
	(xrf0) =	vadd.scan.msk.s32 $0xffff, v8;
	v6 =	vsel vm9, v7, v6;
	v7 =	vadd.s32 $0xFFFFFFFF, v56  }
0x15c: {  	vm3 =	veq.s32 v5, $0xF;
	v8 =	vsel vm4, $0x1, v0;
	(xrf0) =	vadd.scan.msk.s32 $0xffff, v53;
	v6 =	vsel vm10, v7, v6;
	v7 =	vld [tilespmem:$0x1FFE0]  }
0x15d: {  	v11 =	vsel vm3, $0x1, v0;
	(xrf0) =	vadd.scan.msk.s32 $0xffff, v8  }
0x15e: {  	v8 =	vld.idx.msk [tilespmem:v5+s16+$0x0], $0xffff;
	v57, _, _ =	vpop (xrf0);
	(xrf0) =	vadd.scan.msk.s32 $0xffff, v11  }
0x15f: {  	[tilespmem:v5+s16+$0x0] =	vst.idx.add.s32.msk $0xffff, v1;
	v58 =	vadd.s32 $0xFFFFFFFF, v57;
	v59, _, _ =	vpop (xrf0)  }
0x160: {  	v61 =	vld.idx.msk [tilespmem:v5+s17+$0x0], $0xffff;
	v60 =	vadd.s32 $0xFFFFFFFF, v59;
	v5, _, _ =	vpop (xrf0);
	v6 =	vsel vm12, v58, v6  }
0x161: {  	v5 =	vadd.s32 $0xFFFFFFFF, v5;
	v6 =	vsel vm8, v60, v6;
	vm10 =	vnez.u8 v7;
	v7, _, _ =	vpop (xrf0)  }
0x162: {  	s31 =	smov.u32 s28;
	v5 =	vsel vm7, v5, v6;
	v6 =	vadd.s32 $0xFFFFFFFF, v7;
	v7, _, _ =	vpop (xrf0)  }
0x163: {  	p1 =	sne.s32 s28, $0x78;
	v6 =	vsel vm6, v6, v5;
	v7 =	vadd.s32 $0xFFFFFFFF, v7;
	v5 =	vor.u32 s31, v2;
	v62, _, _ =	vpop (xrf0)  }
.Ltmp6:
0x164: {  	v6 =	vsel vm5, v7, v6;
	v7 =	vadd.s32 $0xFFFFFFFF, v62;
	v63, _, _ =	vpop (xrf0);
	(pc) =	sbr.rel @p1 .LBB2_10-.Ltmp6, $4  }
0x165: {  	v6 =	vsel vm4, v7, v6;
	v7 =	vadd.s32 $0xFFFFFFFF, v63  }
0x166: {  	v6 =	vsel vm3, v7, v6;
	v7 =	vadd.s32 v8, v61  }
0x167: {  	v6 =	vadd.s32 v6, v7  }
0x168: {  	s28 =	sadd.s32 $0x8, s28;
	[tilespmem:v5+s18+$0x0] =	vst.idx.msk vm10, v6  }
0x169: {  	_ =	sdelay $0x4  }
0x16a: {  	[tilespmem:v5+s19+$0x0] =	vst.idx.msk vm11, v6;
	s2 =	simm.s32 $0x1  }
0x16b: {  	_ =	swait.ge [sflag:s2], $0x4000  }
0x16c: {  	[sflag:s2] =	ssyncset.done $0x0  }
0x16d: {  	s24 =	simm.s32 $0x0;
	[sflag:s2] =	ssyncadd.s32 $0xFFFFC000  }
0x16e: {  	s23 =	sand.u32 $0x7, s24;
	s28 =	sand.u32 $0x3800, s24;
	_ =	swait.ge [sflag:s30], $0x4000  }
0x16f: {  	s31 =	sand.u32 $0x380, s24;
	s23 =	sshll.u32 s23, $0xB;
	[sflag:s30] =	ssyncset.done $0x0  }
0x170: {  	s28 =	sor.u32 s31, s28;
	s23 =	sadd.s32 $0x0, s23;
	[sflag:s30] =	ssyncadd.s32 $0xFFFFC000  }
0x171: {  	s31 =	sor.u32 $0x470, s23;
	v5 =	vld [tilespmem:s28+$0x126E0]  }
0x172: {  	s23 =	sor.u32 $0x70, s23;
	v6 =	vld [tilespmem:s31+$0x12280]  }
0x173: {  	v7 =	vld [tilespmem:s23+$0x12280]  }
0x174: {  	v8 =	vld [tilespmem:s28+$0x12280]  }
0x175: {  	v9 =	vld [tilespmem:s28+$0x12290]  }
0x176: {  	v10 =	vld [tilespmem:s28+$0x122A0]  }
0x177: {  	v11 =	vld [tilespmem:s28+$0x122B0]  }
0x178: {  	v12 =	vld [tilespmem:s28+$0x122C0]  }
0x179: {  	v13 =	vld [tilespmem:s28+$0x122D0]  }
0x17a: {  	v14 =	vld [tilespmem:s28+$0x122E0]  }
0x17b: {  	v15 =	vld [tilespmem:s28+$0x12680]  }
0x17c: {  	v16 =	vld [tilespmem:s28+$0x12690]  }
0x17d: {  	v17 =	vld [tilespmem:s28+$0x126A0]  }
0x17e: {  	[tilespmem:s28+$0x26E0] =	vst.add.f32.msk $0xffff, v5  }
0x17f: {  	[tilespmem:s31+$0x2280] =	vst.add.f32.msk $0xffff, v6  }
0x180: {  	[tilespmem:s23+$0x2280] =	vst.add.f32.msk $0xffff, v7  }
0x181: {  	v7 =	vld [tilespmem:s28+$0x126B0]  }
0x182: {  	v6 =	vld [tilespmem:s28+$0x126C0]  }
0x183: {  	v5 =	vld [tilespmem:s28+$0x126D0]  }
0x184: {  	[tilespmem:s28+$0x2280] =	vst.add.f32.msk $0xffff, v8  }
0x185: {  	[tilespmem:s28+$0x2290] =	vst.add.f32.msk $0xffff, v9  }
0x186: {  	[tilespmem:s28+$0x22A0] =	vst.add.f32.msk $0xffff, v10  }
0x187: {  	[tilespmem:s28+$0x22B0] =	vst.add.f32.msk $0xffff, v11  }
0x188: {  	[tilespmem:s28+$0x22C0] =	vst.add.f32.msk $0xffff, v12  }
0x189: {  	[tilespmem:s28+$0x22D0] =	vst.add.f32.msk $0xffff, v13  }
0x18a: {  	[tilespmem:s28+$0x22E0] =	vst.add.f32.msk $0xffff, v14  }
0x18b: {  	[tilespmem:s28+$0x2680] =	vst.add.f32.msk $0xffff, v15  }
0x18c: {  	[tilespmem:s28+$0x2690] =	vst.add.f32.msk $0xffff, v16  }
0x18d: {  	[tilespmem:s28+$0x26A0] =	vst.add.f32.msk $0xffff, v17;
	s31 =	simm.s32 $0x10;
	s23 =	simm.s32 $0x1  }
.LBB2_12:
0x18e: {  	s25 =	sand.u32 $0x7, s23;
	p1 =	slt.u32 s31, $0x3F0;
	[tilespmem:s28+$0x26B0] =	vst.add.f32.msk $0xffff, v7;
	s24 =	sadd.s32 $0x800, s24  }
0x18f: {  	s2 =	sand.u32 $0x380, s31;
	s25 =	sshll.u32 s25, $0xB;
	s29 =	sand.u32 $0x3800, s24;
	[tilespmem:s28+$0x26C0] =	vst.add.f32.msk $0xffff, v6  }
0x190: {  	s25 =	sadd.s32 s25, s31;
	[tilespmem:s28+$0x26D0] =	vst.add.f32.msk $0xffff, v5;
	s28 =	sor.u32 s2, s29  }
0x191: {  	s2 =	sor.u32 $0x70, s25;
	v5 =	vld [tilespmem:s28+$0x126E0];
	s25 =	sor.u32 $0x470, s25  }
0x192: {  	v6 =	vld [tilespmem:s25+$0x12280]  }
0x193: {  	v7 =	vld [tilespmem:s2+$0x12280]  }
0x194: {  	v8 =	vld [tilespmem:s28+$0x12280]  }
0x195: {  	v9 =	vld [tilespmem:s28+$0x12290]  }
0x196: {  	[tilespmem:s28+$0x26E0] =	vst.add.f32.msk $0xffff, v5  }
0x197: {  	[tilespmem:s25+$0x2280] =	vst.add.f32.msk $0xffff, v6  }
0x198: {  	[tilespmem:s2+$0x2280] =	vst.add.f32.msk $0xffff, v7  }
0x199: {  	v10 =	vld [tilespmem:s28+$0x122A0]  }
0x19a: {  	v11 =	vld [tilespmem:s28+$0x122B0]  }
0x19b: {  	v12 =	vld [tilespmem:s28+$0x122C0]  }
0x19c: {  	v13 =	vld [tilespmem:s28+$0x122D0]  }
0x19d: {  	v14 =	vld [tilespmem:s28+$0x122E0]  }
0x19e: {  	v15 =	vld [tilespmem:s28+$0x12680]  }
0x19f: {  	v16 =	vld [tilespmem:s28+$0x12690]  }
0x1a0: {  	v17 =	vld [tilespmem:s28+$0x126A0]  }
0x1a1: {  	v7 =	vld [tilespmem:s28+$0x126B0]  }
0x1a2: {  	v6 =	vld [tilespmem:s28+$0x126C0]  }
0x1a3: {  	v5 =	vld [tilespmem:s28+$0x126D0]  }
0x1a4: {  	[tilespmem:s28+$0x2280] =	vst.add.f32.msk $0xffff, v8  }
0x1a5: {  	[tilespmem:s28+$0x2290] =	vst.add.f32.msk $0xffff, v9  }
0x1a6: {  	[tilespmem:s28+$0x22A0] =	vst.add.f32.msk $0xffff, v10  }
0x1a7: {  	[tilespmem:s28+$0x22B0] =	vst.add.f32.msk $0xffff, v11  }
0x1a8: {  	[tilespmem:s28+$0x22C0] =	vst.add.f32.msk $0xffff, v12  }
.Ltmp7:
0x1a9: {  	[tilespmem:s28+$0x22D0] =	vst.add.f32.msk $0xffff, v13;
	(pc) =	sbr.rel @p1 .LBB2_12-.Ltmp7, $4  }
0x1aa: {  	[tilespmem:s28+$0x22E0] =	vst.add.f32.msk $0xffff, v14  }
0x1ab: {  	[tilespmem:s28+$0x2680] =	vst.add.f32.msk $0xffff, v15  }
0x1ac: {  	[tilespmem:s28+$0x2690] =	vst.add.f32.msk $0xffff, v16  }
0x1ad: {  	s23 =	sadd.s32 $0x1, s23;
	s31 =	sadd.s32 $0x10, s31;
	[tilespmem:s28+$0x26A0] =	vst.add.f32.msk $0xffff, v17  }
0x1ae: {  	[tilespmem:s28+$0x26B0] =	vst.add.f32.msk $0xffff, v7  }
0x1af: {  	[tilespmem:s28+$0x26C0] =	vst.add.f32.msk $0xffff, v6  }
0x1b0: {  	[tilespmem:s28+$0x26D0] =	vst.add.f32.msk $0xffff, v5  }
0x1b1: {  	s28 =	simm.s32 $0x0;
	s23 =	simm.s32 $0x2280;
	s2 =	rddreg [dreg:$0x5]  }
0x1b2: {  	[hbm4b:s2+s28] =	stream.linear.scatter [tilespmem:s23], [sflag:$0x8], $0x4000, $0x38;
	[tilespmem:$0x1E280] =	vst v63  }
0x1b3: {  	v5 =	vld.msk [tilespmem:$0x2218], $0xff;
	_ =	sdelay $0x4  }
0x1b4: {  	v6 =	vshll.u32 v5, $0x4  }
0x1b5: {  	v5 =	vand.u32 $0x7, v5;
	v6 =	vand.u32 $0xFFFFFF80, v6  }
0x1b6: {  	v5 =	vor.u32 v5, v6  }
0x1b7: {  	v5 =	vperm.xlane v5, v3  }
0x1b8: {  	v6 =	vld [tilespmem:$0x1FFD0]  }
0x1b9: {  	v5 =	vadd.s32 v4, v5;
	_ =	sdelay $0x3  }
0x1ba: {  	s23 =	simm.s32 $0x12280;
	vm0 =	vnez.u8 v6  }
0x1bb: {  	[tilespmem:s23], [sflag:$0x5] =	stream.indirect_vreg.gather [hbm4b:s1+s28], $0x80, v5, vm0, $0xb8;
	[tilespmem:$0x1E280] =	vst v63  }
0x1bc: {  	s24 =	simm.s32 $0x12A80  }
0x1bd: {  	[tilespmem:s24], [sflag:$0x5] =	stream.indirect_vreg.gather [hbm4b:s6+s28], $0x80, v5, vm0, $0xb8;
	[tilespmem:$0x1E280] =	vst v63  }
0x1be: {  	s25 =	simm.s32 $0x13280  }
0x1bf: {  	[tilespmem:s25], [sflag:$0x5] =	stream.indirect_vreg.gather [hbm4b:s7+s28], $0x80, v5, vm0, $0xb8;
	[tilespmem:$0x1E280] =	vst v63  }
0x1c0: {  	s29 =	simm.s32 $0x13A80  }
0x1c1: {  	[tilespmem:s29], [sflag:$0x5] =	stream.indirect_vreg.gather [hbm4b:s8+s28], $0x80, v5, vm0, $0xb8;
	[tilespmem:$0x1E280] =	vst v63  }
0x1c2: {  	s23 =	simm.s32 $0x14280  }
0x1c3: {  	[tilespmem:s23], [sflag:$0x5] =	stream.indirect_vreg.gather [hbm4b:s9+s28], $0x80, v5, vm0, $0xb8;
	[tilespmem:$0x1E280] =	vst v63  }
0x1c4: {  	s24 =	simm.s32 $0x14A80  }
0x1c5: {  	[tilespmem:s24], [sflag:$0x5] =	stream.indirect_vreg.gather [hbm4b:s10+s28], $0x80, v5, vm0, $0xb8;
	[tilespmem:$0x1E280] =	vst v63  }
0x1c6: {  	s25 =	simm.s32 $0x15280  }
0x1c7: {  	[tilespmem:s25], [sflag:$0x5] =	stream.indirect_vreg.gather [hbm4b:s12+s28], $0x80, v5, vm0, $0xb8;
	[tilespmem:$0x1E280] =	vst v63  }
0x1c8: {  	s29 =	simm.s32 $0x15A80  }
0x1c9: {  	[tilespmem:s29], [sflag:$0x5] =	stream.indirect_vreg.gather [hbm4b:s13+s28], $0x80, v5, vm0, $0xb8;
	[tilespmem:$0x1E280] =	vst v63  }
0x1ca: {  	v5 =	vld.msk [tilespmem:$0x2198], $0xff;
	_ =	sdelay $0x4  }
0x1cb: {  	v6 =	vshll.u32 v5, $0x4  }
0x1cc: {  	v5 =	vand.u32 $0x7, v5;
	v6 =	vand.u32 $0xFFFFFF80, v6  }
0x1cd: {  	v5 =	vor.u32 v5, v6  }
0x1ce: {  	v5 =	vperm.xlane v5, v3;
	_ =	sdelay $0x1  }
0x1cf: {  	v5 =	vadd.s32 v4, v5;
	_ =	sdelay $0x3  }
0x1d0: {  	s23 =	simm.s32 $0xE280  }
0x1d1: {  	[tilespmem:s23], [sflag:$0x4] =	stream.indirect_vreg.gather [hbm4b:s1+s28], $0x80, v5, vm0, $0xb8;
	[tilespmem:$0x1E280] =	vst v63  }
0x1d2: {  	s24 =	simm.s32 $0xEA80  }
0x1d3: {  	[tilespmem:s24], [sflag:$0x4] =	stream.indirect_vreg.gather [hbm4b:s6+s28], $0x80, v5, vm0, $0xb8;
	[tilespmem:$0x1E280] =	vst v63  }
0x1d4: {  	s25 =	simm.s32 $0xF280  }
0x1d5: {  	[tilespmem:s25], [sflag:$0x4] =	stream.indirect_vreg.gather [hbm4b:s7+s28], $0x80, v5, vm0, $0xb8;
	[tilespmem:$0x1E280] =	vst v63  }
0x1d6: {  	s29 =	simm.s32 $0xFA80  }
0x1d7: {  	[tilespmem:s29], [sflag:$0x4] =	stream.indirect_vreg.gather [hbm4b:s8+s28], $0x80, v5, vm0, $0xb8;
	[tilespmem:$0x1E280] =	vst v63  }
0x1d8: {  	s23 =	simm.s32 $0x10280  }
0x1d9: {  	[tilespmem:s23], [sflag:$0x4] =	stream.indirect_vreg.gather [hbm4b:s9+s28], $0x80, v5, vm0, $0xb8;
	[tilespmem:$0x1E280] =	vst v63  }
0x1da: {  	s24 =	simm.s32 $0x10A80  }
0x1db: {  	[tilespmem:s24], [sflag:$0x4] =	stream.indirect_vreg.gather [hbm4b:s10+s28], $0x80, v5, vm0, $0xb8;
	[tilespmem:$0x1E280] =	vst v63  }
0x1dc: {  	s25 =	simm.s32 $0x11280  }
0x1dd: {  	[tilespmem:s25], [sflag:$0x4] =	stream.indirect_vreg.gather [hbm4b:s12+s28], $0x80, v5, vm0, $0xb8;
	[tilespmem:$0x1E280] =	vst v63  }
0x1de: {  	s29 =	simm.s32 $0x11A80;
	s23 =	simm.s32 $0x2  }
0x1df: {  	[tilespmem:s29], [sflag:$0x4] =	stream.indirect_vreg.gather [hbm4b:s13+s28], $0x80, v5, vm0, $0xb8;
	[tilespmem:$0x1E280] =	vst v63  }
0x1e0: {  	_ =	swait.ge [sflag:s23], $0x4000  }
0x1e1: {  	[sflag:s23] =	ssyncset.done $0x0  }
0x1e2: {  	s24 =	sand.u32 $0x7, s28;
	[sflag:s23] =	ssyncadd.s32 $0xFFFFC000  }
0x1e3: {  	s2 =	sshll.u32 s24, $0xB;
	_ =	swait.ge [sflag:s0], $0x4000  }
0x1e4: {  	s24 =	sand.u32 $0x380, s28;
	s25 =	sand.u32 $0x3800, s28;
	[sflag:s0] =	ssyncset.done $0x0  }
0x1e5: {  	s2 =	sadd.s32 $0x0, s2;
	s24 =	sor.u32 s24, s25;
	[sflag:s0] =	ssyncadd.s32 $0xFFFFC000  }
0x1e6: {  	s29 =	sor.u32 $0x470, s2;
	v5 =	vld [tilespmem:s24+$0x166E0]  }
0x1e7: {  	s2 =	sor.u32 $0x70, s2;
	v6 =	vld [tilespmem:s29+$0x16280]  }
0x1e8: {  	v7 =	vld [tilespmem:s2+$0x16280]  }
0x1e9: {  	v8 =	vld [tilespmem:s24+$0x16280]  }
0x1ea: {  	v9 =	vld [tilespmem:s24+$0x16290]  }
0x1eb: {  	v10 =	vld [tilespmem:s24+$0x162A0]  }
0x1ec: {  	v11 =	vld [tilespmem:s24+$0x162B0]  }
0x1ed: {  	v12 =	vld [tilespmem:s24+$0x162C0]  }
0x1ee: {  	v13 =	vld [tilespmem:s24+$0x162D0]  }
0x1ef: {  	v14 =	vld [tilespmem:s24+$0x162E0]  }
0x1f0: {  	v15 =	vld [tilespmem:s24+$0x16680]  }
0x1f1: {  	v16 =	vld [tilespmem:s24+$0x16690]  }
0x1f2: {  	v17 =	vld [tilespmem:s24+$0x166A0]  }
0x1f3: {  	[tilespmem:s24+$0x66E0] =	vst.add.f32.msk $0xffff, v5  }
0x1f4: {  	[tilespmem:s29+$0x6280] =	vst.add.f32.msk $0xffff, v6  }
0x1f5: {  	[tilespmem:s2+$0x6280] =	vst.add.f32.msk $0xffff, v7  }
0x1f6: {  	v7 =	vld [tilespmem:s24+$0x166B0]  }
0x1f7: {  	v6 =	vld [tilespmem:s24+$0x166C0]  }
0x1f8: {  	v5 =	vld [tilespmem:s24+$0x166D0]  }
0x1f9: {  	[tilespmem:s24+$0x6280] =	vst.add.f32.msk $0xffff, v8  }
0x1fa: {  	[tilespmem:s24+$0x6290] =	vst.add.f32.msk $0xffff, v9  }
0x1fb: {  	[tilespmem:s24+$0x62A0] =	vst.add.f32.msk $0xffff, v10  }
0x1fc: {  	[tilespmem:s24+$0x62B0] =	vst.add.f32.msk $0xffff, v11  }
0x1fd: {  	[tilespmem:s24+$0x62C0] =	vst.add.f32.msk $0xffff, v12  }
0x1fe: {  	[tilespmem:s24+$0x62D0] =	vst.add.f32.msk $0xffff, v13  }
0x1ff: {  	[tilespmem:s24+$0x62E0] =	vst.add.f32.msk $0xffff, v14  }
0x200: {  	[tilespmem:s24+$0x6680] =	vst.add.f32.msk $0xffff, v15  }
0x201: {  	[tilespmem:s24+$0x6690] =	vst.add.f32.msk $0xffff, v16  }
0x202: {  	s31 =	simm.s32 $0x10;
	s23 =	simm.s32 $0x1;
	[tilespmem:s24+$0x66A0] =	vst.add.f32.msk $0xffff, v17  }
.LBB2_14:
0x203: {  	s2 =	sand.u32 $0x7, s23;
	p1 =	slt.u32 s31, $0x3F0;
	[tilespmem:s24+$0x66B0] =	vst.add.f32.msk $0xffff, v7;
	s28 =	sadd.s32 $0x800, s28  }
0x204: {  	s29 =	sand.u32 $0x380, s31;
	s2 =	sshll.u32 s2, $0xB;
	s25 =	sand.u32 $0x3800, s28;
	[tilespmem:s24+$0x66C0] =	vst.add.f32.msk $0xffff, v6  }
0x205: {  	s2 =	sadd.s32 s2, s31;
	[tilespmem:s24+$0x66D0] =	vst.add.f32.msk $0xffff, v5;
	s24 =	sor.u32 s29, s25  }
0x206: {  	s25 =	sor.u32 $0x70, s2;
	v5 =	vld [tilespmem:s24+$0x166E0];
	s2 =	sor.u32 $0x470, s2  }
0x207: {  	v6 =	vld [tilespmem:s2+$0x16280]  }
0x208: {  	v7 =	vld [tilespmem:s25+$0x16280]  }
0x209: {  	v8 =	vld [tilespmem:s24+$0x16280]  }
0x20a: {  	v9 =	vld [tilespmem:s24+$0x16290]  }
0x20b: {  	[tilespmem:s24+$0x66E0] =	vst.add.f32.msk $0xffff, v5  }
0x20c: {  	[tilespmem:s2+$0x6280] =	vst.add.f32.msk $0xffff, v6  }
0x20d: {  	[tilespmem:s25+$0x6280] =	vst.add.f32.msk $0xffff, v7  }
0x20e: {  	v10 =	vld [tilespmem:s24+$0x162A0]  }
0x20f: {  	v11 =	vld [tilespmem:s24+$0x162B0]  }
0x210: {  	v12 =	vld [tilespmem:s24+$0x162C0]  }
0x211: {  	v13 =	vld [tilespmem:s24+$0x162D0]  }
0x212: {  	v14 =	vld [tilespmem:s24+$0x162E0]  }
0x213: {  	v15 =	vld [tilespmem:s24+$0x16680]  }
0x214: {  	v16 =	vld [tilespmem:s24+$0x16690]  }
0x215: {  	v17 =	vld [tilespmem:s24+$0x166A0]  }
0x216: {  	v7 =	vld [tilespmem:s24+$0x166B0]  }
0x217: {  	v6 =	vld [tilespmem:s24+$0x166C0]  }
0x218: {  	v5 =	vld [tilespmem:s24+$0x166D0]  }
0x219: {  	[tilespmem:s24+$0x6280] =	vst.add.f32.msk $0xffff, v8  }
0x21a: {  	[tilespmem:s24+$0x6290] =	vst.add.f32.msk $0xffff, v9  }
0x21b: {  	[tilespmem:s24+$0x62A0] =	vst.add.f32.msk $0xffff, v10  }
0x21c: {  	[tilespmem:s24+$0x62B0] =	vst.add.f32.msk $0xffff, v11  }
0x21d: {  	[tilespmem:s24+$0x62C0] =	vst.add.f32.msk $0xffff, v12  }
.Ltmp8:
0x21e: {  	[tilespmem:s24+$0x62D0] =	vst.add.f32.msk $0xffff, v13;
	(pc) =	sbr.rel @p1 .LBB2_14-.Ltmp8, $4  }
0x21f: {  	[tilespmem:s24+$0x62E0] =	vst.add.f32.msk $0xffff, v14  }
0x220: {  	[tilespmem:s24+$0x6680] =	vst.add.f32.msk $0xffff, v15  }
0x221: {  	[tilespmem:s24+$0x6690] =	vst.add.f32.msk $0xffff, v16  }
0x222: {  	s23 =	sadd.s32 $0x1, s23;
	s31 =	sadd.s32 $0x10, s31;
	[tilespmem:s24+$0x66A0] =	vst.add.f32.msk $0xffff, v17  }
0x223: {  	[tilespmem:s24+$0x66B0] =	vst.add.f32.msk $0xffff, v7  }
0x224: {  	[tilespmem:s24+$0x66C0] =	vst.add.f32.msk $0xffff, v6  }
0x225: {  	[tilespmem:s24+$0x66D0] =	vst.add.f32.msk $0xffff, v5  }
0x226: {  	s28 =	simm.s32 $0x0;
	s23 =	simm.s32 $0x6280;
	s2 =	rddreg [dreg:$0x6]  }
0x227: {  	[hbm4b:s2+s28] =	stream.linear.scatter [tilespmem:s23], [sflag:$0x9], $0x4000, $0x38;
	[tilespmem:$0x1E280] =	vst v63  }
0x228: {  	v5 =	vld.msk [tilespmem:$0x2220], $0xff;
	_ =	sdelay $0x4  }
0x229: {  	v6 =	vshll.u32 v5, $0x4  }
0x22a: {  	v5 =	vand.u32 $0x7, v5;
	v6 =	vand.u32 $0xFFFFFF80, v6  }
0x22b: {  	v5 =	vor.u32 v5, v6  }
0x22c: {  	v5 =	vperm.xlane v5, v3;
	_ =	sdelay $0x1  }
0x22d: {  	v5 =	vadd.s32 v4, v5;
	_ =	sdelay $0x3  }
0x22e: {  	s29 =	simm.s32 $0x16280  }
0x22f: {  	[tilespmem:s29], [sflag:$0x6] =	stream.indirect_vreg.gather [hbm4b:s1+s28], $0x80, v5, vm0, $0xb8;
	[tilespmem:$0x1E280] =	vst v63  }
0x230: {  	s23 =	simm.s32 $0x16A80  }
0x231: {  	[tilespmem:s23], [sflag:$0x6] =	stream.indirect_vreg.gather [hbm4b:s6+s28], $0x80, v5, vm0, $0xb8;
	[tilespmem:$0x1E280] =	vst v63  }
0x232: {  	s24 =	simm.s32 $0x17280  }
0x233: {  	[tilespmem:s24], [sflag:$0x6] =	stream.indirect_vreg.gather [hbm4b:s7+s28], $0x80, v5, vm0, $0xb8;
	[tilespmem:$0x1E280] =	vst v63  }
0x234: {  	s25 =	simm.s32 $0x17A80  }
0x235: {  	[tilespmem:s25], [sflag:$0x6] =	stream.indirect_vreg.gather [hbm4b:s8+s28], $0x80, v5, vm0, $0xb8;
	[tilespmem:$0x1E280] =	vst v63  }
0x236: {  	s29 =	simm.s32 $0x18280  }
0x237: {  	[tilespmem:s29], [sflag:$0x6] =	stream.indirect_vreg.gather [hbm4b:s9+s28], $0x80, v5, vm0, $0xb8;
	[tilespmem:$0x1E280] =	vst v63  }
0x238: {  	s23 =	simm.s32 $0x18A80  }
0x239: {  	[tilespmem:s23], [sflag:$0x6] =	stream.indirect_vreg.gather [hbm4b:s10+s28], $0x80, v5, vm0, $0xb8;
	[tilespmem:$0x1E280] =	vst v63  }
0x23a: {  	s24 =	simm.s32 $0x19280  }
0x23b: {  	[tilespmem:s24], [sflag:$0x6] =	stream.indirect_vreg.gather [hbm4b:s12+s28], $0x80, v5, vm0, $0xb8;
	[tilespmem:$0x1E280] =	vst v63  }
0x23c: {  	s25 =	simm.s32 $0x19A80;
	s29 =	simm.s32 $0x8  }
0x23d: {  	[tilespmem:s25], [sflag:$0x6] =	stream.indirect_vreg.gather [hbm4b:s13+s28], $0x80, v5, vm0, $0xb8;
	[tilespmem:$0x1E280] =	vst v63  }
0x23e: {  	_ =	swait.ge [sflag:s29], $0x4000  }
0x23f: {  	[sflag:s29] =	ssyncset.done $0x0  }
0x240: {  	[sflag:s29] =	ssyncadd.s32 $0xFFFFC000  }
0x241: {  	v5 =	vld.msk [tilespmem:$0x21A0], $0xff;
	_ =	sdelay $0x4  }
0x242: {  	v6 =	vshll.u32 v5, $0x4  }
0x243: {  	v5 =	vand.u32 $0x7, v5;
	v6 =	vand.u32 $0xFFFFFF80, v6  }
0x244: {  	v5 =	vor.u32 v5, v6  }
0x245: {  	v5 =	vperm.xlane v5, v3;
	_ =	sdelay $0x1  }
0x246: {  	v5 =	vadd.s32 v4, v5;
	_ =	sdelay $0x3  }
0x247: {  	s23 =	simm.s32 $0x2280  }
0x248: {  	[tilespmem:s23], [sflag:$0x1] =	stream.indirect_vreg.gather [hbm4b:s1+s28], $0x80, v5, vm0, $0xb8;
	[tilespmem:$0x1E280] =	vst v63  }
0x249: {  	s24 =	simm.s32 $0x2A80  }
0x24a: {  	[tilespmem:s24], [sflag:$0x1] =	stream.indirect_vreg.gather [hbm4b:s6+s28], $0x80, v5, vm0, $0xb8;
	[tilespmem:$0x1E280] =	vst v63  }
0x24b: {  	s25 =	simm.s32 $0x3280  }
0x24c: {  	[tilespmem:s25], [sflag:$0x1] =	stream.indirect_vreg.gather [hbm4b:s7+s28], $0x80, v5, vm0, $0xb8;
	[tilespmem:$0x1E280] =	vst v63  }
0x24d: {  	s29 =	simm.s32 $0x3A80  }
0x24e: {  	[tilespmem:s29], [sflag:$0x1] =	stream.indirect_vreg.gather [hbm4b:s8+s28], $0x80, v5, vm0, $0xb8;
	[tilespmem:$0x1E280] =	vst v63  }
0x24f: {  	s23 =	simm.s32 $0x4280  }
0x250: {  	[tilespmem:s23], [sflag:$0x1] =	stream.indirect_vreg.gather [hbm4b:s9+s28], $0x80, v5, vm0, $0xb8;
	[tilespmem:$0x1E280] =	vst v63  }
0x251: {  	s24 =	simm.s32 $0x4A80  }
0x252: {  	[tilespmem:s24], [sflag:$0x1] =	stream.indirect_vreg.gather [hbm4b:s10+s28], $0x80, v5, vm0, $0xb8;
	[tilespmem:$0x1E280] =	vst v63  }
0x253: {  	s25 =	simm.s32 $0x5280  }
0x254: {  	[tilespmem:s25], [sflag:$0x1] =	stream.indirect_vreg.gather [hbm4b:s12+s28], $0x80, v5, vm0, $0xb8;
	[tilespmem:$0x1E280] =	vst v63  }
0x255: {  	s29 =	simm.s32 $0x5A80  }
0x256: {  	[tilespmem:s29], [sflag:$0x1] =	stream.indirect_vreg.gather [hbm4b:s13+s28], $0x80, v5, vm0, $0xb8;
	[tilespmem:$0x1E280] =	vst v63  }
0x257: {  	_ =	swait.ge [sflag:s4], $0x4000  }
0x258: {  	[sflag:s4] =	ssyncset.done $0x0  }
0x259: {  	s23 =	sand.u32 $0x7, s28;
	[sflag:s4] =	ssyncadd.s32 $0xFFFFC000  }
0x25a: {  	s2 =	sshll.u32 s23, $0xB;
	_ =	swait.ge [sflag:s11], $0x4000  }
0x25b: {  	s24 =	sand.u32 $0x3800, s28;
	s25 =	sand.u32 $0x380, s28;
	[sflag:s11] =	ssyncset.done $0x0  }
0x25c: {  	s2 =	sadd.s32 $0x0, s2;
	s24 =	sor.u32 s25, s24;
	[sflag:s11] =	ssyncadd.s32 $0xFFFFC000  }
0x25d: {  	s29 =	sor.u32 $0x470, s2;
	v5 =	vld [tilespmem:s24+$0x1A6E0]  }
0x25e: {  	s2 =	sor.u32 $0x70, s2;
	v6 =	vld [tilespmem:s29+$0x1A280]  }
0x25f: {  	v7 =	vld [tilespmem:s2+$0x1A280]  }
0x260: {  	v8 =	vld [tilespmem:s24+$0x1A280]  }
0x261: {  	v9 =	vld [tilespmem:s24+$0x1A290]  }
0x262: {  	v10 =	vld [tilespmem:s24+$0x1A2A0]  }
0x263: {  	v11 =	vld [tilespmem:s24+$0x1A2B0]  }
0x264: {  	v12 =	vld [tilespmem:s24+$0x1A2C0]  }
0x265: {  	v13 =	vld [tilespmem:s24+$0x1A2D0]  }
0x266: {  	v14 =	vld [tilespmem:s24+$0x1A2E0]  }
0x267: {  	v15 =	vld [tilespmem:s24+$0x1A680]  }
0x268: {  	v16 =	vld [tilespmem:s24+$0x1A690]  }
0x269: {  	v17 =	vld [tilespmem:s24+$0x1A6A0]  }
0x26a: {  	[tilespmem:s24+$0xA6E0] =	vst.add.f32.msk $0xffff, v5  }
0x26b: {  	[tilespmem:s29+$0xA280] =	vst.add.f32.msk $0xffff, v6  }
0x26c: {  	[tilespmem:s2+$0xA280] =	vst.add.f32.msk $0xffff, v7  }
0x26d: {  	v7 =	vld [tilespmem:s24+$0x1A6B0]  }
0x26e: {  	v6 =	vld [tilespmem:s24+$0x1A6C0]  }
0x26f: {  	v5 =	vld [tilespmem:s24+$0x1A6D0]  }
0x270: {  	[tilespmem:s24+$0xA280] =	vst.add.f32.msk $0xffff, v8  }
0x271: {  	[tilespmem:s24+$0xA290] =	vst.add.f32.msk $0xffff, v9  }
0x272: {  	[tilespmem:s24+$0xA2A0] =	vst.add.f32.msk $0xffff, v10  }
0x273: {  	[tilespmem:s24+$0xA2B0] =	vst.add.f32.msk $0xffff, v11  }
0x274: {  	[tilespmem:s24+$0xA2C0] =	vst.add.f32.msk $0xffff, v12  }
0x275: {  	[tilespmem:s24+$0xA2D0] =	vst.add.f32.msk $0xffff, v13  }
0x276: {  	[tilespmem:s24+$0xA2E0] =	vst.add.f32.msk $0xffff, v14  }
0x277: {  	[tilespmem:s24+$0xA680] =	vst.add.f32.msk $0xffff, v15  }
0x278: {  	[tilespmem:s24+$0xA690] =	vst.add.f32.msk $0xffff, v16  }
0x279: {  	s31 =	simm.s32 $0x10;
	s23 =	simm.s32 $0x1;
	[tilespmem:s24+$0xA6A0] =	vst.add.f32.msk $0xffff, v17  }
.LBB2_16:
0x27a: {  	s2 =	sand.u32 $0x7, s23;
	p1 =	slt.u32 s31, $0x3F0;
	[tilespmem:s24+$0xA6B0] =	vst.add.f32.msk $0xffff, v7;
	s28 =	sadd.s32 $0x800, s28  }
0x27b: {  	s29 =	sand.u32 $0x380, s31;
	s2 =	sshll.u32 s2, $0xB;
	s25 =	sand.u32 $0x3800, s28;
	[tilespmem:s24+$0xA6C0] =	vst.add.f32.msk $0xffff, v6  }
0x27c: {  	s2 =	sadd.s32 s2, s31;
	[tilespmem:s24+$0xA6D0] =	vst.add.f32.msk $0xffff, v5;
	s24 =	sor.u32 s29, s25  }
0x27d: {  	s25 =	sor.u32 $0x70, s2;
	v5 =	vld [tilespmem:s24+$0x1A6E0];
	s2 =	sor.u32 $0x470, s2  }
0x27e: {  	v6 =	vld [tilespmem:s2+$0x1A280]  }
0x27f: {  	v7 =	vld [tilespmem:s25+$0x1A280]  }
0x280: {  	v8 =	vld [tilespmem:s24+$0x1A280]  }
0x281: {  	v9 =	vld [tilespmem:s24+$0x1A290]  }
0x282: {  	[tilespmem:s24+$0xA6E0] =	vst.add.f32.msk $0xffff, v5  }
0x283: {  	[tilespmem:s2+$0xA280] =	vst.add.f32.msk $0xffff, v6  }
0x284: {  	[tilespmem:s25+$0xA280] =	vst.add.f32.msk $0xffff, v7  }
0x285: {  	v10 =	vld [tilespmem:s24+$0x1A2A0]  }
0x286: {  	v11 =	vld [tilespmem:s24+$0x1A2B0]  }
0x287: {  	v12 =	vld [tilespmem:s24+$0x1A2C0]  }
0x288: {  	v13 =	vld [tilespmem:s24+$0x1A2D0]  }
0x289: {  	v14 =	vld [tilespmem:s24+$0x1A2E0]  }
0x28a: {  	v15 =	vld [tilespmem:s24+$0x1A680]  }
0x28b: {  	v16 =	vld [tilespmem:s24+$0x1A690]  }
0x28c: {  	v17 =	vld [tilespmem:s24+$0x1A6A0]  }
0x28d: {  	v7 =	vld [tilespmem:s24+$0x1A6B0]  }
0x28e: {  	v6 =	vld [tilespmem:s24+$0x1A6C0]  }
0x28f: {  	v5 =	vld [tilespmem:s24+$0x1A6D0]  }
0x290: {  	[tilespmem:s24+$0xA280] =	vst.add.f32.msk $0xffff, v8  }
0x291: {  	[tilespmem:s24+$0xA290] =	vst.add.f32.msk $0xffff, v9  }
0x292: {  	[tilespmem:s24+$0xA2A0] =	vst.add.f32.msk $0xffff, v10  }
0x293: {  	[tilespmem:s24+$0xA2B0] =	vst.add.f32.msk $0xffff, v11  }
0x294: {  	[tilespmem:s24+$0xA2C0] =	vst.add.f32.msk $0xffff, v12  }
.Ltmp9:
0x295: {  	[tilespmem:s24+$0xA2D0] =	vst.add.f32.msk $0xffff, v13;
	(pc) =	sbr.rel @p1 .LBB2_16-.Ltmp9, $4  }
0x296: {  	[tilespmem:s24+$0xA2E0] =	vst.add.f32.msk $0xffff, v14  }
0x297: {  	[tilespmem:s24+$0xA680] =	vst.add.f32.msk $0xffff, v15  }
0x298: {  	[tilespmem:s24+$0xA690] =	vst.add.f32.msk $0xffff, v16  }
0x299: {  	s23 =	sadd.s32 $0x1, s23;
	s31 =	sadd.s32 $0x10, s31;
	[tilespmem:s24+$0xA6A0] =	vst.add.f32.msk $0xffff, v17  }
0x29a: {  	[tilespmem:s24+$0xA6B0] =	vst.add.f32.msk $0xffff, v7  }
0x29b: {  	[tilespmem:s24+$0xA6C0] =	vst.add.f32.msk $0xffff, v6  }
0x29c: {  	[tilespmem:s24+$0xA6D0] =	vst.add.f32.msk $0xffff, v5  }
0x29d: {  	s28 =	simm.s32 $0x0;
	s23 =	simm.s32 $0xA280;
	s2 =	rddreg [dreg:$0x7]  }
0x29e: {  	[hbm4b:s2+s28] =	stream.linear.scatter [tilespmem:s23], [sflag:$0xA], $0x4000, $0x38;
	[tilespmem:$0x1E280] =	vst v63  }
0x29f: {  	v5 =	vld.msk [tilespmem:$0x2228], $0xff;
	_ =	sdelay $0x4  }
0x2a0: {  	v6 =	vshll.u32 v5, $0x4  }
0x2a1: {  	v5 =	vand.u32 $0x7, v5;
	v6 =	vand.u32 $0xFFFFFF80, v6  }
0x2a2: {  	v5 =	vor.u32 v5, v6  }
0x2a3: {  	v5 =	vperm.xlane v5, v3;
	_ =	sdelay $0x1  }
0x2a4: {  	v5 =	vadd.s32 v4, v5;
	_ =	sdelay $0x3  }
0x2a5: {  	s23 =	simm.s32 $0x1A280  }
0x2a6: {  	[tilespmem:s23], [sflag:$0x7] =	stream.indirect_vreg.gather [hbm4b:s1+s28], $0x80, v5, vm0, $0xb8;
	[tilespmem:$0x1E280] =	vst v63  }
0x2a7: {  	s24 =	simm.s32 $0x1AA80  }
0x2a8: {  	[tilespmem:s24], [sflag:$0x7] =	stream.indirect_vreg.gather [hbm4b:s6+s28], $0x80, v5, vm0, $0xb8;
	[tilespmem:$0x1E280] =	vst v63  }
0x2a9: {  	s25 =	simm.s32 $0x1B280  }
0x2aa: {  	[tilespmem:s25], [sflag:$0x7] =	stream.indirect_vreg.gather [hbm4b:s7+s28], $0x80, v5, vm0, $0xb8;
	[tilespmem:$0x1E280] =	vst v63  }
0x2ab: {  	s29 =	simm.s32 $0x1BA80  }
0x2ac: {  	[tilespmem:s29], [sflag:$0x7] =	stream.indirect_vreg.gather [hbm4b:s8+s28], $0x80, v5, vm0, $0xb8;
	[tilespmem:$0x1E280] =	vst v63  }
0x2ad: {  	s23 =	simm.s32 $0x1C280  }
0x2ae: {  	[tilespmem:s23], [sflag:$0x7] =	stream.indirect_vreg.gather [hbm4b:s9+s28], $0x80, v5, vm0, $0xb8;
	[tilespmem:$0x1E280] =	vst v63  }
0x2af: {  	s24 =	simm.s32 $0x1CA80  }
0x2b0: {  	[tilespmem:s24], [sflag:$0x7] =	stream.indirect_vreg.gather [hbm4b:s10+s28], $0x80, v5, vm0, $0xb8;
	[tilespmem:$0x1E280] =	vst v63  }
0x2b1: {  	s25 =	simm.s32 $0x1D280  }
0x2b2: {  	[tilespmem:s25], [sflag:$0x7] =	stream.indirect_vreg.gather [hbm4b:s12+s28], $0x80, v5, vm0, $0xb8;
	[tilespmem:$0x1E280] =	vst v63  }
0x2b3: {  	s29 =	simm.s32 $0x1DA80  }
0x2b4: {  	[tilespmem:s29], [sflag:$0x7] =	stream.indirect_vreg.gather [hbm4b:s13+s28], $0x80, v5, vm0, $0xb8;
	[tilespmem:$0x1E280] =	vst v63  }
0x2b5: {  	_ =	swait.ge [sflag:s14], $0x4000  }
0x2b6: {  	[sflag:s14] =	ssyncset.done $0x0  }
0x2b7: {  	[sflag:s14] =	ssyncadd.s32 $0xFFFFC000  }
0x2b8: {  	v5 =	vld.msk [tilespmem:$0x21A8], $0xff;
	_ =	sdelay $0x4  }
0x2b9: {  	v6 =	vshll.u32 v5, $0x4  }
0x2ba: {  	v5 =	vand.u32 $0x7, v5;
	v6 =	vand.u32 $0xFFFFFF80, v6  }
0x2bb: {  	v5 =	vor.u32 v5, v6  }
0x2bc: {  	v5 =	vperm.xlane v5, v3;
	_ =	sdelay $0x1  }
0x2bd: {  	v5 =	vadd.s32 v4, v5;
	_ =	sdelay $0x3  }
0x2be: {  	s23 =	simm.s32 $0x6280  }
0x2bf: {  	[tilespmem:s23], [sflag:$0x2] =	stream.indirect_vreg.gather [hbm4b:s1+s28], $0x80, v5, vm0, $0xb8;
	[tilespmem:$0x1E280] =	vst v63  }
0x2c0: {  	s24 =	simm.s32 $0x6A80  }
0x2c1: {  	[tilespmem:s24], [sflag:$0x2] =	stream.indirect_vreg.gather [hbm4b:s6+s28], $0x80, v5, vm0, $0xb8;
	[tilespmem:$0x1E280] =	vst v63  }
0x2c2: {  	s25 =	simm.s32 $0x7280  }
0x2c3: {  	[tilespmem:s25], [sflag:$0x2] =	stream.indirect_vreg.gather [hbm4b:s7+s28], $0x80, v5, vm0, $0xb8;
	[tilespmem:$0x1E280] =	vst v63  }
0x2c4: {  	s29 =	simm.s32 $0x7A80  }
0x2c5: {  	[tilespmem:s29], [sflag:$0x2] =	stream.indirect_vreg.gather [hbm4b:s8+s28], $0x80, v5, vm0, $0xb8;
	[tilespmem:$0x1E280] =	vst v63  }
0x2c6: {  	s23 =	simm.s32 $0x8280  }
0x2c7: {  	[tilespmem:s23], [sflag:$0x2] =	stream.indirect_vreg.gather [hbm4b:s9+s28], $0x80, v5, vm0, $0xb8;
	[tilespmem:$0x1E280] =	vst v63  }
0x2c8: {  	s24 =	simm.s32 $0x8A80  }
0x2c9: {  	[tilespmem:s24], [sflag:$0x2] =	stream.indirect_vreg.gather [hbm4b:s10+s28], $0x80, v5, vm0, $0xb8;
	[tilespmem:$0x1E280] =	vst v63  }
0x2ca: {  	s25 =	simm.s32 $0x9280  }
0x2cb: {  	[tilespmem:s25], [sflag:$0x2] =	stream.indirect_vreg.gather [hbm4b:s12+s28], $0x80, v5, vm0, $0xb8;
	[tilespmem:$0x1E280] =	vst v63  }
0x2cc: {  	s29 =	simm.s32 $0x9A80  }
0x2cd: {  	[tilespmem:s29], [sflag:$0x2] =	stream.indirect_vreg.gather [hbm4b:s13+s28], $0x80, v5, vm0, $0xb8;
	[tilespmem:$0x1E280] =	vst v63  }
0x2ce: {  	_ =	swait.ge [sflag:s21], $0x4000  }
0x2cf: {  	[sflag:s21] =	ssyncset.done $0x0  }
0x2d0: {  	s23 =	sand.u32 $0x7, s28;
	[sflag:s21] =	ssyncadd.s32 $0xFFFFC000  }
0x2d1: {  	s2 =	sshll.u32 s23, $0xB;
	_ =	swait.ge [sflag:s30], $0x4000  }
0x2d2: {  	s24 =	sand.u32 $0x3800, s28;
	s25 =	sand.u32 $0x380, s28;
	[sflag:s30] =	ssyncset.done $0x0  }
0x2d3: {  	s2 =	sadd.s32 $0x0, s2;
	s24 =	sor.u32 s25, s24;
	[sflag:s30] =	ssyncadd.s32 $0xFFFFC000  }
0x2d4: {  	s29 =	sor.u32 $0x470, s2;
	v5 =	vld [tilespmem:s24+$0x126E0]  }
0x2d5: {  	s2 =	sor.u32 $0x70, s2;
	v6 =	vld [tilespmem:s29+$0x12280]  }
0x2d6: {  	v7 =	vld [tilespmem:s2+$0x12280]  }
0x2d7: {  	v8 =	vld [tilespmem:s24+$0x12280]  }
0x2d8: {  	v9 =	vld [tilespmem:s24+$0x12290]  }
0x2d9: {  	v10 =	vld [tilespmem:s24+$0x122A0]  }
0x2da: {  	v11 =	vld [tilespmem:s24+$0x122B0]  }
0x2db: {  	v12 =	vld [tilespmem:s24+$0x122C0]  }
0x2dc: {  	v13 =	vld [tilespmem:s24+$0x122D0]  }
0x2dd: {  	v14 =	vld [tilespmem:s24+$0x122E0]  }
0x2de: {  	v15 =	vld [tilespmem:s24+$0x12680]  }
0x2df: {  	v16 =	vld [tilespmem:s24+$0x12690]  }
0x2e0: {  	v17 =	vld [tilespmem:s24+$0x126A0]  }
0x2e1: {  	[tilespmem:s24+$0xE6E0] =	vst.add.f32.msk $0xffff, v5  }
0x2e2: {  	[tilespmem:s29+$0xE280] =	vst.add.f32.msk $0xffff, v6  }
0x2e3: {  	[tilespmem:s2+$0xE280] =	vst.add.f32.msk $0xffff, v7  }
0x2e4: {  	v7 =	vld [tilespmem:s24+$0x126B0]  }
0x2e5: {  	v6 =	vld [tilespmem:s24+$0x126C0]  }
0x2e6: {  	v5 =	vld [tilespmem:s24+$0x126D0]  }
0x2e7: {  	[tilespmem:s24+$0xE280] =	vst.add.f32.msk $0xffff, v8  }
0x2e8: {  	[tilespmem:s24+$0xE290] =	vst.add.f32.msk $0xffff, v9  }
0x2e9: {  	[tilespmem:s24+$0xE2A0] =	vst.add.f32.msk $0xffff, v10  }
0x2ea: {  	[tilespmem:s24+$0xE2B0] =	vst.add.f32.msk $0xffff, v11  }
0x2eb: {  	[tilespmem:s24+$0xE2C0] =	vst.add.f32.msk $0xffff, v12  }
0x2ec: {  	[tilespmem:s24+$0xE2D0] =	vst.add.f32.msk $0xffff, v13  }
0x2ed: {  	[tilespmem:s24+$0xE2E0] =	vst.add.f32.msk $0xffff, v14  }
0x2ee: {  	[tilespmem:s24+$0xE680] =	vst.add.f32.msk $0xffff, v15  }
0x2ef: {  	[tilespmem:s24+$0xE690] =	vst.add.f32.msk $0xffff, v16  }
0x2f0: {  	s31 =	simm.s32 $0x10;
	s23 =	simm.s32 $0x1;
	[tilespmem:s24+$0xE6A0] =	vst.add.f32.msk $0xffff, v17  }
.LBB2_18:
0x2f1: {  	s2 =	sand.u32 $0x7, s23;
	p1 =	slt.u32 s31, $0x3F0;
	[tilespmem:s24+$0xE6B0] =	vst.add.f32.msk $0xffff, v7;
	s28 =	sadd.s32 $0x800, s28  }
0x2f2: {  	s29 =	sand.u32 $0x380, s31;
	s2 =	sshll.u32 s2, $0xB;
	s25 =	sand.u32 $0x3800, s28;
	[tilespmem:s24+$0xE6C0] =	vst.add.f32.msk $0xffff, v6  }
0x2f3: {  	s2 =	sadd.s32 s2, s31;
	[tilespmem:s24+$0xE6D0] =	vst.add.f32.msk $0xffff, v5;
	s24 =	sor.u32 s29, s25  }
0x2f4: {  	s25 =	sor.u32 $0x70, s2;
	v5 =	vld [tilespmem:s24+$0x126E0];
	s2 =	sor.u32 $0x470, s2  }
0x2f5: {  	v6 =	vld [tilespmem:s2+$0x12280]  }
0x2f6: {  	v7 =	vld [tilespmem:s25+$0x12280]  }
0x2f7: {  	v8 =	vld [tilespmem:s24+$0x12280]  }
0x2f8: {  	v9 =	vld [tilespmem:s24+$0x12290]  }
0x2f9: {  	[tilespmem:s24+$0xE6E0] =	vst.add.f32.msk $0xffff, v5  }
0x2fa: {  	[tilespmem:s2+$0xE280] =	vst.add.f32.msk $0xffff, v6  }
0x2fb: {  	[tilespmem:s25+$0xE280] =	vst.add.f32.msk $0xffff, v7  }
0x2fc: {  	v10 =	vld [tilespmem:s24+$0x122A0]  }
0x2fd: {  	v11 =	vld [tilespmem:s24+$0x122B0]  }
0x2fe: {  	v12 =	vld [tilespmem:s24+$0x122C0]  }
0x2ff: {  	v13 =	vld [tilespmem:s24+$0x122D0]  }
0x300: {  	v14 =	vld [tilespmem:s24+$0x122E0]  }
0x301: {  	v15 =	vld [tilespmem:s24+$0x12680]  }
0x302: {  	v16 =	vld [tilespmem:s24+$0x12690]  }
0x303: {  	v17 =	vld [tilespmem:s24+$0x126A0]  }
0x304: {  	v7 =	vld [tilespmem:s24+$0x126B0]  }
0x305: {  	v6 =	vld [tilespmem:s24+$0x126C0]  }
0x306: {  	v5 =	vld [tilespmem:s24+$0x126D0]  }
0x307: {  	[tilespmem:s24+$0xE280] =	vst.add.f32.msk $0xffff, v8  }
0x308: {  	[tilespmem:s24+$0xE290] =	vst.add.f32.msk $0xffff, v9  }
0x309: {  	[tilespmem:s24+$0xE2A0] =	vst.add.f32.msk $0xffff, v10  }
0x30a: {  	[tilespmem:s24+$0xE2B0] =	vst.add.f32.msk $0xffff, v11  }
0x30b: {  	[tilespmem:s24+$0xE2C0] =	vst.add.f32.msk $0xffff, v12  }
.Ltmp10:
0x30c: {  	[tilespmem:s24+$0xE2D0] =	vst.add.f32.msk $0xffff, v13;
	(pc) =	sbr.rel @p1 .LBB2_18-.Ltmp10, $4  }
0x30d: {  	[tilespmem:s24+$0xE2E0] =	vst.add.f32.msk $0xffff, v14  }
0x30e: {  	[tilespmem:s24+$0xE680] =	vst.add.f32.msk $0xffff, v15  }
0x30f: {  	[tilespmem:s24+$0xE690] =	vst.add.f32.msk $0xffff, v16  }
0x310: {  	s23 =	sadd.s32 $0x1, s23;
	s31 =	sadd.s32 $0x10, s31;
	[tilespmem:s24+$0xE6A0] =	vst.add.f32.msk $0xffff, v17  }
0x311: {  	[tilespmem:s24+$0xE6B0] =	vst.add.f32.msk $0xffff, v7  }
0x312: {  	[tilespmem:s24+$0xE6C0] =	vst.add.f32.msk $0xffff, v6  }
0x313: {  	[tilespmem:s24+$0xE6D0] =	vst.add.f32.msk $0xffff, v5  }
0x314: {  	s28 =	simm.s32 $0x0;
	s23 =	simm.s32 $0xE280;
	s2 =	rddreg [dreg:$0x8]  }
0x315: {  	[hbm4b:s2+s28] =	stream.linear.scatter [tilespmem:s23], [sflag:$0xB], $0x4000, $0x38;
	[tilespmem:$0x1E280] =	vst v63  }
0x316: {  	v5 =	vld.msk [tilespmem:$0x2230], $0xff;
	_ =	sdelay $0x4  }
0x317: {  	v6 =	vshll.u32 v5, $0x4  }
0x318: {  	v5 =	vand.u32 $0x7, v5;
	v6 =	vand.u32 $0xFFFFFF80, v6  }
0x319: {  	v5 =	vor.u32 v5, v6  }
0x31a: {  	v5 =	vperm.xlane v5, v3;
	_ =	sdelay $0x1  }
0x31b: {  	v5 =	vadd.s32 v4, v5;
	_ =	sdelay $0x3  }
0x31c: {  	s29 =	simm.s32 $0x12280  }
0x31d: {  	[tilespmem:s29], [sflag:$0x5] =	stream.indirect_vreg.gather [hbm4b:s1+s28], $0x80, v5, vm0, $0xb8;
	[tilespmem:$0x1E280] =	vst v63  }
0x31e: {  	s23 =	simm.s32 $0x12A80  }
0x31f: {  	[tilespmem:s23], [sflag:$0x5] =	stream.indirect_vreg.gather [hbm4b:s6+s28], $0x80, v5, vm0, $0xb8;
	[tilespmem:$0x1E280] =	vst v63  }
0x320: {  	s24 =	simm.s32 $0x13280  }
0x321: {  	[tilespmem:s24], [sflag:$0x5] =	stream.indirect_vreg.gather [hbm4b:s7+s28], $0x80, v5, vm0, $0xb8;
	[tilespmem:$0x1E280] =	vst v63  }
0x322: {  	s25 =	simm.s32 $0x13A80  }
0x323: {  	[tilespmem:s25], [sflag:$0x5] =	stream.indirect_vreg.gather [hbm4b:s8+s28], $0x80, v5, vm0, $0xb8;
	[tilespmem:$0x1E280] =	vst v63  }
0x324: {  	s29 =	simm.s32 $0x14280  }
0x325: {  	[tilespmem:s29], [sflag:$0x5] =	stream.indirect_vreg.gather [hbm4b:s9+s28], $0x80, v5, vm0, $0xb8;
	[tilespmem:$0x1E280] =	vst v63  }
0x326: {  	s23 =	simm.s32 $0x14A80  }
0x327: {  	[tilespmem:s23], [sflag:$0x5] =	stream.indirect_vreg.gather [hbm4b:s10+s28], $0x80, v5, vm0, $0xb8;
	[tilespmem:$0x1E280] =	vst v63  }
0x328: {  	s24 =	simm.s32 $0x15280  }
0x329: {  	[tilespmem:s24], [sflag:$0x5] =	stream.indirect_vreg.gather [hbm4b:s12+s28], $0x80, v5, vm0, $0xb8;
	[tilespmem:$0x1E280] =	vst v63  }
0x32a: {  	s25 =	simm.s32 $0x15A80  }
0x32b: {  	[tilespmem:s25], [sflag:$0x5] =	stream.indirect_vreg.gather [hbm4b:s13+s28], $0x80, v5, vm0, $0xb8;
	[tilespmem:$0x1E280] =	vst v63  }
0x32c: {  	_ =	swait.ge [sflag:s22], $0x4000  }
0x32d: {  	[sflag:s22] =	ssyncset.done $0x0  }
0x32e: {  	[sflag:s22] =	ssyncadd.s32 $0xFFFFC000  }
0x32f: {  	v5 =	vld.msk [tilespmem:$0x21B0], $0xff;
	_ =	sdelay $0x4  }
0x330: {  	v6 =	vshll.u32 v5, $0x4  }
0x331: {  	v5 =	vand.u32 $0x7, v5;
	v6 =	vand.u32 $0xFFFFFF80, v6  }
0x332: {  	v5 =	vor.u32 v5, v6  }
0x333: {  	v5 =	vperm.xlane v5, v3;
	_ =	sdelay $0x1  }
0x334: {  	v5 =	vadd.s32 v4, v5;
	_ =	sdelay $0x3  }
0x335: {  	s29 =	simm.s32 $0xA280  }
0x336: {  	[tilespmem:s29], [sflag:$0x3] =	stream.indirect_vreg.gather [hbm4b:s1+s28], $0x80, v5, vm0, $0xb8;
	[tilespmem:$0x1E280] =	vst v63  }
0x337: {  	s23 =	simm.s32 $0xAA80  }
0x338: {  	[tilespmem:s23], [sflag:$0x3] =	stream.indirect_vreg.gather [hbm4b:s6+s28], $0x80, v5, vm0, $0xb8;
	[tilespmem:$0x1E280] =	vst v63  }
0x339: {  	s24 =	simm.s32 $0xB280  }
0x33a: {  	[tilespmem:s24], [sflag:$0x3] =	stream.indirect_vreg.gather [hbm4b:s7+s28], $0x80, v5, vm0, $0xb8;
	[tilespmem:$0x1E280] =	vst v63  }
0x33b: {  	s25 =	simm.s32 $0xBA80  }
0x33c: {  	[tilespmem:s25], [sflag:$0x3] =	stream.indirect_vreg.gather [hbm4b:s8+s28], $0x80, v5, vm0, $0xb8;
	[tilespmem:$0x1E280] =	vst v63  }
0x33d: {  	s29 =	simm.s32 $0xC280  }
0x33e: {  	[tilespmem:s29], [sflag:$0x3] =	stream.indirect_vreg.gather [hbm4b:s9+s28], $0x80, v5, vm0, $0xb8;
	[tilespmem:$0x1E280] =	vst v63  }
0x33f: {  	s23 =	simm.s32 $0xCA80  }
0x340: {  	[tilespmem:s23], [sflag:$0x3] =	stream.indirect_vreg.gather [hbm4b:s10+s28], $0x80, v5, vm0, $0xb8;
	[tilespmem:$0x1E280] =	vst v63  }
0x341: {  	s24 =	simm.s32 $0xD280  }
0x342: {  	[tilespmem:s24], [sflag:$0x3] =	stream.indirect_vreg.gather [hbm4b:s12+s28], $0x80, v5, vm0, $0xb8;
	[tilespmem:$0x1E280] =	vst v63  }
0x343: {  	s25 =	simm.s32 $0xDA80;
	s29 =	simm.s32 $0x1  }
0x344: {  	[tilespmem:s25], [sflag:$0x3] =	stream.indirect_vreg.gather [hbm4b:s13+s28], $0x80, v5, vm0, $0xb8;
	[tilespmem:$0x1E280] =	vst v63  }
0x345: {  	_ =	swait.ge [sflag:s29], $0x4000  }
0x346: {  	[sflag:s29] =	ssyncset.done $0x0  }
0x347: {  	s23 =	sand.u32 $0x7, s28;
	[sflag:s29] =	ssyncadd.s32 $0xFFFFC000  }
0x348: {  	s2 =	sshll.u32 s23, $0xB;
	_ =	swait.ge [sflag:s0], $0x4000  }
0x349: {  	s24 =	sand.u32 $0x3800, s28;
	s25 =	sand.u32 $0x380, s28;
	[sflag:s0] =	ssyncset.done $0x0  }
0x34a: {  	s2 =	sadd.s32 $0x0, s2;
	s24 =	sor.u32 s25, s24;
	[sflag:s0] =	ssyncadd.s32 $0xFFFFC000  }
0x34b: {  	s29 =	sor.u32 $0x470, s2;
	v5 =	vld [tilespmem:s24+$0x166E0]  }
0x34c: {  	s2 =	sor.u32 $0x70, s2;
	v6 =	vld [tilespmem:s29+$0x16280]  }
0x34d: {  	v7 =	vld [tilespmem:s2+$0x16280]  }
0x34e: {  	v8 =	vld [tilespmem:s24+$0x16280]  }
0x34f: {  	v9 =	vld [tilespmem:s24+$0x16290]  }
0x350: {  	v10 =	vld [tilespmem:s24+$0x162A0]  }
0x351: {  	v11 =	vld [tilespmem:s24+$0x162B0]  }
0x352: {  	v12 =	vld [tilespmem:s24+$0x162C0]  }
0x353: {  	v13 =	vld [tilespmem:s24+$0x162D0]  }
0x354: {  	v14 =	vld [tilespmem:s24+$0x162E0]  }
0x355: {  	v15 =	vld [tilespmem:s24+$0x16680]  }
0x356: {  	v16 =	vld [tilespmem:s24+$0x16690]  }
0x357: {  	v17 =	vld [tilespmem:s24+$0x166A0]  }
0x358: {  	[tilespmem:s24+$0x26E0] =	vst.add.f32.msk $0xffff, v5  }
0x359: {  	[tilespmem:s29+$0x2280] =	vst.add.f32.msk $0xffff, v6  }
0x35a: {  	[tilespmem:s2+$0x2280] =	vst.add.f32.msk $0xffff, v7  }
0x35b: {  	v7 =	vld [tilespmem:s24+$0x166B0]  }
0x35c: {  	v6 =	vld [tilespmem:s24+$0x166C0]  }
0x35d: {  	v5 =	vld [tilespmem:s24+$0x166D0]  }
0x35e: {  	[tilespmem:s24+$0x2280] =	vst.add.f32.msk $0xffff, v8  }
0x35f: {  	[tilespmem:s24+$0x2290] =	vst.add.f32.msk $0xffff, v9  }
0x360: {  	[tilespmem:s24+$0x22A0] =	vst.add.f32.msk $0xffff, v10  }
0x361: {  	[tilespmem:s24+$0x22B0] =	vst.add.f32.msk $0xffff, v11  }
0x362: {  	[tilespmem:s24+$0x22C0] =	vst.add.f32.msk $0xffff, v12  }
0x363: {  	[tilespmem:s24+$0x22D0] =	vst.add.f32.msk $0xffff, v13  }
0x364: {  	[tilespmem:s24+$0x22E0] =	vst.add.f32.msk $0xffff, v14  }
0x365: {  	[tilespmem:s24+$0x2680] =	vst.add.f32.msk $0xffff, v15  }
0x366: {  	[tilespmem:s24+$0x2690] =	vst.add.f32.msk $0xffff, v16  }
0x367: {  	s31 =	simm.s32 $0x10;
	s23 =	simm.s32 $0x1;
	[tilespmem:s24+$0x26A0] =	vst.add.f32.msk $0xffff, v17  }
.LBB2_20:
0x368: {  	s2 =	sand.u32 $0x7, s23;
	p1 =	slt.u32 s31, $0x3F0;
	[tilespmem:s24+$0x26B0] =	vst.add.f32.msk $0xffff, v7;
	s28 =	sadd.s32 $0x800, s28  }
0x369: {  	s29 =	sand.u32 $0x380, s31;
	s2 =	sshll.u32 s2, $0xB;
	s25 =	sand.u32 $0x3800, s28;
	[tilespmem:s24+$0x26C0] =	vst.add.f32.msk $0xffff, v6  }
0x36a: {  	s2 =	sadd.s32 s2, s31;
	[tilespmem:s24+$0x26D0] =	vst.add.f32.msk $0xffff, v5;
	s24 =	sor.u32 s29, s25  }
0x36b: {  	s25 =	sor.u32 $0x70, s2;
	v5 =	vld [tilespmem:s24+$0x166E0];
	s2 =	sor.u32 $0x470, s2  }
0x36c: {  	v6 =	vld [tilespmem:s2+$0x16280]  }
0x36d: {  	v7 =	vld [tilespmem:s25+$0x16280]  }
0x36e: {  	v8 =	vld [tilespmem:s24+$0x16280]  }
0x36f: {  	v9 =	vld [tilespmem:s24+$0x16290]  }
0x370: {  	[tilespmem:s24+$0x26E0] =	vst.add.f32.msk $0xffff, v5  }
0x371: {  	[tilespmem:s2+$0x2280] =	vst.add.f32.msk $0xffff, v6  }
0x372: {  	[tilespmem:s25+$0x2280] =	vst.add.f32.msk $0xffff, v7  }
0x373: {  	v10 =	vld [tilespmem:s24+$0x162A0]  }
0x374: {  	v11 =	vld [tilespmem:s24+$0x162B0]  }
0x375: {  	v12 =	vld [tilespmem:s24+$0x162C0]  }
0x376: {  	v13 =	vld [tilespmem:s24+$0x162D0]  }
0x377: {  	v14 =	vld [tilespmem:s24+$0x162E0]  }
0x378: {  	v15 =	vld [tilespmem:s24+$0x16680]  }
0x379: {  	v16 =	vld [tilespmem:s24+$0x16690]  }
0x37a: {  	v17 =	vld [tilespmem:s24+$0x166A0]  }
0x37b: {  	v7 =	vld [tilespmem:s24+$0x166B0]  }
0x37c: {  	v6 =	vld [tilespmem:s24+$0x166C0]  }
0x37d: {  	v5 =	vld [tilespmem:s24+$0x166D0]  }
0x37e: {  	[tilespmem:s24+$0x2280] =	vst.add.f32.msk $0xffff, v8  }
0x37f: {  	[tilespmem:s24+$0x2290] =	vst.add.f32.msk $0xffff, v9  }
0x380: {  	[tilespmem:s24+$0x22A0] =	vst.add.f32.msk $0xffff, v10  }
0x381: {  	[tilespmem:s24+$0x22B0] =	vst.add.f32.msk $0xffff, v11  }
0x382: {  	[tilespmem:s24+$0x22C0] =	vst.add.f32.msk $0xffff, v12  }
.Ltmp11:
0x383: {  	[tilespmem:s24+$0x22D0] =	vst.add.f32.msk $0xffff, v13;
	(pc) =	sbr.rel @p1 .LBB2_20-.Ltmp11, $4  }
0x384: {  	[tilespmem:s24+$0x22E0] =	vst.add.f32.msk $0xffff, v14  }
0x385: {  	[tilespmem:s24+$0x2680] =	vst.add.f32.msk $0xffff, v15  }
0x386: {  	[tilespmem:s24+$0x2690] =	vst.add.f32.msk $0xffff, v16  }
0x387: {  	s23 =	sadd.s32 $0x1, s23;
	s31 =	sadd.s32 $0x10, s31;
	[tilespmem:s24+$0x26A0] =	vst.add.f32.msk $0xffff, v17  }
0x388: {  	[tilespmem:s24+$0x26B0] =	vst.add.f32.msk $0xffff, v7  }
0x389: {  	[tilespmem:s24+$0x26C0] =	vst.add.f32.msk $0xffff, v6  }
0x38a: {  	[tilespmem:s24+$0x26D0] =	vst.add.f32.msk $0xffff, v5  }
0x38b: {  	s28 =	simm.s32 $0x0;
	s23 =	simm.s32 $0x2280;
	s2 =	rddreg [dreg:$0x9]  }
0x38c: {  	[hbm4b:s2+s28] =	stream.linear.scatter [tilespmem:s23], [sflag:$0x8], $0x4000, $0x38;
	[tilespmem:$0x1E280] =	vst v63  }
0x38d: {  	v5 =	vld.msk [tilespmem:$0x2238], $0xff;
	_ =	sdelay $0x4  }
0x38e: {  	v6 =	vshll.u32 v5, $0x4  }
0x38f: {  	v5 =	vand.u32 $0x7, v5;
	v6 =	vand.u32 $0xFFFFFF80, v6  }
0x390: {  	v5 =	vor.u32 v5, v6  }
0x391: {  	v5 =	vperm.xlane v5, v3;
	_ =	sdelay $0x1  }
0x392: {  	v5 =	vadd.s32 v4, v5;
	_ =	sdelay $0x3  }
0x393: {  	s29 =	simm.s32 $0x16280  }
0x394: {  	[tilespmem:s29], [sflag:$0x6] =	stream.indirect_vreg.gather [hbm4b:s1+s28], $0x80, v5, vm0, $0xb8;
	[tilespmem:$0x1E280] =	vst v63  }
0x395: {  	s23 =	simm.s32 $0x16A80  }
0x396: {  	[tilespmem:s23], [sflag:$0x6] =	stream.indirect_vreg.gather [hbm4b:s6+s28], $0x80, v5, vm0, $0xb8;
	[tilespmem:$0x1E280] =	vst v63  }
0x397: {  	s24 =	simm.s32 $0x17280  }
0x398: {  	[tilespmem:s24], [sflag:$0x6] =	stream.indirect_vreg.gather [hbm4b:s7+s28], $0x80, v5, vm0, $0xb8;
	[tilespmem:$0x1E280] =	vst v63  }
0x399: {  	s25 =	simm.s32 $0x17A80  }
0x39a: {  	[tilespmem:s25], [sflag:$0x6] =	stream.indirect_vreg.gather [hbm4b:s8+s28], $0x80, v5, vm0, $0xb8;
	[tilespmem:$0x1E280] =	vst v63  }
0x39b: {  	s29 =	simm.s32 $0x18280  }
0x39c: {  	[tilespmem:s29], [sflag:$0x6] =	stream.indirect_vreg.gather [hbm4b:s9+s28], $0x80, v5, vm0, $0xb8;
	[tilespmem:$0x1E280] =	vst v63  }
0x39d: {  	s23 =	simm.s32 $0x18A80  }
0x39e: {  	[tilespmem:s23], [sflag:$0x6] =	stream.indirect_vreg.gather [hbm4b:s10+s28], $0x80, v5, vm0, $0xb8;
	[tilespmem:$0x1E280] =	vst v63  }
0x39f: {  	s24 =	simm.s32 $0x19280  }
0x3a0: {  	[tilespmem:s24], [sflag:$0x6] =	stream.indirect_vreg.gather [hbm4b:s12+s28], $0x80, v5, vm0, $0xb8;
	[tilespmem:$0x1E280] =	vst v63  }
0x3a1: {  	s25 =	simm.s32 $0x19A80  }
0x3a2: {  	[tilespmem:s25], [sflag:$0x6] =	stream.indirect_vreg.gather [hbm4b:s13+s28], $0x80, v5, vm0, $0xb8;
	[tilespmem:$0x1E280] =	vst v63  }
0x3a3: {  	_ =	swait.ge [sflag:s26], $0x4000  }
0x3a4: {  	[sflag:s26] =	ssyncset.done $0x0  }
0x3a5: {  	[sflag:s26] =	ssyncadd.s32 $0xFFFFC000  }
0x3a6: {  	v5 =	vld.msk [tilespmem:$0x21B8], $0xff;
	_ =	sdelay $0x4  }
0x3a7: {  	v6 =	vshll.u32 v5, $0x4  }
0x3a8: {  	v5 =	vand.u32 $0x7, v5;
	v6 =	vand.u32 $0xFFFFFF80, v6  }
0x3a9: {  	v5 =	vor.u32 v5, v6  }
0x3aa: {  	v5 =	vperm.xlane v5, v3;
	_ =	sdelay $0x1  }
0x3ab: {  	v5 =	vadd.s32 v4, v5;
	_ =	sdelay $0x3  }
0x3ac: {  	s29 =	simm.s32 $0xE280  }
0x3ad: {  	[tilespmem:s29], [sflag:$0x4] =	stream.indirect_vreg.gather [hbm4b:s1+s28], $0x80, v5, vm0, $0xb8;
	[tilespmem:$0x1E280] =	vst v63  }
0x3ae: {  	s23 =	simm.s32 $0xEA80  }
0x3af: {  	[tilespmem:s23], [sflag:$0x4] =	stream.indirect_vreg.gather [hbm4b:s6+s28], $0x80, v5, vm0, $0xb8;
	[tilespmem:$0x1E280] =	vst v63  }
0x3b0: {  	s24 =	simm.s32 $0xF280  }
0x3b1: {  	[tilespmem:s24], [sflag:$0x4] =	stream.indirect_vreg.gather [hbm4b:s7+s28], $0x80, v5, vm0, $0xb8;
	[tilespmem:$0x1E280] =	vst v63  }
0x3b2: {  	s25 =	simm.s32 $0xFA80  }
0x3b3: {  	[tilespmem:s25], [sflag:$0x4] =	stream.indirect_vreg.gather [hbm4b:s8+s28], $0x80, v5, vm0, $0xb8;
	[tilespmem:$0x1E280] =	vst v63  }
0x3b4: {  	s29 =	simm.s32 $0x10280  }
0x3b5: {  	[tilespmem:s29], [sflag:$0x4] =	stream.indirect_vreg.gather [hbm4b:s9+s28], $0x80, v5, vm0, $0xb8;
	[tilespmem:$0x1E280] =	vst v63  }
0x3b6: {  	s23 =	simm.s32 $0x10A80  }
0x3b7: {  	[tilespmem:s23], [sflag:$0x4] =	stream.indirect_vreg.gather [hbm4b:s10+s28], $0x80, v5, vm0, $0xb8;
	[tilespmem:$0x1E280] =	vst v63  }
0x3b8: {  	s24 =	simm.s32 $0x11280  }
0x3b9: {  	[tilespmem:s24], [sflag:$0x4] =	stream.indirect_vreg.gather [hbm4b:s12+s28], $0x80, v5, vm0, $0xb8;
	[tilespmem:$0x1E280] =	vst v63  }
0x3ba: {  	s25 =	simm.s32 $0x11A80;
	s29 =	simm.s32 $0x2  }
0x3bb: {  	[tilespmem:s25], [sflag:$0x4] =	stream.indirect_vreg.gather [hbm4b:s13+s28], $0x80, v5, vm0, $0xb8;
	[tilespmem:$0x1E280] =	vst v63  }
0x3bc: {  	_ =	swait.ge [sflag:s29], $0x4000  }
0x3bd: {  	[sflag:s29] =	ssyncset.done $0x0  }
0x3be: {  	s23 =	sand.u32 $0x7, s28;
	[sflag:s29] =	ssyncadd.s32 $0xFFFFC000  }
0x3bf: {  	s2 =	sshll.u32 s23, $0xB;
	_ =	swait.ge [sflag:s11], $0x4000  }
0x3c0: {  	s24 =	sand.u32 $0x3800, s28;
	s25 =	sand.u32 $0x380, s28;
	[sflag:s11] =	ssyncset.done $0x0  }
0x3c1: {  	s2 =	sadd.s32 $0x0, s2;
	s24 =	sor.u32 s25, s24;
	[sflag:s11] =	ssyncadd.s32 $0xFFFFC000  }
0x3c2: {  	s29 =	sor.u32 $0x470, s2;
	v5 =	vld [tilespmem:s24+$0x1A6E0]  }
0x3c3: {  	s2 =	sor.u32 $0x70, s2;
	v6 =	vld [tilespmem:s29+$0x1A280]  }
0x3c4: {  	v7 =	vld [tilespmem:s2+$0x1A280]  }
0x3c5: {  	v8 =	vld [tilespmem:s24+$0x1A280]  }
0x3c6: {  	v9 =	vld [tilespmem:s24+$0x1A290]  }
0x3c7: {  	v10 =	vld [tilespmem:s24+$0x1A2A0]  }
0x3c8: {  	v11 =	vld [tilespmem:s24+$0x1A2B0]  }
0x3c9: {  	v12 =	vld [tilespmem:s24+$0x1A2C0]  }
0x3ca: {  	v13 =	vld [tilespmem:s24+$0x1A2D0]  }
0x3cb: {  	v14 =	vld [tilespmem:s24+$0x1A2E0]  }
0x3cc: {  	v15 =	vld [tilespmem:s24+$0x1A680]  }
0x3cd: {  	v16 =	vld [tilespmem:s24+$0x1A690]  }
0x3ce: {  	v17 =	vld [tilespmem:s24+$0x1A6A0]  }
0x3cf: {  	[tilespmem:s24+$0x66E0] =	vst.add.f32.msk $0xffff, v5  }
0x3d0: {  	[tilespmem:s29+$0x6280] =	vst.add.f32.msk $0xffff, v6  }
0x3d1: {  	[tilespmem:s2+$0x6280] =	vst.add.f32.msk $0xffff, v7  }
0x3d2: {  	v7 =	vld [tilespmem:s24+$0x1A6B0]  }
0x3d3: {  	v6 =	vld [tilespmem:s24+$0x1A6C0]  }
0x3d4: {  	v5 =	vld [tilespmem:s24+$0x1A6D0]  }
0x3d5: {  	[tilespmem:s24+$0x6280] =	vst.add.f32.msk $0xffff, v8  }
0x3d6: {  	[tilespmem:s24+$0x6290] =	vst.add.f32.msk $0xffff, v9  }
0x3d7: {  	[tilespmem:s24+$0x62A0] =	vst.add.f32.msk $0xffff, v10  }
0x3d8: {  	[tilespmem:s24+$0x62B0] =	vst.add.f32.msk $0xffff, v11  }
0x3d9: {  	[tilespmem:s24+$0x62C0] =	vst.add.f32.msk $0xffff, v12  }
0x3da: {  	[tilespmem:s24+$0x62D0] =	vst.add.f32.msk $0xffff, v13  }
0x3db: {  	[tilespmem:s24+$0x62E0] =	vst.add.f32.msk $0xffff, v14  }
0x3dc: {  	[tilespmem:s24+$0x6680] =	vst.add.f32.msk $0xffff, v15  }
0x3dd: {  	[tilespmem:s24+$0x6690] =	vst.add.f32.msk $0xffff, v16  }
0x3de: {  	s31 =	simm.s32 $0x10;
	s23 =	simm.s32 $0x1;
	[tilespmem:s24+$0x66A0] =	vst.add.f32.msk $0xffff, v17  }
.LBB2_22:
0x3df: {  	s2 =	sand.u32 $0x7, s23;
	p1 =	slt.u32 s31, $0x3F0;
	[tilespmem:s24+$0x66B0] =	vst.add.f32.msk $0xffff, v7;
	s28 =	sadd.s32 $0x800, s28  }
0x3e0: {  	s29 =	sand.u32 $0x380, s31;
	s2 =	sshll.u32 s2, $0xB;
	s25 =	sand.u32 $0x3800, s28;
	[tilespmem:s24+$0x66C0] =	vst.add.f32.msk $0xffff, v6  }
0x3e1: {  	s2 =	sadd.s32 s2, s31;
	[tilespmem:s24+$0x66D0] =	vst.add.f32.msk $0xffff, v5;
	s24 =	sor.u32 s29, s25  }
0x3e2: {  	s25 =	sor.u32 $0x70, s2;
	v5 =	vld [tilespmem:s24+$0x1A6E0];
	s2 =	sor.u32 $0x470, s2  }
0x3e3: {  	v6 =	vld [tilespmem:s2+$0x1A280]  }
0x3e4: {  	v7 =	vld [tilespmem:s25+$0x1A280]  }
0x3e5: {  	v8 =	vld [tilespmem:s24+$0x1A280]  }
0x3e6: {  	v9 =	vld [tilespmem:s24+$0x1A290]  }
0x3e7: {  	[tilespmem:s24+$0x66E0] =	vst.add.f32.msk $0xffff, v5  }
0x3e8: {  	[tilespmem:s2+$0x6280] =	vst.add.f32.msk $0xffff, v6  }
0x3e9: {  	[tilespmem:s25+$0x6280] =	vst.add.f32.msk $0xffff, v7  }
0x3ea: {  	v10 =	vld [tilespmem:s24+$0x1A2A0]  }
0x3eb: {  	v11 =	vld [tilespmem:s24+$0x1A2B0]  }
0x3ec: {  	v12 =	vld [tilespmem:s24+$0x1A2C0]  }
0x3ed: {  	v13 =	vld [tilespmem:s24+$0x1A2D0]  }
0x3ee: {  	v14 =	vld [tilespmem:s24+$0x1A2E0]  }
0x3ef: {  	v15 =	vld [tilespmem:s24+$0x1A680]  }
0x3f0: {  	v16 =	vld [tilespmem:s24+$0x1A690]  }
0x3f1: {  	v17 =	vld [tilespmem:s24+$0x1A6A0]  }
0x3f2: {  	v7 =	vld [tilespmem:s24+$0x1A6B0]  }
0x3f3: {  	v6 =	vld [tilespmem:s24+$0x1A6C0]  }
0x3f4: {  	v5 =	vld [tilespmem:s24+$0x1A6D0]  }
0x3f5: {  	[tilespmem:s24+$0x6280] =	vst.add.f32.msk $0xffff, v8  }
0x3f6: {  	[tilespmem:s24+$0x6290] =	vst.add.f32.msk $0xffff, v9  }
0x3f7: {  	[tilespmem:s24+$0x62A0] =	vst.add.f32.msk $0xffff, v10  }
0x3f8: {  	[tilespmem:s24+$0x62B0] =	vst.add.f32.msk $0xffff, v11  }
0x3f9: {  	[tilespmem:s24+$0x62C0] =	vst.add.f32.msk $0xffff, v12  }
.Ltmp12:
0x3fa: {  	[tilespmem:s24+$0x62D0] =	vst.add.f32.msk $0xffff, v13;
	(pc) =	sbr.rel @p1 .LBB2_22-.Ltmp12, $4  }
0x3fb: {  	[tilespmem:s24+$0x62E0] =	vst.add.f32.msk $0xffff, v14  }
0x3fc: {  	[tilespmem:s24+$0x6680] =	vst.add.f32.msk $0xffff, v15  }
0x3fd: {  	[tilespmem:s24+$0x6690] =	vst.add.f32.msk $0xffff, v16  }
0x3fe: {  	s23 =	sadd.s32 $0x1, s23;
	s31 =	sadd.s32 $0x10, s31;
	[tilespmem:s24+$0x66A0] =	vst.add.f32.msk $0xffff, v17  }
0x3ff: {  	[tilespmem:s24+$0x66B0] =	vst.add.f32.msk $0xffff, v7  }
0x400: {  	[tilespmem:s24+$0x66C0] =	vst.add.f32.msk $0xffff, v6  }
0x401: {  	[tilespmem:s24+$0x66D0] =	vst.add.f32.msk $0xffff, v5  }
0x402: {  	s28 =	simm.s32 $0x0;
	s23 =	simm.s32 $0x6280;
	s2 =	rddreg [dreg:$0xa]  }
0x403: {  	[hbm4b:s2+s28] =	stream.linear.scatter [tilespmem:s23], [sflag:$0x9], $0x4000, $0x38;
	[tilespmem:$0x1E280] =	vst v63  }
0x404: {  	v5 =	vld.msk [tilespmem:$0x2240], $0xff;
	_ =	sdelay $0x4  }
0x405: {  	v6 =	vshll.u32 v5, $0x4  }
0x406: {  	v5 =	vand.u32 $0x7, v5;
	v6 =	vand.u32 $0xFFFFFF80, v6  }
0x407: {  	v5 =	vor.u32 v5, v6  }
0x408: {  	v5 =	vperm.xlane v5, v3;
	_ =	sdelay $0x1  }
0x409: {  	v5 =	vadd.s32 v4, v5;
	_ =	sdelay $0x3  }
0x40a: {  	s29 =	simm.s32 $0x1A280  }
0x40b: {  	[tilespmem:s29], [sflag:$0x7] =	stream.indirect_vreg.gather [hbm4b:s1+s28], $0x80, v5, vm0, $0xb8;
	[tilespmem:$0x1E280] =	vst v63  }
0x40c: {  	s23 =	simm.s32 $0x1AA80  }
0x40d: {  	[tilespmem:s23], [sflag:$0x7] =	stream.indirect_vreg.gather [hbm4b:s6+s28], $0x80, v5, vm0, $0xb8;
	[tilespmem:$0x1E280] =	vst v63  }
0x40e: {  	s24 =	simm.s32 $0x1B280  }
0x40f: {  	[tilespmem:s24], [sflag:$0x7] =	stream.indirect_vreg.gather [hbm4b:s7+s28], $0x80, v5, vm0, $0xb8;
	[tilespmem:$0x1E280] =	vst v63  }
0x410: {  	s25 =	simm.s32 $0x1BA80  }
0x411: {  	[tilespmem:s25], [sflag:$0x7] =	stream.indirect_vreg.gather [hbm4b:s8+s28], $0x80, v5, vm0, $0xb8;
	[tilespmem:$0x1E280] =	vst v63  }
0x412: {  	s29 =	simm.s32 $0x1C280  }
0x413: {  	[tilespmem:s29], [sflag:$0x7] =	stream.indirect_vreg.gather [hbm4b:s9+s28], $0x80, v5, vm0, $0xb8;
	[tilespmem:$0x1E280] =	vst v63  }
0x414: {  	s23 =	simm.s32 $0x1CA80  }
0x415: {  	[tilespmem:s23], [sflag:$0x7] =	stream.indirect_vreg.gather [hbm4b:s10+s28], $0x80, v5, vm0, $0xb8;
	[tilespmem:$0x1E280] =	vst v63  }
0x416: {  	s24 =	simm.s32 $0x1D280  }
0x417: {  	[tilespmem:s24], [sflag:$0x7] =	stream.indirect_vreg.gather [hbm4b:s12+s28], $0x80, v5, vm0, $0xb8;
	[tilespmem:$0x1E280] =	vst v63  }
0x418: {  	s25 =	simm.s32 $0x1DA80;
	s29 =	simm.s32 $0x8  }
0x419: {  	[tilespmem:s25], [sflag:$0x7] =	stream.indirect_vreg.gather [hbm4b:s13+s28], $0x80, v5, vm0, $0xb8;
	[tilespmem:$0x1E280] =	vst v63  }
0x41a: {  	_ =	swait.ge [sflag:s29], $0x4000  }
0x41b: {  	[sflag:s29] =	ssyncset.done $0x0  }
0x41c: {  	[sflag:s29] =	ssyncadd.s32 $0xFFFFC000  }
0x41d: {  	v5 =	vld.msk [tilespmem:$0x21C0], $0xff;
	_ =	sdelay $0x4  }
0x41e: {  	v6 =	vshll.u32 v5, $0x4  }
0x41f: {  	v5 =	vand.u32 $0x7, v5;
	v6 =	vand.u32 $0xFFFFFF80, v6  }
0x420: {  	v5 =	vor.u32 v5, v6  }
0x421: {  	v5 =	vperm.xlane v5, v3;
	_ =	sdelay $0x1  }
0x422: {  	v5 =	vadd.s32 v4, v5;
	_ =	sdelay $0x3  }
0x423: {  	s23 =	simm.s32 $0x2280  }
0x424: {  	[tilespmem:s23], [sflag:$0x1] =	stream.indirect_vreg.gather [hbm4b:s1+s28], $0x80, v5, vm0, $0xb8;
	[tilespmem:$0x1E280] =	vst v63  }
0x425: {  	s24 =	simm.s32 $0x2A80  }
0x426: {  	[tilespmem:s24], [sflag:$0x1] =	stream.indirect_vreg.gather [hbm4b:s6+s28], $0x80, v5, vm0, $0xb8;
	[tilespmem:$0x1E280] =	vst v63  }
0x427: {  	s25 =	simm.s32 $0x3280  }
0x428: {  	[tilespmem:s25], [sflag:$0x1] =	stream.indirect_vreg.gather [hbm4b:s7+s28], $0x80, v5, vm0, $0xb8;
	[tilespmem:$0x1E280] =	vst v63  }
0x429: {  	s29 =	simm.s32 $0x3A80  }
0x42a: {  	[tilespmem:s29], [sflag:$0x1] =	stream.indirect_vreg.gather [hbm4b:s8+s28], $0x80, v5, vm0, $0xb8;
	[tilespmem:$0x1E280] =	vst v63  }
0x42b: {  	s23 =	simm.s32 $0x4280  }
0x42c: {  	[tilespmem:s23], [sflag:$0x1] =	stream.indirect_vreg.gather [hbm4b:s9+s28], $0x80, v5, vm0, $0xb8;
	[tilespmem:$0x1E280] =	vst v63  }
0x42d: {  	s24 =	simm.s32 $0x4A80  }
0x42e: {  	[tilespmem:s24], [sflag:$0x1] =	stream.indirect_vreg.gather [hbm4b:s10+s28], $0x80, v5, vm0, $0xb8;
	[tilespmem:$0x1E280] =	vst v63  }
0x42f: {  	s25 =	simm.s32 $0x5280  }
0x430: {  	[tilespmem:s25], [sflag:$0x1] =	stream.indirect_vreg.gather [hbm4b:s12+s28], $0x80, v5, vm0, $0xb8;
	[tilespmem:$0x1E280] =	vst v63  }
0x431: {  	s29 =	simm.s32 $0x5A80  }
0x432: {  	[tilespmem:s29], [sflag:$0x1] =	stream.indirect_vreg.gather [hbm4b:s13+s28], $0x80, v5, vm0, $0xb8;
	[tilespmem:$0x1E280] =	vst v63  }
0x433: {  	_ =	swait.ge [sflag:s4], $0x4000  }
0x434: {  	[sflag:s4] =	ssyncset.done $0x0  }
0x435: {  	s23 =	sand.u32 $0x7, s28;
	[sflag:s4] =	ssyncadd.s32 $0xFFFFC000  }
0x436: {  	s2 =	sshll.u32 s23, $0xB;
	_ =	swait.ge [sflag:s30], $0x4000  }
0x437: {  	s24 =	sand.u32 $0x3800, s28;
	s25 =	sand.u32 $0x380, s28;
	[sflag:s30] =	ssyncset.done $0x0  }
0x438: {  	s2 =	sadd.s32 $0x0, s2;
	s24 =	sor.u32 s25, s24;
	[sflag:s30] =	ssyncadd.s32 $0xFFFFC000  }
0x439: {  	s29 =	sor.u32 $0x470, s2;
	v5 =	vld [tilespmem:s24+$0x126E0]  }
0x43a: {  	s2 =	sor.u32 $0x70, s2;
	v6 =	vld [tilespmem:s29+$0x12280]  }
0x43b: {  	v7 =	vld [tilespmem:s2+$0x12280]  }
0x43c: {  	v8 =	vld [tilespmem:s24+$0x12280]  }
0x43d: {  	v9 =	vld [tilespmem:s24+$0x12290]  }
0x43e: {  	v10 =	vld [tilespmem:s24+$0x122A0]  }
0x43f: {  	v11 =	vld [tilespmem:s24+$0x122B0]  }
0x440: {  	v12 =	vld [tilespmem:s24+$0x122C0]  }
0x441: {  	v13 =	vld [tilespmem:s24+$0x122D0]  }
0x442: {  	v14 =	vld [tilespmem:s24+$0x122E0]  }
0x443: {  	v15 =	vld [tilespmem:s24+$0x12680]  }
0x444: {  	v16 =	vld [tilespmem:s24+$0x12690]  }
0x445: {  	v17 =	vld [tilespmem:s24+$0x126A0]  }
0x446: {  	[tilespmem:s24+$0xA6E0] =	vst.add.f32.msk $0xffff, v5  }
0x447: {  	[tilespmem:s29+$0xA280] =	vst.add.f32.msk $0xffff, v6  }
0x448: {  	[tilespmem:s2+$0xA280] =	vst.add.f32.msk $0xffff, v7  }
0x449: {  	v7 =	vld [tilespmem:s24+$0x126B0]  }
0x44a: {  	v6 =	vld [tilespmem:s24+$0x126C0]  }
0x44b: {  	v5 =	vld [tilespmem:s24+$0x126D0]  }
0x44c: {  	[tilespmem:s24+$0xA280] =	vst.add.f32.msk $0xffff, v8  }
0x44d: {  	[tilespmem:s24+$0xA290] =	vst.add.f32.msk $0xffff, v9  }
0x44e: {  	[tilespmem:s24+$0xA2A0] =	vst.add.f32.msk $0xffff, v10  }
0x44f: {  	[tilespmem:s24+$0xA2B0] =	vst.add.f32.msk $0xffff, v11  }
0x450: {  	[tilespmem:s24+$0xA2C0] =	vst.add.f32.msk $0xffff, v12  }
0x451: {  	[tilespmem:s24+$0xA2D0] =	vst.add.f32.msk $0xffff, v13  }
0x452: {  	[tilespmem:s24+$0xA2E0] =	vst.add.f32.msk $0xffff, v14  }
0x453: {  	[tilespmem:s24+$0xA680] =	vst.add.f32.msk $0xffff, v15  }
0x454: {  	[tilespmem:s24+$0xA690] =	vst.add.f32.msk $0xffff, v16  }
0x455: {  	s31 =	simm.s32 $0x10;
	s23 =	simm.s32 $0x1;
	[tilespmem:s24+$0xA6A0] =	vst.add.f32.msk $0xffff, v17  }
.LBB2_24:
0x456: {  	s2 =	sand.u32 $0x7, s23;
	p1 =	slt.u32 s31, $0x3F0;
	[tilespmem:s24+$0xA6B0] =	vst.add.f32.msk $0xffff, v7;
	s28 =	sadd.s32 $0x800, s28  }
0x457: {  	s29 =	sand.u32 $0x380, s31;
	s2 =	sshll.u32 s2, $0xB;
	s25 =	sand.u32 $0x3800, s28;
	[tilespmem:s24+$0xA6C0] =	vst.add.f32.msk $0xffff, v6  }
0x458: {  	s2 =	sadd.s32 s2, s31;
	[tilespmem:s24+$0xA6D0] =	vst.add.f32.msk $0xffff, v5;
	s24 =	sor.u32 s29, s25  }
0x459: {  	s25 =	sor.u32 $0x70, s2;
	v5 =	vld [tilespmem:s24+$0x126E0];
	s2 =	sor.u32 $0x470, s2  }
0x45a: {  	v6 =	vld [tilespmem:s2+$0x12280]  }
0x45b: {  	v7 =	vld [tilespmem:s25+$0x12280]  }
0x45c: {  	v8 =	vld [tilespmem:s24+$0x12280]  }
0x45d: {  	v9 =	vld [tilespmem:s24+$0x12290]  }
0x45e: {  	[tilespmem:s24+$0xA6E0] =	vst.add.f32.msk $0xffff, v5  }
0x45f: {  	[tilespmem:s2+$0xA280] =	vst.add.f32.msk $0xffff, v6  }
0x460: {  	[tilespmem:s25+$0xA280] =	vst.add.f32.msk $0xffff, v7  }
0x461: {  	v10 =	vld [tilespmem:s24+$0x122A0]  }
0x462: {  	v11 =	vld [tilespmem:s24+$0x122B0]  }
0x463: {  	v12 =	vld [tilespmem:s24+$0x122C0]  }
0x464: {  	v13 =	vld [tilespmem:s24+$0x122D0]  }
0x465: {  	v14 =	vld [tilespmem:s24+$0x122E0]  }
0x466: {  	v15 =	vld [tilespmem:s24+$0x12680]  }
0x467: {  	v16 =	vld [tilespmem:s24+$0x12690]  }
0x468: {  	v17 =	vld [tilespmem:s24+$0x126A0]  }
0x469: {  	v7 =	vld [tilespmem:s24+$0x126B0]  }
0x46a: {  	v6 =	vld [tilespmem:s24+$0x126C0]  }
0x46b: {  	v5 =	vld [tilespmem:s24+$0x126D0]  }
0x46c: {  	[tilespmem:s24+$0xA280] =	vst.add.f32.msk $0xffff, v8  }
0x46d: {  	[tilespmem:s24+$0xA290] =	vst.add.f32.msk $0xffff, v9  }
0x46e: {  	[tilespmem:s24+$0xA2A0] =	vst.add.f32.msk $0xffff, v10  }
0x46f: {  	[tilespmem:s24+$0xA2B0] =	vst.add.f32.msk $0xffff, v11  }
0x470: {  	[tilespmem:s24+$0xA2C0] =	vst.add.f32.msk $0xffff, v12  }
.Ltmp13:
0x471: {  	[tilespmem:s24+$0xA2D0] =	vst.add.f32.msk $0xffff, v13;
	(pc) =	sbr.rel @p1 .LBB2_24-.Ltmp13, $4  }
0x472: {  	[tilespmem:s24+$0xA2E0] =	vst.add.f32.msk $0xffff, v14  }
0x473: {  	[tilespmem:s24+$0xA680] =	vst.add.f32.msk $0xffff, v15  }
0x474: {  	[tilespmem:s24+$0xA690] =	vst.add.f32.msk $0xffff, v16  }
0x475: {  	s23 =	sadd.s32 $0x1, s23;
	s31 =	sadd.s32 $0x10, s31;
	[tilespmem:s24+$0xA6A0] =	vst.add.f32.msk $0xffff, v17  }
0x476: {  	[tilespmem:s24+$0xA6B0] =	vst.add.f32.msk $0xffff, v7  }
0x477: {  	[tilespmem:s24+$0xA6C0] =	vst.add.f32.msk $0xffff, v6  }
0x478: {  	[tilespmem:s24+$0xA6D0] =	vst.add.f32.msk $0xffff, v5  }
0x479: {  	s28 =	simm.s32 $0x0;
	s23 =	simm.s32 $0xA280;
	s2 =	rddreg [dreg:$0xb]  }
0x47a: {  	[hbm4b:s2+s28] =	stream.linear.scatter [tilespmem:s23], [sflag:$0xA], $0x4000, $0x38;
	[tilespmem:$0x1E280] =	vst v63  }
0x47b: {  	v5 =	vld.msk [tilespmem:$0x2248], $0xff;
	_ =	sdelay $0x4  }
0x47c: {  	v6 =	vshll.u32 v5, $0x4  }
0x47d: {  	v5 =	vand.u32 $0x7, v5;
	v6 =	vand.u32 $0xFFFFFF80, v6  }
0x47e: {  	v5 =	vor.u32 v5, v6  }
0x47f: {  	v5 =	vperm.xlane v5, v3;
	_ =	sdelay $0x1  }
0x480: {  	v5 =	vadd.s32 v4, v5;
	_ =	sdelay $0x3  }
0x481: {  	s23 =	simm.s32 $0x12280  }
0x482: {  	[tilespmem:s23], [sflag:$0x5] =	stream.indirect_vreg.gather [hbm4b:s1+s28], $0x80, v5, vm0, $0xb8;
	[tilespmem:$0x1E280] =	vst v63  }
0x483: {  	s24 =	simm.s32 $0x12A80  }
0x484: {  	[tilespmem:s24], [sflag:$0x5] =	stream.indirect_vreg.gather [hbm4b:s6+s28], $0x80, v5, vm0, $0xb8;
	[tilespmem:$0x1E280] =	vst v63  }
0x485: {  	s25 =	simm.s32 $0x13280  }
0x486: {  	[tilespmem:s25], [sflag:$0x5] =	stream.indirect_vreg.gather [hbm4b:s7+s28], $0x80, v5, vm0, $0xb8;
	[tilespmem:$0x1E280] =	vst v63  }
0x487: {  	s29 =	simm.s32 $0x13A80  }
0x488: {  	[tilespmem:s29], [sflag:$0x5] =	stream.indirect_vreg.gather [hbm4b:s8+s28], $0x80, v5, vm0, $0xb8;
	[tilespmem:$0x1E280] =	vst v63  }
0x489: {  	s23 =	simm.s32 $0x14280  }
0x48a: {  	[tilespmem:s23], [sflag:$0x5] =	stream.indirect_vreg.gather [hbm4b:s9+s28], $0x80, v5, vm0, $0xb8;
	[tilespmem:$0x1E280] =	vst v63  }
0x48b: {  	s24 =	simm.s32 $0x14A80  }
0x48c: {  	[tilespmem:s24], [sflag:$0x5] =	stream.indirect_vreg.gather [hbm4b:s10+s28], $0x80, v5, vm0, $0xb8;
	[tilespmem:$0x1E280] =	vst v63  }
0x48d: {  	s25 =	simm.s32 $0x15280  }
0x48e: {  	[tilespmem:s25], [sflag:$0x5] =	stream.indirect_vreg.gather [hbm4b:s12+s28], $0x80, v5, vm0, $0xb8;
	[tilespmem:$0x1E280] =	vst v63  }
0x48f: {  	s29 =	simm.s32 $0x15A80  }
0x490: {  	[tilespmem:s29], [sflag:$0x5] =	stream.indirect_vreg.gather [hbm4b:s13+s28], $0x80, v5, vm0, $0xb8;
	[tilespmem:$0x1E280] =	vst v63  }
0x491: {  	_ =	swait.ge [sflag:s14], $0x4000  }
0x492: {  	[sflag:s14] =	ssyncset.done $0x0  }
0x493: {  	[sflag:s14] =	ssyncadd.s32 $0xFFFFC000  }
0x494: {  	v5 =	vld.msk [tilespmem:$0x21C8], $0xff;
	_ =	sdelay $0x4  }
0x495: {  	v6 =	vshll.u32 v5, $0x4  }
0x496: {  	v5 =	vand.u32 $0x7, v5;
	v6 =	vand.u32 $0xFFFFFF80, v6  }
0x497: {  	v5 =	vor.u32 v5, v6  }
0x498: {  	v5 =	vperm.xlane v5, v3;
	_ =	sdelay $0x1  }
0x499: {  	v5 =	vadd.s32 v4, v5;
	_ =	sdelay $0x3  }
0x49a: {  	s23 =	simm.s32 $0x6280  }
0x49b: {  	[tilespmem:s23], [sflag:$0x2] =	stream.indirect_vreg.gather [hbm4b:s1+s28], $0x80, v5, vm0, $0xb8;
	[tilespmem:$0x1E280] =	vst v63  }
0x49c: {  	s24 =	simm.s32 $0x6A80  }
0x49d: {  	[tilespmem:s24], [sflag:$0x2] =	stream.indirect_vreg.gather [hbm4b:s6+s28], $0x80, v5, vm0, $0xb8;
	[tilespmem:$0x1E280] =	vst v63  }
0x49e: {  	s25 =	simm.s32 $0x7280  }
0x49f: {  	[tilespmem:s25], [sflag:$0x2] =	stream.indirect_vreg.gather [hbm4b:s7+s28], $0x80, v5, vm0, $0xb8;
	[tilespmem:$0x1E280] =	vst v63  }
0x4a0: {  	s29 =	simm.s32 $0x7A80  }
0x4a1: {  	[tilespmem:s29], [sflag:$0x2] =	stream.indirect_vreg.gather [hbm4b:s8+s28], $0x80, v5, vm0, $0xb8;
	[tilespmem:$0x1E280] =	vst v63  }
0x4a2: {  	s23 =	simm.s32 $0x8280  }
0x4a3: {  	[tilespmem:s23], [sflag:$0x2] =	stream.indirect_vreg.gather [hbm4b:s9+s28], $0x80, v5, vm0, $0xb8;
	[tilespmem:$0x1E280] =	vst v63  }
0x4a4: {  	s24 =	simm.s32 $0x8A80  }
0x4a5: {  	[tilespmem:s24], [sflag:$0x2] =	stream.indirect_vreg.gather [hbm4b:s10+s28], $0x80, v5, vm0, $0xb8;
	[tilespmem:$0x1E280] =	vst v63  }
0x4a6: {  	s25 =	simm.s32 $0x9280  }
0x4a7: {  	[tilespmem:s25], [sflag:$0x2] =	stream.indirect_vreg.gather [hbm4b:s12+s28], $0x80, v5, vm0, $0xb8;
	[tilespmem:$0x1E280] =	vst v63  }
0x4a8: {  	s29 =	simm.s32 $0x9A80  }
0x4a9: {  	[tilespmem:s29], [sflag:$0x2] =	stream.indirect_vreg.gather [hbm4b:s13+s28], $0x80, v5, vm0, $0xb8;
	[tilespmem:$0x1E280] =	vst v63  }
0x4aa: {  	_ =	swait.ge [sflag:s21], $0x4000  }
0x4ab: {  	[sflag:s21] =	ssyncset.done $0x0  }
0x4ac: {  	s23 =	sand.u32 $0x7, s28;
	[sflag:s21] =	ssyncadd.s32 $0xFFFFC000  }
0x4ad: {  	s2 =	sshll.u32 s23, $0xB;
	_ =	swait.ge [sflag:s0], $0x4000  }
0x4ae: {  	s24 =	sand.u32 $0x3800, s28;
	s25 =	sand.u32 $0x380, s28;
	[sflag:s0] =	ssyncset.done $0x0  }
0x4af: {  	s2 =	sadd.s32 $0x0, s2;
	s24 =	sor.u32 s25, s24;
	[sflag:s0] =	ssyncadd.s32 $0xFFFFC000  }
0x4b0: {  	s29 =	sor.u32 $0x470, s2;
	v5 =	vld [tilespmem:s24+$0x166E0]  }
0x4b1: {  	s2 =	sor.u32 $0x70, s2;
	v6 =	vld [tilespmem:s29+$0x16280]  }
0x4b2: {  	v7 =	vld [tilespmem:s2+$0x16280]  }
0x4b3: {  	v8 =	vld [tilespmem:s24+$0x16280]  }
0x4b4: {  	v9 =	vld [tilespmem:s24+$0x16290]  }
0x4b5: {  	v10 =	vld [tilespmem:s24+$0x162A0]  }
0x4b6: {  	v11 =	vld [tilespmem:s24+$0x162B0]  }
0x4b7: {  	v12 =	vld [tilespmem:s24+$0x162C0]  }
0x4b8: {  	v13 =	vld [tilespmem:s24+$0x162D0]  }
0x4b9: {  	v14 =	vld [tilespmem:s24+$0x162E0]  }
0x4ba: {  	v15 =	vld [tilespmem:s24+$0x16680]  }
0x4bb: {  	v16 =	vld [tilespmem:s24+$0x16690]  }
0x4bc: {  	v17 =	vld [tilespmem:s24+$0x166A0]  }
0x4bd: {  	[tilespmem:s24+$0xE6E0] =	vst.add.f32.msk $0xffff, v5  }
0x4be: {  	[tilespmem:s29+$0xE280] =	vst.add.f32.msk $0xffff, v6  }
0x4bf: {  	[tilespmem:s2+$0xE280] =	vst.add.f32.msk $0xffff, v7  }
0x4c0: {  	v7 =	vld [tilespmem:s24+$0x166B0]  }
0x4c1: {  	v6 =	vld [tilespmem:s24+$0x166C0]  }
0x4c2: {  	v5 =	vld [tilespmem:s24+$0x166D0]  }
0x4c3: {  	[tilespmem:s24+$0xE280] =	vst.add.f32.msk $0xffff, v8  }
0x4c4: {  	[tilespmem:s24+$0xE290] =	vst.add.f32.msk $0xffff, v9  }
0x4c5: {  	[tilespmem:s24+$0xE2A0] =	vst.add.f32.msk $0xffff, v10  }
0x4c6: {  	[tilespmem:s24+$0xE2B0] =	vst.add.f32.msk $0xffff, v11  }
0x4c7: {  	[tilespmem:s24+$0xE2C0] =	vst.add.f32.msk $0xffff, v12  }
0x4c8: {  	[tilespmem:s24+$0xE2D0] =	vst.add.f32.msk $0xffff, v13  }
0x4c9: {  	[tilespmem:s24+$0xE2E0] =	vst.add.f32.msk $0xffff, v14  }
0x4ca: {  	[tilespmem:s24+$0xE680] =	vst.add.f32.msk $0xffff, v15  }
0x4cb: {  	[tilespmem:s24+$0xE690] =	vst.add.f32.msk $0xffff, v16  }
0x4cc: {  	s31 =	simm.s32 $0x10;
	s23 =	simm.s32 $0x1;
	[tilespmem:s24+$0xE6A0] =	vst.add.f32.msk $0xffff, v17  }
.LBB2_26:
0x4cd: {  	s2 =	sand.u32 $0x7, s23;
	p1 =	slt.u32 s31, $0x3F0;
	[tilespmem:s24+$0xE6B0] =	vst.add.f32.msk $0xffff, v7;
	s28 =	sadd.s32 $0x800, s28  }
0x4ce: {  	s29 =	sand.u32 $0x380, s31;
	s2 =	sshll.u32 s2, $0xB;
	s25 =	sand.u32 $0x3800, s28;
	[tilespmem:s24+$0xE6C0] =	vst.add.f32.msk $0xffff, v6  }
0x4cf: {  	s2 =	sadd.s32 s2, s31;
	[tilespmem:s24+$0xE6D0] =	vst.add.f32.msk $0xffff, v5;
	s24 =	sor.u32 s29, s25  }
0x4d0: {  	s25 =	sor.u32 $0x70, s2;
	v5 =	vld [tilespmem:s24+$0x166E0];
	s2 =	sor.u32 $0x470, s2  }
0x4d1: {  	v6 =	vld [tilespmem:s2+$0x16280]  }
0x4d2: {  	v7 =	vld [tilespmem:s25+$0x16280]  }
0x4d3: {  	v8 =	vld [tilespmem:s24+$0x16280]  }
0x4d4: {  	v9 =	vld [tilespmem:s24+$0x16290]  }
0x4d5: {  	[tilespmem:s24+$0xE6E0] =	vst.add.f32.msk $0xffff, v5  }
0x4d6: {  	[tilespmem:s2+$0xE280] =	vst.add.f32.msk $0xffff, v6  }
0x4d7: {  	[tilespmem:s25+$0xE280] =	vst.add.f32.msk $0xffff, v7  }
0x4d8: {  	v10 =	vld [tilespmem:s24+$0x162A0]  }
0x4d9: {  	v11 =	vld [tilespmem:s24+$0x162B0]  }
0x4da: {  	v12 =	vld [tilespmem:s24+$0x162C0]  }
0x4db: {  	v13 =	vld [tilespmem:s24+$0x162D0]  }
0x4dc: {  	v14 =	vld [tilespmem:s24+$0x162E0]  }
0x4dd: {  	v15 =	vld [tilespmem:s24+$0x16680]  }
0x4de: {  	v16 =	vld [tilespmem:s24+$0x16690]  }
0x4df: {  	v17 =	vld [tilespmem:s24+$0x166A0]  }
0x4e0: {  	v7 =	vld [tilespmem:s24+$0x166B0]  }
0x4e1: {  	v6 =	vld [tilespmem:s24+$0x166C0]  }
0x4e2: {  	v5 =	vld [tilespmem:s24+$0x166D0]  }
0x4e3: {  	[tilespmem:s24+$0xE280] =	vst.add.f32.msk $0xffff, v8  }
0x4e4: {  	[tilespmem:s24+$0xE290] =	vst.add.f32.msk $0xffff, v9  }
0x4e5: {  	[tilespmem:s24+$0xE2A0] =	vst.add.f32.msk $0xffff, v10  }
0x4e6: {  	[tilespmem:s24+$0xE2B0] =	vst.add.f32.msk $0xffff, v11  }
0x4e7: {  	[tilespmem:s24+$0xE2C0] =	vst.add.f32.msk $0xffff, v12  }
.Ltmp14:
0x4e8: {  	[tilespmem:s24+$0xE2D0] =	vst.add.f32.msk $0xffff, v13;
	(pc) =	sbr.rel @p1 .LBB2_26-.Ltmp14, $4  }
0x4e9: {  	[tilespmem:s24+$0xE2E0] =	vst.add.f32.msk $0xffff, v14  }
0x4ea: {  	[tilespmem:s24+$0xE680] =	vst.add.f32.msk $0xffff, v15  }
0x4eb: {  	[tilespmem:s24+$0xE690] =	vst.add.f32.msk $0xffff, v16  }
0x4ec: {  	s23 =	sadd.s32 $0x1, s23;
	s31 =	sadd.s32 $0x10, s31;
	[tilespmem:s24+$0xE6A0] =	vst.add.f32.msk $0xffff, v17  }
0x4ed: {  	[tilespmem:s24+$0xE6B0] =	vst.add.f32.msk $0xffff, v7  }
0x4ee: {  	[tilespmem:s24+$0xE6C0] =	vst.add.f32.msk $0xffff, v6  }
0x4ef: {  	[tilespmem:s24+$0xE6D0] =	vst.add.f32.msk $0xffff, v5  }
0x4f0: {  	s28 =	simm.s32 $0x0;
	s23 =	simm.s32 $0xE280;
	s2 =	rddreg [dreg:$0xc]  }
0x4f1: {  	[hbm4b:s2+s28] =	stream.linear.scatter [tilespmem:s23], [sflag:$0xB], $0x4000, $0x38;
	[tilespmem:$0x1E280] =	vst v63  }
0x4f2: {  	v5 =	vld.msk [tilespmem:$0x2250], $0xff;
	_ =	sdelay $0x4  }
0x4f3: {  	v6 =	vshll.u32 v5, $0x4  }
0x4f4: {  	v5 =	vand.u32 $0x7, v5;
	v6 =	vand.u32 $0xFFFFFF80, v6  }
0x4f5: {  	v5 =	vor.u32 v5, v6  }
0x4f6: {  	v5 =	vperm.xlane v5, v3;
	_ =	sdelay $0x1  }
0x4f7: {  	v5 =	vadd.s32 v4, v5;
	_ =	sdelay $0x3  }
0x4f8: {  	s29 =	simm.s32 $0x16280  }
0x4f9: {  	[tilespmem:s29], [sflag:$0x6] =	stream.indirect_vreg.gather [hbm4b:s1+s28], $0x80, v5, vm0, $0xb8;
	[tilespmem:$0x1E280] =	vst v63  }
0x4fa: {  	s23 =	simm.s32 $0x16A80  }
0x4fb: {  	[tilespmem:s23], [sflag:$0x6] =	stream.indirect_vreg.gather [hbm4b:s6+s28], $0x80, v5, vm0, $0xb8;
	[tilespmem:$0x1E280] =	vst v63  }
0x4fc: {  	s24 =	simm.s32 $0x17280  }
0x4fd: {  	[tilespmem:s24], [sflag:$0x6] =	stream.indirect_vreg.gather [hbm4b:s7+s28], $0x80, v5, vm0, $0xb8;
	[tilespmem:$0x1E280] =	vst v63  }
0x4fe: {  	s25 =	simm.s32 $0x17A80  }
0x4ff: {  	[tilespmem:s25], [sflag:$0x6] =	stream.indirect_vreg.gather [hbm4b:s8+s28], $0x80, v5, vm0, $0xb8;
	[tilespmem:$0x1E280] =	vst v63  }
0x500: {  	s29 =	simm.s32 $0x18280  }
0x501: {  	[tilespmem:s29], [sflag:$0x6] =	stream.indirect_vreg.gather [hbm4b:s9+s28], $0x80, v5, vm0, $0xb8;
	[tilespmem:$0x1E280] =	vst v63  }
0x502: {  	s23 =	simm.s32 $0x18A80  }
0x503: {  	[tilespmem:s23], [sflag:$0x6] =	stream.indirect_vreg.gather [hbm4b:s10+s28], $0x80, v5, vm0, $0xb8;
	[tilespmem:$0x1E280] =	vst v63  }
0x504: {  	s24 =	simm.s32 $0x19280  }
0x505: {  	[tilespmem:s24], [sflag:$0x6] =	stream.indirect_vreg.gather [hbm4b:s12+s28], $0x80, v5, vm0, $0xb8;
	[tilespmem:$0x1E280] =	vst v63  }
0x506: {  	s25 =	simm.s32 $0x19A80  }
0x507: {  	[tilespmem:s25], [sflag:$0x6] =	stream.indirect_vreg.gather [hbm4b:s13+s28], $0x80, v5, vm0, $0xb8;
	[tilespmem:$0x1E280] =	vst v63  }
0x508: {  	_ =	swait.ge [sflag:s22], $0x4000  }
0x509: {  	[sflag:s22] =	ssyncset.done $0x0  }
0x50a: {  	[sflag:s22] =	ssyncadd.s32 $0xFFFFC000  }
0x50b: {  	v5 =	vld.msk [tilespmem:$0x21D0], $0xff;
	_ =	sdelay $0x4  }
0x50c: {  	v6 =	vshll.u32 v5, $0x4  }
0x50d: {  	v5 =	vand.u32 $0x7, v5;
	v6 =	vand.u32 $0xFFFFFF80, v6  }
0x50e: {  	v5 =	vor.u32 v5, v6  }
0x50f: {  	v5 =	vperm.xlane v5, v3;
	_ =	sdelay $0x1  }
0x510: {  	v5 =	vadd.s32 v4, v5;
	_ =	sdelay $0x3  }
0x511: {  	s29 =	simm.s32 $0xA280  }
0x512: {  	[tilespmem:s29], [sflag:$0x3] =	stream.indirect_vreg.gather [hbm4b:s1+s28], $0x80, v5, vm0, $0xb8;
	[tilespmem:$0x1E280] =	vst v63  }
0x513: {  	s23 =	simm.s32 $0xAA80  }
0x514: {  	[tilespmem:s23], [sflag:$0x3] =	stream.indirect_vreg.gather [hbm4b:s6+s28], $0x80, v5, vm0, $0xb8;
	[tilespmem:$0x1E280] =	vst v63  }
0x515: {  	s24 =	simm.s32 $0xB280  }
0x516: {  	[tilespmem:s24], [sflag:$0x3] =	stream.indirect_vreg.gather [hbm4b:s7+s28], $0x80, v5, vm0, $0xb8;
	[tilespmem:$0x1E280] =	vst v63  }
0x517: {  	s25 =	simm.s32 $0xBA80  }
0x518: {  	[tilespmem:s25], [sflag:$0x3] =	stream.indirect_vreg.gather [hbm4b:s8+s28], $0x80, v5, vm0, $0xb8;
	[tilespmem:$0x1E280] =	vst v63  }
0x519: {  	s29 =	simm.s32 $0xC280  }
0x51a: {  	[tilespmem:s29], [sflag:$0x3] =	stream.indirect_vreg.gather [hbm4b:s9+s28], $0x80, v5, vm0, $0xb8;
	[tilespmem:$0x1E280] =	vst v63  }
0x51b: {  	s23 =	simm.s32 $0xCA80  }
0x51c: {  	[tilespmem:s23], [sflag:$0x3] =	stream.indirect_vreg.gather [hbm4b:s10+s28], $0x80, v5, vm0, $0xb8;
	[tilespmem:$0x1E280] =	vst v63  }
0x51d: {  	s24 =	simm.s32 $0xD280  }
0x51e: {  	[tilespmem:s24], [sflag:$0x3] =	stream.indirect_vreg.gather [hbm4b:s12+s28], $0x80, v5, vm0, $0xb8;
	[tilespmem:$0x1E280] =	vst v63  }
0x51f: {  	s25 =	simm.s32 $0xDA80;
	s29 =	simm.s32 $0x1  }
0x520: {  	[tilespmem:s25], [sflag:$0x3] =	stream.indirect_vreg.gather [hbm4b:s13+s28], $0x80, v5, vm0, $0xb8;
	[tilespmem:$0x1E280] =	vst v63  }
0x521: {  	_ =	swait.ge [sflag:s29], $0x4000  }
0x522: {  	[sflag:s29] =	ssyncset.done $0x0  }
0x523: {  	s23 =	sand.u32 $0x7, s28;
	[sflag:s29] =	ssyncadd.s32 $0xFFFFC000  }
0x524: {  	s2 =	sshll.u32 s23, $0xB;
	_ =	swait.ge [sflag:s11], $0x4000  }
0x525: {  	s24 =	sand.u32 $0x3800, s28;
	s25 =	sand.u32 $0x380, s28;
	[sflag:s11] =	ssyncset.done $0x0  }
0x526: {  	s2 =	sadd.s32 $0x0, s2;
	s24 =	sor.u32 s25, s24;
	[sflag:s11] =	ssyncadd.s32 $0xFFFFC000  }
0x527: {  	s29 =	sor.u32 $0x470, s2;
	v5 =	vld [tilespmem:s24+$0x1A6E0]  }
0x528: {  	s2 =	sor.u32 $0x70, s2;
	v6 =	vld [tilespmem:s29+$0x1A280]  }
0x529: {  	v7 =	vld [tilespmem:s2+$0x1A280]  }
0x52a: {  	v8 =	vld [tilespmem:s24+$0x1A280]  }
0x52b: {  	v9 =	vld [tilespmem:s24+$0x1A290]  }
0x52c: {  	v10 =	vld [tilespmem:s24+$0x1A2A0]  }
0x52d: {  	v11 =	vld [tilespmem:s24+$0x1A2B0]  }
0x52e: {  	v12 =	vld [tilespmem:s24+$0x1A2C0]  }
0x52f: {  	v13 =	vld [tilespmem:s24+$0x1A2D0]  }
0x530: {  	v14 =	vld [tilespmem:s24+$0x1A2E0]  }
0x531: {  	v15 =	vld [tilespmem:s24+$0x1A680]  }
0x532: {  	v16 =	vld [tilespmem:s24+$0x1A690]  }
0x533: {  	v17 =	vld [tilespmem:s24+$0x1A6A0]  }
0x534: {  	[tilespmem:s24+$0x26E0] =	vst.add.f32.msk $0xffff, v5  }
0x535: {  	[tilespmem:s29+$0x2280] =	vst.add.f32.msk $0xffff, v6  }
0x536: {  	[tilespmem:s2+$0x2280] =	vst.add.f32.msk $0xffff, v7  }
0x537: {  	v7 =	vld [tilespmem:s24+$0x1A6B0]  }
0x538: {  	v6 =	vld [tilespmem:s24+$0x1A6C0]  }
0x539: {  	v5 =	vld [tilespmem:s24+$0x1A6D0]  }
0x53a: {  	[tilespmem:s24+$0x2280] =	vst.add.f32.msk $0xffff, v8  }
0x53b: {  	[tilespmem:s24+$0x2290] =	vst.add.f32.msk $0xffff, v9  }
0x53c: {  	[tilespmem:s24+$0x22A0] =	vst.add.f32.msk $0xffff, v10  }
0x53d: {  	[tilespmem:s24+$0x22B0] =	vst.add.f32.msk $0xffff, v11  }
0x53e: {  	[tilespmem:s24+$0x22C0] =	vst.add.f32.msk $0xffff, v12  }
0x53f: {  	[tilespmem:s24+$0x22D0] =	vst.add.f32.msk $0xffff, v13  }
0x540: {  	[tilespmem:s24+$0x22E0] =	vst.add.f32.msk $0xffff, v14  }
0x541: {  	[tilespmem:s24+$0x2680] =	vst.add.f32.msk $0xffff, v15  }
0x542: {  	[tilespmem:s24+$0x2690] =	vst.add.f32.msk $0xffff, v16  }
0x543: {  	s31 =	simm.s32 $0x10;
	s23 =	simm.s32 $0x1;
	[tilespmem:s24+$0x26A0] =	vst.add.f32.msk $0xffff, v17  }
.LBB2_28:
0x544: {  	s2 =	sand.u32 $0x7, s23;
	p1 =	slt.u32 s31, $0x3F0;
	[tilespmem:s24+$0x26B0] =	vst.add.f32.msk $0xffff, v7;
	s28 =	sadd.s32 $0x800, s28  }
0x545: {  	s29 =	sand.u32 $0x380, s31;
	s2 =	sshll.u32 s2, $0xB;
	s25 =	sand.u32 $0x3800, s28;
	[tilespmem:s24+$0x26C0] =	vst.add.f32.msk $0xffff, v6  }
0x546: {  	s2 =	sadd.s32 s2, s31;
	[tilespmem:s24+$0x26D0] =	vst.add.f32.msk $0xffff, v5;
	s24 =	sor.u32 s29, s25  }
0x547: {  	s25 =	sor.u32 $0x70, s2;
	v5 =	vld [tilespmem:s24+$0x1A6E0];
	s2 =	sor.u32 $0x470, s2  }
0x548: {  	v6 =	vld [tilespmem:s2+$0x1A280]  }
0x549: {  	v7 =	vld [tilespmem:s25+$0x1A280]  }
0x54a: {  	v8 =	vld [tilespmem:s24+$0x1A280]  }
0x54b: {  	v9 =	vld [tilespmem:s24+$0x1A290]  }
0x54c: {  	[tilespmem:s24+$0x26E0] =	vst.add.f32.msk $0xffff, v5  }
0x54d: {  	[tilespmem:s2+$0x2280] =	vst.add.f32.msk $0xffff, v6  }
0x54e: {  	[tilespmem:s25+$0x2280] =	vst.add.f32.msk $0xffff, v7  }
0x54f: {  	v10 =	vld [tilespmem:s24+$0x1A2A0]  }
0x550: {  	v11 =	vld [tilespmem:s24+$0x1A2B0]  }
0x551: {  	v12 =	vld [tilespmem:s24+$0x1A2C0]  }
0x552: {  	v13 =	vld [tilespmem:s24+$0x1A2D0]  }
0x553: {  	v14 =	vld [tilespmem:s24+$0x1A2E0]  }
0x554: {  	v15 =	vld [tilespmem:s24+$0x1A680]  }
0x555: {  	v16 =	vld [tilespmem:s24+$0x1A690]  }
0x556: {  	v17 =	vld [tilespmem:s24+$0x1A6A0]  }
0x557: {  	v7 =	vld [tilespmem:s24+$0x1A6B0]  }
0x558: {  	v6 =	vld [tilespmem:s24+$0x1A6C0]  }
0x559: {  	v5 =	vld [tilespmem:s24+$0x1A6D0]  }
0x55a: {  	[tilespmem:s24+$0x2280] =	vst.add.f32.msk $0xffff, v8  }
0x55b: {  	[tilespmem:s24+$0x2290] =	vst.add.f32.msk $0xffff, v9  }
0x55c: {  	[tilespmem:s24+$0x22A0] =	vst.add.f32.msk $0xffff, v10  }
0x55d: {  	[tilespmem:s24+$0x22B0] =	vst.add.f32.msk $0xffff, v11  }
0x55e: {  	[tilespmem:s24+$0x22C0] =	vst.add.f32.msk $0xffff, v12  }
.Ltmp15:
0x55f: {  	[tilespmem:s24+$0x22D0] =	vst.add.f32.msk $0xffff, v13;
	(pc) =	sbr.rel @p1 .LBB2_28-.Ltmp15, $4  }
0x560: {  	[tilespmem:s24+$0x22E0] =	vst.add.f32.msk $0xffff, v14  }
0x561: {  	[tilespmem:s24+$0x2680] =	vst.add.f32.msk $0xffff, v15  }
0x562: {  	[tilespmem:s24+$0x2690] =	vst.add.f32.msk $0xffff, v16  }
0x563: {  	s23 =	sadd.s32 $0x1, s23;
	s31 =	sadd.s32 $0x10, s31;
	[tilespmem:s24+$0x26A0] =	vst.add.f32.msk $0xffff, v17  }
0x564: {  	[tilespmem:s24+$0x26B0] =	vst.add.f32.msk $0xffff, v7  }
0x565: {  	[tilespmem:s24+$0x26C0] =	vst.add.f32.msk $0xffff, v6  }
0x566: {  	[tilespmem:s24+$0x26D0] =	vst.add.f32.msk $0xffff, v5  }
0x567: {  	s28 =	simm.s32 $0x0;
	s23 =	simm.s32 $0x2280;
	s2 =	rddreg [dreg:$0x12]  }
0x568: {  	[hbm4b:s2+s28] =	stream.linear.scatter [tilespmem:s23], [sflag:$0x8], $0x4000, $0x38;
	[tilespmem:$0x1E280] =	vst v63  }
0x569: {  	v5 =	vld.msk [tilespmem:$0x2258], $0xff;
	_ =	sdelay $0x4  }
0x56a: {  	v6 =	vshll.u32 v5, $0x4  }
0x56b: {  	v5 =	vand.u32 $0x7, v5;
	v6 =	vand.u32 $0xFFFFFF80, v6  }
0x56c: {  	v5 =	vor.u32 v5, v6  }
0x56d: {  	v5 =	vperm.xlane v5, v3;
	_ =	sdelay $0x1  }
0x56e: {  	v5 =	vadd.s32 v4, v5;
	_ =	sdelay $0x3  }
0x56f: {  	s29 =	simm.s32 $0x1A280  }
0x570: {  	[tilespmem:s29], [sflag:$0x7] =	stream.indirect_vreg.gather [hbm4b:s1+s28], $0x80, v5, vm0, $0xb8;
	[tilespmem:$0x1E280] =	vst v63  }
0x571: {  	s23 =	simm.s32 $0x1AA80  }
0x572: {  	[tilespmem:s23], [sflag:$0x7] =	stream.indirect_vreg.gather [hbm4b:s6+s28], $0x80, v5, vm0, $0xb8;
	[tilespmem:$0x1E280] =	vst v63  }
0x573: {  	s24 =	simm.s32 $0x1B280  }
0x574: {  	[tilespmem:s24], [sflag:$0x7] =	stream.indirect_vreg.gather [hbm4b:s7+s28], $0x80, v5, vm0, $0xb8;
	[tilespmem:$0x1E280] =	vst v63  }
0x575: {  	s25 =	simm.s32 $0x1BA80  }
0x576: {  	[tilespmem:s25], [sflag:$0x7] =	stream.indirect_vreg.gather [hbm4b:s8+s28], $0x80, v5, vm0, $0xb8;
	[tilespmem:$0x1E280] =	vst v63  }
0x577: {  	s29 =	simm.s32 $0x1C280  }
0x578: {  	[tilespmem:s29], [sflag:$0x7] =	stream.indirect_vreg.gather [hbm4b:s9+s28], $0x80, v5, vm0, $0xb8;
	[tilespmem:$0x1E280] =	vst v63  }
0x579: {  	s23 =	simm.s32 $0x1CA80  }
0x57a: {  	[tilespmem:s23], [sflag:$0x7] =	stream.indirect_vreg.gather [hbm4b:s10+s28], $0x80, v5, vm0, $0xb8;
	[tilespmem:$0x1E280] =	vst v63  }
0x57b: {  	s24 =	simm.s32 $0x1D280  }
0x57c: {  	[tilespmem:s24], [sflag:$0x7] =	stream.indirect_vreg.gather [hbm4b:s12+s28], $0x80, v5, vm0, $0xb8;
	[tilespmem:$0x1E280] =	vst v63  }
0x57d: {  	s25 =	simm.s32 $0x1DA80  }
0x57e: {  	[tilespmem:s25], [sflag:$0x7] =	stream.indirect_vreg.gather [hbm4b:s13+s28], $0x80, v5, vm0, $0xb8;
	[tilespmem:$0x1E280] =	vst v63  }
0x57f: {  	_ =	swait.ge [sflag:s26], $0x4000  }
0x580: {  	[sflag:s26] =	ssyncset.done $0x0  }
0x581: {  	[sflag:s26] =	ssyncadd.s32 $0xFFFFC000  }
0x582: {  	v5 =	vld.msk [tilespmem:$0x21D8], $0xff;
	_ =	sdelay $0x4  }
0x583: {  	v6 =	vshll.u32 v5, $0x4  }
0x584: {  	v5 =	vand.u32 $0x7, v5;
	v6 =	vand.u32 $0xFFFFFF80, v6  }
0x585: {  	v5 =	vor.u32 v5, v6  }
0x586: {  	v5 =	vperm.xlane v5, v3;
	_ =	sdelay $0x1  }
0x587: {  	v5 =	vadd.s32 v4, v5;
	_ =	sdelay $0x3  }
0x588: {  	s29 =	simm.s32 $0xE280  }
0x589: {  	[tilespmem:s29], [sflag:$0x4] =	stream.indirect_vreg.gather [hbm4b:s1+s28], $0x80, v5, vm0, $0xb8;
	[tilespmem:$0x1E280] =	vst v63  }
0x58a: {  	s23 =	simm.s32 $0xEA80  }
0x58b: {  	[tilespmem:s23], [sflag:$0x4] =	stream.indirect_vreg.gather [hbm4b:s6+s28], $0x80, v5, vm0, $0xb8;
	[tilespmem:$0x1E280] =	vst v63  }
0x58c: {  	s24 =	simm.s32 $0xF280  }
0x58d: {  	[tilespmem:s24], [sflag:$0x4] =	stream.indirect_vreg.gather [hbm4b:s7+s28], $0x80, v5, vm0, $0xb8;
	[tilespmem:$0x1E280] =	vst v63  }
0x58e: {  	s25 =	simm.s32 $0xFA80  }
0x58f: {  	[tilespmem:s25], [sflag:$0x4] =	stream.indirect_vreg.gather [hbm4b:s8+s28], $0x80, v5, vm0, $0xb8;
	[tilespmem:$0x1E280] =	vst v63  }
0x590: {  	s29 =	simm.s32 $0x10280  }
0x591: {  	[tilespmem:s29], [sflag:$0x4] =	stream.indirect_vreg.gather [hbm4b:s9+s28], $0x80, v5, vm0, $0xb8;
	[tilespmem:$0x1E280] =	vst v63  }
0x592: {  	s23 =	simm.s32 $0x10A80  }
0x593: {  	[tilespmem:s23], [sflag:$0x4] =	stream.indirect_vreg.gather [hbm4b:s10+s28], $0x80, v5, vm0, $0xb8;
	[tilespmem:$0x1E280] =	vst v63  }
0x594: {  	s24 =	simm.s32 $0x11280  }
0x595: {  	[tilespmem:s24], [sflag:$0x4] =	stream.indirect_vreg.gather [hbm4b:s12+s28], $0x80, v5, vm0, $0xb8;
	[tilespmem:$0x1E280] =	vst v63  }
0x596: {  	s25 =	simm.s32 $0x11A80;
	s29 =	simm.s32 $0x2  }
0x597: {  	[tilespmem:s25], [sflag:$0x4] =	stream.indirect_vreg.gather [hbm4b:s13+s28], $0x80, v5, vm0, $0xb8;
	[tilespmem:$0x1E280] =	vst v63  }
0x598: {  	_ =	swait.ge [sflag:s29], $0x4000  }
0x599: {  	[sflag:s29] =	ssyncset.done $0x0  }
0x59a: {  	s23 =	sand.u32 $0x7, s28;
	[sflag:s29] =	ssyncadd.s32 $0xFFFFC000  }
0x59b: {  	s2 =	sshll.u32 s23, $0xB;
	_ =	swait.ge [sflag:s30], $0x4000  }
0x59c: {  	s24 =	sand.u32 $0x3800, s28;
	s25 =	sand.u32 $0x380, s28;
	[sflag:s30] =	ssyncset.done $0x0  }
0x59d: {  	s2 =	sadd.s32 $0x0, s2;
	s24 =	sor.u32 s25, s24;
	[sflag:s30] =	ssyncadd.s32 $0xFFFFC000  }
0x59e: {  	s29 =	sor.u32 $0x470, s2;
	v5 =	vld [tilespmem:s24+$0x126E0]  }
0x59f: {  	s2 =	sor.u32 $0x70, s2;
	v6 =	vld [tilespmem:s29+$0x12280]  }
0x5a0: {  	v7 =	vld [tilespmem:s2+$0x12280]  }
0x5a1: {  	v8 =	vld [tilespmem:s24+$0x12280]  }
0x5a2: {  	v9 =	vld [tilespmem:s24+$0x12290]  }
0x5a3: {  	v10 =	vld [tilespmem:s24+$0x122A0]  }
0x5a4: {  	v11 =	vld [tilespmem:s24+$0x122B0]  }
0x5a5: {  	v12 =	vld [tilespmem:s24+$0x122C0]  }
0x5a6: {  	v13 =	vld [tilespmem:s24+$0x122D0]  }
0x5a7: {  	v14 =	vld [tilespmem:s24+$0x122E0]  }
0x5a8: {  	v15 =	vld [tilespmem:s24+$0x12680]  }
0x5a9: {  	v16 =	vld [tilespmem:s24+$0x12690]  }
0x5aa: {  	v17 =	vld [tilespmem:s24+$0x126A0]  }
0x5ab: {  	[tilespmem:s24+$0x66E0] =	vst.add.f32.msk $0xffff, v5  }
0x5ac: {  	[tilespmem:s29+$0x6280] =	vst.add.f32.msk $0xffff, v6  }
0x5ad: {  	[tilespmem:s2+$0x6280] =	vst.add.f32.msk $0xffff, v7  }
0x5ae: {  	v7 =	vld [tilespmem:s24+$0x126B0]  }
0x5af: {  	v6 =	vld [tilespmem:s24+$0x126C0]  }
0x5b0: {  	v5 =	vld [tilespmem:s24+$0x126D0]  }
0x5b1: {  	[tilespmem:s24+$0x6280] =	vst.add.f32.msk $0xffff, v8  }
0x5b2: {  	[tilespmem:s24+$0x6290] =	vst.add.f32.msk $0xffff, v9  }
0x5b3: {  	[tilespmem:s24+$0x62A0] =	vst.add.f32.msk $0xffff, v10  }
0x5b4: {  	[tilespmem:s24+$0x62B0] =	vst.add.f32.msk $0xffff, v11  }
0x5b5: {  	[tilespmem:s24+$0x62C0] =	vst.add.f32.msk $0xffff, v12  }
0x5b6: {  	[tilespmem:s24+$0x62D0] =	vst.add.f32.msk $0xffff, v13  }
0x5b7: {  	[tilespmem:s24+$0x62E0] =	vst.add.f32.msk $0xffff, v14  }
0x5b8: {  	[tilespmem:s24+$0x6680] =	vst.add.f32.msk $0xffff, v15  }
0x5b9: {  	[tilespmem:s24+$0x6690] =	vst.add.f32.msk $0xffff, v16  }
0x5ba: {  	s31 =	simm.s32 $0x10;
	s23 =	simm.s32 $0x1;
	[tilespmem:s24+$0x66A0] =	vst.add.f32.msk $0xffff, v17  }
.LBB2_30:
0x5bb: {  	s2 =	sand.u32 $0x7, s23;
	p1 =	slt.u32 s31, $0x3F0;
	[tilespmem:s24+$0x66B0] =	vst.add.f32.msk $0xffff, v7;
	s28 =	sadd.s32 $0x800, s28  }
0x5bc: {  	s29 =	sand.u32 $0x380, s31;
	s2 =	sshll.u32 s2, $0xB;
	s25 =	sand.u32 $0x3800, s28;
	[tilespmem:s24+$0x66C0] =	vst.add.f32.msk $0xffff, v6  }
0x5bd: {  	s2 =	sadd.s32 s2, s31;
	[tilespmem:s24+$0x66D0] =	vst.add.f32.msk $0xffff, v5;
	s24 =	sor.u32 s29, s25  }
0x5be: {  	s25 =	sor.u32 $0x70, s2;
	v5 =	vld [tilespmem:s24+$0x126E0];
	s2 =	sor.u32 $0x470, s2  }
0x5bf: {  	v6 =	vld [tilespmem:s2+$0x12280]  }
0x5c0: {  	v7 =	vld [tilespmem:s25+$0x12280]  }
0x5c1: {  	v8 =	vld [tilespmem:s24+$0x12280]  }
0x5c2: {  	v9 =	vld [tilespmem:s24+$0x12290]  }
0x5c3: {  	[tilespmem:s24+$0x66E0] =	vst.add.f32.msk $0xffff, v5  }
0x5c4: {  	[tilespmem:s2+$0x6280] =	vst.add.f32.msk $0xffff, v6  }
0x5c5: {  	[tilespmem:s25+$0x6280] =	vst.add.f32.msk $0xffff, v7  }
0x5c6: {  	v10 =	vld [tilespmem:s24+$0x122A0]  }
0x5c7: {  	v11 =	vld [tilespmem:s24+$0x122B0]  }
0x5c8: {  	v12 =	vld [tilespmem:s24+$0x122C0]  }
0x5c9: {  	v13 =	vld [tilespmem:s24+$0x122D0]  }
0x5ca: {  	v14 =	vld [tilespmem:s24+$0x122E0]  }
0x5cb: {  	v15 =	vld [tilespmem:s24+$0x12680]  }
0x5cc: {  	v16 =	vld [tilespmem:s24+$0x12690]  }
0x5cd: {  	v17 =	vld [tilespmem:s24+$0x126A0]  }
0x5ce: {  	v7 =	vld [tilespmem:s24+$0x126B0]  }
0x5cf: {  	v6 =	vld [tilespmem:s24+$0x126C0]  }
0x5d0: {  	v5 =	vld [tilespmem:s24+$0x126D0]  }
0x5d1: {  	[tilespmem:s24+$0x6280] =	vst.add.f32.msk $0xffff, v8  }
0x5d2: {  	[tilespmem:s24+$0x6290] =	vst.add.f32.msk $0xffff, v9  }
0x5d3: {  	[tilespmem:s24+$0x62A0] =	vst.add.f32.msk $0xffff, v10  }
0x5d4: {  	[tilespmem:s24+$0x62B0] =	vst.add.f32.msk $0xffff, v11  }
0x5d5: {  	[tilespmem:s24+$0x62C0] =	vst.add.f32.msk $0xffff, v12  }
.Ltmp16:
0x5d6: {  	[tilespmem:s24+$0x62D0] =	vst.add.f32.msk $0xffff, v13;
	(pc) =	sbr.rel @p1 .LBB2_30-.Ltmp16, $4  }
0x5d7: {  	[tilespmem:s24+$0x62E0] =	vst.add.f32.msk $0xffff, v14  }
0x5d8: {  	[tilespmem:s24+$0x6680] =	vst.add.f32.msk $0xffff, v15  }
0x5d9: {  	[tilespmem:s24+$0x6690] =	vst.add.f32.msk $0xffff, v16  }
0x5da: {  	s23 =	sadd.s32 $0x1, s23;
	s31 =	sadd.s32 $0x10, s31;
	[tilespmem:s24+$0x66A0] =	vst.add.f32.msk $0xffff, v17  }
0x5db: {  	[tilespmem:s24+$0x66B0] =	vst.add.f32.msk $0xffff, v7  }
0x5dc: {  	[tilespmem:s24+$0x66C0] =	vst.add.f32.msk $0xffff, v6  }
0x5dd: {  	[tilespmem:s24+$0x66D0] =	vst.add.f32.msk $0xffff, v5  }
0x5de: {  	s28 =	simm.s32 $0x0;
	s23 =	simm.s32 $0x6280;
	s2 =	rddreg [dreg:$0x13]  }
0x5df: {  	[hbm4b:s2+s28] =	stream.linear.scatter [tilespmem:s23], [sflag:$0x9], $0x4000, $0x38;
	[tilespmem:$0x1E280] =	vst v63  }
0x5e0: {  	v5 =	vld.msk [tilespmem:$0x2260], $0xff;
	_ =	sdelay $0x4  }
0x5e1: {  	v6 =	vshll.u32 v5, $0x4  }
0x5e2: {  	v5 =	vand.u32 $0x7, v5;
	v6 =	vand.u32 $0xFFFFFF80, v6  }
0x5e3: {  	v5 =	vor.u32 v5, v6  }
0x5e4: {  	v5 =	vperm.xlane v5, v3;
	_ =	sdelay $0x1  }
0x5e5: {  	v5 =	vadd.s32 v4, v5;
	_ =	sdelay $0x3  }
0x5e6: {  	s29 =	simm.s32 $0x12280  }
0x5e7: {  	[tilespmem:s29], [sflag:$0x5] =	stream.indirect_vreg.gather [hbm4b:s1+s28], $0x80, v5, vm0, $0xb8;
	[tilespmem:$0x1E280] =	vst v63  }
0x5e8: {  	s23 =	simm.s32 $0x12A80  }
0x5e9: {  	[tilespmem:s23], [sflag:$0x5] =	stream.indirect_vreg.gather [hbm4b:s6+s28], $0x80, v5, vm0, $0xb8;
	[tilespmem:$0x1E280] =	vst v63  }
0x5ea: {  	s24 =	simm.s32 $0x13280  }
0x5eb: {  	[tilespmem:s24], [sflag:$0x5] =	stream.indirect_vreg.gather [hbm4b:s7+s28], $0x80, v5, vm0, $0xb8;
	[tilespmem:$0x1E280] =	vst v63  }
0x5ec: {  	s25 =	simm.s32 $0x13A80  }
0x5ed: {  	[tilespmem:s25], [sflag:$0x5] =	stream.indirect_vreg.gather [hbm4b:s8+s28], $0x80, v5, vm0, $0xb8;
	[tilespmem:$0x1E280] =	vst v63  }
0x5ee: {  	s29 =	simm.s32 $0x14280  }
0x5ef: {  	[tilespmem:s29], [sflag:$0x5] =	stream.indirect_vreg.gather [hbm4b:s9+s28], $0x80, v5, vm0, $0xb8;
	[tilespmem:$0x1E280] =	vst v63  }
0x5f0: {  	s23 =	simm.s32 $0x14A80  }
0x5f1: {  	[tilespmem:s23], [sflag:$0x5] =	stream.indirect_vreg.gather [hbm4b:s10+s28], $0x80, v5, vm0, $0xb8;
	[tilespmem:$0x1E280] =	vst v63  }
0x5f2: {  	s24 =	simm.s32 $0x15280  }
0x5f3: {  	[tilespmem:s24], [sflag:$0x5] =	stream.indirect_vreg.gather [hbm4b:s12+s28], $0x80, v5, vm0, $0xb8;
	[tilespmem:$0x1E280] =	vst v63  }
0x5f4: {  	s25 =	simm.s32 $0x15A80;
	s29 =	simm.s32 $0x8  }
0x5f5: {  	[tilespmem:s25], [sflag:$0x5] =	stream.indirect_vreg.gather [hbm4b:s13+s28], $0x80, v5, vm0, $0xb8;
	[tilespmem:$0x1E280] =	vst v63  }
0x5f6: {  	_ =	swait.ge [sflag:s29], $0x4000  }
0x5f7: {  	[sflag:s29] =	ssyncset.done $0x0  }
0x5f8: {  	[sflag:s29] =	ssyncadd.s32 $0xFFFFC000  }
0x5f9: {  	v5 =	vld.msk [tilespmem:$0x21E0], $0xff;
	_ =	sdelay $0x4  }
0x5fa: {  	v6 =	vshll.u32 v5, $0x4  }
0x5fb: {  	v5 =	vand.u32 $0x7, v5;
	v6 =	vand.u32 $0xFFFFFF80, v6  }
0x5fc: {  	v5 =	vor.u32 v5, v6  }
0x5fd: {  	v5 =	vperm.xlane v5, v3;
	_ =	sdelay $0x1  }
0x5fe: {  	v5 =	vadd.s32 v4, v5;
	_ =	sdelay $0x3  }
0x5ff: {  	s23 =	simm.s32 $0x2280  }
0x600: {  	[tilespmem:s23], [sflag:$0x1] =	stream.indirect_vreg.gather [hbm4b:s1+s28], $0x80, v5, vm0, $0xb8;
	[tilespmem:$0x1E280] =	vst v63  }
0x601: {  	s24 =	simm.s32 $0x2A80  }
0x602: {  	[tilespmem:s24], [sflag:$0x1] =	stream.indirect_vreg.gather [hbm4b:s6+s28], $0x80, v5, vm0, $0xb8;
	[tilespmem:$0x1E280] =	vst v63  }
0x603: {  	s25 =	simm.s32 $0x3280  }
0x604: {  	[tilespmem:s25], [sflag:$0x1] =	stream.indirect_vreg.gather [hbm4b:s7+s28], $0x80, v5, vm0, $0xb8;
	[tilespmem:$0x1E280] =	vst v63  }
0x605: {  	s29 =	simm.s32 $0x3A80  }
0x606: {  	[tilespmem:s29], [sflag:$0x1] =	stream.indirect_vreg.gather [hbm4b:s8+s28], $0x80, v5, vm0, $0xb8;
	[tilespmem:$0x1E280] =	vst v63  }
0x607: {  	s23 =	simm.s32 $0x4280  }
0x608: {  	[tilespmem:s23], [sflag:$0x1] =	stream.indirect_vreg.gather [hbm4b:s9+s28], $0x80, v5, vm0, $0xb8;
	[tilespmem:$0x1E280] =	vst v63  }
0x609: {  	s24 =	simm.s32 $0x4A80  }
0x60a: {  	[tilespmem:s24], [sflag:$0x1] =	stream.indirect_vreg.gather [hbm4b:s10+s28], $0x80, v5, vm0, $0xb8;
	[tilespmem:$0x1E280] =	vst v63  }
0x60b: {  	s25 =	simm.s32 $0x5280  }
0x60c: {  	[tilespmem:s25], [sflag:$0x1] =	stream.indirect_vreg.gather [hbm4b:s12+s28], $0x80, v5, vm0, $0xb8;
	[tilespmem:$0x1E280] =	vst v63  }
0x60d: {  	s29 =	simm.s32 $0x5A80  }
0x60e: {  	[tilespmem:s29], [sflag:$0x1] =	stream.indirect_vreg.gather [hbm4b:s13+s28], $0x80, v5, vm0, $0xb8;
	[tilespmem:$0x1E280] =	vst v63  }
0x60f: {  	_ =	swait.ge [sflag:s4], $0x4000  }
0x610: {  	[sflag:s4] =	ssyncset.done $0x0  }
0x611: {  	s23 =	sand.u32 $0x7, s28;
	[sflag:s4] =	ssyncadd.s32 $0xFFFFC000  }
0x612: {  	s2 =	sshll.u32 s23, $0xB;
	_ =	swait.ge [sflag:s0], $0x4000  }
0x613: {  	s24 =	sand.u32 $0x3800, s28;
	s25 =	sand.u32 $0x380, s28;
	[sflag:s0] =	ssyncset.done $0x0  }
0x614: {  	s2 =	sadd.s32 $0x0, s2;
	s24 =	sor.u32 s25, s24;
	[sflag:s0] =	ssyncadd.s32 $0xFFFFC000  }
0x615: {  	s29 =	sor.u32 $0x470, s2;
	v5 =	vld [tilespmem:s24+$0x166E0]  }
0x616: {  	s2 =	sor.u32 $0x70, s2;
	v6 =	vld [tilespmem:s29+$0x16280]  }
0x617: {  	v7 =	vld [tilespmem:s2+$0x16280]  }
0x618: {  	v8 =	vld [tilespmem:s24+$0x16280]  }
0x619: {  	v9 =	vld [tilespmem:s24+$0x16290]  }
0x61a: {  	v10 =	vld [tilespmem:s24+$0x162A0]  }
0x61b: {  	v11 =	vld [tilespmem:s24+$0x162B0]  }
0x61c: {  	v12 =	vld [tilespmem:s24+$0x162C0]  }
0x61d: {  	v13 =	vld [tilespmem:s24+$0x162D0]  }
0x61e: {  	v14 =	vld [tilespmem:s24+$0x162E0]  }
0x61f: {  	v15 =	vld [tilespmem:s24+$0x16680]  }
0x620: {  	v16 =	vld [tilespmem:s24+$0x16690]  }
0x621: {  	v17 =	vld [tilespmem:s24+$0x166A0]  }
0x622: {  	[tilespmem:s24+$0xA6E0] =	vst.add.f32.msk $0xffff, v5  }
0x623: {  	[tilespmem:s29+$0xA280] =	vst.add.f32.msk $0xffff, v6  }
0x624: {  	[tilespmem:s2+$0xA280] =	vst.add.f32.msk $0xffff, v7  }
0x625: {  	v7 =	vld [tilespmem:s24+$0x166B0]  }
0x626: {  	v6 =	vld [tilespmem:s24+$0x166C0]  }
0x627: {  	v5 =	vld [tilespmem:s24+$0x166D0]  }
0x628: {  	[tilespmem:s24+$0xA280] =	vst.add.f32.msk $0xffff, v8  }
0x629: {  	[tilespmem:s24+$0xA290] =	vst.add.f32.msk $0xffff, v9  }
0x62a: {  	[tilespmem:s24+$0xA2A0] =	vst.add.f32.msk $0xffff, v10  }
0x62b: {  	[tilespmem:s24+$0xA2B0] =	vst.add.f32.msk $0xffff, v11  }
0x62c: {  	[tilespmem:s24+$0xA2C0] =	vst.add.f32.msk $0xffff, v12  }
0x62d: {  	[tilespmem:s24+$0xA2D0] =	vst.add.f32.msk $0xffff, v13  }
0x62e: {  	[tilespmem:s24+$0xA2E0] =	vst.add.f32.msk $0xffff, v14  }
0x62f: {  	[tilespmem:s24+$0xA680] =	vst.add.f32.msk $0xffff, v15  }
0x630: {  	[tilespmem:s24+$0xA690] =	vst.add.f32.msk $0xffff, v16  }
0x631: {  	s31 =	simm.s32 $0x10;
	s23 =	simm.s32 $0x1;
	[tilespmem:s24+$0xA6A0] =	vst.add.f32.msk $0xffff, v17  }
.LBB2_32:
0x632: {  	s2 =	sand.u32 $0x7, s23;
	p1 =	slt.u32 s31, $0x3F0;
	[tilespmem:s24+$0xA6B0] =	vst.add.f32.msk $0xffff, v7;
	s28 =	sadd.s32 $0x800, s28  }
0x633: {  	s29 =	sand.u32 $0x380, s31;
	s2 =	sshll.u32 s2, $0xB;
	s25 =	sand.u32 $0x3800, s28;
	[tilespmem:s24+$0xA6C0] =	vst.add.f32.msk $0xffff, v6  }
0x634: {  	s2 =	sadd.s32 s2, s31;
	[tilespmem:s24+$0xA6D0] =	vst.add.f32.msk $0xffff, v5;
	s24 =	sor.u32 s29, s25  }
0x635: {  	s25 =	sor.u32 $0x70, s2;
	v5 =	vld [tilespmem:s24+$0x166E0];
	s2 =	sor.u32 $0x470, s2  }
0x636: {  	v6 =	vld [tilespmem:s2+$0x16280]  }
0x637: {  	v7 =	vld [tilespmem:s25+$0x16280]  }
0x638: {  	v8 =	vld [tilespmem:s24+$0x16280]  }
0x639: {  	v9 =	vld [tilespmem:s24+$0x16290]  }
0x63a: {  	[tilespmem:s24+$0xA6E0] =	vst.add.f32.msk $0xffff, v5  }
0x63b: {  	[tilespmem:s2+$0xA280] =	vst.add.f32.msk $0xffff, v6  }
0x63c: {  	[tilespmem:s25+$0xA280] =	vst.add.f32.msk $0xffff, v7  }
0x63d: {  	v10 =	vld [tilespmem:s24+$0x162A0]  }
0x63e: {  	v11 =	vld [tilespmem:s24+$0x162B0]  }
0x63f: {  	v12 =	vld [tilespmem:s24+$0x162C0]  }
0x640: {  	v13 =	vld [tilespmem:s24+$0x162D0]  }
0x641: {  	v14 =	vld [tilespmem:s24+$0x162E0]  }
0x642: {  	v15 =	vld [tilespmem:s24+$0x16680]  }
0x643: {  	v16 =	vld [tilespmem:s24+$0x16690]  }
0x644: {  	v17 =	vld [tilespmem:s24+$0x166A0]  }
0x645: {  	v7 =	vld [tilespmem:s24+$0x166B0]  }
0x646: {  	v6 =	vld [tilespmem:s24+$0x166C0]  }
0x647: {  	v5 =	vld [tilespmem:s24+$0x166D0]  }
0x648: {  	[tilespmem:s24+$0xA280] =	vst.add.f32.msk $0xffff, v8  }
0x649: {  	[tilespmem:s24+$0xA290] =	vst.add.f32.msk $0xffff, v9  }
0x64a: {  	[tilespmem:s24+$0xA2A0] =	vst.add.f32.msk $0xffff, v10  }
0x64b: {  	[tilespmem:s24+$0xA2B0] =	vst.add.f32.msk $0xffff, v11  }
0x64c: {  	[tilespmem:s24+$0xA2C0] =	vst.add.f32.msk $0xffff, v12  }
.Ltmp17:
0x64d: {  	[tilespmem:s24+$0xA2D0] =	vst.add.f32.msk $0xffff, v13;
	(pc) =	sbr.rel @p1 .LBB2_32-.Ltmp17, $4  }
0x64e: {  	[tilespmem:s24+$0xA2E0] =	vst.add.f32.msk $0xffff, v14  }
0x64f: {  	[tilespmem:s24+$0xA680] =	vst.add.f32.msk $0xffff, v15  }
0x650: {  	[tilespmem:s24+$0xA690] =	vst.add.f32.msk $0xffff, v16  }
0x651: {  	s23 =	sadd.s32 $0x1, s23;
	s31 =	sadd.s32 $0x10, s31;
	[tilespmem:s24+$0xA6A0] =	vst.add.f32.msk $0xffff, v17  }
0x652: {  	[tilespmem:s24+$0xA6B0] =	vst.add.f32.msk $0xffff, v7  }
0x653: {  	[tilespmem:s24+$0xA6C0] =	vst.add.f32.msk $0xffff, v6  }
0x654: {  	[tilespmem:s24+$0xA6D0] =	vst.add.f32.msk $0xffff, v5  }
0x655: {  	s28 =	simm.s32 $0x0;
	s23 =	simm.s32 $0xA280;
	s2 =	rddreg [dreg:$0x14]  }
0x656: {  	[hbm4b:s2+s28] =	stream.linear.scatter [tilespmem:s23], [sflag:$0xA], $0x4000, $0x38;
	[tilespmem:$0x1E280] =	vst v63  }
0x657: {  	v5 =	vld.msk [tilespmem:$0x2268], $0xff;
	_ =	sdelay $0x4  }
0x658: {  	v6 =	vshll.u32 v5, $0x4  }
0x659: {  	v5 =	vand.u32 $0x7, v5;
	v6 =	vand.u32 $0xFFFFFF80, v6  }
0x65a: {  	v5 =	vor.u32 v5, v6  }
0x65b: {  	v5 =	vperm.xlane v5, v3;
	_ =	sdelay $0x1  }
0x65c: {  	v5 =	vadd.s32 v4, v5;
	_ =	sdelay $0x3  }
0x65d: {  	s23 =	simm.s32 $0x16280  }
0x65e: {  	[tilespmem:s23], [sflag:$0x6] =	stream.indirect_vreg.gather [hbm4b:s1+s28], $0x80, v5, vm0, $0xb8;
	[tilespmem:$0x1E280] =	vst v63  }
0x65f: {  	s24 =	simm.s32 $0x16A80  }
0x660: {  	[tilespmem:s24], [sflag:$0x6] =	stream.indirect_vreg.gather [hbm4b:s6+s28], $0x80, v5, vm0, $0xb8;
	[tilespmem:$0x1E280] =	vst v63  }
0x661: {  	s25 =	simm.s32 $0x17280  }
0x662: {  	[tilespmem:s25], [sflag:$0x6] =	stream.indirect_vreg.gather [hbm4b:s7+s28], $0x80, v5, vm0, $0xb8;
	[tilespmem:$0x1E280] =	vst v63  }
0x663: {  	s29 =	simm.s32 $0x17A80  }
0x664: {  	[tilespmem:s29], [sflag:$0x6] =	stream.indirect_vreg.gather [hbm4b:s8+s28], $0x80, v5, vm0, $0xb8;
	[tilespmem:$0x1E280] =	vst v63  }
0x665: {  	s23 =	simm.s32 $0x18280  }
0x666: {  	[tilespmem:s23], [sflag:$0x6] =	stream.indirect_vreg.gather [hbm4b:s9+s28], $0x80, v5, vm0, $0xb8;
	[tilespmem:$0x1E280] =	vst v63  }
0x667: {  	s24 =	simm.s32 $0x18A80  }
0x668: {  	[tilespmem:s24], [sflag:$0x6] =	stream.indirect_vreg.gather [hbm4b:s10+s28], $0x80, v5, vm0, $0xb8;
	[tilespmem:$0x1E280] =	vst v63  }
0x669: {  	s25 =	simm.s32 $0x19280  }
0x66a: {  	[tilespmem:s25], [sflag:$0x6] =	stream.indirect_vreg.gather [hbm4b:s12+s28], $0x80, v5, vm0, $0xb8;
	[tilespmem:$0x1E280] =	vst v63  }
0x66b: {  	s29 =	simm.s32 $0x19A80  }
0x66c: {  	[tilespmem:s29], [sflag:$0x6] =	stream.indirect_vreg.gather [hbm4b:s13+s28], $0x80, v5, vm0, $0xb8;
	[tilespmem:$0x1E280] =	vst v63  }
0x66d: {  	_ =	swait.ge [sflag:s14], $0x4000  }
0x66e: {  	[sflag:s14] =	ssyncset.done $0x0  }
0x66f: {  	[sflag:s14] =	ssyncadd.s32 $0xFFFFC000  }
0x670: {  	v5 =	vld.msk [tilespmem:$0x21E8], $0xff;
	_ =	sdelay $0x4  }
0x671: {  	v6 =	vshll.u32 v5, $0x4  }
0x672: {  	v5 =	vand.u32 $0x7, v5;
	v6 =	vand.u32 $0xFFFFFF80, v6  }
0x673: {  	v5 =	vor.u32 v5, v6  }
0x674: {  	v5 =	vperm.xlane v5, v3;
	_ =	sdelay $0x1  }
0x675: {  	v5 =	vadd.s32 v4, v5;
	_ =	sdelay $0x3  }
0x676: {  	s23 =	simm.s32 $0x6280  }
0x677: {  	[tilespmem:s23], [sflag:$0x2] =	stream.indirect_vreg.gather [hbm4b:s1+s28], $0x80, v5, vm0, $0xb8;
	[tilespmem:$0x1E280] =	vst v63  }
0x678: {  	s24 =	simm.s32 $0x6A80  }
0x679: {  	[tilespmem:s24], [sflag:$0x2] =	stream.indirect_vreg.gather [hbm4b:s6+s28], $0x80, v5, vm0, $0xb8;
	[tilespmem:$0x1E280] =	vst v63  }
0x67a: {  	s25 =	simm.s32 $0x7280  }
0x67b: {  	[tilespmem:s25], [sflag:$0x2] =	stream.indirect_vreg.gather [hbm4b:s7+s28], $0x80, v5, vm0, $0xb8;
	[tilespmem:$0x1E280] =	vst v63  }
0x67c: {  	s29 =	simm.s32 $0x7A80  }
0x67d: {  	[tilespmem:s29], [sflag:$0x2] =	stream.indirect_vreg.gather [hbm4b:s8+s28], $0x80, v5, vm0, $0xb8;
	[tilespmem:$0x1E280] =	vst v63  }
0x67e: {  	s23 =	simm.s32 $0x8280  }
0x67f: {  	[tilespmem:s23], [sflag:$0x2] =	stream.indirect_vreg.gather [hbm4b:s9+s28], $0x80, v5, vm0, $0xb8;
	[tilespmem:$0x1E280] =	vst v63  }
0x680: {  	s24 =	simm.s32 $0x8A80  }
0x681: {  	[tilespmem:s24], [sflag:$0x2] =	stream.indirect_vreg.gather [hbm4b:s10+s28], $0x80, v5, vm0, $0xb8;
	[tilespmem:$0x1E280] =	vst v63  }
0x682: {  	s25 =	simm.s32 $0x9280  }
0x683: {  	[tilespmem:s25], [sflag:$0x2] =	stream.indirect_vreg.gather [hbm4b:s12+s28], $0x80, v5, vm0, $0xb8;
	[tilespmem:$0x1E280] =	vst v63  }
0x684: {  	s29 =	simm.s32 $0x9A80  }
0x685: {  	[tilespmem:s29], [sflag:$0x2] =	stream.indirect_vreg.gather [hbm4b:s13+s28], $0x80, v5, vm0, $0xb8;
	[tilespmem:$0x1E280] =	vst v63  }
0x686: {  	_ =	swait.ge [sflag:s21], $0x4000  }
0x687: {  	[sflag:s21] =	ssyncset.done $0x0  }
0x688: {  	s23 =	sand.u32 $0x7, s28;
	[sflag:s21] =	ssyncadd.s32 $0xFFFFC000  }
0x689: {  	s2 =	sshll.u32 s23, $0xB;
	_ =	swait.ge [sflag:s11], $0x4000  }
0x68a: {  	s24 =	sand.u32 $0x3800, s28;
	s25 =	sand.u32 $0x380, s28;
	[sflag:s11] =	ssyncset.done $0x0  }
0x68b: {  	s2 =	sadd.s32 $0x0, s2;
	s24 =	sor.u32 s25, s24;
	[sflag:s11] =	ssyncadd.s32 $0xFFFFC000  }
0x68c: {  	s29 =	sor.u32 $0x470, s2;
	v5 =	vld [tilespmem:s24+$0x1A6E0]  }
0x68d: {  	s2 =	sor.u32 $0x70, s2;
	v6 =	vld [tilespmem:s29+$0x1A280]  }
0x68e: {  	v7 =	vld [tilespmem:s2+$0x1A280]  }
0x68f: {  	v8 =	vld [tilespmem:s24+$0x1A280]  }
0x690: {  	v9 =	vld [tilespmem:s24+$0x1A290]  }
0x691: {  	v10 =	vld [tilespmem:s24+$0x1A2A0]  }
0x692: {  	v11 =	vld [tilespmem:s24+$0x1A2B0]  }
0x693: {  	v12 =	vld [tilespmem:s24+$0x1A2C0]  }
0x694: {  	v13 =	vld [tilespmem:s24+$0x1A2D0]  }
0x695: {  	v14 =	vld [tilespmem:s24+$0x1A2E0]  }
0x696: {  	v15 =	vld [tilespmem:s24+$0x1A680]  }
0x697: {  	v16 =	vld [tilespmem:s24+$0x1A690]  }
0x698: {  	v17 =	vld [tilespmem:s24+$0x1A6A0]  }
0x699: {  	[tilespmem:s24+$0xE6E0] =	vst.add.f32.msk $0xffff, v5  }
0x69a: {  	[tilespmem:s29+$0xE280] =	vst.add.f32.msk $0xffff, v6  }
0x69b: {  	[tilespmem:s2+$0xE280] =	vst.add.f32.msk $0xffff, v7  }
0x69c: {  	v7 =	vld [tilespmem:s24+$0x1A6B0]  }
0x69d: {  	v6 =	vld [tilespmem:s24+$0x1A6C0]  }
0x69e: {  	v5 =	vld [tilespmem:s24+$0x1A6D0]  }
0x69f: {  	[tilespmem:s24+$0xE280] =	vst.add.f32.msk $0xffff, v8  }
0x6a0: {  	[tilespmem:s24+$0xE290] =	vst.add.f32.msk $0xffff, v9  }
0x6a1: {  	[tilespmem:s24+$0xE2A0] =	vst.add.f32.msk $0xffff, v10  }
0x6a2: {  	[tilespmem:s24+$0xE2B0] =	vst.add.f32.msk $0xffff, v11  }
0x6a3: {  	[tilespmem:s24+$0xE2C0] =	vst.add.f32.msk $0xffff, v12  }
0x6a4: {  	[tilespmem:s24+$0xE2D0] =	vst.add.f32.msk $0xffff, v13  }
0x6a5: {  	[tilespmem:s24+$0xE2E0] =	vst.add.f32.msk $0xffff, v14  }
0x6a6: {  	[tilespmem:s24+$0xE680] =	vst.add.f32.msk $0xffff, v15  }
0x6a7: {  	[tilespmem:s24+$0xE690] =	vst.add.f32.msk $0xffff, v16  }
0x6a8: {  	s31 =	simm.s32 $0x10;
	s23 =	simm.s32 $0x1;
	[tilespmem:s24+$0xE6A0] =	vst.add.f32.msk $0xffff, v17  }
.LBB2_34:
0x6a9: {  	s2 =	sand.u32 $0x7, s23;
	p1 =	slt.u32 s31, $0x3F0;
	[tilespmem:s24+$0xE6B0] =	vst.add.f32.msk $0xffff, v7;
	s28 =	sadd.s32 $0x800, s28  }
0x6aa: {  	s29 =	sand.u32 $0x380, s31;
	s2 =	sshll.u32 s2, $0xB;
	s25 =	sand.u32 $0x3800, s28;
	[tilespmem:s24+$0xE6C0] =	vst.add.f32.msk $0xffff, v6  }
0x6ab: {  	s2 =	sadd.s32 s2, s31;
	[tilespmem:s24+$0xE6D0] =	vst.add.f32.msk $0xffff, v5;
	s24 =	sor.u32 s29, s25  }
0x6ac: {  	s25 =	sor.u32 $0x70, s2;
	v5 =	vld [tilespmem:s24+$0x1A6E0];
	s2 =	sor.u32 $0x470, s2  }
0x6ad: {  	v6 =	vld [tilespmem:s2+$0x1A280]  }
0x6ae: {  	v7 =	vld [tilespmem:s25+$0x1A280]  }
0x6af: {  	v8 =	vld [tilespmem:s24+$0x1A280]  }
0x6b0: {  	v9 =	vld [tilespmem:s24+$0x1A290]  }
0x6b1: {  	[tilespmem:s24+$0xE6E0] =	vst.add.f32.msk $0xffff, v5  }
0x6b2: {  	[tilespmem:s2+$0xE280] =	vst.add.f32.msk $0xffff, v6  }
0x6b3: {  	[tilespmem:s25+$0xE280] =	vst.add.f32.msk $0xffff, v7  }
0x6b4: {  	v10 =	vld [tilespmem:s24+$0x1A2A0]  }
0x6b5: {  	v11 =	vld [tilespmem:s24+$0x1A2B0]  }
0x6b6: {  	v12 =	vld [tilespmem:s24+$0x1A2C0]  }
0x6b7: {  	v13 =	vld [tilespmem:s24+$0x1A2D0]  }
0x6b8: {  	v14 =	vld [tilespmem:s24+$0x1A2E0]  }
0x6b9: {  	v15 =	vld [tilespmem:s24+$0x1A680]  }
0x6ba: {  	v16 =	vld [tilespmem:s24+$0x1A690]  }
0x6bb: {  	v17 =	vld [tilespmem:s24+$0x1A6A0]  }
0x6bc: {  	v7 =	vld [tilespmem:s24+$0x1A6B0]  }
0x6bd: {  	v6 =	vld [tilespmem:s24+$0x1A6C0]  }
0x6be: {  	v5 =	vld [tilespmem:s24+$0x1A6D0]  }
0x6bf: {  	[tilespmem:s24+$0xE280] =	vst.add.f32.msk $0xffff, v8  }
0x6c0: {  	[tilespmem:s24+$0xE290] =	vst.add.f32.msk $0xffff, v9  }
0x6c1: {  	[tilespmem:s24+$0xE2A0] =	vst.add.f32.msk $0xffff, v10  }
0x6c2: {  	[tilespmem:s24+$0xE2B0] =	vst.add.f32.msk $0xffff, v11  }
0x6c3: {  	[tilespmem:s24+$0xE2C0] =	vst.add.f32.msk $0xffff, v12  }
.Ltmp18:
0x6c4: {  	[tilespmem:s24+$0xE2D0] =	vst.add.f32.msk $0xffff, v13;
	(pc) =	sbr.rel @p1 .LBB2_34-.Ltmp18, $4  }
0x6c5: {  	[tilespmem:s24+$0xE2E0] =	vst.add.f32.msk $0xffff, v14  }
0x6c6: {  	[tilespmem:s24+$0xE680] =	vst.add.f32.msk $0xffff, v15  }
0x6c7: {  	[tilespmem:s24+$0xE690] =	vst.add.f32.msk $0xffff, v16  }
0x6c8: {  	s23 =	sadd.s32 $0x1, s23;
	s31 =	sadd.s32 $0x10, s31;
	[tilespmem:s24+$0xE6A0] =	vst.add.f32.msk $0xffff, v17  }
0x6c9: {  	[tilespmem:s24+$0xE6B0] =	vst.add.f32.msk $0xffff, v7  }
0x6ca: {  	[tilespmem:s24+$0xE6C0] =	vst.add.f32.msk $0xffff, v6  }
0x6cb: {  	[tilespmem:s24+$0xE6D0] =	vst.add.f32.msk $0xffff, v5  }
0x6cc: {  	s28 =	simm.s32 $0x0;
	s23 =	simm.s32 $0xE280;
	s2 =	rddreg [dreg:$0x15]  }
0x6cd: {  	[hbm4b:s2+s28] =	stream.linear.scatter [tilespmem:s23], [sflag:$0xB], $0x4000, $0x38;
	[tilespmem:$0x1E280] =	vst v63  }
0x6ce: {  	v5 =	vld.msk [tilespmem:$0x2270], $0xff;
	_ =	sdelay $0x4  }
0x6cf: {  	v6 =	vshll.u32 v5, $0x4  }
0x6d0: {  	v5 =	vand.u32 $0x7, v5;
	v6 =	vand.u32 $0xFFFFFF80, v6  }
0x6d1: {  	v5 =	vor.u32 v5, v6  }
0x6d2: {  	v5 =	vperm.xlane v5, v3;
	_ =	sdelay $0x1  }
0x6d3: {  	v5 =	vadd.s32 v4, v5;
	_ =	sdelay $0x3  }
0x6d4: {  	s29 =	simm.s32 $0x1A280  }
0x6d5: {  	[tilespmem:s29], [sflag:$0x7] =	stream.indirect_vreg.gather [hbm4b:s1+s28], $0x80, v5, vm0, $0xb8;
	[tilespmem:$0x1E280] =	vst v63  }
0x6d6: {  	s23 =	simm.s32 $0x1AA80  }
0x6d7: {  	[tilespmem:s23], [sflag:$0x7] =	stream.indirect_vreg.gather [hbm4b:s6+s28], $0x80, v5, vm0, $0xb8;
	[tilespmem:$0x1E280] =	vst v63  }
0x6d8: {  	s24 =	simm.s32 $0x1B280  }
0x6d9: {  	[tilespmem:s24], [sflag:$0x7] =	stream.indirect_vreg.gather [hbm4b:s7+s28], $0x80, v5, vm0, $0xb8;
	[tilespmem:$0x1E280] =	vst v63  }
0x6da: {  	s25 =	simm.s32 $0x1BA80  }
0x6db: {  	[tilespmem:s25], [sflag:$0x7] =	stream.indirect_vreg.gather [hbm4b:s8+s28], $0x80, v5, vm0, $0xb8;
	[tilespmem:$0x1E280] =	vst v63  }
0x6dc: {  	s29 =	simm.s32 $0x1C280  }
0x6dd: {  	[tilespmem:s29], [sflag:$0x7] =	stream.indirect_vreg.gather [hbm4b:s9+s28], $0x80, v5, vm0, $0xb8;
	[tilespmem:$0x1E280] =	vst v63  }
0x6de: {  	s23 =	simm.s32 $0x1CA80  }
0x6df: {  	[tilespmem:s23], [sflag:$0x7] =	stream.indirect_vreg.gather [hbm4b:s10+s28], $0x80, v5, vm0, $0xb8;
	[tilespmem:$0x1E280] =	vst v63  }
0x6e0: {  	s24 =	simm.s32 $0x1D280  }
0x6e1: {  	[tilespmem:s24], [sflag:$0x7] =	stream.indirect_vreg.gather [hbm4b:s12+s28], $0x80, v5, vm0, $0xb8;
	[tilespmem:$0x1E280] =	vst v63  }
0x6e2: {  	s25 =	simm.s32 $0x1DA80  }
0x6e3: {  	[tilespmem:s25], [sflag:$0x7] =	stream.indirect_vreg.gather [hbm4b:s13+s28], $0x80, v5, vm0, $0xb8;
	[tilespmem:$0x1E280] =	vst v63  }
0x6e4: {  	_ =	swait.ge [sflag:s22], $0x4000  }
0x6e5: {  	[sflag:s22] =	ssyncset.done $0x0  }
0x6e6: {  	[sflag:s22] =	ssyncadd.s32 $0xFFFFC000  }
0x6e7: {  	v5 =	vld.msk [tilespmem:$0x21F0], $0xff;
	_ =	sdelay $0x4  }
0x6e8: {  	v6 =	vshll.u32 v5, $0x4  }
0x6e9: {  	v5 =	vand.u32 $0x7, v5;
	v6 =	vand.u32 $0xFFFFFF80, v6  }
0x6ea: {  	v5 =	vor.u32 v5, v6  }
0x6eb: {  	v5 =	vperm.xlane v5, v3;
	_ =	sdelay $0x1  }
0x6ec: {  	v5 =	vadd.s32 v4, v5;
	_ =	sdelay $0x3  }
0x6ed: {  	s29 =	simm.s32 $0xA280  }
0x6ee: {  	[tilespmem:s29], [sflag:$0x3] =	stream.indirect_vreg.gather [hbm4b:s1+s28], $0x80, v5, vm0, $0xb8;
	[tilespmem:$0x1E280] =	vst v63  }
0x6ef: {  	s23 =	simm.s32 $0xAA80  }
0x6f0: {  	[tilespmem:s23], [sflag:$0x3] =	stream.indirect_vreg.gather [hbm4b:s6+s28], $0x80, v5, vm0, $0xb8;
	[tilespmem:$0x1E280] =	vst v63  }
0x6f1: {  	s24 =	simm.s32 $0xB280  }
0x6f2: {  	[tilespmem:s24], [sflag:$0x3] =	stream.indirect_vreg.gather [hbm4b:s7+s28], $0x80, v5, vm0, $0xb8;
	[tilespmem:$0x1E280] =	vst v63  }
0x6f3: {  	s25 =	simm.s32 $0xBA80  }
0x6f4: {  	[tilespmem:s25], [sflag:$0x3] =	stream.indirect_vreg.gather [hbm4b:s8+s28], $0x80, v5, vm0, $0xb8;
	[tilespmem:$0x1E280] =	vst v63  }
0x6f5: {  	s29 =	simm.s32 $0xC280  }
0x6f6: {  	[tilespmem:s29], [sflag:$0x3] =	stream.indirect_vreg.gather [hbm4b:s9+s28], $0x80, v5, vm0, $0xb8;
	[tilespmem:$0x1E280] =	vst v63  }
0x6f7: {  	s23 =	simm.s32 $0xCA80  }
0x6f8: {  	[tilespmem:s23], [sflag:$0x3] =	stream.indirect_vreg.gather [hbm4b:s10+s28], $0x80, v5, vm0, $0xb8;
	[tilespmem:$0x1E280] =	vst v63  }
0x6f9: {  	s24 =	simm.s32 $0xD280  }
0x6fa: {  	[tilespmem:s24], [sflag:$0x3] =	stream.indirect_vreg.gather [hbm4b:s12+s28], $0x80, v5, vm0, $0xb8;
	[tilespmem:$0x1E280] =	vst v63  }
0x6fb: {  	s25 =	simm.s32 $0xDA80;
	s29 =	simm.s32 $0x1  }
0x6fc: {  	[tilespmem:s25], [sflag:$0x3] =	stream.indirect_vreg.gather [hbm4b:s13+s28], $0x80, v5, vm0, $0xb8;
	[tilespmem:$0x1E280] =	vst v63  }
0x6fd: {  	_ =	swait.ge [sflag:s29], $0x4000  }
0x6fe: {  	[sflag:s29] =	ssyncset.done $0x0  }
0x6ff: {  	s23 =	sand.u32 $0x7, s28;
	[sflag:s29] =	ssyncadd.s32 $0xFFFFC000  }
0x700: {  	s2 =	sshll.u32 s23, $0xB;
	_ =	swait.ge [sflag:s30], $0x4000  }
0x701: {  	s24 =	sand.u32 $0x3800, s28;
	s25 =	sand.u32 $0x380, s28;
	[sflag:s30] =	ssyncset.done $0x0  }
0x702: {  	s2 =	sadd.s32 $0x0, s2;
	s24 =	sor.u32 s25, s24;
	[sflag:s30] =	ssyncadd.s32 $0xFFFFC000  }
0x703: {  	s29 =	sor.u32 $0x470, s2;
	v5 =	vld [tilespmem:s24+$0x126E0]  }
0x704: {  	s2 =	sor.u32 $0x70, s2;
	v6 =	vld [tilespmem:s29+$0x12280]  }
0x705: {  	v7 =	vld [tilespmem:s2+$0x12280]  }
0x706: {  	v8 =	vld [tilespmem:s24+$0x12280]  }
0x707: {  	v9 =	vld [tilespmem:s24+$0x12290]  }
0x708: {  	v10 =	vld [tilespmem:s24+$0x122A0]  }
0x709: {  	v11 =	vld [tilespmem:s24+$0x122B0]  }
0x70a: {  	v12 =	vld [tilespmem:s24+$0x122C0]  }
0x70b: {  	v13 =	vld [tilespmem:s24+$0x122D0]  }
0x70c: {  	v14 =	vld [tilespmem:s24+$0x122E0]  }
0x70d: {  	v15 =	vld [tilespmem:s24+$0x12680]  }
0x70e: {  	v16 =	vld [tilespmem:s24+$0x12690]  }
0x70f: {  	v17 =	vld [tilespmem:s24+$0x126A0]  }
0x710: {  	[tilespmem:s24+$0x26E0] =	vst.add.f32.msk $0xffff, v5  }
0x711: {  	[tilespmem:s29+$0x2280] =	vst.add.f32.msk $0xffff, v6  }
0x712: {  	[tilespmem:s2+$0x2280] =	vst.add.f32.msk $0xffff, v7  }
0x713: {  	v7 =	vld [tilespmem:s24+$0x126B0]  }
0x714: {  	v6 =	vld [tilespmem:s24+$0x126C0]  }
0x715: {  	v5 =	vld [tilespmem:s24+$0x126D0]  }
0x716: {  	[tilespmem:s24+$0x2280] =	vst.add.f32.msk $0xffff, v8  }
0x717: {  	[tilespmem:s24+$0x2290] =	vst.add.f32.msk $0xffff, v9  }
0x718: {  	[tilespmem:s24+$0x22A0] =	vst.add.f32.msk $0xffff, v10  }
0x719: {  	[tilespmem:s24+$0x22B0] =	vst.add.f32.msk $0xffff, v11  }
0x71a: {  	[tilespmem:s24+$0x22C0] =	vst.add.f32.msk $0xffff, v12  }
0x71b: {  	[tilespmem:s24+$0x22D0] =	vst.add.f32.msk $0xffff, v13  }
0x71c: {  	[tilespmem:s24+$0x22E0] =	vst.add.f32.msk $0xffff, v14  }
0x71d: {  	[tilespmem:s24+$0x2680] =	vst.add.f32.msk $0xffff, v15  }
0x71e: {  	[tilespmem:s24+$0x2690] =	vst.add.f32.msk $0xffff, v16  }
0x71f: {  	s31 =	simm.s32 $0x10;
	s23 =	simm.s32 $0x1;
	[tilespmem:s24+$0x26A0] =	vst.add.f32.msk $0xffff, v17  }
.LBB2_36:
0x720: {  	s2 =	sand.u32 $0x7, s23;
	p1 =	slt.u32 s31, $0x3F0;
	[tilespmem:s24+$0x26B0] =	vst.add.f32.msk $0xffff, v7;
	s28 =	sadd.s32 $0x800, s28  }
0x721: {  	s29 =	sand.u32 $0x380, s31;
	s2 =	sshll.u32 s2, $0xB;
	s25 =	sand.u32 $0x3800, s28;
	[tilespmem:s24+$0x26C0] =	vst.add.f32.msk $0xffff, v6  }
0x722: {  	s2 =	sadd.s32 s2, s31;
	[tilespmem:s24+$0x26D0] =	vst.add.f32.msk $0xffff, v5;
	s24 =	sor.u32 s29, s25  }
0x723: {  	s25 =	sor.u32 $0x70, s2;
	v5 =	vld [tilespmem:s24+$0x126E0];
	s2 =	sor.u32 $0x470, s2  }
0x724: {  	v6 =	vld [tilespmem:s2+$0x12280]  }
0x725: {  	v7 =	vld [tilespmem:s25+$0x12280]  }
0x726: {  	v8 =	vld [tilespmem:s24+$0x12280]  }
0x727: {  	v9 =	vld [tilespmem:s24+$0x12290]  }
0x728: {  	[tilespmem:s24+$0x26E0] =	vst.add.f32.msk $0xffff, v5  }
0x729: {  	[tilespmem:s2+$0x2280] =	vst.add.f32.msk $0xffff, v6  }
0x72a: {  	[tilespmem:s25+$0x2280] =	vst.add.f32.msk $0xffff, v7  }
0x72b: {  	v10 =	vld [tilespmem:s24+$0x122A0]  }
0x72c: {  	v11 =	vld [tilespmem:s24+$0x122B0]  }
0x72d: {  	v12 =	vld [tilespmem:s24+$0x122C0]  }
0x72e: {  	v13 =	vld [tilespmem:s24+$0x122D0]  }
0x72f: {  	v14 =	vld [tilespmem:s24+$0x122E0]  }
0x730: {  	v15 =	vld [tilespmem:s24+$0x12680]  }
0x731: {  	v16 =	vld [tilespmem:s24+$0x12690]  }
0x732: {  	v17 =	vld [tilespmem:s24+$0x126A0]  }
0x733: {  	v7 =	vld [tilespmem:s24+$0x126B0]  }
0x734: {  	v6 =	vld [tilespmem:s24+$0x126C0]  }
0x735: {  	v5 =	vld [tilespmem:s24+$0x126D0]  }
0x736: {  	[tilespmem:s24+$0x2280] =	vst.add.f32.msk $0xffff, v8  }
0x737: {  	[tilespmem:s24+$0x2290] =	vst.add.f32.msk $0xffff, v9  }
0x738: {  	[tilespmem:s24+$0x22A0] =	vst.add.f32.msk $0xffff, v10  }
0x739: {  	[tilespmem:s24+$0x22B0] =	vst.add.f32.msk $0xffff, v11  }
0x73a: {  	[tilespmem:s24+$0x22C0] =	vst.add.f32.msk $0xffff, v12  }
.Ltmp19:
0x73b: {  	[tilespmem:s24+$0x22D0] =	vst.add.f32.msk $0xffff, v13;
	(pc) =	sbr.rel @p1 .LBB2_36-.Ltmp19, $4  }
0x73c: {  	[tilespmem:s24+$0x22E0] =	vst.add.f32.msk $0xffff, v14  }
0x73d: {  	[tilespmem:s24+$0x2680] =	vst.add.f32.msk $0xffff, v15  }
0x73e: {  	[tilespmem:s24+$0x2690] =	vst.add.f32.msk $0xffff, v16  }
0x73f: {  	s23 =	sadd.s32 $0x1, s23;
	s31 =	sadd.s32 $0x10, s31;
	[tilespmem:s24+$0x26A0] =	vst.add.f32.msk $0xffff, v17  }
0x740: {  	[tilespmem:s24+$0x26B0] =	vst.add.f32.msk $0xffff, v7  }
0x741: {  	[tilespmem:s24+$0x26C0] =	vst.add.f32.msk $0xffff, v6  }
0x742: {  	[tilespmem:s24+$0x26D0] =	vst.add.f32.msk $0xffff, v5  }
0x743: {  	s28 =	simm.s32 $0x0;
	s23 =	simm.s32 $0x2280;
	s2 =	rddreg [dreg:$0x16]  }
0x744: {  	[hbm4b:s2+s28] =	stream.linear.scatter [tilespmem:s23], [sflag:$0x8], $0x4000, $0x38;
	[tilespmem:$0x1E280] =	vst v63  }
0x745: {  	v5 =	vld.msk [tilespmem:$0x2278], $0xff;
	_ =	sdelay $0x4  }
0x746: {  	v6 =	vshll.u32 v5, $0x4  }
0x747: {  	v5 =	vand.u32 $0x7, v5;
	v6 =	vand.u32 $0xFFFFFF80, v6  }
0x748: {  	v5 =	vor.u32 v5, v6  }
0x749: {  	v5 =	vperm.xlane v5, v3;
	_ =	sdelay $0x1  }
0x74a: {  	v5 =	vadd.s32 v4, v5;
	_ =	sdelay $0x3  }
0x74b: {  	s29 =	simm.s32 $0x12280  }
0x74c: {  	[tilespmem:s29], [sflag:$0x5] =	stream.indirect_vreg.gather [hbm4b:s1+s28], $0x80, v5, vm0, $0xb8;
	[tilespmem:$0x1E280] =	vst v63  }
0x74d: {  	s23 =	simm.s32 $0x12A80  }
0x74e: {  	[tilespmem:s23], [sflag:$0x5] =	stream.indirect_vreg.gather [hbm4b:s6+s28], $0x80, v5, vm0, $0xb8;
	[tilespmem:$0x1E280] =	vst v63  }
0x74f: {  	s24 =	simm.s32 $0x13280  }
0x750: {  	[tilespmem:s24], [sflag:$0x5] =	stream.indirect_vreg.gather [hbm4b:s7+s28], $0x80, v5, vm0, $0xb8;
	[tilespmem:$0x1E280] =	vst v63  }
0x751: {  	s25 =	simm.s32 $0x13A80  }
0x752: {  	[tilespmem:s25], [sflag:$0x5] =	stream.indirect_vreg.gather [hbm4b:s8+s28], $0x80, v5, vm0, $0xb8;
	[tilespmem:$0x1E280] =	vst v63  }
0x753: {  	s29 =	simm.s32 $0x14280  }
0x754: {  	[tilespmem:s29], [sflag:$0x5] =	stream.indirect_vreg.gather [hbm4b:s9+s28], $0x80, v5, vm0, $0xb8;
	[tilespmem:$0x1E280] =	vst v63  }
0x755: {  	s23 =	simm.s32 $0x14A80  }
0x756: {  	[tilespmem:s23], [sflag:$0x5] =	stream.indirect_vreg.gather [hbm4b:s10+s28], $0x80, v5, vm0, $0xb8;
	[tilespmem:$0x1E280] =	vst v63  }
0x757: {  	s24 =	simm.s32 $0x15280  }
0x758: {  	[tilespmem:s24], [sflag:$0x5] =	stream.indirect_vreg.gather [hbm4b:s12+s28], $0x80, v5, vm0, $0xb8;
	[tilespmem:$0x1E280] =	vst v63  }
0x759: {  	s25 =	simm.s32 $0x15A80  }
0x75a: {  	[tilespmem:s25], [sflag:$0x5] =	stream.indirect_vreg.gather [hbm4b:s13+s28], $0x80, v5, vm0, $0xb8;
	[tilespmem:$0x1E280] =	vst v63  }
0x75b: {  	_ =	swait.ge [sflag:s26], $0x4000  }
0x75c: {  	[sflag:s26] =	ssyncset.done $0x0  }
0x75d: {  	[sflag:s26] =	ssyncadd.s32 $0xFFFFC000  }
0x75e: {  	v5 =	vld.msk [tilespmem:$0x21F8], $0xff;
	_ =	sdelay $0x4  }
0x75f: {  	v6 =	vshll.u32 v5, $0x4  }
0x760: {  	v5 =	vand.u32 $0x7, v5;
	v6 =	vand.u32 $0xFFFFFF80, v6  }
0x761: {  	v5 =	vor.u32 v5, v6  }
0x762: {  	v5 =	vperm.xlane v5, v3;
	_ =	sdelay $0x1  }
0x763: {  	v5 =	vadd.s32 v4, v5;
	_ =	sdelay $0x3  }
0x764: {  	s29 =	simm.s32 $0xE280  }
0x765: {  	[tilespmem:s29], [sflag:$0x4] =	stream.indirect_vreg.gather [hbm4b:s1+s28], $0x80, v5, vm0, $0xb8;
	[tilespmem:$0x1E280] =	vst v63  }
0x766: {  	s23 =	simm.s32 $0xEA80  }
0x767: {  	[tilespmem:s23], [sflag:$0x4] =	stream.indirect_vreg.gather [hbm4b:s6+s28], $0x80, v5, vm0, $0xb8;
	[tilespmem:$0x1E280] =	vst v63  }
0x768: {  	s24 =	simm.s32 $0xF280  }
0x769: {  	[tilespmem:s24], [sflag:$0x4] =	stream.indirect_vreg.gather [hbm4b:s7+s28], $0x80, v5, vm0, $0xb8;
	[tilespmem:$0x1E280] =	vst v63  }
0x76a: {  	s25 =	simm.s32 $0xFA80  }
0x76b: {  	[tilespmem:s25], [sflag:$0x4] =	stream.indirect_vreg.gather [hbm4b:s8+s28], $0x80, v5, vm0, $0xb8;
	[tilespmem:$0x1E280] =	vst v63  }
0x76c: {  	s29 =	simm.s32 $0x10280  }
0x76d: {  	[tilespmem:s29], [sflag:$0x4] =	stream.indirect_vreg.gather [hbm4b:s9+s28], $0x80, v5, vm0, $0xb8;
	[tilespmem:$0x1E280] =	vst v63  }
0x76e: {  	s23 =	simm.s32 $0x10A80  }
0x76f: {  	[tilespmem:s23], [sflag:$0x4] =	stream.indirect_vreg.gather [hbm4b:s10+s28], $0x80, v5, vm0, $0xb8;
	[tilespmem:$0x1E280] =	vst v63  }
0x770: {  	s24 =	simm.s32 $0x11280  }
0x771: {  	[tilespmem:s24], [sflag:$0x4] =	stream.indirect_vreg.gather [hbm4b:s12+s28], $0x80, v5, vm0, $0xb8;
	[tilespmem:$0x1E280] =	vst v63  }
0x772: {  	s25 =	simm.s32 $0x11A80;
	s29 =	simm.s32 $0x2  }
0x773: {  	[tilespmem:s25], [sflag:$0x4] =	stream.indirect_vreg.gather [hbm4b:s13+s28], $0x80, v5, vm0, $0xb8;
	[tilespmem:$0x1E280] =	vst v63  }
0x774: {  	_ =	swait.ge [sflag:s29], $0x4000  }
0x775: {  	[sflag:s29] =	ssyncset.done $0x0  }
0x776: {  	s23 =	sand.u32 $0x7, s28;
	[sflag:s29] =	ssyncadd.s32 $0xFFFFC000  }
0x777: {  	s2 =	sshll.u32 s23, $0xB;
	_ =	swait.ge [sflag:s0], $0x4000  }
0x778: {  	s24 =	sand.u32 $0x3800, s28;
	s25 =	sand.u32 $0x380, s28;
	[sflag:s0] =	ssyncset.done $0x0  }
0x779: {  	s2 =	sadd.s32 $0x0, s2;
	s24 =	sor.u32 s25, s24;
	[sflag:s0] =	ssyncadd.s32 $0xFFFFC000  }
0x77a: {  	s29 =	sor.u32 $0x470, s2;
	v5 =	vld [tilespmem:s24+$0x166E0]  }
0x77b: {  	s2 =	sor.u32 $0x70, s2;
	v6 =	vld [tilespmem:s29+$0x16280]  }
0x77c: {  	v7 =	vld [tilespmem:s2+$0x16280]  }
0x77d: {  	v8 =	vld [tilespmem:s24+$0x16280]  }
0x77e: {  	v9 =	vld [tilespmem:s24+$0x16290]  }
0x77f: {  	v10 =	vld [tilespmem:s24+$0x162A0]  }
0x780: {  	v11 =	vld [tilespmem:s24+$0x162B0]  }
0x781: {  	v12 =	vld [tilespmem:s24+$0x162C0]  }
0x782: {  	v13 =	vld [tilespmem:s24+$0x162D0]  }
0x783: {  	v14 =	vld [tilespmem:s24+$0x162E0]  }
0x784: {  	v15 =	vld [tilespmem:s24+$0x16680]  }
0x785: {  	v16 =	vld [tilespmem:s24+$0x16690]  }
0x786: {  	v17 =	vld [tilespmem:s24+$0x166A0]  }
0x787: {  	[tilespmem:s24+$0x66E0] =	vst.add.f32.msk $0xffff, v5  }
0x788: {  	[tilespmem:s29+$0x6280] =	vst.add.f32.msk $0xffff, v6  }
0x789: {  	[tilespmem:s2+$0x6280] =	vst.add.f32.msk $0xffff, v7  }
0x78a: {  	v7 =	vld [tilespmem:s24+$0x166B0]  }
0x78b: {  	v6 =	vld [tilespmem:s24+$0x166C0]  }
0x78c: {  	v5 =	vld [tilespmem:s24+$0x166D0]  }
0x78d: {  	[tilespmem:s24+$0x6280] =	vst.add.f32.msk $0xffff, v8  }
0x78e: {  	[tilespmem:s24+$0x6290] =	vst.add.f32.msk $0xffff, v9  }
0x78f: {  	[tilespmem:s24+$0x62A0] =	vst.add.f32.msk $0xffff, v10  }
0x790: {  	[tilespmem:s24+$0x62B0] =	vst.add.f32.msk $0xffff, v11  }
0x791: {  	[tilespmem:s24+$0x62C0] =	vst.add.f32.msk $0xffff, v12  }
0x792: {  	[tilespmem:s24+$0x62D0] =	vst.add.f32.msk $0xffff, v13  }
0x793: {  	[tilespmem:s24+$0x62E0] =	vst.add.f32.msk $0xffff, v14  }
0x794: {  	[tilespmem:s24+$0x6680] =	vst.add.f32.msk $0xffff, v15  }
0x795: {  	[tilespmem:s24+$0x6690] =	vst.add.f32.msk $0xffff, v16  }
0x796: {  	s31 =	simm.s32 $0x10;
	s23 =	simm.s32 $0x1;
	[tilespmem:s24+$0x66A0] =	vst.add.f32.msk $0xffff, v17  }
.LBB2_38:
0x797: {  	s2 =	sand.u32 $0x7, s23;
	p1 =	slt.u32 s31, $0x3F0;
	[tilespmem:s24+$0x66B0] =	vst.add.f32.msk $0xffff, v7;
	s28 =	sadd.s32 $0x800, s28  }
0x798: {  	s29 =	sand.u32 $0x380, s31;
	s2 =	sshll.u32 s2, $0xB;
	s25 =	sand.u32 $0x3800, s28;
	[tilespmem:s24+$0x66C0] =	vst.add.f32.msk $0xffff, v6  }
0x799: {  	s2 =	sadd.s32 s2, s31;
	[tilespmem:s24+$0x66D0] =	vst.add.f32.msk $0xffff, v5;
	s24 =	sor.u32 s29, s25  }
0x79a: {  	s25 =	sor.u32 $0x70, s2;
	v5 =	vld [tilespmem:s24+$0x166E0];
	s2 =	sor.u32 $0x470, s2  }
0x79b: {  	v6 =	vld [tilespmem:s2+$0x16280]  }
0x79c: {  	v7 =	vld [tilespmem:s25+$0x16280]  }
0x79d: {  	v8 =	vld [tilespmem:s24+$0x16280]  }
0x79e: {  	v9 =	vld [tilespmem:s24+$0x16290]  }
0x79f: {  	[tilespmem:s24+$0x66E0] =	vst.add.f32.msk $0xffff, v5  }
0x7a0: {  	[tilespmem:s2+$0x6280] =	vst.add.f32.msk $0xffff, v6  }
0x7a1: {  	[tilespmem:s25+$0x6280] =	vst.add.f32.msk $0xffff, v7  }
0x7a2: {  	v10 =	vld [tilespmem:s24+$0x162A0]  }
0x7a3: {  	v11 =	vld [tilespmem:s24+$0x162B0]  }
0x7a4: {  	v12 =	vld [tilespmem:s24+$0x162C0]  }
0x7a5: {  	v13 =	vld [tilespmem:s24+$0x162D0]  }
0x7a6: {  	v14 =	vld [tilespmem:s24+$0x162E0]  }
0x7a7: {  	v15 =	vld [tilespmem:s24+$0x16680]  }
0x7a8: {  	v16 =	vld [tilespmem:s24+$0x16690]  }
0x7a9: {  	v17 =	vld [tilespmem:s24+$0x166A0]  }
0x7aa: {  	v7 =	vld [tilespmem:s24+$0x166B0]  }
0x7ab: {  	v6 =	vld [tilespmem:s24+$0x166C0]  }
0x7ac: {  	v5 =	vld [tilespmem:s24+$0x166D0]  }
0x7ad: {  	[tilespmem:s24+$0x6280] =	vst.add.f32.msk $0xffff, v8  }
0x7ae: {  	[tilespmem:s24+$0x6290] =	vst.add.f32.msk $0xffff, v9  }
0x7af: {  	[tilespmem:s24+$0x62A0] =	vst.add.f32.msk $0xffff, v10  }
0x7b0: {  	[tilespmem:s24+$0x62B0] =	vst.add.f32.msk $0xffff, v11  }
0x7b1: {  	[tilespmem:s24+$0x62C0] =	vst.add.f32.msk $0xffff, v12  }
.Ltmp20:
0x7b2: {  	[tilespmem:s24+$0x62D0] =	vst.add.f32.msk $0xffff, v13;
	(pc) =	sbr.rel @p1 .LBB2_38-.Ltmp20, $4  }
0x7b3: {  	[tilespmem:s24+$0x62E0] =	vst.add.f32.msk $0xffff, v14  }
0x7b4: {  	[tilespmem:s24+$0x6680] =	vst.add.f32.msk $0xffff, v15  }
0x7b5: {  	[tilespmem:s24+$0x6690] =	vst.add.f32.msk $0xffff, v16  }
0x7b6: {  	s23 =	sadd.s32 $0x1, s23;
	s31 =	sadd.s32 $0x10, s31;
	[tilespmem:s24+$0x66A0] =	vst.add.f32.msk $0xffff, v17  }
0x7b7: {  	[tilespmem:s24+$0x66B0] =	vst.add.f32.msk $0xffff, v7  }
0x7b8: {  	[tilespmem:s24+$0x66C0] =	vst.add.f32.msk $0xffff, v6  }
0x7b9: {  	[tilespmem:s24+$0x66D0] =	vst.add.f32.msk $0xffff, v5  }
0x7ba: {  	s24 =	simm.s32 $0x0;
	s23 =	simm.s32 $0x6280;
	s2 =	rddreg [dreg:$0x17]  }
0x7bb: {  	[hbm4b:s2+s24] =	stream.linear.scatter [tilespmem:s23], [sflag:$0x9], $0x4000, $0x38;
	[tilespmem:$0x1E280] =	vst v63  }
0x7bc: {  	_ =	swait.ge [sflag:s4], $0x4000  }
0x7bd: {  	[sflag:s4] =	ssyncset.done $0x0  }
0x7be: {  	[sflag:s4] =	ssyncadd.s32 $0xFFFFC000  }
0x7bf: {  	s25 =	sand.u32 $0x7, s24;
	s29 =	sand.u32 $0x3800, s24;
	_ =	swait.ge [sflag:s11], $0x4000  }
0x7c0: {  	s2 =	sshll.u32 s25, $0xB;
	s25 =	sand.u32 $0x380, s24;
	[sflag:s11] =	ssyncset.done $0x0  }
0x7c1: {  	s28 =	sor.u32 s25, s29;
	s2 =	sadd.s32 $0x0, s2;
	[sflag:s11] =	ssyncadd.s32 $0xFFFFC000  }
0x7c2: {  	s29 =	sor.u32 $0x470, s2;
	v5 =	vld [tilespmem:s28+$0x1A6E0]  }
0x7c3: {  	s2 =	sor.u32 $0x70, s2;
	v6 =	vld [tilespmem:s29+$0x1A280]  }
0x7c4: {  	v7 =	vld [tilespmem:s2+$0x1A280]  }
0x7c5: {  	v8 =	vld [tilespmem:s28+$0x1A280]  }
0x7c6: {  	v9 =	vld [tilespmem:s28+$0x1A290]  }
0x7c7: {  	v10 =	vld [tilespmem:s28+$0x1A2A0]  }
0x7c8: {  	v11 =	vld [tilespmem:s28+$0x1A2B0]  }
0x7c9: {  	v12 =	vld [tilespmem:s28+$0x1A2C0]  }
0x7ca: {  	v13 =	vld [tilespmem:s28+$0x1A2D0]  }
0x7cb: {  	v14 =	vld [tilespmem:s28+$0x1A2E0]  }
0x7cc: {  	v15 =	vld [tilespmem:s28+$0x1A680]  }
0x7cd: {  	v16 =	vld [tilespmem:s28+$0x1A690]  }
0x7ce: {  	v17 =	vld [tilespmem:s28+$0x1A6A0]  }
0x7cf: {  	[tilespmem:s28+$0xA6E0] =	vst.add.f32.msk $0xffff, v5  }
0x7d0: {  	[tilespmem:s29+$0xA280] =	vst.add.f32.msk $0xffff, v6  }
0x7d1: {  	[tilespmem:s2+$0xA280] =	vst.add.f32.msk $0xffff, v7  }
0x7d2: {  	v7 =	vld [tilespmem:s28+$0x1A6B0]  }
0x7d3: {  	v6 =	vld [tilespmem:s28+$0x1A6C0]  }
0x7d4: {  	v5 =	vld [tilespmem:s28+$0x1A6D0]  }
0x7d5: {  	[tilespmem:s28+$0xA280] =	vst.add.f32.msk $0xffff, v8  }
0x7d6: {  	[tilespmem:s28+$0xA290] =	vst.add.f32.msk $0xffff, v9  }
0x7d7: {  	[tilespmem:s28+$0xA2A0] =	vst.add.f32.msk $0xffff, v10  }
0x7d8: {  	[tilespmem:s28+$0xA2B0] =	vst.add.f32.msk $0xffff, v11  }
0x7d9: {  	[tilespmem:s28+$0xA2C0] =	vst.add.f32.msk $0xffff, v12  }
0x7da: {  	[tilespmem:s28+$0xA2D0] =	vst.add.f32.msk $0xffff, v13  }
0x7db: {  	[tilespmem:s28+$0xA2E0] =	vst.add.f32.msk $0xffff, v14  }
0x7dc: {  	[tilespmem:s28+$0xA680] =	vst.add.f32.msk $0xffff, v15  }
0x7dd: {  	[tilespmem:s28+$0xA690] =	vst.add.f32.msk $0xffff, v16  }
0x7de: {  	s31 =	simm.s32 $0x10;
	s23 =	simm.s32 $0x1;
	[tilespmem:s28+$0xA6A0] =	vst.add.f32.msk $0xffff, v17  }
.LBB2_40:
0x7df: {  	s2 =	sand.u32 $0x7, s23;
	p1 =	slt.u32 s31, $0x3F0;
	[tilespmem:s28+$0xA6B0] =	vst.add.f32.msk $0xffff, v7;
	s24 =	sadd.s32 $0x800, s24  }
0x7e0: {  	s29 =	sand.u32 $0x380, s31;
	s2 =	sshll.u32 s2, $0xB;
	s25 =	sand.u32 $0x3800, s24;
	[tilespmem:s28+$0xA6C0] =	vst.add.f32.msk $0xffff, v6  }
0x7e1: {  	s2 =	sadd.s32 s2, s31;
	[tilespmem:s28+$0xA6D0] =	vst.add.f32.msk $0xffff, v5;
	s28 =	sor.u32 s29, s25  }
0x7e2: {  	s25 =	sor.u32 $0x70, s2;
	v5 =	vld [tilespmem:s28+$0x1A6E0];
	s2 =	sor.u32 $0x470, s2  }
0x7e3: {  	v6 =	vld [tilespmem:s2+$0x1A280]  }
0x7e4: {  	v7 =	vld [tilespmem:s25+$0x1A280]  }
0x7e5: {  	v8 =	vld [tilespmem:s28+$0x1A280]  }
0x7e6: {  	v9 =	vld [tilespmem:s28+$0x1A290]  }
0x7e7: {  	[tilespmem:s28+$0xA6E0] =	vst.add.f32.msk $0xffff, v5  }
0x7e8: {  	[tilespmem:s2+$0xA280] =	vst.add.f32.msk $0xffff, v6  }
0x7e9: {  	[tilespmem:s25+$0xA280] =	vst.add.f32.msk $0xffff, v7  }
0x7ea: {  	v10 =	vld [tilespmem:s28+$0x1A2A0]  }
0x7eb: {  	v11 =	vld [tilespmem:s28+$0x1A2B0]  }
0x7ec: {  	v12 =	vld [tilespmem:s28+$0x1A2C0]  }
0x7ed: {  	v13 =	vld [tilespmem:s28+$0x1A2D0]  }
0x7ee: {  	v14 =	vld [tilespmem:s28+$0x1A2E0]  }
0x7ef: {  	v15 =	vld [tilespmem:s28+$0x1A680]  }
0x7f0: {  	v16 =	vld [tilespmem:s28+$0x1A690]  }
0x7f1: {  	v17 =	vld [tilespmem:s28+$0x1A6A0]  }
0x7f2: {  	v7 =	vld [tilespmem:s28+$0x1A6B0]  }
0x7f3: {  	v6 =	vld [tilespmem:s28+$0x1A6C0]  }
0x7f4: {  	v5 =	vld [tilespmem:s28+$0x1A6D0]  }
0x7f5: {  	[tilespmem:s28+$0xA280] =	vst.add.f32.msk $0xffff, v8  }
0x7f6: {  	[tilespmem:s28+$0xA290] =	vst.add.f32.msk $0xffff, v9  }
0x7f7: {  	[tilespmem:s28+$0xA2A0] =	vst.add.f32.msk $0xffff, v10  }
0x7f8: {  	[tilespmem:s28+$0xA2B0] =	vst.add.f32.msk $0xffff, v11  }
0x7f9: {  	[tilespmem:s28+$0xA2C0] =	vst.add.f32.msk $0xffff, v12  }
.Ltmp21:
0x7fa: {  	[tilespmem:s28+$0xA2D0] =	vst.add.f32.msk $0xffff, v13;
	(pc) =	sbr.rel @p1 .LBB2_40-.Ltmp21, $4  }
0x7fb: {  	[tilespmem:s28+$0xA2E0] =	vst.add.f32.msk $0xffff, v14  }
0x7fc: {  	[tilespmem:s28+$0xA680] =	vst.add.f32.msk $0xffff, v15  }
0x7fd: {  	[tilespmem:s28+$0xA690] =	vst.add.f32.msk $0xffff, v16  }
0x7fe: {  	s23 =	sadd.s32 $0x1, s23;
	s31 =	sadd.s32 $0x10, s31;
	[tilespmem:s28+$0xA6A0] =	vst.add.f32.msk $0xffff, v17  }
0x7ff: {  	[tilespmem:s28+$0xA6B0] =	vst.add.f32.msk $0xffff, v7  }
0x800: {  	[tilespmem:s28+$0xA6C0] =	vst.add.f32.msk $0xffff, v6  }
0x801: {  	[tilespmem:s28+$0xA6D0] =	vst.add.f32.msk $0xffff, v5  }
0x802: {  	s24 =	simm.s32 $0x0;
	s23 =	simm.s32 $0xA280;
	s2 =	rddreg [dreg:$0x18]  }
0x803: {  	[hbm4b:s2+s24] =	stream.linear.scatter [tilespmem:s23], [sflag:$0xA], $0x4000, $0x38;
	[tilespmem:$0x1E280] =	vst v63  }
0x804: {  	_ =	swait.ge [sflag:s21], $0x4000  }
0x805: {  	[sflag:s21] =	ssyncset.done $0x0  }
0x806: {  	[sflag:s21] =	ssyncadd.s32 $0xFFFFC000  }
0x807: {  	s25 =	sand.u32 $0x7, s24;
	s29 =	sand.u32 $0x3800, s24;
	_ =	swait.ge [sflag:s30], $0x4000  }
0x808: {  	s2 =	sshll.u32 s25, $0xB;
	s25 =	sand.u32 $0x380, s24;
	[sflag:s30] =	ssyncset.done $0x0  }
0x809: {  	s28 =	sor.u32 s25, s29;
	s2 =	sadd.s32 $0x0, s2;
	[sflag:s30] =	ssyncadd.s32 $0xFFFFC000  }
0x80a: {  	s29 =	sor.u32 $0x470, s2;
	v5 =	vld [tilespmem:s28+$0x126E0]  }
0x80b: {  	s2 =	sor.u32 $0x70, s2;
	v6 =	vld [tilespmem:s29+$0x12280]  }
0x80c: {  	v7 =	vld [tilespmem:s2+$0x12280]  }
0x80d: {  	v8 =	vld [tilespmem:s28+$0x12280]  }
0x80e: {  	v9 =	vld [tilespmem:s28+$0x12290]  }
0x80f: {  	v10 =	vld [tilespmem:s28+$0x122A0]  }
0x810: {  	v11 =	vld [tilespmem:s28+$0x122B0]  }
0x811: {  	v12 =	vld [tilespmem:s28+$0x122C0]  }
0x812: {  	v13 =	vld [tilespmem:s28+$0x122D0]  }
0x813: {  	v14 =	vld [tilespmem:s28+$0x122E0]  }
0x814: {  	v15 =	vld [tilespmem:s28+$0x12680]  }
0x815: {  	v16 =	vld [tilespmem:s28+$0x12690]  }
0x816: {  	v17 =	vld [tilespmem:s28+$0x126A0]  }
0x817: {  	[tilespmem:s28+$0xE6E0] =	vst.add.f32.msk $0xffff, v5  }
0x818: {  	[tilespmem:s29+$0xE280] =	vst.add.f32.msk $0xffff, v6  }
0x819: {  	[tilespmem:s2+$0xE280] =	vst.add.f32.msk $0xffff, v7  }
0x81a: {  	v7 =	vld [tilespmem:s28+$0x126B0]  }
0x81b: {  	v6 =	vld [tilespmem:s28+$0x126C0]  }
0x81c: {  	v5 =	vld [tilespmem:s28+$0x126D0]  }
0x81d: {  	[tilespmem:s28+$0xE280] =	vst.add.f32.msk $0xffff, v8  }
0x81e: {  	[tilespmem:s28+$0xE290] =	vst.add.f32.msk $0xffff, v9  }
0x81f: {  	[tilespmem:s28+$0xE2A0] =	vst.add.f32.msk $0xffff, v10  }
0x820: {  	[tilespmem:s28+$0xE2B0] =	vst.add.f32.msk $0xffff, v11  }
0x821: {  	[tilespmem:s28+$0xE2C0] =	vst.add.f32.msk $0xffff, v12  }
0x822: {  	[tilespmem:s28+$0xE2D0] =	vst.add.f32.msk $0xffff, v13  }
0x823: {  	[tilespmem:s28+$0xE2E0] =	vst.add.f32.msk $0xffff, v14  }
0x824: {  	[tilespmem:s28+$0xE680] =	vst.add.f32.msk $0xffff, v15  }
0x825: {  	[tilespmem:s28+$0xE690] =	vst.add.f32.msk $0xffff, v16  }
0x826: {  	s31 =	simm.s32 $0x10;
	s23 =	simm.s32 $0x1;
	[tilespmem:s28+$0xE6A0] =	vst.add.f32.msk $0xffff, v17  }
.LBB2_42:
0x827: {  	s2 =	sand.u32 $0x7, s23;
	p1 =	slt.u32 s31, $0x3F0;
	[tilespmem:s28+$0xE6B0] =	vst.add.f32.msk $0xffff, v7;
	s24 =	sadd.s32 $0x800, s24  }
0x828: {  	s29 =	sand.u32 $0x380, s31;
	s2 =	sshll.u32 s2, $0xB;
	s25 =	sand.u32 $0x3800, s24;
	[tilespmem:s28+$0xE6C0] =	vst.add.f32.msk $0xffff, v6  }
0x829: {  	s2 =	sadd.s32 s2, s31;
	[tilespmem:s28+$0xE6D0] =	vst.add.f32.msk $0xffff, v5;
	s28 =	sor.u32 s29, s25  }
0x82a: {  	s25 =	sor.u32 $0x70, s2;
	v5 =	vld [tilespmem:s28+$0x126E0];
	s2 =	sor.u32 $0x470, s2  }
0x82b: {  	v6 =	vld [tilespmem:s2+$0x12280]  }
0x82c: {  	v7 =	vld [tilespmem:s25+$0x12280]  }
0x82d: {  	v8 =	vld [tilespmem:s28+$0x12280]  }
0x82e: {  	v9 =	vld [tilespmem:s28+$0x12290]  }
0x82f: {  	[tilespmem:s28+$0xE6E0] =	vst.add.f32.msk $0xffff, v5  }
0x830: {  	[tilespmem:s2+$0xE280] =	vst.add.f32.msk $0xffff, v6  }
0x831: {  	[tilespmem:s25+$0xE280] =	vst.add.f32.msk $0xffff, v7  }
0x832: {  	v10 =	vld [tilespmem:s28+$0x122A0]  }
0x833: {  	v11 =	vld [tilespmem:s28+$0x122B0]  }
0x834: {  	v12 =	vld [tilespmem:s28+$0x122C0]  }
0x835: {  	v13 =	vld [tilespmem:s28+$0x122D0]  }
0x836: {  	v14 =	vld [tilespmem:s28+$0x122E0]  }
0x837: {  	v15 =	vld [tilespmem:s28+$0x12680]  }
0x838: {  	v16 =	vld [tilespmem:s28+$0x12690]  }
0x839: {  	v17 =	vld [tilespmem:s28+$0x126A0]  }
0x83a: {  	v7 =	vld [tilespmem:s28+$0x126B0]  }
0x83b: {  	v6 =	vld [tilespmem:s28+$0x126C0]  }
0x83c: {  	v5 =	vld [tilespmem:s28+$0x126D0]  }
0x83d: {  	[tilespmem:s28+$0xE280] =	vst.add.f32.msk $0xffff, v8  }
0x83e: {  	[tilespmem:s28+$0xE290] =	vst.add.f32.msk $0xffff, v9  }
0x83f: {  	[tilespmem:s28+$0xE2A0] =	vst.add.f32.msk $0xffff, v10  }
0x840: {  	[tilespmem:s28+$0xE2B0] =	vst.add.f32.msk $0xffff, v11  }
0x841: {  	[tilespmem:s28+$0xE2C0] =	vst.add.f32.msk $0xffff, v12  }
.Ltmp22:
0x842: {  	[tilespmem:s28+$0xE2D0] =	vst.add.f32.msk $0xffff, v13;
	(pc) =	sbr.rel @p1 .LBB2_42-.Ltmp22, $4  }
0x843: {  	[tilespmem:s28+$0xE2E0] =	vst.add.f32.msk $0xffff, v14  }
0x844: {  	[tilespmem:s28+$0xE680] =	vst.add.f32.msk $0xffff, v15  }
0x845: {  	[tilespmem:s28+$0xE690] =	vst.add.f32.msk $0xffff, v16  }
0x846: {  	s23 =	sadd.s32 $0x1, s23;
	s31 =	sadd.s32 $0x10, s31;
	[tilespmem:s28+$0xE6A0] =	vst.add.f32.msk $0xffff, v17  }
0x847: {  	[tilespmem:s28+$0xE6B0] =	vst.add.f32.msk $0xffff, v7  }
0x848: {  	[tilespmem:s28+$0xE6C0] =	vst.add.f32.msk $0xffff, v6  }
0x849: {  	[tilespmem:s28+$0xE6D0] =	vst.add.f32.msk $0xffff, v5  }
0x84a: {  	s23 =	simm.s32 $0xE280;
	s29 =	simm.s32 $0x8;
	s2 =	rddreg [dreg:$0x19]  }
0x84b: {  	[hbm4b:s2+s3] =	stream.linear.scatter [tilespmem:s23], [sflag:$0xB], $0x4000, $0x38;
	[tilespmem:$0x1E280] =	vst v63  }
0x84c: {  	_ =	swait.ge [sflag:s29], $0x4000  }
0x84d: {  	[sflag:s29] =	ssyncset.done $0x0  }
0x84e: {  	[sflag:s29] =	ssyncadd.s32 $0xFFFFC000  }
0x84f: {  	_ =	swait.ge [sflag:s14], $0x4000  }
0x850: {  	[sflag:s14] =	ssyncset.done $0x0  }
0x851: {  	[sflag:s14] =	ssyncadd.s32 $0xFFFFC000  }
0x852: {  	_ =	swait.ge [sflag:s22], $0x4000  }
0x853: {  	[sflag:s22] =	ssyncset.done $0x0  }
0x854: {  	[sflag:s22] =	ssyncadd.s32 $0xFFFFC000  }
0x855: {  	_ =	swait.ge [sflag:s26], $0x4000  }
0x856: {  	s20 =	sadd.s32 $0x1, s20;
	s31 =	rddreg [dreg:$0xd]  }
0x857: {  	p1 =	sne.s32 s20, s31  }
.Ltmp23:
0x858: {  	_ = 	snop;
	(pc) =	sbr.rel @p1 .LBB2_1-.Ltmp23, $3  }
0x859: {  	_ =	sdelay $0x1  }
0x85a: {  	[sflag:s26] =	ssyncset.done $0x0  }
0x85b: {  	[sflag:s26] =	ssyncadd.s32 $0xFFFFC000  }
0x85c: {  	_ =	sfence.sel $0x180000  }
0x85d: {  	[bflag:$0x0] =	sbarrier.arrive $0xFFFF  }
0x85e: {  	_ =	strace $0x90000047  }
0x85f: {  	s0 =	stileid.u32;
	[bflag:$0x2] =	sbarrier.arrive $0xFFFF  }
0x860: {  	p0 =	sne.s32 s0, $0x0;
	s0 =	rddreg [dreg:$0x3]  }
0x861: {  	s0 =	sadd.s32 @!p0 $0x100000, s0  }
0x862: {  	[sflag:s0] =	ssyncadd.tile.s32 @!p0 $0x1;
	_ =	shalt  }
.Lfunc_end2:
_tile_overlayer_lowered:
.L_overlay_start_2:
0x863: {  	(tag) =	ssettag $0x2  }
0x864: {  	s0 =	rddreg [dreg:$0x0];
	s2 =	stileid.u32  }
0x865: {  	s1 =	rddreg [dreg:$0x1];
	p0 =	sne.s32 s2, $0x0  }
0x866: {  	s3 =	rddreg [dreg:$0x2];
	[bflag:$0x3] =	sbarrier.arrive $0xFFFF;
	s2 =	simm.s32 @!p0 $0x1C0C  }
0x867: {  	[timem:s3], [sflag:s2] =	dma.local @!p0 [hbm:s0], s1  }
0x868: {  	s0 =	simm.s32 @!p0 $0xC  }
0x869: {  	_ =	swait.ge @!p0 [sflag:s0], s1  }
0x86a: {  	s1 =	ssub.s32 @!p0 $0x0, s1;
	[sflag:s0] =	ssyncset.done @!p0 $0x0  }
0x86b: {  	[sflag:s0] =	ssyncadd.s32 @!p0 s1  }
0x86c: {  	[bflag:$0x3] =	sbarrier.arrive $0xFFFF  }
0x86d: {  	_ =	shalt  }

</sc_bundles>
